<compile_context>
chip_gen: v7x
topology: tpu7x:2x2x1
jax: 0.10.2.dev20260603
libtpu: 0.0.44.dev20260713+nightly
codegen_flags: <defaults>
</compile_context>

<pallas_src>
import functools

import jax
import jax.numpy as jnp
from jax import lax
from jax.experimental import pallas as pl
from jax.experimental.pallas import tpu as pltpu
from jax.experimental.pallas import tpu_sc as plsc

NC = 2
NS = 16
LANES = 16
CH = 125
WIN = 10



def _mm_scale_body(h_ref, w_ref, dinv_ref, o_ref):
    o_ref[...] = lax.dot_general(
        h_ref[...], w_ref[...], (((1,), (1,)), ((), ())),
        preferred_element_type=jnp.float32) * dinv_ref[...]


def _bn_relu(p0, p1, dinv, b, g, bt):
    agg = (p0 + p1) * dinv + b
    mean = jnp.mean(agg, axis=0, keepdims=True)
    ctr = agg - mean
    var = jnp.mean(ctr * ctr, axis=0, keepdims=True)
    return jnp.maximum(g * ctr * lax.rsqrt(var + 1e-5) + bt, 0.0)


def _bn_mm_body(p0_ref, p1_ref, dinv_ref, b_ref, g_ref, bt_ref,
                w_ref, o_ref):
    h = _bn_relu(p0_ref[...], p1_ref[...], dinv_ref[...],
                 b_ref[...], g_ref[...], bt_ref[...])
    o_ref[...] = lax.dot_general(
        h, w_ref[...], (((1,), (1,)), ((), ())),
        preferred_element_type=jnp.float32) * dinv_ref[...]


def _dinv_body(p_ref, o_ref):
    deg = jnp.sum(p_ref[...], axis=0) + 1.0
    o_ref[...] = lax.rsqrt(deg)


def _bn_pool_body(p0_ref, p1_ref, dinv_ref, b_ref, g_ref, bt_ref,
                  g1w_ref, g1b_ref, g2wb_ref, wc_ref, bc_ref, o_ref):
    h = _bn_relu(p0_ref[...], p1_ref[...], dinv_ref[...],
                 b_ref[...], g_ref[...], bt_ref[...])
    z = jnp.maximum(
        lax.dot_general(h, g1w_ref[...], (((1,), (1,)), ((), ())),
                        preferred_element_type=jnp.float32) + g1b_ref[...], 0.0)
    gate = lax.dot_general(z, g2wb_ref[...], (((1,), (1,)), ((), ())),
                           preferred_element_type=jnp.float32)
    m = jnp.max(gate, axis=0, keepdims=True)
    e = jnp.exp(gate - m)
    alpha = e / jnp.sum(e, axis=0, keepdims=True)
    pooled = jnp.sum(alpha * h, axis=0, keepdims=True)
    o_ref[...] = lax.dot_general(pooled, wc_ref[...], (((1,), (1,)), ((), ())),
                                 preferred_element_type=jnp.float32) + bc_ref[...]


def _tc(body, shape, *args):
    return pl.pallas_call(
        body, out_shape=jax.ShapeDtypeStruct(shape, jnp.float32))(*args)



def _rows_per_tile(n):
    return -(-n // (NS * 8)) * 8


@functools.lru_cache(maxsize=None)
def _make_deg_kernel(n, ept):
    mesh = plsc.VectorSubcoreMesh(core_axis_name="c", subcore_axis_name="s",
                                  num_cores=NC, num_subcores=NS)
    hrows = -(-n // (128 * 8)) * 8
    nflat = hrows * 128
    niter = ept // LANES

    @functools.partial(
        pl.kernel, mesh=mesh,
        out_type=jax.ShapeDtypeStruct((NC * NS, 1, nflat), jnp.float32),
        compiler_params=pltpu.CompilerParams(needs_layout_passes=False),
        scratch_types=[
            pltpu.VMEM((niter, LANES), jnp.int32),
            pltpu.VMEM((nflat,), jnp.float32),
        ],
    )
    def k(dst_hbm, zeros_hbm, out_hbm, dst_v, hist):
        cid = lax.axis_index("c")
        sid = lax.axis_index("s")
        gid = cid * NS + sid
        pltpu.sync_copy(dst_hbm.at[gid], dst_v)
        pltpu.sync_copy(zeros_hbm.at[0, 0], hist)
        ones = jnp.ones((LANES,), jnp.float32)

        def step(i, carry):
            v = dst_v[i, :]
            plsc.addupdate_scatter(hist, [v], ones)
            return carry

        lax.fori_loop(0, niter, step, 0)
        pltpu.sync_copy(hist, out_hbm.at[gid, 0])

    return k


@functools.lru_cache(maxsize=None)
def _make_scatter_kernel(n, d, nchunk, ch):
    mesh = plsc.VectorSubcoreMesh(core_axis_name="c", subcore_axis_name="s",
                                  num_cores=NC, num_subcores=NS)
    rpt = _rows_per_tile(n)
    npad = rpt * NS

    nb = 2
    win = WIN

    @functools.partial(
        pl.kernel, mesh=mesh,
        out_type=jax.ShapeDtypeStruct((NC, npad, d), jnp.float32),
        scratch_types=[
            pltpu.VMEM((2, win, ch), jnp.int32),
            pltpu.VMEM((2, win, ch), jnp.int32),
            [pltpu.VMEM((ch, d), jnp.float32)] * nb,
            pltpu.VMEM_SHARED((npad, d), jnp.float32),
            [pltpu.SemaphoreType.DMA] * nb,
            pltpu.SemaphoreType.DMA,
            pltpu.SemaphoreType.DMA,
        ],
    )
    def k(hs_hbm, src_hbm, dst_hbm, zeros_hbm, out_hbm,
          src_w, dst_w, rows, acc, gsems, isem_s, isem_d):
        nwin = nchunk // win
        cid = lax.axis_index("c")
        sid = lax.axis_index("s")
        gid = cid * NS + sid
        pltpu.sync_copy(src_hbm.at[gid, 0], src_w.at[0])
        pltpu.sync_copy(dst_hbm.at[gid, 0], dst_w.at[0])
        tail = npad - n
        full = min(rpt, n - 15 * rpt)

        @pl.when(jnp.logical_and(cid == 0, sid < NS - 1))
        def _seed_hs():
            pltpu.sync_copy(hs_hbm.at[pl.ds(sid * rpt, rpt)],
                            acc.at[pl.ds(sid * rpt, rpt)])

        @pl.when(jnp.logical_and(cid == 0, sid == NS - 1))
        def _seed_hs_tail():
            pltpu.sync_copy(hs_hbm.at[pl.ds((NS - 1) * rpt, full)],
                            acc.at[pl.ds((NS - 1) * rpt, full)])
            pltpu.sync_copy(zeros_hbm.at[pl.ds(0, tail)],
                            acc.at[pl.ds(n, tail)])

        @pl.when(cid == 1)
        def _seed_zero():
            pltpu.sync_copy(zeros_hbm.at[pl.ds(sid * rpt, rpt)],
                            acc.at[pl.ds(sid * rpt, rpt)])

        plsc.subcore_barrier()

        for b in range(nb):
            pltpu.async_copy(hs_hbm.at[src_w.at[0, b]], rows[b], gsems[b])

        def wbody(w, carry):
            slot = lax.rem(w, 2)
            nslot = lax.rem(w + 1, 2)
            not_last = w + 1 < nwin

            @pl.when(not_last)
            def _prefetch_idx():
                pltpu.async_copy(src_hbm.at[gid, w + 1], src_w.at[nslot],
                                 isem_s)
                pltpu.async_copy(dst_hbm.at[gid, w + 1], dst_w.at[nslot],
                                 isem_d)

            for k_ in range(win):
                b = k_ % nb
                pltpu.make_async_copy(
                    hs_hbm.at[src_w.at[slot, k_]], rows[b], gsems[b]).wait()
                pltpu.sync_copy(rows[b], acc.at[dst_w.at[slot, k_]], add=True)
                if k_ + nb < win:
                    pltpu.async_copy(hs_hbm.at[src_w.at[slot, k_ + nb]],
                                     rows[b], gsems[b])
                else:
                    if k_ + nb == win:
                        @pl.when(not_last)
                        def _wait_idx():
                            pltpu.make_async_copy(
                                src_hbm.at[gid, 0], src_w.at[nslot],
                                isem_s).wait()
                            pltpu.make_async_copy(
                                dst_hbm.at[gid, 0], dst_w.at[nslot],
                                isem_d).wait()

                    @pl.when(not_last)
                    def _next_win_gather():
                        pltpu.async_copy(
                            hs_hbm.at[src_w.at[nslot, k_ + nb - win]],
                            rows[b], gsems[b])
            return carry

        lax.fori_loop(0, nwin, wbody, 0)
        plsc.subcore_barrier()
        pltpu.sync_copy(acc.at[pl.ds(sid * rpt, rpt)],
                        out_hbm.at[cid, pl.ds(sid * rpt, rpt)])

    return k



def kernel(x, edge_index, batch, W1, b1, gm1, bt1, W2, b2, gm2, bt2,
           W3, b3, gm3, bt3, W4, b4, gm4, bt4, G1w, G1b, G2w, G2b, Wc, bc):
    n, _ = x.shape
    e = edge_index.shape[1]
    dh = W1.shape[0]
    nw = NC * NS
    ept = e // nw
    npad = _rows_per_tile(n) * NS
    win = WIN
    nchunk = -(-ept // (CH * win)) * win
    pad = nchunk * CH - ept
    srcT = edge_index[0].reshape(nw, ept)
    dstT = edge_index[1].reshape(nw, ept)
    padsrc = jnp.zeros((nw, pad), jnp.int32)
    paddst = jnp.broadcast_to(
        n + (jnp.arange(pad, dtype=jnp.int32) % (npad - n)), (nw, pad))
    src = jnp.concatenate([srcT, padsrc], 1).reshape(nw, nchunk // win, win, CH)
    dst = jnp.concatenate([dstT, paddst], 1).reshape(nw, nchunk // win, win, CH)
    dst16 = edge_index[1].reshape(nw, ept // LANES, LANES)
    zeros_nd = jnp.zeros((npad, dh), jnp.float32)

    hrows = -(-n // (128 * 8)) * 8
    zeros_flat = jnp.zeros((1, 1, hrows * 128), jnp.float32)
    deg_p = _make_deg_kernel(n, ept)(dst16, zeros_flat)
    dinv2d = _tc(_dinv_body, (hrows, 128), deg_p.reshape(nw, hrows, 128))
    dinv = dinv2d.reshape(hrows * 128, 1)[:n]

    sck = _make_scatter_kernel(n, dh, nchunk, CH)
    layers = ((W1, b1, gm1, bt1), (W2, b2, gm2, bt2),
              (W3, b3, gm3, bt3), (W4, b4, gm4, bt4))
    hs = _tc(_mm_scale_body, (n, dh), x, W1, dinv)
    for i in range(3):
        p = sck(hs, src, dst, zeros_nd)
        b, g, bt = layers[i][1:]
        hs = _tc(_bn_mm_body, (n, dh), p[0, :n], p[1, :n], dinv,
                 b.reshape(1, -1), g.reshape(1, -1), bt.reshape(1, -1),
                 layers[i + 1][0])
    p = sck(hs, src, dst, zeros_nd)
    g2wb = jnp.broadcast_to(G2w, (dh, G2w.shape[1]))
    return _tc(_bn_pool_body, (1, Wc.shape[0]), p[0, :n], p[1, :n], dinv,
               b4.reshape(1, -1), gm4.reshape(1, -1), bt4.reshape(1, -1),
               G1w, G1b.reshape(1, -1), g2wb, Wc, bc.reshape(1, -1))

# --- scband reference (transcript-rebuilt; emitter-appended) ---
"""Pipeline reference for scband-gene-phen-aiv2-0-6511170421639 (READ-ONLY COPY).

The authoritative reference and input builder live on the scoring server;
editing this copy changes nothing except your own understanding.
"""

import jax, jax.numpy as jnp
import numpy as np

N = 10000
E = 320000
D_IN = 128
D_H = 128
D_OUT = 256

def setup_inputs(seed: int = 0):
    key = jax.random.key(seed)
    ks = jax.random.split(key, 16)
    inp = {}
    inp['x'] = jax.random.normal(ks[0], (N, D_IN), dtype=jnp.float32)
    inp['edge_index'] = jax.random.randint(ks[1], (2, E), 0, N)
    inp['batch'] = jnp.zeros((N,), dtype=jnp.int32)
    s = 1.0 / np.sqrt(D_H)
    dims = [D_IN, D_H, D_H, D_H]
    for i in range(4):
        inp['W%d' % (i + 1)] = jax.random.uniform(ks[2 + i], (D_H, dims[i]), jnp.float32, -s, s)
        inp['b%d' % (i + 1)] = jnp.zeros((D_H,), jnp.float32)
        inp['gm%d' % (i + 1)] = jnp.ones((D_H,), jnp.float32)
        inp['bt%d' % (i + 1)] = jnp.zeros((D_H,), jnp.float32)
    inp['G1w'] = jax.random.uniform(ks[6], (D_H // 2, D_H), jnp.float32, -s, s)
    inp['G1b'] = jnp.zeros((D_H // 2,), jnp.float32)
    inp['G2w'] = jax.random.uniform(ks[7], (1, D_H // 2), jnp.float32, -s, s)
    inp['G2b'] = jnp.zeros((1,), jnp.float32)
    inp['Wc'] = jax.random.uniform(ks[8], (D_OUT, D_H), jnp.float32, -s, s)
    inp['bc'] = jnp.zeros((D_OUT,), jnp.float32)
    return inp

def _gcn(x, src, dst, norm, W, b):
    h = x @ W.T
    msg = h[src] * norm[:, None]
    agg = jnp.zeros((N, h.shape[1]), h.dtype).at[dst].add(msg)
    return agg + b

def _bn(x, g, b):
    mean = x.mean(axis=0)
    var = ((x - mean) ** 2).mean(axis=0)
    return g * (x - mean) / jnp.sqrt(var + 1e-5) + b

def reference(x, edge_index, batch, W1, b1, gm1, bt1, W2, b2, gm2, bt2, W3, b3, gm3, bt3, W4, b4, gm4, bt4, G1w, G1b, G2w, G2b, Wc, bc):
    loop = jnp.arange(N)
    src = jnp.concatenate([edge_index[0], loop])
    dst = jnp.concatenate([edge_index[1], loop])
    deg = jnp.zeros((N,), jnp.float32).at[dst].add(1.0)
    dinv = jnp.where(deg > 0, 1.0 / jnp.sqrt(deg), 0.0)
    norm = dinv[src] * dinv[dst]
    h = x
    for W, b, g, bt in ((W1, b1, gm1, bt1), (W2, b2, gm2, bt2), (W3, b3, gm3, bt3), (W4, b4, gm4, bt4)):
        h = jax.nn.relu(_bn(_gcn(h, src, dst, norm, W, b), g, bt))
    gate = jax.nn.relu(h @ G1w.T + G1b) @ G2w.T + G2b
    alpha = jax.nn.softmax(gate, axis=0)
    pooled = jnp.sum(alpha * h, axis=0, keepdims=True)
    return pooled @ Wc.T + bc

if __name__ == "__main__":
    import jax
    _d = setup_inputs()
    print(jax.jit(kernel)(*tuple(_d.values())))

</pallas_src>

<mosaic_0001>
#map = affine_map<(d0, d1) -> (0, 0)>
#map1 = affine_map<(d0, d1) -> (0, 0, 0, 0)>
#map2 = affine_map<(d0, d1) -> (0, 0, 0)>
module attributes {stable_mosaic.version = 14 : i64} {
  func.func @k(%arg0: i32, %arg1: i32, %arg2: memref<10000x128xf32, #tpu.memory_space<hbm>>, %arg3: memref<32x8x10x125xi32, #tpu.memory_space<hbm>>, %arg4: memref<32x8x10x125xi32, #tpu.memory_space<hbm>>, %arg5: memref<10112x128xf32, #tpu.memory_space<hbm>>, %arg6: memref<2x10112x128xf32, #tpu.memory_space<hbm>>, %arg7: memref<2x10x125xi32, #tpu.memory_space<vmem>>, %arg8: memref<2x10x125xi32, #tpu.memory_space<vmem>>, %arg9: memref<125x128xf32, #tpu.memory_space<vmem>>, %arg10: memref<125x128xf32, #tpu.memory_space<vmem>>, %arg11: memref<10112x128xf32, #tpu.memory_space<vmem_shared>>, %arg12: memref<!tpu.dma_semaphore, #tpu.memory_space<semaphore_mem>>, %arg13: memref<!tpu.dma_semaphore, #tpu.memory_space<semaphore_mem>>, %arg14: memref<!tpu.dma_semaphore, #tpu.memory_space<semaphore_mem>>, %arg15: memref<!tpu.dma_semaphore, #tpu.memory_space<semaphore_mem>>) attributes {dimension_semantics = [#tpu.dimension_semantics<core_parallel>, #tpu.dimension_semantics<subcore_parallel>], iteration_bounds = array<i64: 2, 16>, scalar_prefetch = 0 : i64, scratch_operands = 9 : i64, tpu.core_type = #tpu.core_type<sc_vector_subcore>, window_params = [{transform_indices = #map}, {transform_indices = #map1}, {transform_indices = #map1}, {transform_indices = #map}, {transform_indices = #map2}]} {
    %mul3A = arith.constant 16 : i32
    %mul3A_0 = arith.muli %arg0, %mul3A : i32
    %add3A = arith.addi %mul3A_0, %arg1 : i32
    %run_scoped3A = arith.constant 0 : i32
    %run_scoped3A_1 = arith.constant 0 : i32
    "tpu.region"() ({
      %run_scoped3A_45 = tpu.sem_alloc : memref<!tpu.dma_semaphore, #tpu.memory_space<semaphore_mem>>
      %dma_start3A_46 = arith.constant 0 : i32
      %dma_start3A_47 = arith.constant 0 : i32
      %dma_start3A_48 = tpu.memref_slice %arg7[%run_scoped3A_1, %dma_start3A_46, %dma_start3A_47] : memref<2x10x125xi32, #tpu.memory_space<vmem>> -> memref<1x10x125xi32, #tpu.memory_space<vmem>>
      %dma_start3A_49 = tpu.memref_squeeze %dma_start3A_48 : memref<1x10x125xi32, #tpu.memory_space<vmem>> -> memref<10x125xi32, #tpu.memory_space<vmem>>
      %dma_start3A_50 = arith.constant 0 : i32
      %dma_start3A_51 = arith.constant 0 : i32
      %dma_start3A_52 = tpu.memref_slice %arg3[%add3A, %run_scoped3A, %dma_start3A_50, %dma_start3A_51] : memref<32x8x10x125xi32, #tpu.memory_space<hbm>> -> memref<1x1x10x125xi32, #tpu.memory_space<hbm>>
      %dma_start3A_53 = tpu.memref_squeeze %dma_start3A_52 : memref<1x1x10x125xi32, #tpu.memory_space<hbm>> -> memref<10x125xi32, #tpu.memory_space<hbm>>
      %dma_start3A_54 = arith.constant 0 : i32
      %dma_start3A_55 = arith.constant 0 : i32
      %dma_start3A_56 = tpu.memref_slice %arg7[%run_scoped3A_1, %dma_start3A_54, %dma_start3A_55] : memref<2x10x125xi32, #tpu.memory_space<vmem>> -> memref<1x10x125xi32, #tpu.memory_space<vmem>>
      %dma_start3A_57 = tpu.memref_squeeze %dma_start3A_56 : memref<1x10x125xi32, #tpu.memory_space<vmem>> -> memref<10x125xi32, #tpu.memory_space<vmem>>
      %dma_start3A_58 = arith.constant 0 : i32
      %dma_start3A_59 = arith.constant 0 : i32
      %dma_start3A_60 = tpu.memref_slice %arg3[%add3A, %run_scoped3A, %dma_start3A_58, %dma_start3A_59] : memref<32x8x10x125xi32, #tpu.memory_space<hbm>> -> memref<1x1x10x125xi32, #tpu.memory_space<hbm>>
      %dma_start3A_61 = tpu.memref_squeeze %dma_start3A_60 : memref<1x1x10x125xi32, #tpu.memory_space<hbm>> -> memref<10x125xi32, #tpu.memory_space<hbm>>
      tpu.enqueue_dma source(%dma_start3A_61 : memref<10x125xi32, #tpu.memory_space<hbm>>) target(%dma_start3A_57 : memref<10x125xi32, #tpu.memory_space<vmem>>) target_semaphore(%run_scoped3A_45 : memref<!tpu.dma_semaphore, #tpu.memory_space<semaphore_mem>>)
      %dma_wait3A = arith.constant 0 : i32
      %dma_wait3A_62 = arith.constant 0 : i32
      %dma_wait3A_63 = tpu.memref_slice %arg7[%run_scoped3A_1, %dma_wait3A, %dma_wait3A_62] : memref<2x10x125xi32, #tpu.memory_space<vmem>> -> memref<1x10x125xi32, #tpu.memory_space<vmem>>
      %dma_wait3A_64 = tpu.memref_squeeze %dma_wait3A_63 : memref<1x10x125xi32, #tpu.memory_space<vmem>> -> memref<10x125xi32, #tpu.memory_space<vmem>>
      %dma_wait3A_65 = arith.constant 0 : i32
      %dma_wait3A_66 = arith.constant 0 : i32
      %dma_wait3A_67 = tpu.memref_slice %arg3[%add3A, %run_scoped3A, %dma_wait3A_65, %dma_wait3A_66] : memref<32x8x10x125xi32, #tpu.memory_space<hbm>> -> memref<1x1x10x125xi32, #tpu.memory_space<hbm>>
      %dma_wait3A_68 = tpu.memref_squeeze %dma_wait3A_67 : memref<1x1x10x125xi32, #tpu.memory_space<hbm>> -> memref<10x125xi32, #tpu.memory_space<hbm>>
      %dma_wait3A_69 = arith.constant 0 : i32
      %dma_wait3A_70 = arith.constant 0 : i32
      %dma_wait3A_71 = tpu.memref_slice %arg7[%run_scoped3A_1, %dma_wait3A_69, %dma_wait3A_70] : memref<2x10x125xi32, #tpu.memory_space<vmem>> -> memref<1x10x125xi32, #tpu.memory_space<vmem>>
      %dma_wait3A_72 = tpu.memref_squeeze %dma_wait3A_71 : memref<1x10x125xi32, #tpu.memory_space<vmem>> -> memref<10x125xi32, #tpu.memory_space<vmem>>
      %dma_wait3A_73 = arith.constant 0 : i32
      %dma_wait3A_74 = arith.constant 0 : i32
      %dma_wait3A_75 = tpu.memref_slice %arg3[%add3A, %run_scoped3A, %dma_wait3A_73, %dma_wait3A_74] : memref<32x8x10x125xi32, #tpu.memory_space<hbm>> -> memref<1x1x10x125xi32, #tpu.memory_space<hbm>>
      %dma_wait3A_76 = tpu.memref_squeeze %dma_wait3A_75 : memref<1x1x10x125xi32, #tpu.memory_space<hbm>> -> memref<10x125xi32, #tpu.memory_space<hbm>>
      tpu.wait_dma2 semaphore(%run_scoped3A_45 : memref<!tpu.dma_semaphore, #tpu.memory_space<semaphore_mem>>) src(%dma_wait3A_76 : memref<10x125xi32, #tpu.memory_space<hbm>>) dst(%dma_wait3A_72 : memref<10x125xi32, #tpu.memory_space<vmem>>)
      tpu.yield
    }) : () -> ()
    %run_scoped3A_2 = arith.constant 0 : i32
    %run_scoped3A_3 = arith.constant 0 : i32
    "tpu.region"() ({
      %run_scoped3A_45 = tpu.sem_alloc : memref<!tpu.dma_semaphore, #tpu.memory_space<semaphore_mem>>
      %dma_start3A_46 = arith.constant 0 : i32
      %dma_start3A_47 = arith.constant 0 : i32
      %dma_start3A_48 = tpu.memref_slice %arg8[%run_scoped3A_3, %dma_start3A_46, %dma_start3A_47] : memref<2x10x125xi32, #tpu.memory_space<vmem>> -> memref<1x10x125xi32, #tpu.memory_space<vmem>>
      %dma_start3A_49 = tpu.memref_squeeze %dma_start3A_48 : memref<1x10x125xi32, #tpu.memory_space<vmem>> -> memref<10x125xi32, #tpu.memory_space<vmem>>
      %dma_start3A_50 = arith.constant 0 : i32
      %dma_start3A_51 = arith.constant 0 : i32
      %dma_start3A_52 = tpu.memref_slice %arg4[%add3A, %run_scoped3A_2, %dma_start3A_50, %dma_start3A_51] : memref<32x8x10x125xi32, #tpu.memory_space<hbm>> -> memref<1x1x10x125xi32, #tpu.memory_space<hbm>>
      %dma_start3A_53 = tpu.memref_squeeze %dma_start3A_52 : memref<1x1x10x125xi32, #tpu.memory_space<hbm>> -> memref<10x125xi32, #tpu.memory_space<hbm>>
      %dma_start3A_54 = arith.constant 0 : i32
      %dma_start3A_55 = arith.constant 0 : i32
      %dma_start3A_56 = tpu.memref_slice %arg8[%run_scoped3A_3, %dma_start3A_54, %dma_start3A_55] : memref<2x10x125xi32, #tpu.memory_space<vmem>> -> memref<1x10x125xi32, #tpu.memory_space<vmem>>
      %dma_start3A_57 = tpu.memref_squeeze %dma_start3A_56 : memref<1x10x125xi32, #tpu.memory_space<vmem>> -> memref<10x125xi32, #tpu.memory_space<vmem>>
      %dma_start3A_58 = arith.constant 0 : i32
      %dma_start3A_59 = arith.constant 0 : i32
      %dma_start3A_60 = tpu.memref_slice %arg4[%add3A, %run_scoped3A_2, %dma_start3A_58, %dma_start3A_59] : memref<32x8x10x125xi32, #tpu.memory_space<hbm>> -> memref<1x1x10x125xi32, #tpu.memory_space<hbm>>
      %dma_start3A_61 = tpu.memref_squeeze %dma_start3A_60 : memref<1x1x10x125xi32, #tpu.memory_space<hbm>> -> memref<10x125xi32, #tpu.memory_space<hbm>>
      tpu.enqueue_dma source(%dma_start3A_61 : memref<10x125xi32, #tpu.memory_space<hbm>>) target(%dma_start3A_57 : memref<10x125xi32, #tpu.memory_space<vmem>>) target_semaphore(%run_scoped3A_45 : memref<!tpu.dma_semaphore, #tpu.memory_space<semaphore_mem>>)
      %dma_wait3A = arith.constant 0 : i32
      %dma_wait3A_62 = arith.constant 0 : i32
      %dma_wait3A_63 = tpu.memref_slice %arg8[%run_scoped3A_3, %dma_wait3A, %dma_wait3A_62] : memref<2x10x125xi32, #tpu.memory_space<vmem>> -> memref<1x10x125xi32, #tpu.memory_space<vmem>>
      %dma_wait3A_64 = tpu.memref_squeeze %dma_wait3A_63 : memref<1x10x125xi32, #tpu.memory_space<vmem>> -> memref<10x125xi32, #tpu.memory_space<vmem>>
      %dma_wait3A_65 = arith.constant 0 : i32
      %dma_wait3A_66 = arith.constant 0 : i32
      %dma_wait3A_67 = tpu.memref_slice %arg4[%add3A, %run_scoped3A_2, %dma_wait3A_65, %dma_wait3A_66] : memref<32x8x10x125xi32, #tpu.memory_space<hbm>> -> memref<1x1x10x125xi32, #tpu.memory_space<hbm>>
      %dma_wait3A_68 = tpu.memref_squeeze %dma_wait3A_67 : memref<1x1x10x125xi32, #tpu.memory_space<hbm>> -> memref<10x125xi32, #tpu.memory_space<hbm>>
      %dma_wait3A_69 = arith.constant 0 : i32
      %dma_wait3A_70 = arith.constant 0 : i32
      %dma_wait3A_71 = tpu.memref_slice %arg8[%run_scoped3A_3, %dma_wait3A_69, %dma_wait3A_70] : memref<2x10x125xi32, #tpu.memory_space<vmem>> -> memref<1x10x125xi32, #tpu.memory_space<vmem>>
      %dma_wait3A_72 = tpu.memref_squeeze %dma_wait3A_71 : memref<1x10x125xi32, #tpu.memory_space<vmem>> -> memref<10x125xi32, #tpu.memory_space<vmem>>
      %dma_wait3A_73 = arith.constant 0 : i32
      %dma_wait3A_74 = arith.constant 0 : i32
      %dma_wait3A_75 = tpu.memref_slice %arg4[%add3A, %run_scoped3A_2, %dma_wait3A_73, %dma_wait3A_74] : memref<32x8x10x125xi32, #tpu.memory_space<hbm>> -> memref<1x1x10x125xi32, #tpu.memory_space<hbm>>
      %dma_wait3A_76 = tpu.memref_squeeze %dma_wait3A_75 : memref<1x1x10x125xi32, #tpu.memory_space<hbm>> -> memref<10x125xi32, #tpu.memory_space<hbm>>
      tpu.wait_dma2 semaphore(%run_scoped3A_45 : memref<!tpu.dma_semaphore, #tpu.memory_space<semaphore_mem>>) src(%dma_wait3A_76 : memref<10x125xi32, #tpu.memory_space<hbm>>) dst(%dma_wait3A_72 : memref<10x125xi32, #tpu.memory_space<vmem>>)
      tpu.yield
    }) : () -> ()
    %eq3A = arith.constant 0 : i32
    %eq3A_4 = arith.cmpi eq, %arg0, %eq3A : i32
    %lt3A = arith.constant 15 : i32
    %lt3A_5 = arith.cmpi slt, %arg1, %lt3A : i32
    %and3A = arith.andi %eq3A_4, %lt3A_5 : i1
    %convert_element_type3A = arith.extui %and3A : i1 to i32
    %cond3A = arith.constant 0 : i32
    %cond3A_6 = arith.cmpi ne, %convert_element_type3A, %cond3A : i32
    scf.if %cond3A_6 {
      %mul3A_45 = arith.constant 632 : i32
      %mul3A_46 = arith.muli %arg1, %mul3A_45 : i32
      %mul3A_47 = arith.constant 632 : i32
      %mul3A_48 = arith.muli %arg1, %mul3A_47 : i32
      "tpu.region"() ({
        %run_scoped3A_49 = tpu.sem_alloc : memref<!tpu.dma_semaphore, #tpu.memory_space<semaphore_mem>>
        %dma_start3A_50 = arith.constant 0 : i32
        %dma_start3A_51 = tpu.memref_slice %arg11[%mul3A_48, %dma_start3A_50] : memref<10112x128xf32, #tpu.memory_space<vmem_shared>> -> memref<632x128xf32, #tpu.memory_space<vmem_shared>>
        %dma_start3A_52 = arith.constant 0 : i32
        %dma_start3A_53 = tpu.memref_slice %arg2[%mul3A_46, %dma_start3A_52] : memref<10000x128xf32, #tpu.memory_space<hbm>> -> memref<632x128xf32, #tpu.memory_space<hbm>>
        tpu.enqueue_dma source(%dma_start3A_53 : memref<632x128xf32, #tpu.memory_space<hbm>>) target(%dma_start3A_51 : memref<632x128xf32, #tpu.memory_space<vmem_shared>>) target_semaphore(%run_scoped3A_49 : memref<!tpu.dma_semaphore, #tpu.memory_space<semaphore_mem>>)
        %dma_wait3A = arith.constant 0 : i32
        %dma_wait3A_54 = tpu.memref_slice %arg11[%mul3A_48, %dma_wait3A] : memref<10112x128xf32, #tpu.memory_space<vmem_shared>> -> memref<632x128xf32, #tpu.memory_space<vmem_shared>>
        %dma_wait3A_55 = arith.constant 0 : i32
        %dma_wait3A_56 = tpu.memref_slice %arg2[%mul3A_46, %dma_wait3A_55] : memref<10000x128xf32, #tpu.memory_space<hbm>> -> memref<632x128xf32, #tpu.memory_space<hbm>>
        tpu.wait_dma2 semaphore(%run_scoped3A_49 : memref<!tpu.dma_semaphore, #tpu.memory_space<semaphore_mem>>) src(%dma_wait3A_56 : memref<632x128xf32, #tpu.memory_space<hbm>>) dst(%dma_wait3A_54 : memref<632x128xf32, #tpu.memory_space<vmem_shared>>)
        tpu.yield
      }) : () -> ()
    } else {
    }
    %eq3A_7 = arith.constant 0 : i32
    %eq3A_8 = arith.cmpi eq, %arg0, %eq3A_7 : i32
    %eq3A_9 = arith.constant 15 : i32
    %eq3A_10 = arith.cmpi eq, %arg1, %eq3A_9 : i32
    %and3A_11 = arith.andi %eq3A_8, %eq3A_10 : i1
    %convert_element_type3A_12 = arith.extui %and3A_11 : i1 to i32
    %cond3A_13 = arith.constant 0 : i32
    %cond3A_14 = arith.cmpi ne, %convert_element_type3A_12, %cond3A_13 : i32
    scf.if %cond3A_14 {
      "tpu.region"() ({
        %run_scoped3A_45 = tpu.sem_alloc : memref<!tpu.dma_semaphore, #tpu.memory_space<semaphore_mem>>
        %dma_start3A_46 = arith.constant 9480 : i32
        %dma_start3A_47 = arith.constant 0 : i32
        %dma_start3A_48 = tpu.memref_slice %arg11[%dma_start3A_46, %dma_start3A_47] : memref<10112x128xf32, #tpu.memory_space<vmem_shared>> -> memref<520x128xf32, #tpu.memory_space<vmem_shared>>
        %dma_start3A_49 = arith.constant 9480 : i32
        %dma_start3A_50 = arith.constant 0 : i32
        %dma_start3A_51 = tpu.memref_slice %arg2[%dma_start3A_49, %dma_start3A_50] : memref<10000x128xf32, #tpu.memory_space<hbm>> -> memref<520x128xf32, #tpu.memory_space<hbm>>
        tpu.enqueue_dma source(%dma_start3A_51 : memref<520x128xf32, #tpu.memory_space<hbm>>) target(%dma_start3A_48 : memref<520x128xf32, #tpu.memory_space<vmem_shared>>) target_semaphore(%run_scoped3A_45 : memref<!tpu.dma_semaphore, #tpu.memory_space<semaphore_mem>>)
        %dma_wait3A = arith.constant 9480 : i32
        %dma_wait3A_52 = arith.constant 0 : i32
        %dma_wait3A_53 = tpu.memref_slice %arg11[%dma_wait3A, %dma_wait3A_52] : memref<10112x128xf32, #tpu.memory_space<vmem_shared>> -> memref<520x128xf32, #tpu.memory_space<vmem_shared>>
        %dma_wait3A_54 = arith.constant 9480 : i32
        %dma_wait3A_55 = arith.constant 0 : i32
        %dma_wait3A_56 = tpu.memref_slice %arg2[%dma_wait3A_54, %dma_wait3A_55] : memref<10000x128xf32, #tpu.memory_space<hbm>> -> memref<520x128xf32, #tpu.memory_space<hbm>>
        tpu.wait_dma2 semaphore(%run_scoped3A_45 : memref<!tpu.dma_semaphore, #tpu.memory_space<semaphore_mem>>) src(%dma_wait3A_56 : memref<520x128xf32, #tpu.memory_space<hbm>>) dst(%dma_wait3A_53 : memref<520x128xf32, #tpu.memory_space<vmem_shared>>)
        tpu.yield
      }) : () -> ()
      "tpu.region"() ({
        %run_scoped3A_45 = tpu.sem_alloc : memref<!tpu.dma_semaphore, #tpu.memory_space<semaphore_mem>>
        %dma_start3A_46 = arith.constant 10000 : i32
        %dma_start3A_47 = arith.constant 0 : i32
        %dma_start3A_48 = tpu.memref_slice %arg11[%dma_start3A_46, %dma_start3A_47] : memref<10112x128xf32, #tpu.memory_space<vmem_shared>> -> memref<112x128xf32, #tpu.memory_space<vmem_shared>>
        %dma_start3A_49 = arith.constant 0 : i32
        %dma_start3A_50 = arith.constant 0 : i32
        %dma_start3A_51 = tpu.memref_slice %arg5[%dma_start3A_49, %dma_start3A_50] : memref<10112x128xf32, #tpu.memory_space<hbm>> -> memref<112x128xf32, #tpu.memory_space<hbm>>
        tpu.enqueue_dma source(%dma_start3A_51 : memref<112x128xf32, #tpu.memory_space<hbm>>) target(%dma_start3A_48 : memref<112x128xf32, #tpu.memory_space<vmem_shared>>) target_semaphore(%run_scoped3A_45 : memref<!tpu.dma_semaphore, #tpu.memory_space<semaphore_mem>>)
        %dma_wait3A = arith.constant 10000 : i32
        %dma_wait3A_52 = arith.constant 0 : i32
        %dma_wait3A_53 = tpu.memref_slice %arg11[%dma_wait3A, %dma_wait3A_52] : memref<10112x128xf32, #tpu.memory_space<vmem_shared>> -> memref<112x128xf32, #tpu.memory_space<vmem_shared>>
        %dma_wait3A_54 = arith.constant 0 : i32
        %dma_wait3A_55 = arith.constant 0 : i32
        %dma_wait3A_56 = tpu.memref_slice %arg5[%dma_wait3A_54, %dma_wait3A_55] : memref<10112x128xf32, #tpu.memory_space<hbm>> -> memref<112x128xf32, #tpu.memory_space<hbm>>
        tpu.wait_dma2 semaphore(%run_scoped3A_45 : memref<!tpu.dma_semaphore, #tpu.memory_space<semaphore_mem>>) src(%dma_wait3A_56 : memref<112x128xf32, #tpu.memory_space<hbm>>) dst(%dma_wait3A_53 : memref<112x128xf32, #tpu.memory_space<vmem_shared>>)
        tpu.yield
      }) : () -> ()
    } else {
    }
    %eq3A_15 = arith.constant 1 : i32
    %eq3A_16 = arith.cmpi eq, %arg0, %eq3A_15 : i32
    %convert_element_type3A_17 = arith.extui %eq3A_16 : i1 to i32
    %cond3A_18 = arith.constant 0 : i32
    %cond3A_19 = arith.cmpi ne, %convert_element_type3A_17, %cond3A_18 : i32
    scf.if %cond3A_19 {
      %mul3A_45 = arith.constant 632 : i32
      %mul3A_46 = arith.muli %arg1, %mul3A_45 : i32
      %mul3A_47 = arith.constant 632 : i32
      %mul3A_48 = arith.muli %arg1, %mul3A_47 : i32
      "tpu.region"() ({
        %run_scoped3A_49 = tpu.sem_alloc : memref<!tpu.dma_semaphore, #tpu.memory_space<semaphore_mem>>
        %dma_start3A_50 = arith.constant 0 : i32
        %dma_start3A_51 = tpu.memref_slice %arg11[%mul3A_48, %dma_start3A_50] : memref<10112x128xf32, #tpu.memory_space<vmem_shared>> -> memref<632x128xf32, #tpu.memory_space<vmem_shared>>
        %dma_start3A_52 = arith.constant 0 : i32
        %dma_start3A_53 = tpu.memref_slice %arg5[%mul3A_46, %dma_start3A_52] : memref<10112x128xf32, #tpu.memory_space<hbm>> -> memref<632x128xf32, #tpu.memory_space<hbm>>
        tpu.enqueue_dma source(%dma_start3A_53 : memref<632x128xf32, #tpu.memory_space<hbm>>) target(%dma_start3A_51 : memref<632x128xf32, #tpu.memory_space<vmem_shared>>) target_semaphore(%run_scoped3A_49 : memref<!tpu.dma_semaphore, #tpu.memory_space<semaphore_mem>>)
        %dma_wait3A = arith.constant 0 : i32
        %dma_wait3A_54 = tpu.memref_slice %arg11[%mul3A_48, %dma_wait3A] : memref<10112x128xf32, #tpu.memory_space<vmem_shared>> -> memref<632x128xf32, #tpu.memory_space<vmem_shared>>
        %dma_wait3A_55 = arith.constant 0 : i32
        %dma_wait3A_56 = tpu.memref_slice %arg5[%mul3A_46, %dma_wait3A_55] : memref<10112x128xf32, #tpu.memory_space<hbm>> -> memref<632x128xf32, #tpu.memory_space<hbm>>
        tpu.wait_dma2 semaphore(%run_scoped3A_49 : memref<!tpu.dma_semaphore, #tpu.memory_space<semaphore_mem>>) src(%dma_wait3A_56 : memref<632x128xf32, #tpu.memory_space<hbm>>) dst(%dma_wait3A_54 : memref<632x128xf32, #tpu.memory_space<vmem_shared>>)
        tpu.yield
      }) : () -> ()
    } else {
    }
    %barrier3A = arith.constant 0 : index
    tpu.barrier barrier_id(%barrier3A)
    %dma_start3A = arith.constant 0 : i32
    %dma_start3A_20 = arith.constant 0 : i32
    %dma_start3A_21 = arith.constant 0 : i32
    %dma_start3A_22 = tpu.memref_slice %arg7[%dma_start3A, %dma_start3A_20, %dma_start3A_21] : memref<2x10x125xi32, #tpu.memory_space<vmem>> -> memref<1x1x125xi32, #tpu.memory_space<vmem>>
    %dma_start3A_23 = tpu.memref_squeeze %dma_start3A_22 : memref<1x1x125xi32, #tpu.memory_space<vmem>> -> memref<125xi32, #tpu.memory_space<vmem>>
    %dma_start3A_24 = arith.constant 0 : i32
    %dma_start3A_25 = arith.constant 0 : i32
    %dma_start3A_26 = tpu.memref_slice %arg2[%dma_start3A_24, %dma_start3A_25] : memref<10000x128xf32, #tpu.memory_space<hbm>> -> memref<10000x128xf32, #tpu.memory_space<hbm>>
    tpu.enqueue_indirect_dma source(%dma_start3A_26 : memref<10000x128xf32, #tpu.memory_space<hbm>>) target(%arg9 : memref<125x128xf32, #tpu.memory_space<vmem>>) offsets(%dma_start3A_23 : memref<125xi32, #tpu.memory_space<vmem>>) semaphore(%arg12 : memref<!tpu.dma_semaphore, #tpu.memory_space<semaphore_mem>>)
    %dma_start3A_27 = arith.constant 0 : i32
    %dma_start3A_28 = arith.constant 1 : i32
    %dma_start3A_29 = arith.constant 0 : i32
    %dma_start3A_30 = tpu.memref_slice %arg7[%dma_start3A_27, %dma_start3A_28, %dma_start3A_29] : memref<2x10x125xi32, #tpu.memory_space<vmem>> -> memref<1x1x125xi32, #tpu.memory_space<vmem>>
    %dma_start3A_31 = tpu.memref_squeeze %dma_start3A_30 : memref<1x1x125xi32, #tpu.memory_space<vmem>> -> memref<125xi32, #tpu.memory_space<vmem>>
    %dma_start3A_32 = arith.constant 0 : i32
    %dma_start3A_33 = arith.constant 0 : i32
    %dma_start3A_34 = tpu.memref_slice %arg2[%dma_start3A_32, %dma_start3A_33] : memref<10000x128xf32, #tpu.memory_space<hbm>> -> memref<10000x128xf32, #tpu.memory_space<hbm>>
    tpu.enqueue_indirect_dma source(%dma_start3A_34 : memref<10000x128xf32, #tpu.memory_space<hbm>>) target(%arg10 : memref<125x128xf32, #tpu.memory_space<vmem>>) offsets(%dma_start3A_31 : memref<125xi32, #tpu.memory_space<vmem>>) semaphore(%arg13 : memref<!tpu.dma_semaphore, #tpu.memory_space<semaphore_mem>>)
    %scan3A = arith.constant 0 : i32
    %scan3A_35 = arith.constant 0 : i32
    %scan3A_36 = arith.constant 8 : i32
    %scan3A_37 = arith.addi %scan3A_35, %scan3A_36 : i32
    %scan3A_38 = arith.constant 1 : i32
    scf.for %scan3A_45 = %scan3A_35 to %scan3A_37 step %scan3A_38  : i32 {
      %rem3A = arith.constant 2 : i32
      %rem3A_46 = arith.remsi %scan3A_45, %rem3A : i32
      %add3A_47 = arith.constant 1 : i32
      %add3A_48 = arith.addi %scan3A_45, %add3A_47 : i32
      %rem3A_49 = arith.constant 2 : i32
      %rem3A_50 = arith.remsi %add3A_48, %rem3A_49 : i32
      %add3A_51 = arith.constant 1 : i32
      %add3A_52 = arith.addi %scan3A_45, %add3A_51 : i32
      %lt3A_53 = arith.constant 8 : i32
      %lt3A_54 = arith.cmpi slt, %add3A_52, %lt3A_53 : i32
      %convert_element_type3A_55 = arith.extui %lt3A_54 : i1 to i32
      %cond3A_56 = arith.constant 0 : i32
      %cond3A_57 = arith.cmpi ne, %convert_element_type3A_55, %cond3A_56 : i32
      scf.if %cond3A_57 {
        %add3A_202 = arith.constant 1 : i32
        %add3A_203 = arith.addi %scan3A_45, %add3A_202 : i32
        %dma_start3A_204 = arith.constant 0 : i32
        %dma_start3A_205 = arith.constant 0 : i32
        %dma_start3A_206 = tpu.memref_slice %arg7[%rem3A_50, %dma_start3A_204, %dma_start3A_205] : memref<2x10x125xi32, #tpu.memory_space<vmem>> -> memref<1x10x125xi32, #tpu.memory_space<vmem>>
        %dma_start3A_207 = tpu.memref_squeeze %dma_start3A_206 : memref<1x10x125xi32, #tpu.memory_space<vmem>> -> memref<10x125xi32, #tpu.memory_space<vmem>>
        %dma_start3A_208 = arith.constant 0 : i32
        %dma_start3A_209 = arith.constant 0 : i32
        %dma_start3A_210 = tpu.memref_slice %arg3[%add3A, %add3A_203, %dma_start3A_208, %dma_start3A_209] : memref<32x8x10x125xi32, #tpu.memory_space<hbm>> -> memref<1x1x10x125xi32, #tpu.memory_space<hbm>>
        %dma_start3A_211 = tpu.memref_squeeze %dma_start3A_210 : memref<1x1x10x125xi32, #tpu.memory_space<hbm>> -> memref<10x125xi32, #tpu.memory_space<hbm>>
        %dma_start3A_212 = arith.constant 0 : i32
        %dma_start3A_213 = arith.constant 0 : i32
        %dma_start3A_214 = tpu.memref_slice %arg7[%rem3A_50, %dma_start3A_212, %dma_start3A_213] : memref<2x10x125xi32, #tpu.memory_space<vmem>> -> memref<1x10x125xi32, #tpu.memory_space<vmem>>
        %dma_start3A_215 = tpu.memref_squeeze %dma_start3A_214 : memref<1x10x125xi32, #tpu.memory_space<vmem>> -> memref<10x125xi32, #tpu.memory_space<vmem>>
        %dma_start3A_216 = arith.constant 0 : i32
        %dma_start3A_217 = arith.constant 0 : i32
        %dma_start3A_218 = tpu.memref_slice %arg3[%add3A, %add3A_203, %dma_start3A_216, %dma_start3A_217] : memref<32x8x10x125xi32, #tpu.memory_space<hbm>> -> memref<1x1x10x125xi32, #tpu.memory_space<hbm>>
        %dma_start3A_219 = tpu.memref_squeeze %dma_start3A_218 : memref<1x1x10x125xi32, #tpu.memory_space<hbm>> -> memref<10x125xi32, #tpu.memory_space<hbm>>
        tpu.enqueue_dma source(%dma_start3A_219 : memref<10x125xi32, #tpu.memory_space<hbm>>) target(%dma_start3A_215 : memref<10x125xi32, #tpu.memory_space<vmem>>) target_semaphore(%arg14 : memref<!tpu.dma_semaphore, #tpu.memory_space<semaphore_mem>>)
        %add3A_220 = arith.constant 1 : i32
        %add3A_221 = arith.addi %scan3A_45, %add3A_220 : i32
        %dma_start3A_222 = arith.constant 0 : i32
        %dma_start3A_223 = arith.constant 0 : i32
        %dma_start3A_224 = tpu.memref_slice %arg8[%rem3A_50, %dma_start3A_222, %dma_start3A_223] : memref<2x10x125xi32, #tpu.memory_space<vmem>> -> memref<1x10x125xi32, #tpu.memory_space<vmem>>
        %dma_start3A_225 = tpu.memref_squeeze %dma_start3A_224 : memref<1x10x125xi32, #tpu.memory_space<vmem>> -> memref<10x125xi32, #tpu.memory_space<vmem>>
        %dma_start3A_226 = arith.constant 0 : i32
        %dma_start3A_227 = arith.constant 0 : i32
        %dma_start3A_228 = tpu.memref_slice %arg4[%add3A, %add3A_221, %dma_start3A_226, %dma_start3A_227] : memref<32x8x10x125xi32, #tpu.memory_space<hbm>> -> memref<1x1x10x125xi32, #tpu.memory_space<hbm>>
        %dma_start3A_229 = tpu.memref_squeeze %dma_start3A_228 : memref<1x1x10x125xi32, #tpu.memory_space<hbm>> -> memref<10x125xi32, #tpu.memory_space<hbm>>
        %dma_start3A_230 = arith.constant 0 : i32
        %dma_start3A_231 = arith.constant 0 : i32
        %dma_start3A_232 = tpu.memref_slice %arg8[%rem3A_50, %dma_start3A_230, %dma_start3A_231] : memref<2x10x125xi32, #tpu.memory_space<vmem>> -> memref<1x10x125xi32, #tpu.memory_space<vmem>>
        %dma_start3A_233 = tpu.memref_squeeze %dma_start3A_232 : memref<1x10x125xi32, #tpu.memory_space<vmem>> -> memref<10x125xi32, #tpu.memory_space<vmem>>
        %dma_start3A_234 = arith.constant 0 : i32
        %dma_start3A_235 = arith.constant 0 : i32
        %dma_start3A_236 = tpu.memref_slice %arg4[%add3A, %add3A_221, %dma_start3A_234, %dma_start3A_235] : memref<32x8x10x125xi32, #tpu.memory_space<hbm>> -> memref<1x1x10x125xi32, #tpu.memory_space<hbm>>
        %dma_start3A_237 = tpu.memref_squeeze %dma_start3A_236 : memref<1x1x10x125xi32, #tpu.memory_space<hbm>> -> memref<10x125xi32, #tpu.memory_space<hbm>>
        tpu.enqueue_dma source(%dma_start3A_237 : memref<10x125xi32, #tpu.memory_space<hbm>>) target(%dma_start3A_233 : memref<10x125xi32, #tpu.memory_space<vmem>>) target_semaphore(%arg15 : memref<!tpu.dma_semaphore, #tpu.memory_space<semaphore_mem>>)
      } else {
      }
      %dma_wait3A = arith.constant 0 : i32
      %dma_wait3A_58 = arith.constant 0 : i32
      %dma_wait3A_59 = tpu.memref_slice %arg7[%rem3A_46, %dma_wait3A, %dma_wait3A_58] : memref<2x10x125xi32, #tpu.memory_space<vmem>> -> memref<1x1x125xi32, #tpu.memory_space<vmem>>
      %dma_wait3A_60 = tpu.memref_squeeze %dma_wait3A_59 : memref<1x1x125xi32, #tpu.memory_space<vmem>> -> memref<125xi32, #tpu.memory_space<vmem>>
      %dma_wait3A_61 = arith.constant 0 : i32
      %dma_wait3A_62 = arith.constant 0 : i32
      %dma_wait3A_63 = tpu.memref_slice %arg2[%dma_wait3A_61, %dma_wait3A_62] : memref<10000x128xf32, #tpu.memory_space<hbm>> -> memref<10000x128xf32, #tpu.memory_space<hbm>>
      tpu.wait_indirect_dma semaphore(%arg12 : memref<!tpu.dma_semaphore, #tpu.memory_space<semaphore_mem>>) src(%dma_wait3A_63 : memref<10000x128xf32, #tpu.memory_space<hbm>>) dst(%arg9 : memref<125x128xf32, #tpu.memory_space<vmem>>)
      %run_scoped3A_64 = arith.constant 0 : i32
      "tpu.region"() ({
        %run_scoped3A_202 = tpu.sem_alloc : memref<!tpu.dma_semaphore, #tpu.memory_space<semaphore_mem>>
        %dma_start3A_203 = arith.constant 0 : i32
        %dma_start3A_204 = tpu.memref_slice %arg8[%rem3A_46, %run_scoped3A_64, %dma_start3A_203] : memref<2x10x125xi32, #tpu.memory_space<vmem>> -> memref<1x1x125xi32, #tpu.memory_space<vmem>>
        %dma_start3A_205 = tpu.memref_squeeze %dma_start3A_204 : memref<1x1x125xi32, #tpu.memory_space<vmem>> -> memref<125xi32, #tpu.memory_space<vmem>>
        %dma_start3A_206 = arith.constant 0 : i32
        %dma_start3A_207 = arith.constant 0 : i32
        %dma_start3A_208 = tpu.memref_slice %arg11[%dma_start3A_206, %dma_start3A_207] : memref<10112x128xf32, #tpu.memory_space<vmem_shared>> -> memref<10112x128xf32, #tpu.memory_space<vmem_shared>>
        tpu.enqueue_indirect_dma source(%arg9 : memref<125x128xf32, #tpu.memory_space<vmem>>) target(%dma_start3A_208 : memref<10112x128xf32, #tpu.memory_space<vmem_shared>>) offsets(%dma_start3A_205 : memref<125xi32, #tpu.memory_space<vmem>>) semaphore(%run_scoped3A_202 : memref<!tpu.dma_semaphore, #tpu.memory_space<semaphore_mem>>) {add = true}
        %dma_wait3A_209 = arith.constant 0 : i32
        %dma_wait3A_210 = tpu.memref_slice %arg8[%rem3A_46, %run_scoped3A_64, %dma_wait3A_209] : memref<2x10x125xi32, #tpu.memory_space<vmem>> -> memref<1x1x125xi32, #tpu.memory_space<vmem>>
        %dma_wait3A_211 = tpu.memref_squeeze %dma_wait3A_210 : memref<1x1x125xi32, #tpu.memory_space<vmem>> -> memref<125xi32, #tpu.memory_space<vmem>>
        %dma_wait3A_212 = arith.constant 0 : i32
        %dma_wait3A_213 = arith.constant 0 : i32
        %dma_wait3A_214 = tpu.memref_slice %arg11[%dma_wait3A_212, %dma_wait3A_213] : memref<10112x128xf32, #tpu.memory_space<vmem_shared>> -> memref<10112x128xf32, #tpu.memory_space<vmem_shared>>
        tpu.wait_indirect_dma semaphore(%run_scoped3A_202 : memref<!tpu.dma_semaphore, #tpu.memory_space<semaphore_mem>>) src(%arg9 : memref<125x128xf32, #tpu.memory_space<vmem>>) dst(%dma_wait3A_214 : memref<10112x128xf32, #tpu.memory_space<vmem_shared>>)
        tpu.yield
      }) : () -> ()
      %dma_start3A_65 = arith.constant 2 : i32
      %dma_start3A_66 = arith.constant 0 : i32
      %dma_start3A_67 = tpu.memref_slice %arg7[%rem3A_46, %dma_start3A_65, %dma_start3A_66] : memref<2x10x125xi32, #tpu.memory_space<vmem>> -> memref<1x1x125xi32, #tpu.memory_space<vmem>>
      %dma_start3A_68 = tpu.memref_squeeze %dma_start3A_67 : memref<1x1x125xi32, #tpu.memory_space<vmem>> -> memref<125xi32, #tpu.memory_space<vmem>>
      %dma_start3A_69 = arith.constant 0 : i32
      %dma_start3A_70 = arith.constant 0 : i32
      %dma_start3A_71 = tpu.memref_slice %arg2[%dma_start3A_69, %dma_start3A_70] : memref<10000x128xf32, #tpu.memory_space<hbm>> -> memref<10000x128xf32, #tpu.memory_space<hbm>>
      tpu.enqueue_indirect_dma source(%dma_start3A_71 : memref<10000x128xf32, #tpu.memory_space<hbm>>) target(%arg9 : memref<125x128xf32, #tpu.memory_space<vmem>>) offsets(%dma_start3A_68 : memref<125xi32, #tpu.memory_space<vmem>>) semaphore(%arg12 : memref<!tpu.dma_semaphore, #tpu.memory_space<semaphore_mem>>)
      %dma_wait3A_72 = arith.constant 1 : i32
      %dma_wait3A_73 = arith.constant 0 : i32
      %dma_wait3A_74 = tpu.memref_slice %arg7[%rem3A_46, %dma_wait3A_72, %dma_wait3A_73] : memref<2x10x125xi32, #tpu.memory_space<vmem>> -> memref<1x1x125xi32, #tpu.memory_space<vmem>>
      %dma_wait3A_75 = tpu.memref_squeeze %dma_wait3A_74 : memref<1x1x125xi32, #tpu.memory_space<vmem>> -> memref<125xi32, #tpu.memory_space<vmem>>
      %dma_wait3A_76 = arith.constant 0 : i32
      %dma_wait3A_77 = arith.constant 0 : i32
      %dma_wait3A_78 = tpu.memref_slice %arg2[%dma_wait3A_76, %dma_wait3A_77] : memref<10000x128xf32, #tpu.memory_space<hbm>> -> memref<10000x128xf32, #tpu.memory_space<hbm>>
      tpu.wait_indirect_dma semaphore(%arg13 : memref<!tpu.dma_semaphore, #tpu.memory_space<semaphore_mem>>) src(%dma_wait3A_78 : memref<10000x128xf32, #tpu.memory_space<hbm>>) dst(%arg10 : memref<125x128xf32, #tpu.memory_space<vmem>>)
      %run_scoped3A_79 = arith.constant 1 : i32
      "tpu.region"() ({
        %run_scoped3A_202 = tpu.sem_alloc : memref<!tpu.dma_semaphore, #tpu.memory_space<semaphore_mem>>
        %dma_start3A_203 = arith.constant 0 : i32
        %dma_start3A_204 = tpu.memref_slice %arg8[%rem3A_46, %run_scoped3A_79, %dma_start3A_203] : memref<2x10x125xi32, #tpu.memory_space<vmem>> -> memref<1x1x125xi32, #tpu.memory_space<vmem>>
        %dma_start3A_205 = tpu.memref_squeeze %dma_start3A_204 : memref<1x1x125xi32, #tpu.memory_space<vmem>> -> memref<125xi32, #tpu.memory_space<vmem>>
        %dma_start3A_206 = arith.constant 0 : i32
        %dma_start3A_207 = arith.constant 0 : i32
        %dma_start3A_208 = tpu.memref_slice %arg11[%dma_start3A_206, %dma_start3A_207] : memref<10112x128xf32, #tpu.memory_space<vmem_shared>> -> memref<10112x128xf32, #tpu.memory_space<vmem_shared>>
        tpu.enqueue_indirect_dma source(%arg10 : memref<125x128xf32, #tpu.memory_space<vmem>>) target(%dma_start3A_208 : memref<10112x128xf32, #tpu.memory_space<vmem_shared>>) offsets(%dma_start3A_205 : memref<125xi32, #tpu.memory_space<vmem>>) semaphore(%run_scoped3A_202 : memref<!tpu.dma_semaphore, #tpu.memory_space<semaphore_mem>>) {add = true}
        %dma_wait3A_209 = arith.constant 0 : i32
        %dma_wait3A_210 = tpu.memref_slice %arg8[%rem3A_46, %run_scoped3A_79, %dma_wait3A_209] : memref<2x10x125xi32, #tpu.memory_space<vmem>> -> memref<1x1x125xi32, #tpu.memory_space<vmem>>
        %dma_wait3A_211 = tpu.memref_squeeze %dma_wait3A_210 : memref<1x1x125xi32, #tpu.memory_space<vmem>> -> memref<125xi32, #tpu.memory_space<vmem>>
        %dma_wait3A_212 = arith.constant 0 : i32
        %dma_wait3A_213 = arith.constant 0 : i32
        %dma_wait3A_214 = tpu.memref_slice %arg11[%dma_wait3A_212, %dma_wait3A_213] : memref<10112x128xf32, #tpu.memory_space<vmem_shared>> -> memref<10112x128xf32, #tpu.memory_space<vmem_shared>>
        tpu.wait_indirect_dma semaphore(%run_scoped3A_202 : memref<!tpu.dma_semaphore, #tpu.memory_space<semaphore_mem>>) src(%arg10 : memref<125x128xf32, #tpu.memory_space<vmem>>) dst(%dma_wait3A_214 : memref<10112x128xf32, #tpu.memory_space<vmem_shared>>)
        tpu.yield
      }) : () -> ()
      %dma_start3A_80 = arith.constant 3 : i32
      %dma_start3A_81 = arith.constant 0 : i32
      %dma_start3A_82 = tpu.memref_slice %arg7[%rem3A_46, %dma_start3A_80, %dma_start3A_81] : memref<2x10x125xi32, #tpu.memory_space<vmem>> -> memref<1x1x125xi32, #tpu.memory_space<vmem>>
      %dma_start3A_83 = tpu.memref_squeeze %dma_start3A_82 : memref<1x1x125xi32, #tpu.memory_space<vmem>> -> memref<125xi32, #tpu.memory_space<vmem>>
      %dma_start3A_84 = arith.constant 0 : i32
      %dma_start3A_85 = arith.constant 0 : i32
      %dma_start3A_86 = tpu.memref_slice %arg2[%dma_start3A_84, %dma_start3A_85] : memref<10000x128xf32, #tpu.memory_space<hbm>> -> memref<10000x128xf32, #tpu.memory_space<hbm>>
      tpu.enqueue_indirect_dma source(%dma_start3A_86 : memref<10000x128xf32, #tpu.memory_space<hbm>>) target(%arg10 : memref<125x128xf32, #tpu.memory_space<vmem>>) offsets(%dma_start3A_83 : memref<125xi32, #tpu.memory_space<vmem>>) semaphore(%arg13 : memref<!tpu.dma_semaphore, #tpu.memory_space<semaphore_mem>>)
      %dma_wait3A_87 = arith.constant 2 : i32
      %dma_wait3A_88 = arith.constant 0 : i32
      %dma_wait3A_89 = tpu.memref_slice %arg7[%rem3A_46, %dma_wait3A_87, %dma_wait3A_88] : memref<2x10x125xi32, #tpu.memory_space<vmem>> -> memref<1x1x125xi32, #tpu.memory_space<vmem>>
      %dma_wait3A_90 = tpu.memref_squeeze %dma_wait3A_89 : memref<1x1x125xi32, #tpu.memory_space<vmem>> -> memref<125xi32, #tpu.memory_space<vmem>>
      %dma_wait3A_91 = arith.constant 0 : i32
      %dma_wait3A_92 = arith.constant 0 : i32
      %dma_wait3A_93 = tpu.memref_slice %arg2[%dma_wait3A_91, %dma_wait3A_92] : memref<10000x128xf32, #tpu.memory_space<hbm>> -> memref<10000x128xf32, #tpu.memory_space<hbm>>
      tpu.wait_indirect_dma semaphore(%arg12 : memref<!tpu.dma_semaphore, #tpu.memory_space<semaphore_mem>>) src(%dma_wait3A_93 : memref<10000x128xf32, #tpu.memory_space<hbm>>) dst(%arg9 : memref<125x128xf32, #tpu.memory_space<vmem>>)
      %run_scoped3A_94 = arith.constant 2 : i32
      "tpu.region"() ({
        %run_scoped3A_202 = tpu.sem_alloc : memref<!tpu.dma_semaphore, #tpu.memory_space<semaphore_mem>>
        %dma_start3A_203 = arith.constant 0 : i32
        %dma_start3A_204 = tpu.memref_slice %arg8[%rem3A_46, %run_scoped3A_94, %dma_start3A_203] : memref<2x10x125xi32, #tpu.memory_space<vmem>> -> memref<1x1x125xi32, #tpu.memory_space<vmem>>
        %dma_start3A_205 = tpu.memref_squeeze %dma_start3A_204 : memref<1x1x125xi32, #tpu.memory_space<vmem>> -> memref<125xi32, #tpu.memory_space<vmem>>
        %dma_start3A_206 = arith.constant 0 : i32
        %dma_start3A_207 = arith.constant 0 : i32
        %dma_start3A_208 = tpu.memref_slice %arg11[%dma_start3A_206, %dma_start3A_207] : memref<10112x128xf32, #tpu.memory_space<vmem_shared>> -> memref<10112x128xf32, #tpu.memory_space<vmem_shared>>
        tpu.enqueue_indirect_dma source(%arg9 : memref<125x128xf32, #tpu.memory_space<vmem>>) target(%dma_start3A_208 : memref<10112x128xf32, #tpu.memory_space<vmem_shared>>) offsets(%dma_start3A_205 : memref<125xi32, #tpu.memory_space<vmem>>) semaphore(%run_scoped3A_202 : memref<!tpu.dma_semaphore, #tpu.memory_space<semaphore_mem>>) {add = true}
        %dma_wait3A_209 = arith.constant 0 : i32
        %dma_wait3A_210 = tpu.memref_slice %arg8[%rem3A_46, %run_scoped3A_94, %dma_wait3A_209] : memref<2x10x125xi32, #tpu.memory_space<vmem>> -> memref<1x1x125xi32, #tpu.memory_space<vmem>>
        %dma_wait3A_211 = tpu.memref_squeeze %dma_wait3A_210 : memref<1x1x125xi32, #tpu.memory_space<vmem>> -> memref<125xi32, #tpu.memory_space<vmem>>
        %dma_wait3A_212 = arith.constant 0 : i32
        %dma_wait3A_213 = arith.constant 0 : i32
        %dma_wait3A_214 = tpu.memref_slice %arg11[%dma_wait3A_212, %dma_wait3A_213] : memref<10112x128xf32, #tpu.memory_space<vmem_shared>> -> memref<10112x128xf32, #tpu.memory_space<vmem_shared>>
        tpu.wait_indirect_dma semaphore(%run_scoped3A_202 : memref<!tpu.dma_semaphore, #tpu.memory_space<semaphore_mem>>) src(%arg9 : memref<125x128xf32, #tpu.memory_space<vmem>>) dst(%dma_wait3A_214 : memref<10112x128xf32, #tpu.memory_space<vmem_shared>>)
        tpu.yield
      }) : () -> ()
      %dma_start3A_95 = arith.constant 4 : i32
      %dma_start3A_96 = arith.constant 0 : i32
      %dma_start3A_97 = tpu.memref_slice %arg7[%rem3A_46, %dma_start3A_95, %dma_start3A_96] : memref<2x10x125xi32, #tpu.memory_space<vmem>> -> memref<1x1x125xi32, #tpu.memory_space<vmem>>
      %dma_start3A_98 = tpu.memref_squeeze %dma_start3A_97 : memref<1x1x125xi32, #tpu.memory_space<vmem>> -> memref<125xi32, #tpu.memory_space<vmem>>
      %dma_start3A_99 = arith.constant 0 : i32
      %dma_start3A_100 = arith.constant 0 : i32
      %dma_start3A_101 = tpu.memref_slice %arg2[%dma_start3A_99, %dma_start3A_100] : memref<10000x128xf32, #tpu.memory_space<hbm>> -> memref<10000x128xf32, #tpu.memory_space<hbm>>
      tpu.enqueue_indirect_dma source(%dma_start3A_101 : memref<10000x128xf32, #tpu.memory_space<hbm>>) target(%arg9 : memref<125x128xf32, #tpu.memory_space<vmem>>) offsets(%dma_start3A_98 : memref<125xi32, #tpu.memory_space<vmem>>) semaphore(%arg12 : memref<!tpu.dma_semaphore, #tpu.memory_space<semaphore_mem>>)
      %dma_wait3A_102 = arith.constant 3 : i32
      %dma_wait3A_103 = arith.constant 0 : i32
      %dma_wait3A_104 = tpu.memref_slice %arg7[%rem3A_46, %dma_wait3A_102, %dma_wait3A_103] : memref<2x10x125xi32, #tpu.memory_space<vmem>> -> memref<1x1x125xi32, #tpu.memory_space<vmem>>
      %dma_wait3A_105 = tpu.memref_squeeze %dma_wait3A_104 : memref<1x1x125xi32, #tpu.memory_space<vmem>> -> memref<125xi32, #tpu.memory_space<vmem>>
      %dma_wait3A_106 = arith.constant 0 : i32
      %dma_wait3A_107 = arith.constant 0 : i32
      %dma_wait3A_108 = tpu.memref_slice %arg2[%dma_wait3A_106, %dma_wait3A_107] : memref<10000x128xf32, #tpu.memory_space<hbm>> -> memref<10000x128xf32, #tpu.memory_space<hbm>>
      tpu.wait_indirect_dma semaphore(%arg13 : memref<!tpu.dma_semaphore, #tpu.memory_space<semaphore_mem>>) src(%dma_wait3A_108 : memref<10000x128xf32, #tpu.memory_space<hbm>>) dst(%arg10 : memref<125x128xf32, #tpu.memory_space<vmem>>)
      %run_scoped3A_109 = arith.constant 3 : i32
      "tpu.region"() ({
        %run_scoped3A_202 = tpu.sem_alloc : memref<!tpu.dma_semaphore, #tpu.memory_space<semaphore_mem>>
        %dma_start3A_203 = arith.constant 0 : i32
        %dma_start3A_204 = tpu.memref_slice %arg8[%rem3A_46, %run_scoped3A_109, %dma_start3A_203] : memref<2x10x125xi32, #tpu.memory_space<vmem>> -> memref<1x1x125xi32, #tpu.memory_space<vmem>>
        %dma_start3A_205 = tpu.memref_squeeze %dma_start3A_204 : memref<1x1x125xi32, #tpu.memory_space<vmem>> -> memref<125xi32, #tpu.memory_space<vmem>>
        %dma_start3A_206 = arith.constant 0 : i32
        %dma_start3A_207 = arith.constant 0 : i32
        %dma_start3A_208 = tpu.memref_slice %arg11[%dma_start3A_206, %dma_start3A_207] : memref<10112x128xf32, #tpu.memory_space<vmem_shared>> -> memref<10112x128xf32, #tpu.memory_space<vmem_shared>>
        tpu.enqueue_indirect_dma source(%arg10 : memref<125x128xf32, #tpu.memory_space<vmem>>) target(%dma_start3A_208 : memref<10112x128xf32, #tpu.memory_space<vmem_shared>>) offsets(%dma_start3A_205 : memref<125xi32, #tpu.memory_space<vmem>>) semaphore(%run_scoped3A_202 : memref<!tpu.dma_semaphore, #tpu.memory_space<semaphore_mem>>) {add = true}
        %dma_wait3A_209 = arith.constant 0 : i32
        %dma_wait3A_210 = tpu.memref_slice %arg8[%rem3A_46, %run_scoped3A_109, %dma_wait3A_209] : memref<2x10x125xi32, #tpu.memory_space<vmem>> -> memref<1x1x125xi32, #tpu.memory_space<vmem>>
        %dma_wait3A_211 = tpu.memref_squeeze %dma_wait3A_210 : memref<1x1x125xi32, #tpu.memory_space<vmem>> -> memref<125xi32, #tpu.memory_space<vmem>>
        %dma_wait3A_212 = arith.constant 0 : i32
        %dma_wait3A_213 = arith.constant 0 : i32
        %dma_wait3A_214 = tpu.memref_slice %arg11[%dma_wait3A_212, %dma_wait3A_213] : memref<10112x128xf32, #tpu.memory_space<vmem_shared>> -> memref<10112x128xf32, #tpu.memory_space<vmem_shared>>
        tpu.wait_indirect_dma semaphore(%run_scoped3A_202 : memref<!tpu.dma_semaphore, #tpu.memory_space<semaphore_mem>>) src(%arg10 : memref<125x128xf32, #tpu.memory_space<vmem>>) dst(%dma_wait3A_214 : memref<10112x128xf32, #tpu.memory_space<vmem_shared>>)
        tpu.yield
      }) : () -> ()
      %dma_start3A_110 = arith.constant 5 : i32
      %dma_start3A_111 = arith.constant 0 : i32
      %dma_start3A_112 = tpu.memref_slice %arg7[%rem3A_46, %dma_start3A_110, %dma_start3A_111] : memref<2x10x125xi32, #tpu.memory_space<vmem>> -> memref<1x1x125xi32, #tpu.memory_space<vmem>>
      %dma_start3A_113 = tpu.memref_squeeze %dma_start3A_112 : memref<1x1x125xi32, #tpu.memory_space<vmem>> -> memref<125xi32, #tpu.memory_space<vmem>>
      %dma_start3A_114 = arith.constant 0 : i32
      %dma_start3A_115 = arith.constant 0 : i32
      %dma_start3A_116 = tpu.memref_slice %arg2[%dma_start3A_114, %dma_start3A_115] : memref<10000x128xf32, #tpu.memory_space<hbm>> -> memref<10000x128xf32, #tpu.memory_space<hbm>>
      tpu.enqueue_indirect_dma source(%dma_start3A_116 : memref<10000x128xf32, #tpu.memory_space<hbm>>) target(%arg10 : memref<125x128xf32, #tpu.memory_space<vmem>>) offsets(%dma_start3A_113 : memref<125xi32, #tpu.memory_space<vmem>>) semaphore(%arg13 : memref<!tpu.dma_semaphore, #tpu.memory_space<semaphore_mem>>)
      %dma_wait3A_117 = arith.constant 4 : i32
      %dma_wait3A_118 = arith.constant 0 : i32
      %dma_wait3A_119 = tpu.memref_slice %arg7[%rem3A_46, %dma_wait3A_117, %dma_wait3A_118] : memref<2x10x125xi32, #tpu.memory_space<vmem>> -> memref<1x1x125xi32, #tpu.memory_space<vmem>>
      %dma_wait3A_120 = tpu.memref_squeeze %dma_wait3A_119 : memref<1x1x125xi32, #tpu.memory_space<vmem>> -> memref<125xi32, #tpu.memory_space<vmem>>
      %dma_wait3A_121 = arith.constant 0 : i32
      %dma_wait3A_122 = arith.constant 0 : i32
      %dma_wait3A_123 = tpu.memref_slice %arg2[%dma_wait3A_121, %dma_wait3A_122] : memref<10000x128xf32, #tpu.memory_space<hbm>> -> memref<10000x128xf32, #tpu.memory_space<hbm>>
      tpu.wait_indirect_dma semaphore(%arg12 : memref<!tpu.dma_semaphore, #tpu.memory_space<semaphore_mem>>) src(%dma_wait3A_123 : memref<10000x128xf32, #tpu.memory_space<hbm>>) dst(%arg9 : memref<125x128xf32, #tpu.memory_space<vmem>>)
      %run_scoped3A_124 = arith.constant 4 : i32
      "tpu.region"() ({
        %run_scoped3A_202 = tpu.sem_alloc : memref<!tpu.dma_semaphore, #tpu.memory_space<semaphore_mem>>
        %dma_start3A_203 = arith.constant 0 : i32
        %dma_start3A_204 = tpu.memref_slice %arg8[%rem3A_46, %run_scoped3A_124, %dma_start3A_203] : memref<2x10x125xi32, #tpu.memory_space<vmem>> -> memref<1x1x125xi32, #tpu.memory_space<vmem>>
        %dma_start3A_205 = tpu.memref_squeeze %dma_start3A_204 : memref<1x1x125xi32, #tpu.memory_space<vmem>> -> memref<125xi32, #tpu.memory_space<vmem>>
        %dma_start3A_206 = arith.constant 0 : i32
        %dma_start3A_207 = arith.constant 0 : i32
        %dma_start3A_208 = tpu.memref_slice %arg11[%dma_start3A_206, %dma_start3A_207] : memref<10112x128xf32, #tpu.memory_space<vmem_shared>> -> memref<10112x128xf32, #tpu.memory_space<vmem_shared>>
        tpu.enqueue_indirect_dma source(%arg9 : memref<125x128xf32, #tpu.memory_space<vmem>>) target(%dma_start3A_208 : memref<10112x128xf32, #tpu.memory_space<vmem_shared>>) offsets(%dma_start3A_205 : memref<125xi32, #tpu.memory_space<vmem>>) semaphore(%run_scoped3A_202 : memref<!tpu.dma_semaphore, #tpu.memory_space<semaphore_mem>>) {add = true}
        %dma_wait3A_209 = arith.constant 0 : i32
        %dma_wait3A_210 = tpu.memref_slice %arg8[%rem3A_46, %run_scoped3A_124, %dma_wait3A_209] : memref<2x10x125xi32, #tpu.memory_space<vmem>> -> memref<1x1x125xi32, #tpu.memory_space<vmem>>
        %dma_wait3A_211 = tpu.memref_squeeze %dma_wait3A_210 : memref<1x1x125xi32, #tpu.memory_space<vmem>> -> memref<125xi32, #tpu.memory_space<vmem>>
        %dma_wait3A_212 = arith.constant 0 : i32
        %dma_wait3A_213 = arith.constant 0 : i32
        %dma_wait3A_214 = tpu.memref_slice %arg11[%dma_wait3A_212, %dma_wait3A_213] : memref<10112x128xf32, #tpu.memory_space<vmem_shared>> -> memref<10112x128xf32, #tpu.memory_space<vmem_shared>>
        tpu.wait_indirect_dma semaphore(%run_scoped3A_202 : memref<!tpu.dma_semaphore, #tpu.memory_space<semaphore_mem>>) src(%arg9 : memref<125x128xf32, #tpu.memory_space<vmem>>) dst(%dma_wait3A_214 : memref<10112x128xf32, #tpu.memory_space<vmem_shared>>)
        tpu.yield
      }) : () -> ()
      %dma_start3A_125 = arith.constant 6 : i32
      %dma_start3A_126 = arith.constant 0 : i32
      %dma_start3A_127 = tpu.memref_slice %arg7[%rem3A_46, %dma_start3A_125, %dma_start3A_126] : memref<2x10x125xi32, #tpu.memory_space<vmem>> -> memref<1x1x125xi32, #tpu.memory_space<vmem>>
      %dma_start3A_128 = tpu.memref_squeeze %dma_start3A_127 : memref<1x1x125xi32, #tpu.memory_space<vmem>> -> memref<125xi32, #tpu.memory_space<vmem>>
      %dma_start3A_129 = arith.constant 0 : i32
      %dma_start3A_130 = arith.constant 0 : i32
      %dma_start3A_131 = tpu.memref_slice %arg2[%dma_start3A_129, %dma_start3A_130] : memref<10000x128xf32, #tpu.memory_space<hbm>> -> memref<10000x128xf32, #tpu.memory_space<hbm>>
      tpu.enqueue_indirect_dma source(%dma_start3A_131 : memref<10000x128xf32, #tpu.memory_space<hbm>>) target(%arg9 : memref<125x128xf32, #tpu.memory_space<vmem>>) offsets(%dma_start3A_128 : memref<125xi32, #tpu.memory_space<vmem>>) semaphore(%arg12 : memref<!tpu.dma_semaphore, #tpu.memory_space<semaphore_mem>>)
      %dma_wait3A_132 = arith.constant 5 : i32
      %dma_wait3A_133 = arith.constant 0 : i32
      %dma_wait3A_134 = tpu.memref_slice %arg7[%rem3A_46, %dma_wait3A_132, %dma_wait3A_133] : memref<2x10x125xi32, #tpu.memory_space<vmem>> -> memref<1x1x125xi32, #tpu.memory_space<vmem>>
      %dma_wait3A_135 = tpu.memref_squeeze %dma_wait3A_134 : memref<1x1x125xi32, #tpu.memory_space<vmem>> -> memref<125xi32, #tpu.memory_space<vmem>>
      %dma_wait3A_136 = arith.constant 0 : i32
      %dma_wait3A_137 = arith.constant 0 : i32
      %dma_wait3A_138 = tpu.memref_slice %arg2[%dma_wait3A_136, %dma_wait3A_137] : memref<10000x128xf32, #tpu.memory_space<hbm>> -> memref<10000x128xf32, #tpu.memory_space<hbm>>
      tpu.wait_indirect_dma semaphore(%arg13 : memref<!tpu.dma_semaphore, #tpu.memory_space<semaphore_mem>>) src(%dma_wait3A_138 : memref<10000x128xf32, #tpu.memory_space<hbm>>) dst(%arg10 : memref<125x128xf32, #tpu.memory_space<vmem>>)
      %run_scoped3A_139 = arith.constant 5 : i32
      "tpu.region"() ({
        %run_scoped3A_202 = tpu.sem_alloc : memref<!tpu.dma_semaphore, #tpu.memory_space<semaphore_mem>>
        %dma_start3A_203 = arith.constant 0 : i32
        %dma_start3A_204 = tpu.memref_slice %arg8[%rem3A_46, %run_scoped3A_139, %dma_start3A_203] : memref<2x10x125xi32, #tpu.memory_space<vmem>> -> memref<1x1x125xi32, #tpu.memory_space<vmem>>
        %dma_start3A_205 = tpu.memref_squeeze %dma_start3A_204 : memref<1x1x125xi32, #tpu.memory_space<vmem>> -> memref<125xi32, #tpu.memory_space<vmem>>
        %dma_start3A_206 = arith.constant 0 : i32
        %dma_start3A_207 = arith.constant 0 : i32
        %dma_start3A_208 = tpu.memref_slice %arg11[%dma_start3A_206, %dma_start3A_207] : memref<10112x128xf32, #tpu.memory_space<vmem_shared>> -> memref<10112x128xf32, #tpu.memory_space<vmem_shared>>
        tpu.enqueue_indirect_dma source(%arg10 : memref<125x128xf32, #tpu.memory_space<vmem>>) target(%dma_start3A_208 : memref<10112x128xf32, #tpu.memory_space<vmem_shared>>) offsets(%dma_start3A_205 : memref<125xi32, #tpu.memory_space<vmem>>) semaphore(%run_scoped3A_202 : memref<!tpu.dma_semaphore, #tpu.memory_space<semaphore_mem>>) {add = true}
        %dma_wait3A_209 = arith.constant 0 : i32
        %dma_wait3A_210 = tpu.memref_slice %arg8[%rem3A_46, %run_scoped3A_139, %dma_wait3A_209] : memref<2x10x125xi32, #tpu.memory_space<vmem>> -> memref<1x1x125xi32, #tpu.memory_space<vmem>>
        %dma_wait3A_211 = tpu.memref_squeeze %dma_wait3A_210 : memref<1x1x125xi32, #tpu.memory_space<vmem>> -> memref<125xi32, #tpu.memory_space<vmem>>
        %dma_wait3A_212 = arith.constant 0 : i32
        %dma_wait3A_213 = arith.constant 0 : i32
        %dma_wait3A_214 = tpu.memref_slice %arg11[%dma_wait3A_212, %dma_wait3A_213] : memref<10112x128xf32, #tpu.memory_space<vmem_shared>> -> memref<10112x128xf32, #tpu.memory_space<vmem_shared>>
        tpu.wait_indirect_dma semaphore(%run_scoped3A_202 : memref<!tpu.dma_semaphore, #tpu.memory_space<semaphore_mem>>) src(%arg10 : memref<125x128xf32, #tpu.memory_space<vmem>>) dst(%dma_wait3A_214 : memref<10112x128xf32, #tpu.memory_space<vmem_shared>>)
        tpu.yield
      }) : () -> ()
      %dma_start3A_140 = arith.constant 7 : i32
      %dma_start3A_141 = arith.constant 0 : i32
      %dma_start3A_142 = tpu.memref_slice %arg7[%rem3A_46, %dma_start3A_140, %dma_start3A_141] : memref<2x10x125xi32, #tpu.memory_space<vmem>> -> memref<1x1x125xi32, #tpu.memory_space<vmem>>
      %dma_start3A_143 = tpu.memref_squeeze %dma_start3A_142 : memref<1x1x125xi32, #tpu.memory_space<vmem>> -> memref<125xi32, #tpu.memory_space<vmem>>
      %dma_start3A_144 = arith.constant 0 : i32
      %dma_start3A_145 = arith.constant 0 : i32
      %dma_start3A_146 = tpu.memref_slice %arg2[%dma_start3A_144, %dma_start3A_145] : memref<10000x128xf32, #tpu.memory_space<hbm>> -> memref<10000x128xf32, #tpu.memory_space<hbm>>
      tpu.enqueue_indirect_dma source(%dma_start3A_146 : memref<10000x128xf32, #tpu.memory_space<hbm>>) target(%arg10 : memref<125x128xf32, #tpu.memory_space<vmem>>) offsets(%dma_start3A_143 : memref<125xi32, #tpu.memory_space<vmem>>) semaphore(%arg13 : memref<!tpu.dma_semaphore, #tpu.memory_space<semaphore_mem>>)
      %dma_wait3A_147 = arith.constant 6 : i32
      %dma_wait3A_148 = arith.constant 0 : i32
      %dma_wait3A_149 = tpu.memref_slice %arg7[%rem3A_46, %dma_wait3A_147, %dma_wait3A_148] : memref<2x10x125xi32, #tpu.memory_space<vmem>> -> memref<1x1x125xi32, #tpu.memory_space<vmem>>
      %dma_wait3A_150 = tpu.memref_squeeze %dma_wait3A_149 : memref<1x1x125xi32, #tpu.memory_space<vmem>> -> memref<125xi32, #tpu.memory_space<vmem>>
      %dma_wait3A_151 = arith.constant 0 : i32
      %dma_wait3A_152 = arith.constant 0 : i32
      %dma_wait3A_153 = tpu.memref_slice %arg2[%dma_wait3A_151, %dma_wait3A_152] : memref<10000x128xf32, #tpu.memory_space<hbm>> -> memref<10000x128xf32, #tpu.memory_space<hbm>>
      tpu.wait_indirect_dma semaphore(%arg12 : memref<!tpu.dma_semaphore, #tpu.memory_space<semaphore_mem>>) src(%dma_wait3A_153 : memref<10000x128xf32, #tpu.memory_space<hbm>>) dst(%arg9 : memref<125x128xf32, #tpu.memory_space<vmem>>)
      %run_scoped3A_154 = arith.constant 6 : i32
      "tpu.region"() ({
        %run_scoped3A_202 = tpu.sem_alloc : memref<!tpu.dma_semaphore, #tpu.memory_space<semaphore_mem>>
        %dma_start3A_203 = arith.constant 0 : i32
        %dma_start3A_204 = tpu.memref_slice %arg8[%rem3A_46, %run_scoped3A_154, %dma_start3A_203] : memref<2x10x125xi32, #tpu.memory_space<vmem>> -> memref<1x1x125xi32, #tpu.memory_space<vmem>>
        %dma_start3A_205 = tpu.memref_squeeze %dma_start3A_204 : memref<1x1x125xi32, #tpu.memory_space<vmem>> -> memref<125xi32, #tpu.memory_space<vmem>>
        %dma_start3A_206 = arith.constant 0 : i32
        %dma_start3A_207 = arith.constant 0 : i32
        %dma_start3A_208 = tpu.memref_slice %arg11[%dma_start3A_206, %dma_start3A_207] : memref<10112x128xf32, #tpu.memory_space<vmem_shared>> -> memref<10112x128xf32, #tpu.memory_space<vmem_shared>>
        tpu.enqueue_indirect_dma source(%arg9 : memref<125x128xf32, #tpu.memory_space<vmem>>) target(%dma_start3A_208 : memref<10112x128xf32, #tpu.memory_space<vmem_shared>>) offsets(%dma_start3A_205 : memref<125xi32, #tpu.memory_space<vmem>>) semaphore(%run_scoped3A_202 : memref<!tpu.dma_semaphore, #tpu.memory_space<semaphore_mem>>) {add = true}
        %dma_wait3A_209 = arith.constant 0 : i32
        %dma_wait3A_210 = tpu.memref_slice %arg8[%rem3A_46, %run_scoped3A_154, %dma_wait3A_209] : memref<2x10x125xi32, #tpu.memory_space<vmem>> -> memref<1x1x125xi32, #tpu.memory_space<vmem>>
        %dma_wait3A_211 = tpu.memref_squeeze %dma_wait3A_210 : memref<1x1x125xi32, #tpu.memory_space<vmem>> -> memref<125xi32, #tpu.memory_space<vmem>>
        %dma_wait3A_212 = arith.constant 0 : i32
        %dma_wait3A_213 = arith.constant 0 : i32
        %dma_wait3A_214 = tpu.memref_slice %arg11[%dma_wait3A_212, %dma_wait3A_213] : memref<10112x128xf32, #tpu.memory_space<vmem_shared>> -> memref<10112x128xf32, #tpu.memory_space<vmem_shared>>
        tpu.wait_indirect_dma semaphore(%run_scoped3A_202 : memref<!tpu.dma_semaphore, #tpu.memory_space<semaphore_mem>>) src(%arg9 : memref<125x128xf32, #tpu.memory_space<vmem>>) dst(%dma_wait3A_214 : memref<10112x128xf32, #tpu.memory_space<vmem_shared>>)
        tpu.yield
      }) : () -> ()
      %dma_start3A_155 = arith.constant 8 : i32
      %dma_start3A_156 = arith.constant 0 : i32
      %dma_start3A_157 = tpu.memref_slice %arg7[%rem3A_46, %dma_start3A_155, %dma_start3A_156] : memref<2x10x125xi32, #tpu.memory_space<vmem>> -> memref<1x1x125xi32, #tpu.memory_space<vmem>>
      %dma_start3A_158 = tpu.memref_squeeze %dma_start3A_157 : memref<1x1x125xi32, #tpu.memory_space<vmem>> -> memref<125xi32, #tpu.memory_space<vmem>>
      %dma_start3A_159 = arith.constant 0 : i32
      %dma_start3A_160 = arith.constant 0 : i32
      %dma_start3A_161 = tpu.memref_slice %arg2[%dma_start3A_159, %dma_start3A_160] : memref<10000x128xf32, #tpu.memory_space<hbm>> -> memref<10000x128xf32, #tpu.memory_space<hbm>>
      tpu.enqueue_indirect_dma source(%dma_start3A_161 : memref<10000x128xf32, #tpu.memory_space<hbm>>) target(%arg9 : memref<125x128xf32, #tpu.memory_space<vmem>>) offsets(%dma_start3A_158 : memref<125xi32, #tpu.memory_space<vmem>>) semaphore(%arg12 : memref<!tpu.dma_semaphore, #tpu.memory_space<semaphore_mem>>)
      %dma_wait3A_162 = arith.constant 7 : i32
      %dma_wait3A_163 = arith.constant 0 : i32
      %dma_wait3A_164 = tpu.memref_slice %arg7[%rem3A_46, %dma_wait3A_162, %dma_wait3A_163] : memref<2x10x125xi32, #tpu.memory_space<vmem>> -> memref<1x1x125xi32, #tpu.memory_space<vmem>>
      %dma_wait3A_165 = tpu.memref_squeeze %dma_wait3A_164 : memref<1x1x125xi32, #tpu.memory_space<vmem>> -> memref<125xi32, #tpu.memory_space<vmem>>
      %dma_wait3A_166 = arith.constant 0 : i32
      %dma_wait3A_167 = arith.constant 0 : i32
      %dma_wait3A_168 = tpu.memref_slice %arg2[%dma_wait3A_166, %dma_wait3A_167] : memref<10000x128xf32, #tpu.memory_space<hbm>> -> memref<10000x128xf32, #tpu.memory_space<hbm>>
      tpu.wait_indirect_dma semaphore(%arg13 : memref<!tpu.dma_semaphore, #tpu.memory_space<semaphore_mem>>) src(%dma_wait3A_168 : memref<10000x128xf32, #tpu.memory_space<hbm>>) dst(%arg10 : memref<125x128xf32, #tpu.memory_space<vmem>>)
      %run_scoped3A_169 = arith.constant 7 : i32
      "tpu.region"() ({
        %run_scoped3A_202 = tpu.sem_alloc : memref<!tpu.dma_semaphore, #tpu.memory_space<semaphore_mem>>
        %dma_start3A_203 = arith.constant 0 : i32
        %dma_start3A_204 = tpu.memref_slice %arg8[%rem3A_46, %run_scoped3A_169, %dma_start3A_203] : memref<2x10x125xi32, #tpu.memory_space<vmem>> -> memref<1x1x125xi32, #tpu.memory_space<vmem>>
        %dma_start3A_205 = tpu.memref_squeeze %dma_start3A_204 : memref<1x1x125xi32, #tpu.memory_space<vmem>> -> memref<125xi32, #tpu.memory_space<vmem>>
        %dma_start3A_206 = arith.constant 0 : i32
        %dma_start3A_207 = arith.constant 0 : i32
        %dma_start3A_208 = tpu.memref_slice %arg11[%dma_start3A_206, %dma_start3A_207] : memref<10112x128xf32, #tpu.memory_space<vmem_shared>> -> memref<10112x128xf32, #tpu.memory_space<vmem_shared>>
        tpu.enqueue_indirect_dma source(%arg10 : memref<125x128xf32, #tpu.memory_space<vmem>>) target(%dma_start3A_208 : memref<10112x128xf32, #tpu.memory_space<vmem_shared>>) offsets(%dma_start3A_205 : memref<125xi32, #tpu.memory_space<vmem>>) semaphore(%run_scoped3A_202 : memref<!tpu.dma_semaphore, #tpu.memory_space<semaphore_mem>>) {add = true}
        %dma_wait3A_209 = arith.constant 0 : i32
        %dma_wait3A_210 = tpu.memref_slice %arg8[%rem3A_46, %run_scoped3A_169, %dma_wait3A_209] : memref<2x10x125xi32, #tpu.memory_space<vmem>> -> memref<1x1x125xi32, #tpu.memory_space<vmem>>
        %dma_wait3A_211 = tpu.memref_squeeze %dma_wait3A_210 : memref<1x1x125xi32, #tpu.memory_space<vmem>> -> memref<125xi32, #tpu.memory_space<vmem>>
        %dma_wait3A_212 = arith.constant 0 : i32
        %dma_wait3A_213 = arith.constant 0 : i32
        %dma_wait3A_214 = tpu.memref_slice %arg11[%dma_wait3A_212, %dma_wait3A_213] : memref<10112x128xf32, #tpu.memory_space<vmem_shared>> -> memref<10112x128xf32, #tpu.memory_space<vmem_shared>>
        tpu.wait_indirect_dma semaphore(%run_scoped3A_202 : memref<!tpu.dma_semaphore, #tpu.memory_space<semaphore_mem>>) src(%arg10 : memref<125x128xf32, #tpu.memory_space<vmem>>) dst(%dma_wait3A_214 : memref<10112x128xf32, #tpu.memory_space<vmem_shared>>)
        tpu.yield
      }) : () -> ()
      %dma_start3A_170 = arith.constant 9 : i32
      %dma_start3A_171 = arith.constant 0 : i32
      %dma_start3A_172 = tpu.memref_slice %arg7[%rem3A_46, %dma_start3A_170, %dma_start3A_171] : memref<2x10x125xi32, #tpu.memory_space<vmem>> -> memref<1x1x125xi32, #tpu.memory_space<vmem>>
      %dma_start3A_173 = tpu.memref_squeeze %dma_start3A_172 : memref<1x1x125xi32, #tpu.memory_space<vmem>> -> memref<125xi32, #tpu.memory_space<vmem>>
      %dma_start3A_174 = arith.constant 0 : i32
      %dma_start3A_175 = arith.constant 0 : i32
      %dma_start3A_176 = tpu.memref_slice %arg2[%dma_start3A_174, %dma_start3A_175] : memref<10000x128xf32, #tpu.memory_space<hbm>> -> memref<10000x128xf32, #tpu.memory_space<hbm>>
      tpu.enqueue_indirect_dma source(%dma_start3A_176 : memref<10000x128xf32, #tpu.memory_space<hbm>>) target(%arg10 : memref<125x128xf32, #tpu.memory_space<vmem>>) offsets(%dma_start3A_173 : memref<125xi32, #tpu.memory_space<vmem>>) semaphore(%arg13 : memref<!tpu.dma_semaphore, #tpu.memory_space<semaphore_mem>>)
      %dma_wait3A_177 = arith.constant 8 : i32
      %dma_wait3A_178 = arith.constant 0 : i32
      %dma_wait3A_179 = tpu.memref_slice %arg7[%rem3A_46, %dma_wait3A_177, %dma_wait3A_178] : memref<2x10x125xi32, #tpu.memory_space<vmem>> -> memref<1x1x125xi32, #tpu.memory_space<vmem>>
      %dma_wait3A_180 = tpu.memref_squeeze %dma_wait3A_179 : memref<1x1x125xi32, #tpu.memory_space<vmem>> -> memref<125xi32, #tpu.memory_space<vmem>>
      %dma_wait3A_181 = arith.constant 0 : i32
      %dma_wait3A_182 = arith.constant 0 : i32
      %dma_wait3A_183 = tpu.memref_slice %arg2[%dma_wait3A_181, %dma_wait3A_182] : memref<10000x128xf32, #tpu.memory_space<hbm>> -> memref<10000x128xf32, #tpu.memory_space<hbm>>
      tpu.wait_indirect_dma semaphore(%arg12 : memref<!tpu.dma_semaphore, #tpu.memory_space<semaphore_mem>>) src(%dma_wait3A_183 : memref<10000x128xf32, #tpu.memory_space<hbm>>) dst(%arg9 : memref<125x128xf32, #tpu.memory_space<vmem>>)
      %run_scoped3A_184 = arith.constant 8 : i32
      "tpu.region"() ({
        %run_scoped3A_202 = tpu.sem_alloc : memref<!tpu.dma_semaphore, #tpu.memory_space<semaphore_mem>>
        %dma_start3A_203 = arith.constant 0 : i32
        %dma_start3A_204 = tpu.memref_slice %arg8[%rem3A_46, %run_scoped3A_184, %dma_start3A_203] : memref<2x10x125xi32, #tpu.memory_space<vmem>> -> memref<1x1x125xi32, #tpu.memory_space<vmem>>
        %dma_start3A_205 = tpu.memref_squeeze %dma_start3A_204 : memref<1x1x125xi32, #tpu.memory_space<vmem>> -> memref<125xi32, #tpu.memory_space<vmem>>
        %dma_start3A_206 = arith.constant 0 : i32
        %dma_start3A_207 = arith.constant 0 : i32
        %dma_start3A_208 = tpu.memref_slice %arg11[%dma_start3A_206, %dma_start3A_207] : memref<10112x128xf32, #tpu.memory_space<vmem_shared>> -> memref<10112x128xf32, #tpu.memory_space<vmem_shared>>
        tpu.enqueue_indirect_dma source(%arg9 : memref<125x128xf32, #tpu.memory_space<vmem>>) target(%dma_start3A_208 : memref<10112x128xf32, #tpu.memory_space<vmem_shared>>) offsets(%dma_start3A_205 : memref<125xi32, #tpu.memory_space<vmem>>) semaphore(%run_scoped3A_202 : memref<!tpu.dma_semaphore, #tpu.memory_space<semaphore_mem>>) {add = true}
        %dma_wait3A_209 = arith.constant 0 : i32
        %dma_wait3A_210 = tpu.memref_slice %arg8[%rem3A_46, %run_scoped3A_184, %dma_wait3A_209] : memref<2x10x125xi32, #tpu.memory_space<vmem>> -> memref<1x1x125xi32, #tpu.memory_space<vmem>>
        %dma_wait3A_211 = tpu.memref_squeeze %dma_wait3A_210 : memref<1x1x125xi32, #tpu.memory_space<vmem>> -> memref<125xi32, #tpu.memory_space<vmem>>
        %dma_wait3A_212 = arith.constant 0 : i32
        %dma_wait3A_213 = arith.constant 0 : i32
        %dma_wait3A_214 = tpu.memref_slice %arg11[%dma_wait3A_212, %dma_wait3A_213] : memref<10112x128xf32, #tpu.memory_space<vmem_shared>> -> memref<10112x128xf32, #tpu.memory_space<vmem_shared>>
        tpu.wait_indirect_dma semaphore(%run_scoped3A_202 : memref<!tpu.dma_semaphore, #tpu.memory_space<semaphore_mem>>) src(%arg9 : memref<125x128xf32, #tpu.memory_space<vmem>>) dst(%dma_wait3A_214 : memref<10112x128xf32, #tpu.memory_space<vmem_shared>>)
        tpu.yield
      }) : () -> ()
      %convert_element_type3A_185 = arith.extui %lt3A_54 : i1 to i32
      %cond3A_186 = arith.constant 0 : i32
      %cond3A_187 = arith.cmpi ne, %convert_element_type3A_185, %cond3A_186 : i32
      scf.if %cond3A_187 {
        %dma_wait3A_202 = arith.constant 0 : i32
        %dma_wait3A_203 = arith.constant 0 : i32
        %dma_wait3A_204 = arith.constant 0 : i32
        %dma_wait3A_205 = tpu.memref_slice %arg7[%rem3A_50, %dma_wait3A_203, %dma_wait3A_204] : memref<2x10x125xi32, #tpu.memory_space<vmem>> -> memref<1x10x125xi32, #tpu.memory_space<vmem>>
        %dma_wait3A_206 = tpu.memref_squeeze %dma_wait3A_205 : memref<1x10x125xi32, #tpu.memory_space<vmem>> -> memref<10x125xi32, #tpu.memory_space<vmem>>
        %dma_wait3A_207 = arith.constant 0 : i32
        %dma_wait3A_208 = arith.constant 0 : i32
        %dma_wait3A_209 = tpu.memref_slice %arg3[%add3A, %dma_wait3A_202, %dma_wait3A_207, %dma_wait3A_208] : memref<32x8x10x125xi32, #tpu.memory_space<hbm>> -> memref<1x1x10x125xi32, #tpu.memory_space<hbm>>
        %dma_wait3A_210 = tpu.memref_squeeze %dma_wait3A_209 : memref<1x1x10x125xi32, #tpu.memory_space<hbm>> -> memref<10x125xi32, #tpu.memory_space<hbm>>
        %dma_wait3A_211 = arith.constant 0 : i32
        %dma_wait3A_212 = arith.constant 0 : i32
        %dma_wait3A_213 = tpu.memref_slice %arg7[%rem3A_50, %dma_wait3A_211, %dma_wait3A_212] : memref<2x10x125xi32, #tpu.memory_space<vmem>> -> memref<1x10x125xi32, #tpu.memory_space<vmem>>
        %dma_wait3A_214 = tpu.memref_squeeze %dma_wait3A_213 : memref<1x10x125xi32, #tpu.memory_space<vmem>> -> memref<10x125xi32, #tpu.memory_space<vmem>>
        %dma_wait3A_215 = arith.constant 0 : i32
        %dma_wait3A_216 = arith.constant 0 : i32
        %dma_wait3A_217 = tpu.memref_slice %arg3[%add3A, %dma_wait3A_202, %dma_wait3A_215, %dma_wait3A_216] : memref<32x8x10x125xi32, #tpu.memory_space<hbm>> -> memref<1x1x10x125xi32, #tpu.memory_space<hbm>>
        %dma_wait3A_218 = tpu.memref_squeeze %dma_wait3A_217 : memref<1x1x10x125xi32, #tpu.memory_space<hbm>> -> memref<10x125xi32, #tpu.memory_space<hbm>>
        tpu.wait_dma2 semaphore(%arg14 : memref<!tpu.dma_semaphore, #tpu.memory_space<semaphore_mem>>) src(%dma_wait3A_218 : memref<10x125xi32, #tpu.memory_space<hbm>>) dst(%dma_wait3A_214 : memref<10x125xi32, #tpu.memory_space<vmem>>)
        %dma_wait3A_219 = arith.constant 0 : i32
        %dma_wait3A_220 = arith.constant 0 : i32
        %dma_wait3A_221 = arith.constant 0 : i32
        %dma_wait3A_222 = tpu.memref_slice %arg8[%rem3A_50, %dma_wait3A_220, %dma_wait3A_221] : memref<2x10x125xi32, #tpu.memory_space<vmem>> -> memref<1x10x125xi32, #tpu.memory_space<vmem>>
        %dma_wait3A_223 = tpu.memref_squeeze %dma_wait3A_222 : memref<1x10x125xi32, #tpu.memory_space<vmem>> -> memref<10x125xi32, #tpu.memory_space<vmem>>
        %dma_wait3A_224 = arith.constant 0 : i32
        %dma_wait3A_225 = arith.constant 0 : i32
        %dma_wait3A_226 = tpu.memref_slice %arg4[%add3A, %dma_wait3A_219, %dma_wait3A_224, %dma_wait3A_225] : memref<32x8x10x125xi32, #tpu.memory_space<hbm>> -> memref<1x1x10x125xi32, #tpu.memory_space<hbm>>
        %dma_wait3A_227 = tpu.memref_squeeze %dma_wait3A_226 : memref<1x1x10x125xi32, #tpu.memory_space<hbm>> -> memref<10x125xi32, #tpu.memory_space<hbm>>
        %dma_wait3A_228 = arith.constant 0 : i32
        %dma_wait3A_229 = arith.constant 0 : i32
        %dma_wait3A_230 = tpu.memref_slice %arg8[%rem3A_50, %dma_wait3A_228, %dma_wait3A_229] : memref<2x10x125xi32, #tpu.memory_space<vmem>> -> memref<1x10x125xi32, #tpu.memory_space<vmem>>
        %dma_wait3A_231 = tpu.memref_squeeze %dma_wait3A_230 : memref<1x10x125xi32, #tpu.memory_space<vmem>> -> memref<10x125xi32, #tpu.memory_space<vmem>>
        %dma_wait3A_232 = arith.constant 0 : i32
        %dma_wait3A_233 = arith.constant 0 : i32
        %dma_wait3A_234 = tpu.memref_slice %arg4[%add3A, %dma_wait3A_219, %dma_wait3A_232, %dma_wait3A_233] : memref<32x8x10x125xi32, #tpu.memory_space<hbm>> -> memref<1x1x10x125xi32, #tpu.memory_space<hbm>>
        %dma_wait3A_235 = tpu.memref_squeeze %dma_wait3A_234 : memref<1x1x10x125xi32, #tpu.memory_space<hbm>> -> memref<10x125xi32, #tpu.memory_space<hbm>>
        tpu.wait_dma2 semaphore(%arg15 : memref<!tpu.dma_semaphore, #tpu.memory_space<semaphore_mem>>) src(%dma_wait3A_235 : memref<10x125xi32, #tpu.memory_space<hbm>>) dst(%dma_wait3A_231 : memref<10x125xi32, #tpu.memory_space<vmem>>)
      } else {
      }
      %convert_element_type3A_188 = arith.extui %lt3A_54 : i1 to i32
      %cond3A_189 = arith.constant 0 : i32
      %cond3A_190 = arith.cmpi ne, %convert_element_type3A_188, %cond3A_189 : i32
      scf.if %cond3A_190 {
        %dma_start3A_202 = arith.constant 0 : i32
        %dma_start3A_203 = arith.constant 0 : i32
        %dma_start3A_204 = tpu.memref_slice %arg7[%rem3A_50, %dma_start3A_202, %dma_start3A_203] : memref<2x10x125xi32, #tpu.memory_space<vmem>> -> memref<1x1x125xi32, #tpu.memory_space<vmem>>
        %dma_start3A_205 = tpu.memref_squeeze %dma_start3A_204 : memref<1x1x125xi32, #tpu.memory_space<vmem>> -> memref<125xi32, #tpu.memory_space<vmem>>
        %dma_start3A_206 = arith.constant 0 : i32
        %dma_start3A_207 = arith.constant 0 : i32
        %dma_start3A_208 = tpu.memref_slice %arg2[%dma_start3A_206, %dma_start3A_207] : memref<10000x128xf32, #tpu.memory_space<hbm>> -> memref<10000x128xf32, #tpu.memory_space<hbm>>
        tpu.enqueue_indirect_dma source(%dma_start3A_208 : memref<10000x128xf32, #tpu.memory_space<hbm>>) target(%arg9 : memref<125x128xf32, #tpu.memory_space<vmem>>) offsets(%dma_start3A_205 : memref<125xi32, #tpu.memory_space<vmem>>) semaphore(%arg12 : memref<!tpu.dma_semaphore, #tpu.memory_space<semaphore_mem>>)
      } else {
      }
      %dma_wait3A_191 = arith.constant 9 : i32
      %dma_wait3A_192 = arith.constant 0 : i32
      %dma_wait3A_193 = tpu.memref_slice %arg7[%rem3A_46, %dma_wait3A_191, %dma_wait3A_192] : memref<2x10x125xi32, #tpu.memory_space<vmem>> -> memref<1x1x125xi32, #tpu.memory_space<vmem>>
      %dma_wait3A_194 = tpu.memref_squeeze %dma_wait3A_193 : memref<1x1x125xi32, #tpu.memory_space<vmem>> -> memref<125xi32, #tpu.memory_space<vmem>>
      %dma_wait3A_195 = arith.constant 0 : i32
      %dma_wait3A_196 = arith.constant 0 : i32
      %dma_wait3A_197 = tpu.memref_slice %arg2[%dma_wait3A_195, %dma_wait3A_196] : memref<10000x128xf32, #tpu.memory_space<hbm>> -> memref<10000x128xf32, #tpu.memory_space<hbm>>
      tpu.wait_indirect_dma semaphore(%arg13 : memref<!tpu.dma_semaphore, #tpu.memory_space<semaphore_mem>>) src(%dma_wait3A_197 : memref<10000x128xf32, #tpu.memory_space<hbm>>) dst(%arg10 : memref<125x128xf32, #tpu.memory_space<vmem>>)
      %run_scoped3A_198 = arith.constant 9 : i32
      "tpu.region"() ({
        %run_scoped3A_202 = tpu.sem_alloc : memref<!tpu.dma_semaphore, #tpu.memory_space<semaphore_mem>>
        %dma_start3A_203 = arith.constant 0 : i32
        %dma_start3A_204 = tpu.memref_slice %arg8[%rem3A_46, %run_scoped3A_198, %dma_start3A_203] : memref<2x10x125xi32, #tpu.memory_space<vmem>> -> memref<1x1x125xi32, #tpu.memory_space<vmem>>
        %dma_start3A_205 = tpu.memref_squeeze %dma_start3A_204 : memref<1x1x125xi32, #tpu.memory_space<vmem>> -> memref<125xi32, #tpu.memory_space<vmem>>
        %dma_start3A_206 = arith.constant 0 : i32
        %dma_start3A_207 = arith.constant 0 : i32
        %dma_start3A_208 = tpu.memref_slice %arg11[%dma_start3A_206, %dma_start3A_207] : memref<10112x128xf32, #tpu.memory_space<vmem_shared>> -> memref<10112x128xf32, #tpu.memory_space<vmem_shared>>
        tpu.enqueue_indirect_dma source(%arg10 : memref<125x128xf32, #tpu.memory_space<vmem>>) target(%dma_start3A_208 : memref<10112x128xf32, #tpu.memory_space<vmem_shared>>) offsets(%dma_start3A_205 : memref<125xi32, #tpu.memory_space<vmem>>) semaphore(%run_scoped3A_202 : memref<!tpu.dma_semaphore, #tpu.memory_space<semaphore_mem>>) {add = true}
        %dma_wait3A_209 = arith.constant 0 : i32
        %dma_wait3A_210 = tpu.memref_slice %arg8[%rem3A_46, %run_scoped3A_198, %dma_wait3A_209] : memref<2x10x125xi32, #tpu.memory_space<vmem>> -> memref<1x1x125xi32, #tpu.memory_space<vmem>>
        %dma_wait3A_211 = tpu.memref_squeeze %dma_wait3A_210 : memref<1x1x125xi32, #tpu.memory_space<vmem>> -> memref<125xi32, #tpu.memory_space<vmem>>
        %dma_wait3A_212 = arith.constant 0 : i32
        %dma_wait3A_213 = arith.constant 0 : i32
        %dma_wait3A_214 = tpu.memref_slice %arg11[%dma_wait3A_212, %dma_wait3A_213] : memref<10112x128xf32, #tpu.memory_space<vmem_shared>> -> memref<10112x128xf32, #tpu.memory_space<vmem_shared>>
        tpu.wait_indirect_dma semaphore(%run_scoped3A_202 : memref<!tpu.dma_semaphore, #tpu.memory_space<semaphore_mem>>) src(%arg10 : memref<125x128xf32, #tpu.memory_space<vmem>>) dst(%dma_wait3A_214 : memref<10112x128xf32, #tpu.memory_space<vmem_shared>>)
        tpu.yield
      }) : () -> ()
      %convert_element_type3A_199 = arith.extui %lt3A_54 : i1 to i32
      %cond3A_200 = arith.constant 0 : i32
      %cond3A_201 = arith.cmpi ne, %convert_element_type3A_199, %cond3A_200 : i32
      scf.if %cond3A_201 {
        %dma_start3A_202 = arith.constant 1 : i32
        %dma_start3A_203 = arith.constant 0 : i32
        %dma_start3A_204 = tpu.memref_slice %arg7[%rem3A_50, %dma_start3A_202, %dma_start3A_203] : memref<2x10x125xi32, #tpu.memory_space<vmem>> -> memref<1x1x125xi32, #tpu.memory_space<vmem>>
        %dma_start3A_205 = tpu.memref_squeeze %dma_start3A_204 : memref<1x1x125xi32, #tpu.memory_space<vmem>> -> memref<125xi32, #tpu.memory_space<vmem>>
        %dma_start3A_206 = arith.constant 0 : i32
        %dma_start3A_207 = arith.constant 0 : i32
        %dma_start3A_208 = tpu.memref_slice %arg2[%dma_start3A_206, %dma_start3A_207] : memref<10000x128xf32, #tpu.memory_space<hbm>> -> memref<10000x128xf32, #tpu.memory_space<hbm>>
        tpu.enqueue_indirect_dma source(%dma_start3A_208 : memref<10000x128xf32, #tpu.memory_space<hbm>>) target(%arg10 : memref<125x128xf32, #tpu.memory_space<vmem>>) offsets(%dma_start3A_205 : memref<125xi32, #tpu.memory_space<vmem>>) semaphore(%arg13 : memref<!tpu.dma_semaphore, #tpu.memory_space<semaphore_mem>>)
      } else {
      }
    }
    %scan3A_39 = arith.constant 8 : i32
    %barrier3A_40 = arith.constant 0 : index
    tpu.barrier barrier_id(%barrier3A_40)
    %mul3A_41 = arith.constant 632 : i32
    %mul3A_42 = arith.muli %arg1, %mul3A_41 : i32
    %mul3A_43 = arith.constant 632 : i32
    %mul3A_44 = arith.muli %arg1, %mul3A_43 : i32
    "tpu.region"() ({
      %run_scoped3A_45 = tpu.sem_alloc : memref<!tpu.dma_semaphore, #tpu.memory_space<semaphore_mem>>
      %dma_start3A_46 = arith.constant 0 : i32
      %dma_start3A_47 = tpu.memref_slice %arg6[%arg0, %mul3A_44, %dma_start3A_46] : memref<2x10112x128xf32, #tpu.memory_space<hbm>> -> memref<1x632x128xf32, #tpu.memory_space<hbm>>
      %dma_start3A_48 = tpu.memref_squeeze %dma_start3A_47 : memref<1x632x128xf32, #tpu.memory_space<hbm>> -> memref<632x128xf32, #tpu.memory_space<hbm>>
      %dma_start3A_49 = arith.constant 0 : i32
      %dma_start3A_50 = tpu.memref_slice %arg11[%mul3A_42, %dma_start3A_49] : memref<10112x128xf32, #tpu.memory_space<vmem_shared>> -> memref<632x128xf32, #tpu.memory_space<vmem_shared>>
      tpu.enqueue_dma source(%dma_start3A_50 : memref<632x128xf32, #tpu.memory_space<vmem_shared>>) target(%dma_start3A_48 : memref<632x128xf32, #tpu.memory_space<hbm>>) target_semaphore(%run_scoped3A_45 : memref<!tpu.dma_semaphore, #tpu.memory_space<semaphore_mem>>)
      %dma_wait3A = arith.constant 0 : i32
      %dma_wait3A_51 = tpu.memref_slice %arg6[%arg0, %mul3A_44, %dma_wait3A] : memref<2x10112x128xf32, #tpu.memory_space<hbm>> -> memref<1x632x128xf32, #tpu.memory_space<hbm>>
      %dma_wait3A_52 = tpu.memref_squeeze %dma_wait3A_51 : memref<1x632x128xf32, #tpu.memory_space<hbm>> -> memref<632x128xf32, #tpu.memory_space<hbm>>
      %dma_wait3A_53 = arith.constant 0 : i32
      %dma_wait3A_54 = tpu.memref_slice %arg11[%mul3A_42, %dma_wait3A_53] : memref<10112x128xf32, #tpu.memory_space<vmem_shared>> -> memref<632x128xf32, #tpu.memory_space<vmem_shared>>
      tpu.wait_dma2 semaphore(%run_scoped3A_45 : memref<!tpu.dma_semaphore, #tpu.memory_space<semaphore_mem>>) src(%dma_wait3A_54 : memref<632x128xf32, #tpu.memory_space<vmem_shared>>) dst(%dma_wait3A_52 : memref<632x128xf32, #tpu.memory_space<hbm>>)
      tpu.yield
    }) : () -> ()
    return
  }
}

#map = affine_map<(d0, d1) -> (0, 0)>
#map1 = affine_map<(d0, d1) -> (0, 0, 0, 0)>
#map2 = affine_map<(d0, d1) -> (0, 0, 0)>
module attributes {stable_mosaic.version = 14 : i64} {
  func.func @k(%arg0: i32, %arg1: i32, %arg2: memref<10000x128xf32, #tpu.memory_space<hbm>>, %arg3: memref<32x8x10x125xi32, #tpu.memory_space<hbm>>, %arg4: memref<32x8x10x125xi32, #tpu.memory_space<hbm>>, %arg5: memref<10112x128xf32, #tpu.memory_space<hbm>>, %arg6: memref<2x10112x128xf32, #tpu.memory_space<hbm>>, %arg7: memref<2x10x125xi32, #tpu.memory_space<vmem>>, %arg8: memref<2x10x125xi32, #tpu.memory_space<vmem>>, %arg9: memref<125x128xf32, #tpu.memory_space<vmem>>, %arg10: memref<125x128xf32, #tpu.memory_space<vmem>>, %arg11: memref<10112x128xf32, #tpu.memory_space<vmem_shared>>, %arg12: memref<!tpu.dma_semaphore, #tpu.memory_space<semaphore_mem>>, %arg13: memref<!tpu.dma_semaphore, #tpu.memory_space<semaphore_mem>>, %arg14: memref<!tpu.dma_semaphore, #tpu.memory_space<semaphore_mem>>, %arg15: memref<!tpu.dma_semaphore, #tpu.memory_space<semaphore_mem>>) attributes {dimension_semantics = [#tpu.dimension_semantics<core_parallel>, #tpu.dimension_semantics<subcore_parallel>], iteration_bounds = array<i64: 2, 16>, scalar_prefetch = 0 : i64, scratch_operands = 9 : i64, tpu.core_type = #tpu.core_type<sc_vector_subcore>, window_params = [{transform_indices = #map}, {transform_indices = #map1}, {transform_indices = #map1}, {transform_indices = #map}, {transform_indices = #map2}]} {
    %mul3A = arith.constant 16 : i32
    %mul3A_0 = arith.muli %arg0, %mul3A : i32
    %add3A = arith.addi %mul3A_0, %arg1 : i32
    %run_scoped3A = arith.constant 0 : i32
    %run_scoped3A_1 = arith.constant 0 : i32
    "tpu.region"() ({
      %run_scoped3A_45 = tpu.sem_alloc : memref<!tpu.dma_semaphore, #tpu.memory_space<semaphore_mem>>
      %dma_start3A_46 = arith.constant 0 : i32
      %dma_start3A_47 = arith.constant 0 : i32
      %dma_start3A_48 = tpu.memref_slice %arg7[%run_scoped3A_1, %dma_start3A_46, %dma_start3A_47] : memref<2x10x125xi32, #tpu.memory_space<vmem>> -> memref<1x10x125xi32, #tpu.memory_space<vmem>>
      %dma_start3A_49 = tpu.memref_squeeze %dma_start3A_48 : memref<1x10x125xi32, #tpu.memory_space<vmem>> -> memref<10x125xi32, #tpu.memory_space<vmem>>
      %dma_start3A_50 = arith.constant 0 : i32
      %dma_start3A_51 = arith.constant 0 : i32
      %dma_start3A_52 = tpu.memref_slice %arg3[%add3A, %run_scoped3A, %dma_start3A_50, %dma_start3A_51] : memref<32x8x10x125xi32, #tpu.memory_space<hbm>> -> memref<1x1x10x125xi32, #tpu.memory_space<hbm>>
      %dma_start3A_53 = tpu.memref_squeeze %dma_start3A_52 : memref<1x1x10x125xi32, #tpu.memory_space<hbm>> -> memref<10x125xi32, #tpu.memory_space<hbm>>
      %dma_start3A_54 = arith.constant 0 : i32
      %dma_start3A_55 = arith.constant 0 : i32
      %dma_start3A_56 = tpu.memref_slice %arg7[%run_scoped3A_1, %dma_start3A_54, %dma_start3A_55] : memref<2x10x125xi32, #tpu.memory_space<vmem>> -> memref<1x10x125xi32, #tpu.memory_space<vmem>>
      %dma_start3A_57 = tpu.memref_squeeze %dma_start3A_56 : memref<1x10x125xi32, #tpu.memory_space<vmem>> -> memref<10x125xi32, #tpu.memory_space<vmem>>
      %dma_start3A_58 = arith.constant 0 : i32
      %dma_start3A_59 = arith.constant 0 : i32
      %dma_start3A_60 = tpu.memref_slice %arg3[%add3A, %run_scoped3A, %dma_start3A_58, %dma_start3A_59] : memref<32x8x10x125xi32, #tpu.memory_space<hbm>> -> memref<1x1x10x125xi32, #tpu.memory_space<hbm>>
      %dma_start3A_61 = tpu.memref_squeeze %dma_start3A_60 : memref<1x1x10x125xi32, #tpu.memory_space<hbm>> -> memref<10x125xi32, #tpu.memory_space<hbm>>
      tpu.enqueue_dma source(%dma_start3A_61 : memref<10x125xi32, #tpu.memory_space<hbm>>) target(%dma_start3A_57 : memref<10x125xi32, #tpu.memory_space<vmem>>) target_semaphore(%run_scoped3A_45 : memref<!tpu.dma_semaphore, #tpu.memory_space<semaphore_mem>>)
      %dma_wait3A = arith.constant 0 : i32
      %dma_wait3A_62 = arith.constant 0 : i32
      %dma_wait3A_63 = tpu.memref_slice %arg7[%run_scoped3A_1, %dma_wait3A, %dma_wait3A_62] : memref<2x10x125xi32, #tpu.memory_space<vmem>> -> memref<1x10x125xi32, #tpu.memory_space<vmem>>
      %dma_wait3A_64 = tpu.memref_squeeze %dma_wait3A_63 : memref<1x10x125xi32, #tpu.memory_space<vmem>> -> memref<10x125xi32, #tpu.memory_space<vmem>>
      %dma_wait3A_65 = arith.constant 0 : i32
      %dma_wait3A_66 = arith.constant 0 : i32
      %dma_wait3A_67 = tpu.memref_slice %arg3[%add3A, %run_scoped3A, %dma_wait3A_65, %dma_wait3A_66] : memref<32x8x10x125xi32, #tpu.memory_space<hbm>> -> memref<1x1x10x125xi32, #tpu.memory_space<hbm>>
      %dma_wait3A_68 = tpu.memref_squeeze %dma_wait3A_67 : memref<1x1x10x125xi32, #tpu.memory_space<hbm>> -> memref<10x125xi32, #tpu.memory_space<hbm>>
      %dma_wait3A_69 = arith.constant 0 : i32
      %dma_wait3A_70 = arith.constant 0 : i32
      %dma_wait3A_71 = tpu.memref_slice %arg7[%run_scoped3A_1, %dma_wait3A_69, %dma_wait3A_70] : memref<2x10x125xi32, #tpu.memory_space<vmem>> -> memref<1x10x125xi32, #tpu.memory_space<vmem>>
      %dma_wait3A_72 = tpu.memref_squeeze %dma_wait3A_71 : memref<1x10x125xi32, #tpu.memory_space<vmem>> -> memref<10x125xi32, #tpu.memory_space<vmem>>
      %dma_wait3A_73 = arith.constant 0 : i32
      %dma_wait3A_74 = arith.constant 0 : i32
      %dma_wait3A_75 = tpu.memref_slice %arg3[%add3A, %run_scoped3A, %dma_wait3A_73, %dma_wait3A_74] : memref<32x8x10x125xi32, #tpu.memory_space<hbm>> -> memref<1x1x10x125xi32, #tpu.memory_space<hbm>>
      %dma_wait3A_76 = tpu.memref_squeeze %dma_wait3A_75 : memref<1x1x10x125xi32, #tpu.memory_space<hbm>> -> memref<10x125xi32, #tpu.memory_space<hbm>>
      tpu.wait_dma2 semaphore(%run_scoped3A_45 : memref<!tpu.dma_semaphore, #tpu.memory_space<semaphore_mem>>) src(%dma_wait3A_76 : memref<10x125xi32, #tpu.memory_space<hbm>>) dst(%dma_wait3A_72 : memref<10x125xi32, #tpu.memory_space<vmem>>)
      tpu.yield
    }) : () -> ()
    %run_scoped3A_2 = arith.constant 0 : i32
    %run_scoped3A_3 = arith.constant 0 : i32
    "tpu.region"() ({
      %run_scoped3A_45 = tpu.sem_alloc : memref<!tpu.dma_semaphore, #tpu.memory_space<semaphore_mem>>
      %dma_start3A_46 = arith.constant 0 : i32
      %dma_start3A_47 = arith.constant 0 : i32
      %dma_start3A_48 = tpu.memref_slice %arg8[%run_scoped3A_3, %dma_start3A_46, %dma_start3A_47] : memref<2x10x125xi32, #tpu.memory_space<vmem>> -> memref<1x10x125xi32, #tpu.memory_space<vmem>>
      %dma_start3A_49 = tpu.memref_squeeze %dma_start3A_48 : memref<1x10x125xi32, #tpu.memory_space<vmem>> -> memref<10x125xi32, #tpu.memory_space<vmem>>
      %dma_start3A_50 = arith.constant 0 : i32
      %dma_start3A_51 = arith.constant 0 : i32
      %dma_start3A_52 = tpu.memref_slice %arg4[%add3A, %run_scoped3A_2, %dma_start3A_50, %dma_start3A_51] : memref<32x8x10x125xi32, #tpu.memory_space<hbm>> -> memref<1x1x10x125xi32, #tpu.memory_space<hbm>>
      %dma_start3A_53 = tpu.memref_squeeze %dma_start3A_52 : memref<1x1x10x125xi32, #tpu.memory_space<hbm>> -> memref<10x125xi32, #tpu.memory_space<hbm>>
      %dma_start3A_54 = arith.constant 0 : i32
      %dma_start3A_55 = arith.constant 0 : i32
      %dma_start3A_56 = tpu.memref_slice %arg8[%run_scoped3A_3, %dma_start3A_54, %dma_start3A_55] : memref<2x10x125xi32, #tpu.memory_space<vmem>> -> memref<1x10x125xi32, #tpu.memory_space<vmem>>
      %dma_start3A_57 = tpu.memref_squeeze %dma_start3A_56 : memref<1x10x125xi32, #tpu.memory_space<vmem>> -> memref<10x125xi32, #tpu.memory_space<vmem>>
      %dma_start3A_58 = arith.constant 0 : i32
      %dma_start3A_59 = arith.constant 0 : i32
      %dma_start3A_60 = tpu.memref_slice %arg4[%add3A, %run_scoped3A_2, %dma_start3A_58, %dma_start3A_59] : memref<32x8x10x125xi32, #tpu.memory_space<hbm>> -> memref<1x1x10x125xi32, #tpu.memory_space<hbm>>
      %dma_start3A_61 = tpu.memref_squeeze %dma_start3A_60 : memref<1x1x10x125xi32, #tpu.memory_space<hbm>> -> memref<10x125xi32, #tpu.memory_space<hbm>>
      tpu.enqueue_dma source(%dma_start3A_61 : memref<10x125xi32, #tpu.memory_space<hbm>>) target(%dma_start3A_57 : memref<10x125xi32, #tpu.memory_space<vmem>>) target_semaphore(%run_scoped3A_45 : memref<!tpu.dma_semaphore, #tpu.memory_space<semaphore_mem>>)
      %dma_wait3A = arith.constant 0 : i32
      %dma_wait3A_62 = arith.constant 0 : i32
      %dma_wait3A_63 = tpu.memref_slice %arg8[%run_scoped3A_3, %dma_wait3A, %dma_wait3A_62] : memref<2x10x125xi32, #tpu.memory_space<vmem>> -> memref<1x10x125xi32, #tpu.memory_space<vmem>>
      %dma_wait3A_64 = tpu.memref_squeeze %dma_wait3A_63 : memref<1x10x125xi32, #tpu.memory_space<vmem>> -> memref<10x125xi32, #tpu.memory_space<vmem>>
      %dma_wait3A_65 = arith.constant 0 : i32
      %dma_wait3A_66 = arith.constant 0 : i32
      %dma_wait3A_67 = tpu.memref_slice %arg4[%add3A, %run_scoped3A_2, %dma_wait3A_65, %dma_wait3A_66] : memref<32x8x10x125xi32, #tpu.memory_space<hbm>> -> memref<1x1x10x125xi32, #tpu.memory_space<hbm>>
      %dma_wait3A_68 = tpu.memref_squeeze %dma_wait3A_67 : memref<1x1x10x125xi32, #tpu.memory_space<hbm>> -> memref<10x125xi32, #tpu.memory_space<hbm>>
      %dma_wait3A_69 = arith.constant 0 : i32
      %dma_wait3A_70 = arith.constant 0 : i32
      %dma_wait3A_71 = tpu.memref_slice %arg8[%run_scoped3A_3, %dma_wait3A_69, %dma_wait3A_70] : memref<2x10x125xi32, #tpu.memory_space<vmem>> -> memref<1x10x125xi32, #tpu.memory_space<vmem>>
      %dma_wait3A_72 = tpu.memref_squeeze %dma_wait3A_71 : memref<1x10x125xi32, #tpu.memory_space<vmem>> -> memref<10x125xi32, #tpu.memory_space<vmem>>
      %dma_wait3A_73 = arith.constant 0 : i32
      %dma_wait3A_74 = arith.constant 0 : i32
      %dma_wait3A_75 = tpu.memref_slice %arg4[%add3A, %run_scoped3A_2, %dma_wait3A_73, %dma_wait3A_74] : memref<32x8x10x125xi32, #tpu.memory_space<hbm>> -> memref<1x1x10x125xi32, #tpu.memory_space<hbm>>
      %dma_wait3A_76 = tpu.memref_squeeze %dma_wait3A_75 : memref<1x1x10x125xi32, #tpu.memory_space<hbm>> -> memref<10x125xi32, #tpu.memory_space<hbm>>
      tpu.wait_dma2 semaphore(%run_scoped3A_45 : memref<!tpu.dma_semaphore, #tpu.memory_space<semaphore_mem>>) src(%dma_wait3A_76 : memref<10x125xi32, #tpu.memory_space<hbm>>) dst(%dma_wait3A_72 : memref<10x125xi32, #tpu.memory_space<vmem>>)
      tpu.yield
    }) : () -> ()
    %eq3A = arith.constant 0 : i32
    %eq3A_4 = arith.cmpi eq, %arg0, %eq3A : i32
    %lt3A = arith.constant 15 : i32
    %lt3A_5 = arith.cmpi slt, %arg1, %lt3A : i32
    %and3A = arith.andi %eq3A_4, %lt3A_5 : i1
    %convert_element_type3A = arith.extui %and3A : i1 to i32
    %cond3A = arith.constant 0 : i32
    %cond3A_6 = arith.cmpi ne, %convert_element_type3A, %cond3A : i32
    scf.if %cond3A_6 {
      %mul3A_45 = arith.constant 632 : i32
      %mul3A_46 = arith.muli %arg1, %mul3A_45 : i32
      %mul3A_47 = arith.constant 632 : i32
      %mul3A_48 = arith.muli %arg1, %mul3A_47 : i32
      "tpu.region"() ({
        %run_scoped3A_49 = tpu.sem_alloc : memref<!tpu.dma_semaphore, #tpu.memory_space<semaphore_mem>>
        %dma_start3A_50 = arith.constant 0 : i32
        %dma_start3A_51 = tpu.memref_slice %arg11[%mul3A_48, %dma_start3A_50] : memref<10112x128xf32, #tpu.memory_space<vmem_shared>> -> memref<632x128xf32, #tpu.memory_space<vmem_shared>>
        %dma_start3A_52 = arith.constant 0 : i32
        %dma_start3A_53 = tpu.memref_slice %arg2[%mul3A_46, %dma_start3A_52] : memref<10000x128xf32, #tpu.memory_space<hbm>> -> memref<632x128xf32, #tpu.memory_space<hbm>>
        tpu.enqueue_dma source(%dma_start3A_53 : memref<632x128xf32, #tpu.memory_space<hbm>>) target(%dma_start3A_51 : memref<632x128xf32, #tpu.memory_space<vmem_shared>>) target_semaphore(%run_scoped3A_49 : memref<!tpu.dma_semaphore, #tpu.memory_space<semaphore_mem>>)
        %dma_wait3A = arith.constant 0 : i32
        %dma_wait3A_54 = tpu.memref_slice %arg11[%mul3A_48, %dma_wait3A] : memref<10112x128xf32, #tpu.memory_space<vmem_shared>> -> memref<632x128xf32, #tpu.memory_space<vmem_shared>>
        %dma_wait3A_55 = arith.constant 0 : i32
        %dma_wait3A_56 = tpu.memref_slice %arg2[%mul3A_46, %dma_wait3A_55] : memref<10000x128xf32, #tpu.memory_space<hbm>> -> memref<632x128xf32, #tpu.memory_space<hbm>>
        tpu.wait_dma2 semaphore(%run_scoped3A_49 : memref<!tpu.dma_semaphore, #tpu.memory_space<semaphore_mem>>) src(%dma_wait3A_56 : memref<632x128xf32, #tpu.memory_space<hbm>>) dst(%dma_wait3A_54 : memref<632x128xf32, #tpu.memory_space<vmem_shared>>)
        tpu.yield
      }) : () -> ()
    } else {
    }
    %eq3A_7 = arith.constant 0 : i32
    %eq3A_8 = arith.cmpi eq, %arg0, %eq3A_7 : i32
    %eq3A_9 = arith.constant 15 : i32
    %eq3A_10 = arith.cmpi eq, %arg1, %eq3A_9 : i32
    %and3A_11 = arith.andi %eq3A_8, %eq3A_10 : i1
    %convert_element_type3A_12 = arith.extui %and3A_11 : i1 to i32
    %cond3A_13 = arith.constant 0 : i32
    %cond3A_14 = arith.cmpi ne, %convert_element_type3A_12, %cond3A_13 : i32
    scf.if %cond3A_14 {
      "tpu.region"() ({
        %run_scoped3A_45 = tpu.sem_alloc : memref<!tpu.dma_semaphore, #tpu.memory_space<semaphore_mem>>
        %dma_start3A_46 = arith.constant 9480 : i32
        %dma_start3A_47 = arith.constant 0 : i32
        %dma_start3A_48 = tpu.memref_slice %arg11[%dma_start3A_46, %dma_start3A_47] : memref<10112x128xf32, #tpu.memory_space<vmem_shared>> -> memref<520x128xf32, #tpu.memory_space<vmem_shared>>
        %dma_start3A_49 = arith.constant 9480 : i32
        %dma_start3A_50 = arith.constant 0 : i32
        %dma_start3A_51 = tpu.memref_slice %arg2[%dma_start3A_49, %dma_start3A_50] : memref<10000x128xf32, #tpu.memory_space<hbm>> -> memref<520x128xf32, #tpu.memory_space<hbm>>
        tpu.enqueue_dma source(%dma_start3A_51 : memref<520x128xf32, #tpu.memory_space<hbm>>) target(%dma_start3A_48 : memref<520x128xf32, #tpu.memory_space<vmem_shared>>) target_semaphore(%run_scoped3A_45 : memref<!tpu.dma_semaphore, #tpu.memory_space<semaphore_mem>>)
        %dma_wait3A = arith.constant 9480 : i32
        %dma_wait3A_52 = arith.constant 0 : i32
        %dma_wait3A_53 = tpu.memref_slice %arg11[%dma_wait3A, %dma_wait3A_52] : memref<10112x128xf32, #tpu.memory_space<vmem_shared>> -> memref<520x128xf32, #tpu.memory_space<vmem_shared>>
        %dma_wait3A_54 = arith.constant 9480 : i32
        %dma_wait3A_55 = arith.constant 0 : i32
        %dma_wait3A_56 = tpu.memref_slice %arg2[%dma_wait3A_54, %dma_wait3A_55] : memref<10000x128xf32, #tpu.memory_space<hbm>> -> memref<520x128xf32, #tpu.memory_space<hbm>>
        tpu.wait_dma2 semaphore(%run_scoped3A_45 : memref<!tpu.dma_semaphore, #tpu.memory_space<semaphore_mem>>) src(%dma_wait3A_56 : memref<520x128xf32, #tpu.memory_space<hbm>>) dst(%dma_wait3A_53 : memref<520x128xf32, #tpu.memory_space<vmem_shared>>)
        tpu.yield
      }) : () -> ()
      "tpu.region"() ({
        %run_scoped3A_45 = tpu.sem_alloc : memref<!tpu.dma_semaphore, #tpu.memory_space<semaphore_mem>>
        %dma_start3A_46 = arith.constant 10000 : i32
        %dma_start3A_47 = arith.constant 0 : i32
        %dma_start3A_48 = tpu.memref_slice %arg11[%dma_start3A_46, %dma_start3A_47] : memref<10112x128xf32, #tpu.memory_space<vmem_shared>> -> memref<112x128xf32, #tpu.memory_space<vmem_shared>>
        %dma_start3A_49 = arith.constant 0 : i32
        %dma_start3A_50 = arith.constant 0 : i32
        %dma_start3A_51 = tpu.memref_slice %arg5[%dma_start3A_49, %dma_start3A_50] : memref<10112x128xf32, #tpu.memory_space<hbm>> -> memref<112x128xf32, #tpu.memory_space<hbm>>
        tpu.enqueue_dma source(%dma_start3A_51 : memref<112x128xf32, #tpu.memory_space<hbm>>) target(%dma_start3A_48 : memref<112x128xf32, #tpu.memory_space<vmem_shared>>) target_semaphore(%run_scoped3A_45 : memref<!tpu.dma_semaphore, #tpu.memory_space<semaphore_mem>>)
        %dma_wait3A = arith.constant 10000 : i32
        %dma_wait3A_52 = arith.constant 0 : i32
        %dma_wait3A_53 = tpu.memref_slice %arg11[%dma_wait3A, %dma_wait3A_52] : memref<10112x128xf32, #tpu.memory_space<vmem_shared>> -> memref<112x128xf32, #tpu.memory_space<vmem_shared>>
        %dma_wait3A_54 = arith.constant 0 : i32
        %dma_wait3A_55 = arith.constant 0 : i32
        %dma_wait3A_56 = tpu.memref_slice %arg5[%dma_wait3A_54, %dma_wait3A_55] : memref<10112x128xf32, #tpu.memory_space<hbm>> -> memref<112x128xf32, #tpu.memory_space<hbm>>
        tpu.wait_dma2 semaphore(%run_scoped3A_45 : memref<!tpu.dma_semaphore, #tpu.memory_space<semaphore_mem>>) src(%dma_wait3A_56 : memref<112x128xf32, #tpu.memory_space<hbm>>) dst(%dma_wait3A_53 : memref<112x128xf32, #tpu.memory_space<vmem_shared>>)
        tpu.yield
      }) : () -> ()
    } else {
    }
    %eq3A_15 = arith.constant 1 : i32
    %eq3A_16 = arith.cmpi eq, %arg0, %eq3A_15 : i32
    %convert_element_type3A_17 = arith.extui %eq3A_16 : i1 to i32
    %cond3A_18 = arith.constant 0 : i32
    %cond3A_19 = arith.cmpi ne, %convert_element_type3A_17, %cond3A_18 : i32
    scf.if %cond3A_19 {
      %mul3A_45 = arith.constant 632 : i32
      %mul3A_46 = arith.muli %arg1, %mul3A_45 : i32
      %mul3A_47 = arith.constant 632 : i32
      %mul3A_48 = arith.muli %arg1, %mul3A_47 : i32
      "tpu.region"() ({
        %run_scoped3A_49 = tpu.sem_alloc : memref<!tpu.dma_semaphore, #tpu.memory_space<semaphore_mem>>
        %dma_start3A_50 = arith.constant 0 : i32
        %dma_start3A_51 = tpu.memref_slice %arg11[%mul3A_48, %dma_start3A_50] : memref<10112x128xf32, #tpu.memory_space<vmem_shared>> -> memref<632x128xf32, #tpu.memory_space<vmem_shared>>
        %dma_start3A_52 = arith.constant 0 : i32
        %dma_start3A_53 = tpu.memref_slice %arg5[%mul3A_46, %dma_start3A_52] : memref<10112x128xf32, #tpu.memory_space<hbm>> -> memref<632x128xf32, #tpu.memory_space<hbm>>
        tpu.enqueue_dma source(%dma_start3A_53 : memref<632x128xf32, #tpu.memory_space<hbm>>) target(%dma_start3A_51 : memref<632x128xf32, #tpu.memory_space<vmem_shared>>) target_semaphore(%run_scoped3A_49 : memref<!tpu.dma_semaphore, #tpu.memory_space<semaphore_mem>>)
        %dma_wait3A = arith.constant 0 : i32
        %dma_wait3A_54 = tpu.memref_slice %arg11[%mul3A_48, %dma_wait3A] : memref<10112x128xf32, #tpu.memory_space<vmem_shared>> -> memref<632x128xf32, #tpu.memory_space<vmem_shared>>
        %dma_wait3A_55 = arith.constant 0 : i32
        %dma_wait3A_56 = tpu.memref_slice %arg5[%mul3A_46, %dma_wait3A_55] : memref<10112x128xf32, #tpu.memory_space<hbm>> -> memref<632x128xf32, #tpu.memory_space<hbm>>
        tpu.wait_dma2 semaphore(%run_scoped3A_49 : memref<!tpu.dma_semaphore, #tpu.memory_space<semaphore_mem>>) src(%dma_wait3A_56 : memref<632x128xf32, #tpu.memory_space<hbm>>) dst(%dma_wait3A_54 : memref<632x128xf32, #tpu.memory_space<vmem_shared>>)
        tpu.yield
      }) : () -> ()
    } else {
    }
    %barrier3A = arith.constant 0 : index
    tpu.barrier barrier_id(%barrier3A)
    %dma_start3A = arith.constant 0 : i32
    %dma_start3A_20 = arith.constant 0 : i32
    %dma_start3A_21 = arith.constant 0 : i32
    %dma_start3A_22 = tpu.memref_slice %arg7[%dma_start3A, %dma_start3A_20, %dma_start3A_21] : memref<2x10x125xi32, #tpu.memory_space<vmem>> -> memref<1x1x125xi32, #tpu.memory_space<vmem>>
    %dma_start3A_23 = tpu.memref_squeeze %dma_start3A_22 : memref<1x1x125xi32, #tpu.memory_space<vmem>> -> memref<125xi32, #tpu.memory_space<vmem>>
    %dma_start3A_24 = arith.constant 0 : i32
    %dma_start3A_25 = arith.constant 0 : i32
    %dma_start3A_26 = tpu.memref_slice %arg2[%dma_start3A_24, %dma_start3A_25] : memref<10000x128xf32, #tpu.memory_space<hbm>> -> memref<10000x128xf32, #tpu.memory_space<hbm>>
    tpu.enqueue_indirect_dma source(%dma_start3A_26 : memref<10000x128xf32, #tpu.memory_space<hbm>>) target(%arg9 : memref<125x128xf32, #tpu.memory_space<vmem>>) offsets(%dma_start3A_23 : memref<125xi32, #tpu.memory_space<vmem>>) semaphore(%arg12 : memref<!tpu.dma_semaphore, #tpu.memory_space<semaphore_mem>>)
    %dma_start3A_27 = arith.constant 0 : i32
    %dma_start3A_28 = arith.constant 1 : i32
    %dma_start3A_29 = arith.constant 0 : i32
    %dma_start3A_30 = tpu.memref_slice %arg7[%dma_start3A_27, %dma_start3A_28, %dma_start3A_29] : memref<2x10x125xi32, #tpu.memory_space<vmem>> -> memref<1x1x125xi32, #tpu.memory_space<vmem>>
    %dma_start3A_31 = tpu.memref_squeeze %dma_start3A_30 : memref<1x1x125xi32, #tpu.memory_space<vmem>> -> memref<125xi32, #tpu.memory_space<vmem>>
    %dma_start3A_32 = arith.constant 0 : i32
    %dma_start3A_33 = arith.constant 0 : i32
    %dma_start3A_34 = tpu.memref_slice %arg2[%dma_start3A_32, %dma_start3A_33] : memref<10000x128xf32, #tpu.memory_space<hbm>> -> memref<10000x128xf32, #tpu.memory_space<hbm>>
    tpu.enqueue_indirect_dma source(%dma_start3A_34 : memref<10000x128xf32, #tpu.memory_space<hbm>>) target(%arg10 : memref<125x128xf32, #tpu.memory_space<vmem>>) offsets(%dma_start3A_31 : memref<125xi32, #tpu.memory_space<vmem>>) semaphore(%arg13 : memref<!tpu.dma_semaphore, #tpu.memory_space<semaphore_mem>>)
    %scan3A = arith.constant 0 : i32
    %scan3A_35 = arith.constant 0 : i32
    %scan3A_36 = arith.constant 8 : i32
    %scan3A_37 = arith.addi %scan3A_35, %scan3A_36 : i32
    %scan3A_38 = arith.constant 1 : i32
    scf.for %scan3A_45 = %scan3A_35 to %scan3A_37 step %scan3A_38  : i32 {
      %rem3A = arith.constant 2 : i32
      %rem3A_46 = arith.remsi %scan3A_45, %rem3A : i32
      %add3A_47 = arith.constant 1 : i32
      %add3A_48 = arith.addi %scan3A_45, %add3A_47 : i32
      %rem3A_49 = arith.constant 2 : i32
      %rem3A_50 = arith.remsi %add3A_48, %rem3A_49 : i32
      %add3A_51 = arith.constant 1 : i32
      %add3A_52 = arith.addi %scan3A_45, %add3A_51 : i32
      %lt3A_53 = arith.constant 8 : i32
      %lt3A_54 = arith.cmpi slt, %add3A_52, %lt3A_53 : i32
      %convert_element_type3A_55 = arith.extui %lt3A_54 : i1 to i32
      %cond3A_56 = arith.constant 0 : i32
      %cond3A_57 = arith.cmpi ne, %convert_element_type3A_55, %cond3A_56 : i32
      scf.if %cond3A_57 {
        %add3A_202 = arith.constant 1 : i32
        %add3A_203 = arith.addi %scan3A_45, %add3A_202 : i32
        %dma_start3A_204 = arith.constant 0 : i32
        %dma_start3A_205 = arith.constant 0 : i32
        %dma_start3A_206 = tpu.memref_slice %arg7[%rem3A_50, %dma_start3A_204, %dma_start3A_205] : memref<2x10x125xi32, #tpu.memory_space<vmem>> -> memref<1x10x125xi32, #tpu.memory_space<vmem>>
        %dma_start3A_207 = tpu.memref_squeeze %dma_start3A_206 : memref<1x10x125xi32, #tpu.memory_space<vmem>> -> memref<10x125xi32, #tpu.memory_space<vmem>>
        %dma_start3A_208 = arith.constant 0 : i32
        %dma_start3A_209 = arith.constant 0 : i32
        %dma_start3A_210 = tpu.memref_slice %arg3[%add3A, %add3A_203, %dma_start3A_208, %dma_start3A_209] : memref<32x8x10x125xi32, #tpu.memory_space<hbm>> -> memref<1x1x10x125xi32, #tpu.memory_space<hbm>>
        %dma_start3A_211 = tpu.memref_squeeze %dma_start3A_210 : memref<1x1x10x125xi32, #tpu.memory_space<hbm>> -> memref<10x125xi32, #tpu.memory_space<hbm>>
        %dma_start3A_212 = arith.constant 0 : i32
        %dma_start3A_213 = arith.constant 0 : i32
        %dma_start3A_214 = tpu.memref_slice %arg7[%rem3A_50, %dma_start3A_212, %dma_start3A_213] : memref<2x10x125xi32, #tpu.memory_space<vmem>> -> memref<1x10x125xi32, #tpu.memory_space<vmem>>
        %dma_start3A_215 = tpu.memref_squeeze %dma_start3A_214 : memref<1x10x125xi32, #tpu.memory_space<vmem>> -> memref<10x125xi32, #tpu.memory_space<vmem>>
        %dma_start3A_216 = arith.constant 0 : i32
        %dma_start3A_217 = arith.constant 0 : i32
        %dma_start3A_218 = tpu.memref_slice %arg3[%add3A, %add3A_203, %dma_start3A_216, %dma_start3A_217] : memref<32x8x10x125xi32, #tpu.memory_space<hbm>> -> memref<1x1x10x125xi32, #tpu.memory_space<hbm>>
        %dma_start3A_219 = tpu.memref_squeeze %dma_start3A_218 : memref<1x1x10x125xi32, #tpu.memory_space<hbm>> -> memref<10x125xi32, #tpu.memory_space<hbm>>
        tpu.enqueue_dma source(%dma_start3A_219 : memref<10x125xi32, #tpu.memory_space<hbm>>) target(%dma_start3A_215 : memref<10x125xi32, #tpu.memory_space<vmem>>) target_semaphore(%arg14 : memref<!tpu.dma_semaphore, #tpu.memory_space<semaphore_mem>>)
        %add3A_220 = arith.constant 1 : i32
        %add3A_221 = arith.addi %scan3A_45, %add3A_220 : i32
        %dma_start3A_222 = arith.constant 0 : i32
        %dma_start3A_223 = arith.constant 0 : i32
        %dma_start3A_224 = tpu.memref_slice %arg8[%rem3A_50, %dma_start3A_222, %dma_start3A_223] : memref<2x10x125xi32, #tpu.memory_space<vmem>> -> memref<1x10x125xi32, #tpu.memory_space<vmem>>
        %dma_start3A_225 = tpu.memref_squeeze %dma_start3A_224 : memref<1x10x125xi32, #tpu.memory_space<vmem>> -> memref<10x125xi32, #tpu.memory_space<vmem>>
        %dma_start3A_226 = arith.constant 0 : i32
        %dma_start3A_227 = arith.constant 0 : i32
        %dma_start3A_228 = tpu.memref_slice %arg4[%add3A, %add3A_221, %dma_start3A_226, %dma_start3A_227] : memref<32x8x10x125xi32, #tpu.memory_space<hbm>> -> memref<1x1x10x125xi32, #tpu.memory_space<hbm>>
        %dma_start3A_229 = tpu.memref_squeeze %dma_start3A_228 : memref<1x1x10x125xi32, #tpu.memory_space<hbm>> -> memref<10x125xi32, #tpu.memory_space<hbm>>
        %dma_start3A_230 = arith.constant 0 : i32
        %dma_start3A_231 = arith.constant 0 : i32
        %dma_start3A_232 = tpu.memref_slice %arg8[%rem3A_50, %dma_start3A_230, %dma_start3A_231] : memref<2x10x125xi32, #tpu.memory_space<vmem>> -> memref<1x10x125xi32, #tpu.memory_space<vmem>>
        %dma_start3A_233 = tpu.memref_squeeze %dma_start3A_232 : memref<1x10x125xi32, #tpu.memory_space<vmem>> -> memref<10x125xi32, #tpu.memory_space<vmem>>
        %dma_start3A_234 = arith.constant 0 : i32
        %dma_start3A_235 = arith.constant 0 : i32
        %dma_start3A_236 = tpu.memref_slice %arg4[%add3A, %add3A_221, %dma_start3A_234, %dma_start3A_235] : memref<32x8x10x125xi32, #tpu.memory_space<hbm>> -> memref<1x1x10x125xi32, #tpu.memory_space<hbm>>
        %dma_start3A_237 = tpu.memref_squeeze %dma_start3A_236 : memref<1x1x10x125xi32, #tpu.memory_space<hbm>> -> memref<10x125xi32, #tpu.memory_space<hbm>>
        tpu.enqueue_dma source(%dma_start3A_237 : memref<10x125xi32, #tpu.memory_space<hbm>>) target(%dma_start3A_233 : memref<10x125xi32, #tpu.memory_space<vmem>>) target_semaphore(%arg15 : memref<!tpu.dma_semaphore, #tpu.memory_space<semaphore_mem>>)
      } else {
      }
      %dma_wait3A = arith.constant 0 : i32
      %dma_wait3A_58 = arith.constant 0 : i32
      %dma_wait3A_59 = tpu.memref_slice %arg7[%rem3A_46, %dma_wait3A, %dma_wait3A_58] : memref<2x10x125xi32, #tpu.memory_space<vmem>> -> memref<1x1x125xi32, #tpu.memory_space<vmem>>
      %dma_wait3A_60 = tpu.memref_squeeze %dma_wait3A_59 : memref<1x1x125xi32, #tpu.memory_space<vmem>> -> memref<125xi32, #tpu.memory_space<vmem>>
      %dma_wait3A_61 = arith.constant 0 : i32
      %dma_wait3A_62 = arith.constant 0 : i32
      %dma_wait3A_63 = tpu.memref_slice %arg2[%dma_wait3A_61, %dma_wait3A_62] : memref<10000x128xf32, #tpu.memory_space<hbm>> -> memref<10000x128xf32, #tpu.memory_space<hbm>>
      tpu.wait_indirect_dma semaphore(%arg12 : memref<!tpu.dma_semaphore, #tpu.memory_space<semaphore_mem>>) src(%dma_wait3A_63 : memref<10000x128xf32, #tpu.memory_space<hbm>>) dst(%arg9 : memref<125x128xf32, #tpu.memory_space<vmem>>)
      %run_scoped3A_64 = arith.constant 0 : i32
      "tpu.region"() ({
        %run_scoped3A_202 = tpu.sem_alloc : memref<!tpu.dma_semaphore, #tpu.memory_space<semaphore_mem>>
        %dma_start3A_203 = arith.constant 0 : i32
        %dma_start3A_204 = tpu.memref_slice %arg8[%rem3A_46, %run_scoped3A_64, %dma_start3A_203] : memref<2x10x125xi32, #tpu.memory_space<vmem>> -> memref<1x1x125xi32, #tpu.memory_space<vmem>>
        %dma_start3A_205 = tpu.memref_squeeze %dma_start3A_204 : memref<1x1x125xi32, #tpu.memory_space<vmem>> -> memref<125xi32, #tpu.memory_space<vmem>>
        %dma_start3A_206 = arith.constant 0 : i32
        %dma_start3A_207 = arith.constant 0 : i32
        %dma_start3A_208 = tpu.memref_slice %arg11[%dma_start3A_206, %dma_start3A_207] : memref<10112x128xf32, #tpu.memory_space<vmem_shared>> -> memref<10112x128xf32, #tpu.memory_space<vmem_shared>>
        tpu.enqueue_indirect_dma source(%arg9 : memref<125x128xf32, #tpu.memory_space<vmem>>) target(%dma_start3A_208 : memref<10112x128xf32, #tpu.memory_space<vmem_shared>>) offsets(%dma_start3A_205 : memref<125xi32, #tpu.memory_space<vmem>>) semaphore(%run_scoped3A_202 : memref<!tpu.dma_semaphore, #tpu.memory_space<semaphore_mem>>) {add = true}
        %dma_wait3A_209 = arith.constant 0 : i32
        %dma_wait3A_210 = tpu.memref_slice %arg8[%rem3A_46, %run_scoped3A_64, %dma_wait3A_209] : memref<2x10x125xi32, #tpu.memory_space<vmem>> -> memref<1x1x125xi32, #tpu.memory_space<vmem>>
        %dma_wait3A_211 = tpu.memref_squeeze %dma_wait3A_210 : memref<1x1x125xi32, #tpu.memory_space<vmem>> -> memref<125xi32, #tpu.memory_space<vmem>>
        %dma_wait3A_212 = arith.constant 0 : i32
        %dma_wait3A_213 = arith.constant 0 : i32
        %dma_wait3A_214 = tpu.memref_slice %arg11[%dma_wait3A_212, %dma_wait3A_213] : memref<10112x128xf32, #tpu.memory_space<vmem_shared>> -> memref<10112x128xf32, #tpu.memory_space<vmem_shared>>
        tpu.wait_indirect_dma semaphore(%run_scoped3A_202 : memref<!tpu.dma_semaphore, #tpu.memory_space<semaphore_mem>>) src(%arg9 : memref<125x128xf32, #tpu.memory_space<vmem>>) dst(%dma_wait3A_214 : memref<10112x128xf32, #tpu.memory_space<vmem_shared>>)
        tpu.yield
      }) : () -> ()
      %dma_start3A_65 = arith.constant 2 : i32
      %dma_start3A_66 = arith.constant 0 : i32
      %dma_start3A_67 = tpu.memref_slice %arg7[%rem3A_46, %dma_start3A_65, %dma_start3A_66] : memref<2x10x125xi32, #tpu.memory_space<vmem>> -> memref<1x1x125xi32, #tpu.memory_space<vmem>>
      %dma_start3A_68 = tpu.memref_squeeze %dma_start3A_67 : memref<1x1x125xi32, #tpu.memory_space<vmem>> -> memref<125xi32, #tpu.memory_space<vmem>>
      %dma_start3A_69 = arith.constant 0 : i32
      %dma_start3A_70 = arith.constant 0 : i32
      %dma_start3A_71 = tpu.memref_slice %arg2[%dma_start3A_69, %dma_start3A_70] : memref<10000x128xf32, #tpu.memory_space<hbm>> -> memref<10000x128xf32, #tpu.memory_space<hbm>>
      tpu.enqueue_indirect_dma source(%dma_start3A_71 : memref<10000x128xf32, #tpu.memory_space<hbm>>) target(%arg9 : memref<125x128xf32, #tpu.memory_space<vmem>>) offsets(%dma_start3A_68 : memref<125xi32, #tpu.memory_space<vmem>>) semaphore(%arg12 : memref<!tpu.dma_semaphore, #tpu.memory_space<semaphore_mem>>)
      %dma_wait3A_72 = arith.constant 1 : i32
      %dma_wait3A_73 = arith.constant 0 : i32
      %dma_wait3A_74 = tpu.memref_slice %arg7[%rem3A_46, %dma_wait3A_72, %dma_wait3A_73] : memref<2x10x125xi32, #tpu.memory_space<vmem>> -> memref<1x1x125xi32, #tpu.memory_space<vmem>>
      %dma_wait3A_75 = tpu.memref_squeeze %dma_wait3A_74 : memref<1x1x125xi32, #tpu.memory_space<vmem>> -> memref<125xi32, #tpu.memory_space<vmem>>
      %dma_wait3A_76 = arith.constant 0 : i32
      %dma_wait3A_77 = arith.constant 0 : i32
      %dma_wait3A_78 = tpu.memref_slice %arg2[%dma_wait3A_76, %dma_wait3A_77] : memref<10000x128xf32, #tpu.memory_space<hbm>> -> memref<10000x128xf32, #tpu.memory_space<hbm>>
      tpu.wait_indirect_dma semaphore(%arg13 : memref<!tpu.dma_semaphore, #tpu.memory_space<semaphore_mem>>) src(%dma_wait3A_78 : memref<10000x128xf32, #tpu.memory_space<hbm>>) dst(%arg10 : memref<125x128xf32, #tpu.memory_space<vmem>>)
      %run_scoped3A_79 = arith.constant 1 : i32
      "tpu.region"() ({
        %run_scoped3A_202 = tpu.sem_alloc : memref<!tpu.dma_semaphore, #tpu.memory_space<semaphore_mem>>
        %dma_start3A_203 = arith.constant 0 : i32
        %dma_start3A_204 = tpu.memref_slice %arg8[%rem3A_46, %run_scoped3A_79, %dma_start3A_203] : memref<2x10x125xi32, #tpu.memory_space<vmem>> -> memref<1x1x125xi32, #tpu.memory_space<vmem>>
        %dma_start3A_205 = tpu.memref_squeeze %dma_start3A_204 : memref<1x1x125xi32, #tpu.memory_space<vmem>> -> memref<125xi32, #tpu.memory_space<vmem>>
        %dma_start3A_206 = arith.constant 0 : i32
        %dma_start3A_207 = arith.constant 0 : i32
        %dma_start3A_208 = tpu.memref_slice %arg11[%dma_start3A_206, %dma_start3A_207] : memref<10112x128xf32, #tpu.memory_space<vmem_shared>> -> memref<10112x128xf32, #tpu.memory_space<vmem_shared>>
        tpu.enqueue_indirect_dma source(%arg10 : memref<125x128xf32, #tpu.memory_space<vmem>>) target(%dma_start3A_208 : memref<10112x128xf32, #tpu.memory_space<vmem_shared>>) offsets(%dma_start3A_205 : memref<125xi32, #tpu.memory_space<vmem>>) semaphore(%run_scoped3A_202 : memref<!tpu.dma_semaphore, #tpu.memory_space<semaphore_mem>>) {add = true}
        %dma_wait3A_209 = arith.constant 0 : i32
        %dma_wait3A_210 = tpu.memref_slice %arg8[%rem3A_46, %run_scoped3A_79, %dma_wait3A_209] : memref<2x10x125xi32, #tpu.memory_space<vmem>> -> memref<1x1x125xi32, #tpu.memory_space<vmem>>
        %dma_wait3A_211 = tpu.memref_squeeze %dma_wait3A_210 : memref<1x1x125xi32, #tpu.memory_space<vmem>> -> memref<125xi32, #tpu.memory_space<vmem>>
        %dma_wait3A_212 = arith.constant 0 : i32
        %dma_wait3A_213 = arith.constant 0 : i32
        %dma_wait3A_214 = tpu.memref_slice %arg11[%dma_wait3A_212, %dma_wait3A_213] : memref<10112x128xf32, #tpu.memory_space<vmem_shared>> -> memref<10112x128xf32, #tpu.memory_space<vmem_shared>>
        tpu.wait_indirect_dma semaphore(%run_scoped3A_202 : memref<!tpu.dma_semaphore, #tpu.memory_space<semaphore_mem>>) src(%arg10 : memref<125x128xf32, #tpu.memory_space<vmem>>) dst(%dma_wait3A_214 : memref<10112x128xf32, #tpu.memory_space<vmem_shared>>)
        tpu.yield
      }) : () -> ()
      %dma_start3A_80 = arith.constant 3 : i32
      %dma_start3A_81 = arith.constant 0 : i32
      %dma_start3A_82 = tpu.memref_slice %arg7[%rem3A_46, %dma_start3A_80, %dma_start3A_81] : memref<2x10x125xi32, #tpu.memory_space<vmem>> -> memref<1x1x125xi32, #tpu.memory_space<vmem>>
      %dma_start3A_83 = tpu.memref_squeeze %dma_start3A_82 : memref<1x1x125xi32, #tpu.memory_space<vmem>> -> memref<125xi32, #tpu.memory_space<vmem>>
      %dma_start3A_84 = arith.constant 0 : i32
      %dma_start3A_85 = arith.constant 0 : i32
      %dma_start3A_86 = tpu.memref_slice %arg2[%dma_start3A_84, %dma_start3A_85] : memref<10000x128xf32, #tpu.memory_space<hbm>> -> memref<10000x128xf32, #tpu.memory_space<hbm>>
      tpu.enqueue_indirect_dma source(%dma_start3A_86 : memref<10000x128xf32, #tpu.memory_space<hbm>>) target(%arg10 : memref<125x128xf32, #tpu.memory_space<vmem>>) offsets(%dma_start3A_83 : memref<125xi32, #tpu.memory_space<vmem>>) semaphore(%arg13 : memref<!tpu.dma_semaphore, #tpu.memory_space<semaphore_mem>>)
      %dma_wait3A_87 = arith.constant 2 : i32
      %dma_wait3A_88 = arith.constant 0 : i32
      %dma_wait3A_89 = tpu.memref_slice %arg7[%rem3A_46, %dma_wait3A_87, %dma_wait3A_88] : memref<2x10x125xi32, #tpu.memory_space<vmem>> -> memref<1x1x125xi32, #tpu.memory_space<vmem>>
      %dma_wait3A_90 = tpu.memref_squeeze %dma_wait3A_89 : memref<1x1x125xi32, #tpu.memory_space<vmem>> -> memref<125xi32, #tpu.memory_space<vmem>>
      %dma_wait3A_91 = arith.constant 0 : i32
      %dma_wait3A_92 = arith.constant 0 : i32
      %dma_wait3A_93 = tpu.memref_slice %arg2[%dma_wait3A_91, %dma_wait3A_92] : memref<10000x128xf32, #tpu.memory_space<hbm>> -> memref<10000x128xf32, #tpu.memory_space<hbm>>
      tpu.wait_indirect_dma semaphore(%arg12 : memref<!tpu.dma_semaphore, #tpu.memory_space<semaphore_mem>>) src(%dma_wait3A_93 : memref<10000x128xf32, #tpu.memory_space<hbm>>) dst(%arg9 : memref<125x128xf32, #tpu.memory_space<vmem>>)
      %run_scoped3A_94 = arith.constant 2 : i32
      "tpu.region"() ({
        %run_scoped3A_202 = tpu.sem_alloc : memref<!tpu.dma_semaphore, #tpu.memory_space<semaphore_mem>>
        %dma_start3A_203 = arith.constant 0 : i32
        %dma_start3A_204 = tpu.memref_slice %arg8[%rem3A_46, %run_scoped3A_94, %dma_start3A_203] : memref<2x10x125xi32, #tpu.memory_space<vmem>> -> memref<1x1x125xi32, #tpu.memory_space<vmem>>
        %dma_start3A_205 = tpu.memref_squeeze %dma_start3A_204 : memref<1x1x125xi32, #tpu.memory_space<vmem>> -> memref<125xi32, #tpu.memory_space<vmem>>
        %dma_start3A_206 = arith.constant 0 : i32
        %dma_start3A_207 = arith.constant 0 : i32
        %dma_start3A_208 = tpu.memref_slice %arg11[%dma_start3A_206, %dma_start3A_207] : memref<10112x128xf32, #tpu.memory_space<vmem_shared>> -> memref<10112x128xf32, #tpu.memory_space<vmem_shared>>
        tpu.enqueue_indirect_dma source(%arg9 : memref<125x128xf32, #tpu.memory_space<vmem>>) target(%dma_start3A_208 : memref<10112x128xf32, #tpu.memory_space<vmem_shared>>) offsets(%dma_start3A_205 : memref<125xi32, #tpu.memory_space<vmem>>) semaphore(%run_scoped3A_202 : memref<!tpu.dma_semaphore, #tpu.memory_space<semaphore_mem>>) {add = true}
        %dma_wait3A_209 = arith.constant 0 : i32
        %dma_wait3A_210 = tpu.memref_slice %arg8[%rem3A_46, %run_scoped3A_94, %dma_wait3A_209] : memref<2x10x125xi32, #tpu.memory_space<vmem>> -> memref<1x1x125xi32, #tpu.memory_space<vmem>>
        %dma_wait3A_211 = tpu.memref_squeeze %dma_wait3A_210 : memref<1x1x125xi32, #tpu.memory_space<vmem>> -> memref<125xi32, #tpu.memory_space<vmem>>
        %dma_wait3A_212 = arith.constant 0 : i32
        %dma_wait3A_213 = arith.constant 0 : i32
        %dma_wait3A_214 = tpu.memref_slice %arg11[%dma_wait3A_212, %dma_wait3A_213] : memref<10112x128xf32, #tpu.memory_space<vmem_shared>> -> memref<10112x128xf32, #tpu.memory_space<vmem_shared>>
        tpu.wait_indirect_dma semaphore(%run_scoped3A_202 : memref<!tpu.dma_semaphore, #tpu.memory_space<semaphore_mem>>) src(%arg9 : memref<125x128xf32, #tpu.memory_space<vmem>>) dst(%dma_wait3A_214 : memref<10112x128xf32, #tpu.memory_space<vmem_shared>>)
        tpu.yield
      }) : () -> ()
      %dma_start3A_95 = arith.constant 4 : i32
      %dma_start3A_96 = arith.constant 0 : i32
      %dma_start3A_97 = tpu.memref_slice %arg7[%rem3A_46, %dma_start3A_95, %dma_start3A_96] : memref<2x10x125xi32, #tpu.memory_space<vmem>> -> memref<1x1x125xi32, #tpu.memory_space<vmem>>
      %dma_start3A_98 = tpu.memref_squeeze %dma_start3A_97 : memref<1x1x125xi32, #tpu.memory_space<vmem>> -> memref<125xi32, #tpu.memory_space<vmem>>
      %dma_start3A_99 = arith.constant 0 : i32
      %dma_start3A_100 = arith.constant 0 : i32
      %dma_start3A_101 = tpu.memref_slice %arg2[%dma_start3A_99, %dma_start3A_100] : memref<10000x128xf32, #tpu.memory_space<hbm>> -> memref<10000x128xf32, #tpu.memory_space<hbm>>
      tpu.enqueue_indirect_dma source(%dma_start3A_101 : memref<10000x128xf32, #tpu.memory_space<hbm>>) target(%arg9 : memref<125x128xf32, #tpu.memory_space<vmem>>) offsets(%dma_start3A_98 : memref<125xi32, #tpu.memory_space<vmem>>) semaphore(%arg12 : memref<!tpu.dma_semaphore, #tpu.memory_space<semaphore_mem>>)
      %dma_wait3A_102 = arith.constant 3 : i32
      %dma_wait3A_103 = arith.constant 0 : i32
      %dma_wait3A_104 = tpu.memref_slice %arg7[%rem3A_46, %dma_wait3A_102, %dma_wait3A_103] : memref<2x10x125xi32, #tpu.memory_space<vmem>> -> memref<1x1x125xi32, #tpu.memory_space<vmem>>
      %dma_wait3A_105 = tpu.memref_squeeze %dma_wait3A_104 : memref<1x1x125xi32, #tpu.memory_space<vmem>> -> memref<125xi32, #tpu.memory_space<vmem>>
      %dma_wait3A_106 = arith.constant 0 : i32
      %dma_wait3A_107 = arith.constant 0 : i32
      %dma_wait3A_108 = tpu.memref_slice %arg2[%dma_wait3A_106, %dma_wait3A_107] : memref<10000x128xf32, #tpu.memory_space<hbm>> -> memref<10000x128xf32, #tpu.memory_space<hbm>>
      tpu.wait_indirect_dma semaphore(%arg13 : memref<!tpu.dma_semaphore, #tpu.memory_space<semaphore_mem>>) src(%dma_wait3A_108 : memref<10000x128xf32, #tpu.memory_space<hbm>>) dst(%arg10 : memref<125x128xf32, #tpu.memory_space<vmem>>)
      %run_scoped3A_109 = arith.constant 3 : i32
      "tpu.region"() ({
        %run_scoped3A_202 = tpu.sem_alloc : memref<!tpu.dma_semaphore, #tpu.memory_space<semaphore_mem>>
        %dma_start3A_203 = arith.constant 0 : i32
        %dma_start3A_204 = tpu.memref_slice %arg8[%rem3A_46, %run_scoped3A_109, %dma_start3A_203] : memref<2x10x125xi32, #tpu.memory_space<vmem>> -> memref<1x1x125xi32, #tpu.memory_space<vmem>>
        %dma_start3A_205 = tpu.memref_squeeze %dma_start3A_204 : memref<1x1x125xi32, #tpu.memory_space<vmem>> -> memref<125xi32, #tpu.memory_space<vmem>>
        %dma_start3A_206 = arith.constant 0 : i32
        %dma_start3A_207 = arith.constant 0 : i32
        %dma_start3A_208 = tpu.memref_slice %arg11[%dma_start3A_206, %dma_start3A_207] : memref<10112x128xf32, #tpu.memory_space<vmem_shared>> -> memref<10112x128xf32, #tpu.memory_space<vmem_shared>>
        tpu.enqueue_indirect_dma source(%arg10 : memref<125x128xf32, #tpu.memory_space<vmem>>) target(%dma_start3A_208 : memref<10112x128xf32, #tpu.memory_space<vmem_shared>>) offsets(%dma_start3A_205 : memref<125xi32, #tpu.memory_space<vmem>>) semaphore(%run_scoped3A_202 : memref<!tpu.dma_semaphore, #tpu.memory_space<semaphore_mem>>) {add = true}
        %dma_wait3A_209 = arith.constant 0 : i32
        %dma_wait3A_210 = tpu.memref_slice %arg8[%rem3A_46, %run_scoped3A_109, %dma_wait3A_209] : memref<2x10x125xi32, #tpu.memory_space<vmem>> -> memref<1x1x125xi32, #tpu.memory_space<vmem>>
        %dma_wait3A_211 = tpu.memref_squeeze %dma_wait3A_210 : memref<1x1x125xi32, #tpu.memory_space<vmem>> -> memref<125xi32, #tpu.memory_space<vmem>>
        %dma_wait3A_212 = arith.constant 0 : i32
        %dma_wait3A_213 = arith.constant 0 : i32
        %dma_wait3A_214 = tpu.memref_slice %arg11[%dma_wait3A_212, %dma_wait3A_213] : memref<10112x128xf32, #tpu.memory_space<vmem_shared>> -> memref<10112x128xf32, #tpu.memory_space<vmem_shared>>
        tpu.wait_indirect_dma semaphore(%run_scoped3A_202 : memref<!tpu.dma_semaphore, #tpu.memory_space<semaphore_mem>>) src(%arg10 : memref<125x128xf32, #tpu.memory_space<vmem>>) dst(%dma_wait3A_214 : memref<10112x128xf32, #tpu.memory_space<vmem_shared>>)
        tpu.yield
      }) : () -> ()
      %dma_start3A_110 = arith.constant 5 : i32
      %dma_start3A_111 = arith.constant 0 : i32
      %dma_start3A_112 = tpu.memref_slice %arg7[%rem3A_46, %dma_start3A_110, %dma_start3A_111] : memref<2x10x125xi32, #tpu.memory_space<vmem>> -> memref<1x1x125xi32, #tpu.memory_space<vmem>>
      %dma_start3A_113 = tpu.memref_squeeze %dma_start3A_112 : memref<1x1x125xi32, #tpu.memory_space<vmem>> -> memref<125xi32, #tpu.memory_space<vmem>>
      %dma_start3A_114 = arith.constant 0 : i32
      %dma_start3A_115 = arith.constant 0 : i32
      %dma_start3A_116 = tpu.memref_slice %arg2[%dma_start3A_114, %dma_start3A_115] : memref<10000x128xf32, #tpu.memory_space<hbm>> -> memref<10000x128xf32, #tpu.memory_space<hbm>>
      tpu.enqueue_indirect_dma source(%dma_start3A_116 : memref<10000x128xf32, #tpu.memory_space<hbm>>) target(%arg10 : memref<125x128xf32, #tpu.memory_space<vmem>>) offsets(%dma_start3A_113 : memref<125xi32, #tpu.memory_space<vmem>>) semaphore(%arg13 : memref<!tpu.dma_semaphore, #tpu.memory_space<semaphore_mem>>)
      %dma_wait3A_117 = arith.constant 4 : i32
      %dma_wait3A_118 = arith.constant 0 : i32
      %dma_wait3A_119 = tpu.memref_slice %arg7[%rem3A_46, %dma_wait3A_117, %dma_wait3A_118] : memref<2x10x125xi32, #tpu.memory_space<vmem>> -> memref<1x1x125xi32, #tpu.memory_space<vmem>>
      %dma_wait3A_120 = tpu.memref_squeeze %dma_wait3A_119 : memref<1x1x125xi32, #tpu.memory_space<vmem>> -> memref<125xi32, #tpu.memory_space<vmem>>
      %dma_wait3A_121 = arith.constant 0 : i32
      %dma_wait3A_122 = arith.constant 0 : i32
      %dma_wait3A_123 = tpu.memref_slice %arg2[%dma_wait3A_121, %dma_wait3A_122] : memref<10000x128xf32, #tpu.memory_space<hbm>> -> memref<10000x128xf32, #tpu.memory_space<hbm>>
      tpu.wait_indirect_dma semaphore(%arg12 : memref<!tpu.dma_semaphore, #tpu.memory_space<semaphore_mem>>) src(%dma_wait3A_123 : memref<10000x128xf32, #tpu.memory_space<hbm>>) dst(%arg9 : memref<125x128xf32, #tpu.memory_space<vmem>>)
      %run_scoped3A_124 = arith.constant 4 : i32
      "tpu.region"() ({
        %run_scoped3A_202 = tpu.sem_alloc : memref<!tpu.dma_semaphore, #tpu.memory_space<semaphore_mem>>
        %dma_start3A_203 = arith.constant 0 : i32
        %dma_start3A_204 = tpu.memref_slice %arg8[%rem3A_46, %run_scoped3A_124, %dma_start3A_203] : memref<2x10x125xi32, #tpu.memory_space<vmem>> -> memref<1x1x125xi32, #tpu.memory_space<vmem>>
        %dma_start3A_205 = tpu.memref_squeeze %dma_start3A_204 : memref<1x1x125xi32, #tpu.memory_space<vmem>> -> memref<125xi32, #tpu.memory_space<vmem>>
        %dma_start3A_206 = arith.constant 0 : i32
        %dma_start3A_207 = arith.constant 0 : i32
        %dma_start3A_208 = tpu.memref_slice %arg11[%dma_start3A_206, %dma_start3A_207] : memref<10112x128xf32, #tpu.memory_space<vmem_shared>> -> memref<10112x128xf32, #tpu.memory_space<vmem_shared>>
        tpu.enqueue_indirect_dma source(%arg9 : memref<125x128xf32, #tpu.memory_space<vmem>>) target(%dma_start3A_208 : memref<10112x128xf32, #tpu.memory_space<vmem_shared>>) offsets(%dma_start3A_205 : memref<125xi32, #tpu.memory_space<vmem>>) semaphore(%run_scoped3A_202 : memref<!tpu.dma_semaphore, #tpu.memory_space<semaphore_mem>>) {add = true}
        %dma_wait3A_209 = arith.constant 0 : i32
        %dma_wait3A_210 = tpu.memref_slice %arg8[%rem3A_46, %run_scoped3A_124, %dma_wait3A_209] : memref<2x10x125xi32, #tpu.memory_space<vmem>> -> memref<1x1x125xi32, #tpu.memory_space<vmem>>
        %dma_wait3A_211 = tpu.memref_squeeze %dma_wait3A_210 : memref<1x1x125xi32, #tpu.memory_space<vmem>> -> memref<125xi32, #tpu.memory_space<vmem>>
        %dma_wait3A_212 = arith.constant 0 : i32
        %dma_wait3A_213 = arith.constant 0 : i32
        %dma_wait3A_214 = tpu.memref_slice %arg11[%dma_wait3A_212, %dma_wait3A_213] : memref<10112x128xf32, #tpu.memory_space<vmem_shared>> -> memref<10112x128xf32, #tpu.memory_space<vmem_shared>>
        tpu.wait_indirect_dma semaphore(%run_scoped3A_202 : memref<!tpu.dma_semaphore, #tpu.memory_space<semaphore_mem>>) src(%arg9 : memref<125x128xf32, #tpu.memory_space<vmem>>) dst(%dma_wait3A_214 : memref<10112x128xf32, #tpu.memory_space<vmem_shared>>)
        tpu.yield
      }) : () -> ()
      %dma_start3A_125 = arith.constant 6 : i32
      %dma_start3A_126 = arith.constant 0 : i32
      %dma_start3A_127 = tpu.memref_slice %arg7[%rem3A_46, %dma_start3A_125, %dma_start3A_126] : memref<2x10x125xi32, #tpu.memory_space<vmem>> -> memref<1x1x125xi32, #tpu.memory_space<vmem>>
      %dma_start3A_128 = tpu.memref_squeeze %dma_start3A_127 : memref<1x1x125xi32, #tpu.memory_space<vmem>> -> memref<125xi32, #tpu.memory_space<vmem>>
      %dma_start3A_129 = arith.constant 0 : i32
      %dma_start3A_130 = arith.constant 0 : i32
      %dma_start3A_131 = tpu.memref_slice %arg2[%dma_start3A_129, %dma_start3A_130] : memref<10000x128xf32, #tpu.memory_space<hbm>> -> memref<10000x128xf32, #tpu.memory_space<hbm>>
      tpu.enqueue_indirect_dma source(%dma_start3A_131 : memref<10000x128xf32, #tpu.memory_space<hbm>>) target(%arg9 : memref<125x128xf32, #tpu.memory_space<vmem>>) offsets(%dma_start3A_128 : memref<125xi32, #tpu.memory_space<vmem>>) semaphore(%arg12 : memref<!tpu.dma_semaphore, #tpu.memory_space<semaphore_mem>>)
      %dma_wait3A_132 = arith.constant 5 : i32
      %dma_wait3A_133 = arith.constant 0 : i32
      %dma_wait3A_134 = tpu.memref_slice %arg7[%rem3A_46, %dma_wait3A_132, %dma_wait3A_133] : memref<2x10x125xi32, #tpu.memory_space<vmem>> -> memref<1x1x125xi32, #tpu.memory_space<vmem>>
      %dma_wait3A_135 = tpu.memref_squeeze %dma_wait3A_134 : memref<1x1x125xi32, #tpu.memory_space<vmem>> -> memref<125xi32, #tpu.memory_space<vmem>>
      %dma_wait3A_136 = arith.constant 0 : i32
      %dma_wait3A_137 = arith.constant 0 : i32
      %dma_wait3A_138 = tpu.memref_slice %arg2[%dma_wait3A_136, %dma_wait3A_137] : memref<10000x128xf32, #tpu.memory_space<hbm>> -> memref<10000x128xf32, #tpu.memory_space<hbm>>
      tpu.wait_indirect_dma semaphore(%arg13 : memref<!tpu.dma_semaphore, #tpu.memory_space<semaphore_mem>>) src(%dma_wait3A_138 : memref<10000x128xf32, #tpu.memory_space<hbm>>) dst(%arg10 : memref<125x128xf32, #tpu.memory_space<vmem>>)
      %run_scoped3A_139 = arith.constant 5 : i32
      "tpu.region"() ({
        %run_scoped3A_202 = tpu.sem_alloc : memref<!tpu.dma_semaphore, #tpu.memory_space<semaphore_mem>>
        %dma_start3A_203 = arith.constant 0 : i32
        %dma_start3A_204 = tpu.memref_slice %arg8[%rem3A_46, %run_scoped3A_139, %dma_start3A_203] : memref<2x10x125xi32, #tpu.memory_space<vmem>> -> memref<1x1x125xi32, #tpu.memory_space<vmem>>
        %dma_start3A_205 = tpu.memref_squeeze %dma_start3A_204 : memref<1x1x125xi32, #tpu.memory_space<vmem>> -> memref<125xi32, #tpu.memory_space<vmem>>
        %dma_start3A_206 = arith.constant 0 : i32
        %dma_start3A_207 = arith.constant 0 : i32
        %dma_start3A_208 = tpu.memref_slice %arg11[%dma_start3A_206, %dma_start3A_207] : memref<10112x128xf32, #tpu.memory_space<vmem_shared>> -> memref<10112x128xf32, #tpu.memory_space<vmem_shared>>
        tpu.enqueue_indirect_dma source(%arg10 : memref<125x128xf32, #tpu.memory_space<vmem>>) target(%dma_start3A_208 : memref<10112x128xf32, #tpu.memory_space<vmem_shared>>) offsets(%dma_start3A_205 : memref<125xi32, #tpu.memory_space<vmem>>) semaphore(%run_scoped3A_202 : memref<!tpu.dma_semaphore, #tpu.memory_space<semaphore_mem>>) {add = true}
        %dma_wait3A_209 = arith.constant 0 : i32
        %dma_wait3A_210 = tpu.memref_slice %arg8[%rem3A_46, %run_scoped3A_139, %dma_wait3A_209] : memref<2x10x125xi32, #tpu.memory_space<vmem>> -> memref<1x1x125xi32, #tpu.memory_space<vmem>>
        %dma_wait3A_211 = tpu.memref_squeeze %dma_wait3A_210 : memref<1x1x125xi32, #tpu.memory_space<vmem>> -> memref<125xi32, #tpu.memory_space<vmem>>
        %dma_wait3A_212 = arith.constant 0 : i32
        %dma_wait3A_213 = arith.constant 0 : i32
        %dma_wait3A_214 = tpu.memref_slice %arg11[%dma_wait3A_212, %dma_wait3A_213] : memref<10112x128xf32, #tpu.memory_space<vmem_shared>> -> memref<10112x128xf32, #tpu.memory_space<vmem_shared>>
        tpu.wait_indirect_dma semaphore(%run_scoped3A_202 : memref<!tpu.dma_semaphore, #tpu.memory_space<semaphore_mem>>) src(%arg10 : memref<125x128xf32, #tpu.memory_space<vmem>>) dst(%dma_wait3A_214 : memref<10112x128xf32, #tpu.memory_space<vmem_shared>>)
        tpu.yield
      }) : () -> ()
      %dma_start3A_140 = arith.constant 7 : i32
      %dma_start3A_141 = arith.constant 0 : i32
      %dma_start3A_142 = tpu.memref_slice %arg7[%rem3A_46, %dma_start3A_140, %dma_start3A_141] : memref<2x10x125xi32, #tpu.memory_space<vmem>> -> memref<1x1x125xi32, #tpu.memory_space<vmem>>
      %dma_start3A_143 = tpu.memref_squeeze %dma_start3A_142 : memref<1x1x125xi32, #tpu.memory_space<vmem>> -> memref<125xi32, #tpu.memory_space<vmem>>
      %dma_start3A_144 = arith.constant 0 : i32
      %dma_start3A_145 = arith.constant 0 : i32
      %dma_start3A_146 = tpu.memref_slice %arg2[%dma_start3A_144, %dma_start3A_145] : memref<10000x128xf32, #tpu.memory_space<hbm>> -> memref<10000x128xf32, #tpu.memory_space<hbm>>
      tpu.enqueue_indirect_dma source(%dma_start3A_146 : memref<10000x128xf32, #tpu.memory_space<hbm>>) target(%arg10 : memref<125x128xf32, #tpu.memory_space<vmem>>) offsets(%dma_start3A_143 : memref<125xi32, #tpu.memory_space<vmem>>) semaphore(%arg13 : memref<!tpu.dma_semaphore, #tpu.memory_space<semaphore_mem>>)
      %dma_wait3A_147 = arith.constant 6 : i32
      %dma_wait3A_148 = arith.constant 0 : i32
      %dma_wait3A_149 = tpu.memref_slice %arg7[%rem3A_46, %dma_wait3A_147, %dma_wait3A_148] : memref<2x10x125xi32, #tpu.memory_space<vmem>> -> memref<1x1x125xi32, #tpu.memory_space<vmem>>
      %dma_wait3A_150 = tpu.memref_squeeze %dma_wait3A_149 : memref<1x1x125xi32, #tpu.memory_space<vmem>> -> memref<125xi32, #tpu.memory_space<vmem>>
      %dma_wait3A_151 = arith.constant 0 : i32
      %dma_wait3A_152 = arith.constant 0 : i32
      %dma_wait3A_153 = tpu.memref_slice %arg2[%dma_wait3A_151, %dma_wait3A_152] : memref<10000x128xf32, #tpu.memory_space<hbm>> -> memref<10000x128xf32, #tpu.memory_space<hbm>>
      tpu.wait_indirect_dma semaphore(%arg12 : memref<!tpu.dma_semaphore, #tpu.memory_space<semaphore_mem>>) src(%dma_wait3A_153 : memref<10000x128xf32, #tpu.memory_space<hbm>>) dst(%arg9 : memref<125x128xf32, #tpu.memory_space<vmem>>)
      %run_scoped3A_154 = arith.constant 6 : i32
      "tpu.region"() ({
        %run_scoped3A_202 = tpu.sem_alloc : memref<!tpu.dma_semaphore, #tpu.memory_space<semaphore_mem>>
        %dma_start3A_203 = arith.constant 0 : i32
        %dma_start3A_204 = tpu.memref_slice %arg8[%rem3A_46, %run_scoped3A_154, %dma_start3A_203] : memref<2x10x125xi32, #tpu.memory_space<vmem>> -> memref<1x1x125xi32, #tpu.memory_space<vmem>>
        %dma_start3A_205 = tpu.memref_squeeze %dma_start3A_204 : memref<1x1x125xi32, #tpu.memory_space<vmem>> -> memref<125xi32, #tpu.memory_space<vmem>>
        %dma_start3A_206 = arith.constant 0 : i32
        %dma_start3A_207 = arith.constant 0 : i32
        %dma_start3A_208 = tpu.memref_slice %arg11[%dma_start3A_206, %dma_start3A_207] : memref<10112x128xf32, #tpu.memory_space<vmem_shared>> -> memref<10112x128xf32, #tpu.memory_space<vmem_shared>>
        tpu.enqueue_indirect_dma source(%arg9 : memref<125x128xf32, #tpu.memory_space<vmem>>) target(%dma_start3A_208 : memref<10112x128xf32, #tpu.memory_space<vmem_shared>>) offsets(%dma_start3A_205 : memref<125xi32, #tpu.memory_space<vmem>>) semaphore(%run_scoped3A_202 : memref<!tpu.dma_semaphore, #tpu.memory_space<semaphore_mem>>) {add = true}
        %dma_wait3A_209 = arith.constant 0 : i32
        %dma_wait3A_210 = tpu.memref_slice %arg8[%rem3A_46, %run_scoped3A_154, %dma_wait3A_209] : memref<2x10x125xi32, #tpu.memory_space<vmem>> -> memref<1x1x125xi32, #tpu.memory_space<vmem>>
        %dma_wait3A_211 = tpu.memref_squeeze %dma_wait3A_210 : memref<1x1x125xi32, #tpu.memory_space<vmem>> -> memref<125xi32, #tpu.memory_space<vmem>>
        %dma_wait3A_212 = arith.constant 0 : i32
        %dma_wait3A_213 = arith.constant 0 : i32
        %dma_wait3A_214 = tpu.memref_slice %arg11[%dma_wait3A_212, %dma_wait3A_213] : memref<10112x128xf32, #tpu.memory_space<vmem_shared>> -> memref<10112x128xf32, #tpu.memory_space<vmem_shared>>
        tpu.wait_indirect_dma semaphore(%run_scoped3A_202 : memref<!tpu.dma_semaphore, #tpu.memory_space<semaphore_mem>>) src(%arg9 : memref<125x128xf32, #tpu.memory_space<vmem>>) dst(%dma_wait3A_214 : memref<10112x128xf32, #tpu.memory_space<vmem_shared>>)
        tpu.yield
      }) : () -> ()
      %dma_start3A_155 = arith.constant 8 : i32
      %dma_start3A_156 = arith.constant 0 : i32
      %dma_start3A_157 = tpu.memref_slice %arg7[%rem3A_46, %dma_start3A_155, %dma_start3A_156] : memref<2x10x125xi32, #tpu.memory_space<vmem>> -> memref<1x1x125xi32, #tpu.memory_space<vmem>>
      %dma_start3A_158 = tpu.memref_squeeze %dma_start3A_157 : memref<1x1x125xi32, #tpu.memory_space<vmem>> -> memref<125xi32, #tpu.memory_space<vmem>>
      %dma_start3A_159 = arith.constant 0 : i32
      %dma_start3A_160 = arith.constant 0 : i32
      %dma_start3A_161 = tpu.memref_slice %arg2[%dma_start3A_159, %dma_start3A_160] : memref<10000x128xf32, #tpu.memory_space<hbm>> -> memref<10000x128xf32, #tpu.memory_space<hbm>>
      tpu.enqueue_indirect_dma source(%dma_start3A_161 : memref<10000x128xf32, #tpu.memory_space<hbm>>) target(%arg9 : memref<125x128xf32, #tpu.memory_space<vmem>>) offsets(%dma_start3A_158 : memref<125xi32, #tpu.memory_space<vmem>>) semaphore(%arg12 : memref<!tpu.dma_semaphore, #tpu.memory_space<semaphore_mem>>)
      %dma_wait3A_162 = arith.constant 7 : i32
      %dma_wait3A_163 = arith.constant 0 : i32
      %dma_wait3A_164 = tpu.memref_slice %arg7[%rem3A_46, %dma_wait3A_162, %dma_wait3A_163] : memref<2x10x125xi32, #tpu.memory_space<vmem>> -> memref<1x1x125xi32, #tpu.memory_space<vmem>>
      %dma_wait3A_165 = tpu.memref_squeeze %dma_wait3A_164 : memref<1x1x125xi32, #tpu.memory_space<vmem>> -> memref<125xi32, #tpu.memory_space<vmem>>
      %dma_wait3A_166 = arith.constant 0 : i32
      %dma_wait3A_167 = arith.constant 0 : i32
      %dma_wait3A_168 = tpu.memref_slice %arg2[%dma_wait3A_166, %dma_wait3A_167] : memref<10000x128xf32, #tpu.memory_space<hbm>> -> memref<10000x128xf32, #tpu.memory_space<hbm>>
      tpu.wait_indirect_dma semaphore(%arg13 : memref<!tpu.dma_semaphore, #tpu.memory_space<semaphore_mem>>) src(%dma_wait3A_168 : memref<10000x128xf32, #tpu.memory_space<hbm>>) dst(%arg10 : memref<125x128xf32, #tpu.memory_space<vmem>>)
      %run_scoped3A_169 = arith.constant 7 : i32
      "tpu.region"() ({
        %run_scoped3A_202 = tpu.sem_alloc : memref<!tpu.dma_semaphore, #tpu.memory_space<semaphore_mem>>
        %dma_start3A_203 = arith.constant 0 : i32
        %dma_start3A_204 = tpu.memref_slice %arg8[%rem3A_46, %run_scoped3A_169, %dma_start3A_203] : memref<2x10x125xi32, #tpu.memory_space<vmem>> -> memref<1x1x125xi32, #tpu.memory_space<vmem>>
        %dma_start3A_205 = tpu.memref_squeeze %dma_start3A_204 : memref<1x1x125xi32, #tpu.memory_space<vmem>> -> memref<125xi32, #tpu.memory_space<vmem>>
        %dma_start3A_206 = arith.constant 0 : i32
        %dma_start3A_207 = arith.constant 0 : i32
        %dma_start3A_208 = tpu.memref_slice %arg11[%dma_start3A_206, %dma_start3A_207] : memref<10112x128xf32, #tpu.memory_space<vmem_shared>> -> memref<10112x128xf32, #tpu.memory_space<vmem_shared>>
        tpu.enqueue_indirect_dma source(%arg10 : memref<125x128xf32, #tpu.memory_space<vmem>>) target(%dma_start3A_208 : memref<10112x128xf32, #tpu.memory_space<vmem_shared>>) offsets(%dma_start3A_205 : memref<125xi32, #tpu.memory_space<vmem>>) semaphore(%run_scoped3A_202 : memref<!tpu.dma_semaphore, #tpu.memory_space<semaphore_mem>>) {add = true}
        %dma_wait3A_209 = arith.constant 0 : i32
        %dma_wait3A_210 = tpu.memref_slice %arg8[%rem3A_46, %run_scoped3A_169, %dma_wait3A_209] : memref<2x10x125xi32, #tpu.memory_space<vmem>> -> memref<1x1x125xi32, #tpu.memory_space<vmem>>
        %dma_wait3A_211 = tpu.memref_squeeze %dma_wait3A_210 : memref<1x1x125xi32, #tpu.memory_space<vmem>> -> memref<125xi32, #tpu.memory_space<vmem>>
        %dma_wait3A_212 = arith.constant 0 : i32
        %dma_wait3A_213 = arith.constant 0 : i32
        %dma_wait3A_214 = tpu.memref_slice %arg11[%dma_wait3A_212, %dma_wait3A_213] : memref<10112x128xf32, #tpu.memory_space<vmem_shared>> -> memref<10112x128xf32, #tpu.memory_space<vmem_shared>>
        tpu.wait_indirect_dma semaphore(%run_scoped3A_202 : memref<!tpu.dma_semaphore, #tpu.memory_space<semaphore_mem>>) src(%arg10 : memref<125x128xf32, #tpu.memory_space<vmem>>) dst(%dma_wait3A_214 : memref<10112x128xf32, #tpu.memory_space<vmem_shared>>)
        tpu.yield
      }) : () -> ()
      %dma_start3A_170 = arith.constant 9 : i32
      %dma_start3A_171 = arith.constant 0 : i32
      %dma_start3A_172 = tpu.memref_slice %arg7[%rem3A_46, %dma_start3A_170, %dma_start3A_171] : memref<2x10x125xi32, #tpu.memory_space<vmem>> -> memref<1x1x125xi32, #tpu.memory_space<vmem>>
      %dma_start3A_173 = tpu.memref_squeeze %dma_start3A_172 : memref<1x1x125xi32, #tpu.memory_space<vmem>> -> memref<125xi32, #tpu.memory_space<vmem>>
      %dma_start3A_174 = arith.constant 0 : i32
      %dma_start3A_175 = arith.constant 0 : i32
      %dma_start3A_176 = tpu.memref_slice %arg2[%dma_start3A_174, %dma_start3A_175] : memref<10000x128xf32, #tpu.memory_space<hbm>> -> memref<10000x128xf32, #tpu.memory_space<hbm>>
      tpu.enqueue_indirect_dma source(%dma_start3A_176 : memref<10000x128xf32, #tpu.memory_space<hbm>>) target(%arg10 : memref<125x128xf32, #tpu.memory_space<vmem>>) offsets(%dma_start3A_173 : memref<125xi32, #tpu.memory_space<vmem>>) semaphore(%arg13 : memref<!tpu.dma_semaphore, #tpu.memory_space<semaphore_mem>>)
      %dma_wait3A_177 = arith.constant 8 : i32
      %dma_wait3A_178 = arith.constant 0 : i32
      %dma_wait3A_179 = tpu.memref_slice %arg7[%rem3A_46, %dma_wait3A_177, %dma_wait3A_178] : memref<2x10x125xi32, #tpu.memory_space<vmem>> -> memref<1x1x125xi32, #tpu.memory_space<vmem>>
      %dma_wait3A_180 = tpu.memref_squeeze %dma_wait3A_179 : memref<1x1x125xi32, #tpu.memory_space<vmem>> -> memref<125xi32, #tpu.memory_space<vmem>>
      %dma_wait3A_181 = arith.constant 0 : i32
      %dma_wait3A_182 = arith.constant 0 : i32
      %dma_wait3A_183 = tpu.memref_slice %arg2[%dma_wait3A_181, %dma_wait3A_182] : memref<10000x128xf32, #tpu.memory_space<hbm>> -> memref<10000x128xf32, #tpu.memory_space<hbm>>
      tpu.wait_indirect_dma semaphore(%arg12 : memref<!tpu.dma_semaphore, #tpu.memory_space<semaphore_mem>>) src(%dma_wait3A_183 : memref<10000x128xf32, #tpu.memory_space<hbm>>) dst(%arg9 : memref<125x128xf32, #tpu.memory_space<vmem>>)
      %run_scoped3A_184 = arith.constant 8 : i32
      "tpu.region"() ({
        %run_scoped3A_202 = tpu.sem_alloc : memref<!tpu.dma_semaphore, #tpu.memory_space<semaphore_mem>>
        %dma_start3A_203 = arith.constant 0 : i32
        %dma_start3A_204 = tpu.memref_slice %arg8[%rem3A_46, %run_scoped3A_184, %dma_start3A_203] : memref<2x10x125xi32, #tpu.memory_space<vmem>> -> memref<1x1x125xi32, #tpu.memory_space<vmem>>
        %dma_start3A_205 = tpu.memref_squeeze %dma_start3A_204 : memref<1x1x125xi32, #tpu.memory_space<vmem>> -> memref<125xi32, #tpu.memory_space<vmem>>
        %dma_start3A_206 = arith.constant 0 : i32
        %dma_start3A_207 = arith.constant 0 : i32
        %dma_start3A_208 = tpu.memref_slice %arg11[%dma_start3A_206, %dma_start3A_207] : memref<10112x128xf32, #tpu.memory_space<vmem_shared>> -> memref<10112x128xf32, #tpu.memory_space<vmem_shared>>
        tpu.enqueue_indirect_dma source(%arg9 : memref<125x128xf32, #tpu.memory_space<vmem>>) target(%dma_start3A_208 : memref<10112x128xf32, #tpu.memory_space<vmem_shared>>) offsets(%dma_start3A_205 : memref<125xi32, #tpu.memory_space<vmem>>) semaphore(%run_scoped3A_202 : memref<!tpu.dma_semaphore, #tpu.memory_space<semaphore_mem>>) {add = true}
        %dma_wait3A_209 = arith.constant 0 : i32
        %dma_wait3A_210 = tpu.memref_slice %arg8[%rem3A_46, %run_scoped3A_184, %dma_wait3A_209] : memref<2x10x125xi32, #tpu.memory_space<vmem>> -> memref<1x1x125xi32, #tpu.memory_space<vmem>>
        %dma_wait3A_211 = tpu.memref_squeeze %dma_wait3A_210 : memref<1x1x125xi32, #tpu.memory_space<vmem>> -> memref<125xi32, #tpu.memory_space<vmem>>
        %dma_wait3A_212 = arith.constant 0 : i32
        %dma_wait3A_213 = arith.constant 0 : i32
        %dma_wait3A_214 = tpu.memref_slice %arg11[%dma_wait3A_212, %dma_wait3A_213] : memref<10112x128xf32, #tpu.memory_space<vmem_shared>> -> memref<10112x128xf32, #tpu.memory_space<vmem_shared>>
        tpu.wait_indirect_dma semaphore(%run_scoped3A_202 : memref<!tpu.dma_semaphore, #tpu.memory_space<semaphore_mem>>) src(%arg9 : memref<125x128xf32, #tpu.memory_space<vmem>>) dst(%dma_wait3A_214 : memref<10112x128xf32, #tpu.memory_space<vmem_shared>>)
        tpu.yield
      }) : () -> ()
      %convert_element_type3A_185 = arith.extui %lt3A_54 : i1 to i32
      %cond3A_186 = arith.constant 0 : i32
      %cond3A_187 = arith.cmpi ne, %convert_element_type3A_185, %cond3A_186 : i32
      scf.if %cond3A_187 {
        %dma_wait3A_202 = arith.constant 0 : i32
        %dma_wait3A_203 = arith.constant 0 : i32
        %dma_wait3A_204 = arith.constant 0 : i32
        %dma_wait3A_205 = tpu.memref_slice %arg7[%rem3A_50, %dma_wait3A_203, %dma_wait3A_204] : memref<2x10x125xi32, #tpu.memory_space<vmem>> -> memref<1x10x125xi32, #tpu.memory_space<vmem>>
        %dma_wait3A_206 = tpu.memref_squeeze %dma_wait3A_205 : memref<1x10x125xi32, #tpu.memory_space<vmem>> -> memref<10x125xi32, #tpu.memory_space<vmem>>
        %dma_wait3A_207 = arith.constant 0 : i32
        %dma_wait3A_208 = arith.constant 0 : i32
        %dma_wait3A_209 = tpu.memref_slice %arg3[%add3A, %dma_wait3A_202, %dma_wait3A_207, %dma_wait3A_208] : memref<32x8x10x125xi32, #tpu.memory_space<hbm>> -> memref<1x1x10x125xi32, #tpu.memory_space<hbm>>
        %dma_wait3A_210 = tpu.memref_squeeze %dma_wait3A_209 : memref<1x1x10x125xi32, #tpu.memory_space<hbm>> -> memref<10x125xi32, #tpu.memory_space<hbm>>
        %dma_wait3A_211 = arith.constant 0 : i32
        %dma_wait3A_212 = arith.constant 0 : i32
        %dma_wait3A_213 = tpu.memref_slice %arg7[%rem3A_50, %dma_wait3A_211, %dma_wait3A_212] : memref<2x10x125xi32, #tpu.memory_space<vmem>> -> memref<1x10x125xi32, #tpu.memory_space<vmem>>
        %dma_wait3A_214 = tpu.memref_squeeze %dma_wait3A_213 : memref<1x10x125xi32, #tpu.memory_space<vmem>> -> memref<10x125xi32, #tpu.memory_space<vmem>>
        %dma_wait3A_215 = arith.constant 0 : i32
        %dma_wait3A_216 = arith.constant 0 : i32
        %dma_wait3A_217 = tpu.memref_slice %arg3[%add3A, %dma_wait3A_202, %dma_wait3A_215, %dma_wait3A_216] : memref<32x8x10x125xi32, #tpu.memory_space<hbm>> -> memref<1x1x10x125xi32, #tpu.memory_space<hbm>>
        %dma_wait3A_218 = tpu.memref_squeeze %dma_wait3A_217 : memref<1x1x10x125xi32, #tpu.memory_space<hbm>> -> memref<10x125xi32, #tpu.memory_space<hbm>>
        tpu.wait_dma2 semaphore(%arg14 : memref<!tpu.dma_semaphore, #tpu.memory_space<semaphore_mem>>) src(%dma_wait3A_218 : memref<10x125xi32, #tpu.memory_space<hbm>>) dst(%dma_wait3A_214 : memref<10x125xi32, #tpu.memory_space<vmem>>)
        %dma_wait3A_219 = arith.constant 0 : i32
        %dma_wait3A_220 = arith.constant 0 : i32
        %dma_wait3A_221 = arith.constant 0 : i32
        %dma_wait3A_222 = tpu.memref_slice %arg8[%rem3A_50, %dma_wait3A_220, %dma_wait3A_221] : memref<2x10x125xi32, #tpu.memory_space<vmem>> -> memref<1x10x125xi32, #tpu.memory_space<vmem>>
        %dma_wait3A_223 = tpu.memref_squeeze %dma_wait3A_222 : memref<1x10x125xi32, #tpu.memory_space<vmem>> -> memref<10x125xi32, #tpu.memory_space<vmem>>
        %dma_wait3A_224 = arith.constant 0 : i32
        %dma_wait3A_225 = arith.constant 0 : i32
        %dma_wait3A_226 = tpu.memref_slice %arg4[%add3A, %dma_wait3A_219, %dma_wait3A_224, %dma_wait3A_225] : memref<32x8x10x125xi32, #tpu.memory_space<hbm>> -> memref<1x1x10x125xi32, #tpu.memory_space<hbm>>
        %dma_wait3A_227 = tpu.memref_squeeze %dma_wait3A_226 : memref<1x1x10x125xi32, #tpu.memory_space<hbm>> -> memref<10x125xi32, #tpu.memory_space<hbm>>
        %dma_wait3A_228 = arith.constant 0 : i32
        %dma_wait3A_229 = arith.constant 0 : i32
        %dma_wait3A_230 = tpu.memref_slice %arg8[%rem3A_50, %dma_wait3A_228, %dma_wait3A_229] : memref<2x10x125xi32, #tpu.memory_space<vmem>> -> memref<1x10x125xi32, #tpu.memory_space<vmem>>
        %dma_wait3A_231 = tpu.memref_squeeze %dma_wait3A_230 : memref<1x10x125xi32, #tpu.memory_space<vmem>> -> memref<10x125xi32, #tpu.memory_space<vmem>>
        %dma_wait3A_232 = arith.constant 0 : i32
        %dma_wait3A_233 = arith.constant 0 : i32
        %dma_wait3A_234 = tpu.memref_slice %arg4[%add3A, %dma_wait3A_219, %dma_wait3A_232, %dma_wait3A_233] : memref<32x8x10x125xi32, #tpu.memory_space<hbm>> -> memref<1x1x10x125xi32, #tpu.memory_space<hbm>>
        %dma_wait3A_235 = tpu.memref_squeeze %dma_wait3A_234 : memref<1x1x10x125xi32, #tpu.memory_space<hbm>> -> memref<10x125xi32, #tpu.memory_space<hbm>>
        tpu.wait_dma2 semaphore(%arg15 : memref<!tpu.dma_semaphore, #tpu.memory_space<semaphore_mem>>) src(%dma_wait3A_235 : memref<10x125xi32, #tpu.memory_space<hbm>>) dst(%dma_wait3A_231 : memref<10x125xi32, #tpu.memory_space<vmem>>)
      } else {
      }
      %convert_element_type3A_188 = arith.extui %lt3A_54 : i1 to i32
      %cond3A_189 = arith.constant 0 : i32
      %cond3A_190 = arith.cmpi ne, %convert_element_type3A_188, %cond3A_189 : i32
      scf.if %cond3A_190 {
        %dma_start3A_202 = arith.constant 0 : i32
        %dma_start3A_203 = arith.constant 0 : i32
        %dma_start3A_204 = tpu.memref_slice %arg7[%rem3A_50, %dma_start3A_202, %dma_start3A_203] : memref<2x10x125xi32, #tpu.memory_space<vmem>> -> memref<1x1x125xi32, #tpu.memory_space<vmem>>
        %dma_start3A_205 = tpu.memref_squeeze %dma_start3A_204 : memref<1x1x125xi32, #tpu.memory_space<vmem>> -> memref<125xi32, #tpu.memory_space<vmem>>
        %dma_start3A_206 = arith.constant 0 : i32
        %dma_start3A_207 = arith.constant 0 : i32
        %dma_start3A_208 = tpu.memref_slice %arg2[%dma_start3A_206, %dma_start3A_207] : memref<10000x128xf32, #tpu.memory_space<hbm>> -> memref<10000x128xf32, #tpu.memory_space<hbm>>
        tpu.enqueue_indirect_dma source(%dma_start3A_208 : memref<10000x128xf32, #tpu.memory_space<hbm>>) target(%arg9 : memref<125x128xf32, #tpu.memory_space<vmem>>) offsets(%dma_start3A_205 : memref<125xi32, #tpu.memory_space<vmem>>) semaphore(%arg12 : memref<!tpu.dma_semaphore, #tpu.memory_space<semaphore_mem>>)
      } else {
      }
      %dma_wait3A_191 = arith.constant 9 : i32
      %dma_wait3A_192 = arith.constant 0 : i32
      %dma_wait3A_193 = tpu.memref_slice %arg7[%rem3A_46, %dma_wait3A_191, %dma_wait3A_192] : memref<2x10x125xi32, #tpu.memory_space<vmem>> -> memref<1x1x125xi32, #tpu.memory_space<vmem>>
      %dma_wait3A_194 = tpu.memref_squeeze %dma_wait3A_193 : memref<1x1x125xi32, #tpu.memory_space<vmem>> -> memref<125xi32, #tpu.memory_space<vmem>>
      %dma_wait3A_195 = arith.constant 0 : i32
      %dma_wait3A_196 = arith.constant 0 : i32
      %dma_wait3A_197 = tpu.memref_slice %arg2[%dma_wait3A_195, %dma_wait3A_196] : memref<10000x128xf32, #tpu.memory_space<hbm>> -> memref<10000x128xf32, #tpu.memory_space<hbm>>
      tpu.wait_indirect_dma semaphore(%arg13 : memref<!tpu.dma_semaphore, #tpu.memory_space<semaphore_mem>>) src(%dma_wait3A_197 : memref<10000x128xf32, #tpu.memory_space<hbm>>) dst(%arg10 : memref<125x128xf32, #tpu.memory_space<vmem>>)
      %run_scoped3A_198 = arith.constant 9 : i32
      "tpu.region"() ({
        %run_scoped3A_202 = tpu.sem_alloc : memref<!tpu.dma_semaphore, #tpu.memory_space<semaphore_mem>>
        %dma_start3A_203 = arith.constant 0 : i32
        %dma_start3A_204 = tpu.memref_slice %arg8[%rem3A_46, %run_scoped3A_198, %dma_start3A_203] : memref<2x10x125xi32, #tpu.memory_space<vmem>> -> memref<1x1x125xi32, #tpu.memory_space<vmem>>
        %dma_start3A_205 = tpu.memref_squeeze %dma_start3A_204 : memref<1x1x125xi32, #tpu.memory_space<vmem>> -> memref<125xi32, #tpu.memory_space<vmem>>
        %dma_start3A_206 = arith.constant 0 : i32
        %dma_start3A_207 = arith.constant 0 : i32
        %dma_start3A_208 = tpu.memref_slice %arg11[%dma_start3A_206, %dma_start3A_207] : memref<10112x128xf32, #tpu.memory_space<vmem_shared>> -> memref<10112x128xf32, #tpu.memory_space<vmem_shared>>
        tpu.enqueue_indirect_dma source(%arg10 : memref<125x128xf32, #tpu.memory_space<vmem>>) target(%dma_start3A_208 : memref<10112x128xf32, #tpu.memory_space<vmem_shared>>) offsets(%dma_start3A_205 : memref<125xi32, #tpu.memory_space<vmem>>) semaphore(%run_scoped3A_202 : memref<!tpu.dma_semaphore, #tpu.memory_space<semaphore_mem>>) {add = true}
        %dma_wait3A_209 = arith.constant 0 : i32
        %dma_wait3A_210 = tpu.memref_slice %arg8[%rem3A_46, %run_scoped3A_198, %dma_wait3A_209] : memref<2x10x125xi32, #tpu.memory_space<vmem>> -> memref<1x1x125xi32, #tpu.memory_space<vmem>>
        %dma_wait3A_211 = tpu.memref_squeeze %dma_wait3A_210 : memref<1x1x125xi32, #tpu.memory_space<vmem>> -> memref<125xi32, #tpu.memory_space<vmem>>
        %dma_wait3A_212 = arith.constant 0 : i32
        %dma_wait3A_213 = arith.constant 0 : i32
        %dma_wait3A_214 = tpu.memref_slice %arg11[%dma_wait3A_212, %dma_wait3A_213] : memref<10112x128xf32, #tpu.memory_space<vmem_shared>> -> memref<10112x128xf32, #tpu.memory_space<vmem_shared>>
        tpu.wait_indirect_dma semaphore(%run_scoped3A_202 : memref<!tpu.dma_semaphore, #tpu.memory_space<semaphore_mem>>) src(%arg10 : memref<125x128xf32, #tpu.memory_space<vmem>>) dst(%dma_wait3A_214 : memref<10112x128xf32, #tpu.memory_space<vmem_shared>>)
        tpu.yield
      }) : () -> ()
      %convert_element_type3A_199 = arith.extui %lt3A_54 : i1 to i32
      %cond3A_200 = arith.constant 0 : i32
      %cond3A_201 = arith.cmpi ne, %convert_element_type3A_199, %cond3A_200 : i32
      scf.if %cond3A_201 {
        %dma_start3A_202 = arith.constant 1 : i32
        %dma_start3A_203 = arith.constant 0 : i32
        %dma_start3A_204 = tpu.memref_slice %arg7[%rem3A_50, %dma_start3A_202, %dma_start3A_203] : memref<2x10x125xi32, #tpu.memory_space<vmem>> -> memref<1x1x125xi32, #tpu.memory_space<vmem>>
        %dma_start3A_205 = tpu.memref_squeeze %dma_start3A_204 : memref<1x1x125xi32, #tpu.memory_space<vmem>> -> memref<125xi32, #tpu.memory_space<vmem>>
        %dma_start3A_206 = arith.constant 0 : i32
        %dma_start3A_207 = arith.constant 0 : i32
        %dma_start3A_208 = tpu.memref_slice %arg2[%dma_start3A_206, %dma_start3A_207] : memref<10000x128xf32, #tpu.memory_space<hbm>> -> memref<10000x128xf32, #tpu.memory_space<hbm>>
        tpu.enqueue_indirect_dma source(%dma_start3A_208 : memref<10000x128xf32, #tpu.memory_space<hbm>>) target(%arg10 : memref<125x128xf32, #tpu.memory_space<vmem>>) offsets(%dma_start3A_205 : memref<125xi32, #tpu.memory_space<vmem>>) semaphore(%arg13 : memref<!tpu.dma_semaphore, #tpu.memory_space<semaphore_mem>>)
      } else {
      }
    }
    %scan3A_39 = arith.constant 8 : i32
    %barrier3A_40 = arith.constant 0 : index
    tpu.barrier barrier_id(%barrier3A_40)
    %mul3A_41 = arith.constant 632 : i32
    %mul3A_42 = arith.muli %arg1, %mul3A_41 : i32
    %mul3A_43 = arith.constant 632 : i32
    %mul3A_44 = arith.muli %arg1, %mul3A_43 : i32
    "tpu.region"() ({
      %run_scoped3A_45 = tpu.sem_alloc : memref<!tpu.dma_semaphore, #tpu.memory_space<semaphore_mem>>
      %dma_start3A_46 = arith.constant 0 : i32
      %dma_start3A_47 = tpu.memref_slice %arg6[%arg0, %mul3A_44, %dma_start3A_46] : memref<2x10112x128xf32, #tpu.memory_space<hbm>> -> memref<1x632x128xf32, #tpu.memory_space<hbm>>
      %dma_start3A_48 = tpu.memref_squeeze %dma_start3A_47 : memref<1x632x128xf32, #tpu.memory_space<hbm>> -> memref<632x128xf32, #tpu.memory_space<hbm>>
      %dma_start3A_49 = arith.constant 0 : i32
      %dma_start3A_50 = tpu.memref_slice %arg11[%mul3A_42, %dma_start3A_49] : memref<10112x128xf32, #tpu.memory_space<vmem_shared>> -> memref<632x128xf32, #tpu.memory_space<vmem_shared>>
      tpu.enqueue_dma source(%dma_start3A_50 : memref<632x128xf32, #tpu.memory_space<vmem_shared>>) target(%dma_start3A_48 : memref<632x128xf32, #tpu.memory_space<hbm>>) target_semaphore(%run_scoped3A_45 : memref<!tpu.dma_semaphore, #tpu.memory_space<semaphore_mem>>)
      %dma_wait3A = arith.constant 0 : i32
      %dma_wait3A_51 = tpu.memref_slice %arg6[%arg0, %mul3A_44, %dma_wait3A] : memref<2x10112x128xf32, #tpu.memory_space<hbm>> -> memref<1x632x128xf32, #tpu.memory_space<hbm>>
      %dma_wait3A_52 = tpu.memref_squeeze %dma_wait3A_51 : memref<1x632x128xf32, #tpu.memory_space<hbm>> -> memref<632x128xf32, #tpu.memory_space<hbm>>
      %dma_wait3A_53 = arith.constant 0 : i32
      %dma_wait3A_54 = tpu.memref_slice %arg11[%mul3A_42, %dma_wait3A_53] : memref<10112x128xf32, #tpu.memory_space<vmem_shared>> -> memref<632x128xf32, #tpu.memory_space<vmem_shared>>
      tpu.wait_dma2 semaphore(%run_scoped3A_45 : memref<!tpu.dma_semaphore, #tpu.memory_space<semaphore_mem>>) src(%dma_wait3A_54 : memref<632x128xf32, #tpu.memory_space<vmem_shared>>) dst(%dma_wait3A_52 : memref<632x128xf32, #tpu.memory_space<hbm>>)
      tpu.yield
    }) : () -> ()
    return
  }
}

#map = affine_map<(d0, d1) -> (0, 0, 0)>
module attributes {stable_mosaic.version = 14 : i64} {
  func.func @k(%arg0: i32, %arg1: i32, %arg2: memref<32x625x16xi32, #tpu.memory_space<hbm>>, %arg3: memref<1x1x10240xf32, #tpu.memory_space<hbm>>, %arg4: memref<32x1x10240xf32, #tpu.memory_space<hbm>>, %arg5: memref<625x16xi32, #tpu.memory_space<vmem>>, %arg6: memref<10240xf32, #tpu.memory_space<vmem>>) attributes {dimension_semantics = [#tpu.dimension_semantics<core_parallel>, #tpu.dimension_semantics<subcore_parallel>], iteration_bounds = array<i64: 2, 16>, scalar_prefetch = 0 : i64, scratch_operands = 2 : i64, tpu.core_type = #tpu.core_type<sc_vector_subcore>, window_params = [{transform_indices = #map}, {transform_indices = #map}, {transform_indices = #map}]} {
    %mul3A = arith.constant 16 : i32
    %mul3A_0 = arith.muli %arg0, %mul3A : i32
    %add3A = arith.addi %mul3A_0, %arg1 : i32
    "tpu.region"() ({
      %run_scoped3A_9 = tpu.sem_alloc : memref<!tpu.dma_semaphore, #tpu.memory_space<semaphore_mem>>
      %dma_start3A = arith.constant 0 : i32
      %dma_start3A_10 = arith.constant 0 : i32
      %dma_start3A_11 = tpu.memref_slice %arg2[%add3A, %dma_start3A, %dma_start3A_10] : memref<32x625x16xi32, #tpu.memory_space<hbm>> -> memref<1x625x16xi32, #tpu.memory_space<hbm>>
      %dma_start3A_12 = tpu.memref_squeeze %dma_start3A_11 : memref<1x625x16xi32, #tpu.memory_space<hbm>> -> memref<625x16xi32, #tpu.memory_space<hbm>>
      %dma_start3A_13 = arith.constant 0 : i32
      %dma_start3A_14 = arith.constant 0 : i32
      %dma_start3A_15 = tpu.memref_slice %arg2[%add3A, %dma_start3A_13, %dma_start3A_14] : memref<32x625x16xi32, #tpu.memory_space<hbm>> -> memref<1x625x16xi32, #tpu.memory_space<hbm>>
      %dma_start3A_16 = tpu.memref_squeeze %dma_start3A_15 : memref<1x625x16xi32, #tpu.memory_space<hbm>> -> memref<625x16xi32, #tpu.memory_space<hbm>>
      tpu.enqueue_dma source(%dma_start3A_16 : memref<625x16xi32, #tpu.memory_space<hbm>>) target(%arg5 : memref<625x16xi32, #tpu.memory_space<vmem>>) target_semaphore(%run_scoped3A_9 : memref<!tpu.dma_semaphore, #tpu.memory_space<semaphore_mem>>)
      %dma_wait3A = arith.constant 0 : i32
      %dma_wait3A_17 = arith.constant 0 : i32
      %dma_wait3A_18 = tpu.memref_slice %arg2[%add3A, %dma_wait3A, %dma_wait3A_17] : memref<32x625x16xi32, #tpu.memory_space<hbm>> -> memref<1x625x16xi32, #tpu.memory_space<hbm>>
      %dma_wait3A_19 = tpu.memref_squeeze %dma_wait3A_18 : memref<1x625x16xi32, #tpu.memory_space<hbm>> -> memref<625x16xi32, #tpu.memory_space<hbm>>
      %dma_wait3A_20 = arith.constant 0 : i32
      %dma_wait3A_21 = arith.constant 0 : i32
      %dma_wait3A_22 = tpu.memref_slice %arg2[%add3A, %dma_wait3A_20, %dma_wait3A_21] : memref<32x625x16xi32, #tpu.memory_space<hbm>> -> memref<1x625x16xi32, #tpu.memory_space<hbm>>
      %dma_wait3A_23 = tpu.memref_squeeze %dma_wait3A_22 : memref<1x625x16xi32, #tpu.memory_space<hbm>> -> memref<625x16xi32, #tpu.memory_space<hbm>>
      tpu.wait_dma2 semaphore(%run_scoped3A_9 : memref<!tpu.dma_semaphore, #tpu.memory_space<semaphore_mem>>) src(%dma_wait3A_23 : memref<625x16xi32, #tpu.memory_space<hbm>>) dst(%arg5 : memref<625x16xi32, #tpu.memory_space<vmem>>)
      tpu.yield
    }) : () -> ()
    %run_scoped3A = arith.constant 0 : i32
    %run_scoped3A_1 = arith.constant 0 : i32
    "tpu.region"() ({
      %run_scoped3A_9 = tpu.sem_alloc : memref<!tpu.dma_semaphore, #tpu.memory_space<semaphore_mem>>
      %dma_start3A = arith.constant 0 : i32
      %dma_start3A_10 = tpu.memref_slice %arg3[%run_scoped3A, %run_scoped3A_1, %dma_start3A] : memref<1x1x10240xf32, #tpu.memory_space<hbm>> -> memref<1x1x10240xf32, #tpu.memory_space<hbm>>
      %dma_start3A_11 = tpu.memref_squeeze %dma_start3A_10 : memref<1x1x10240xf32, #tpu.memory_space<hbm>> -> memref<10240xf32, #tpu.memory_space<hbm>>
      %dma_start3A_12 = arith.constant 0 : i32
      %dma_start3A_13 = tpu.memref_slice %arg3[%run_scoped3A, %run_scoped3A_1, %dma_start3A_12] : memref<1x1x10240xf32, #tpu.memory_space<hbm>> -> memref<1x1x10240xf32, #tpu.memory_space<hbm>>
      %dma_start3A_14 = tpu.memref_squeeze %dma_start3A_13 : memref<1x1x10240xf32, #tpu.memory_space<hbm>> -> memref<10240xf32, #tpu.memory_space<hbm>>
      tpu.enqueue_dma source(%dma_start3A_14 : memref<10240xf32, #tpu.memory_space<hbm>>) target(%arg6 : memref<10240xf32, #tpu.memory_space<vmem>>) target_semaphore(%run_scoped3A_9 : memref<!tpu.dma_semaphore, #tpu.memory_space<semaphore_mem>>)
      %dma_wait3A = arith.constant 0 : i32
      %dma_wait3A_15 = tpu.memref_slice %arg3[%run_scoped3A, %run_scoped3A_1, %dma_wait3A] : memref<1x1x10240xf32, #tpu.memory_space<hbm>> -> memref<1x1x10240xf32, #tpu.memory_space<hbm>>
      %dma_wait3A_16 = tpu.memref_squeeze %dma_wait3A_15 : memref<1x1x10240xf32, #tpu.memory_space<hbm>> -> memref<10240xf32, #tpu.memory_space<hbm>>
      %dma_wait3A_17 = arith.constant 0 : i32
      %dma_wait3A_18 = tpu.memref_slice %arg3[%run_scoped3A, %run_scoped3A_1, %dma_wait3A_17] : memref<1x1x10240xf32, #tpu.memory_space<hbm>> -> memref<1x1x10240xf32, #tpu.memory_space<hbm>>
      %dma_wait3A_19 = tpu.memref_squeeze %dma_wait3A_18 : memref<1x1x10240xf32, #tpu.memory_space<hbm>> -> memref<10240xf32, #tpu.memory_space<hbm>>
      tpu.wait_dma2 semaphore(%run_scoped3A_9 : memref<!tpu.dma_semaphore, #tpu.memory_space<semaphore_mem>>) src(%dma_wait3A_19 : memref<10240xf32, #tpu.memory_space<hbm>>) dst(%arg6 : memref<10240xf32, #tpu.memory_space<vmem>>)
      tpu.yield
    }) : () -> ()
    %broadcast_in_dim3A = arith.constant 1.000000e+00 : f32
    %broadcast_in_dim3A_2 = vector.broadcast %broadcast_in_dim3A : f32 to vector<16xf32>
    %scan3A = arith.constant 0 : i32
    %scan3A_3 = arith.constant 0 : i32
    %scan3A_4 = arith.constant 625 : i32
    %scan3A_5 = arith.addi %scan3A_3, %scan3A_4 : i32
    %scan3A_6 = arith.constant 1 : i32
    scf.for %scan3A_9 = %scan3A_3 to %scan3A_5 step %scan3A_6  : i32 {
      %get3A = arith.index_cast %scan3A_9 : i32 to index
      %get3A_10 = arith.constant 0 : index
      %get3A_11 = tpu.vector_load %arg5[%get3A, %get3A_10] {strides = array<i32>} : memref<625x16xi32, #tpu.memory_space<vmem>>, vector<16xi32>,
      tpu.vector_store_idx %arg6[%get3A_11], %broadcast_in_dim3A_2 {add = true} : memref<10240xf32, #tpu.memory_space<vmem>>[vector<16xi32>], vector<16xf32>,
    }
    %scan3A_7 = arith.constant 625 : i32
    %run_scoped3A_8 = arith.constant 0 : i32
    "tpu.region"() ({
      %run_scoped3A_9 = tpu.sem_alloc : memref<!tpu.dma_semaphore, #tpu.memory_space<semaphore_mem>>
      %dma_start3A = arith.constant 0 : i32
      %dma_start3A_10 = tpu.memref_slice %arg4[%add3A, %run_scoped3A_8, %dma_start3A] : memref<32x1x10240xf32, #tpu.memory_space<hbm>> -> memref<1x1x10240xf32, #tpu.memory_space<hbm>>
      %dma_start3A_11 = tpu.memref_squeeze %dma_start3A_10 : memref<1x1x10240xf32, #tpu.memory_space<hbm>> -> memref<10240xf32, #tpu.memory_space<hbm>>
      %dma_start3A_12 = arith.constant 0 : i32
      %dma_start3A_13 = tpu.memref_slice %arg4[%add3A, %run_scoped3A_8, %dma_start3A_12] : memref<32x1x10240xf32, #tpu.memory_space<hbm>> -> memref<1x1x10240xf32, #tpu.memory_space<hbm>>
      %dma_start3A_14 = tpu.memref_squeeze %dma_start3A_13 : memref<1x1x10240xf32, #tpu.memory_space<hbm>> -> memref<10240xf32, #tpu.memory_space<hbm>>
      tpu.enqueue_dma source(%arg6 : memref<10240xf32, #tpu.memory_space<vmem>>) target(%dma_start3A_14 : memref<10240xf32, #tpu.memory_space<hbm>>) target_semaphore(%run_scoped3A_9 : memref<!tpu.dma_semaphore, #tpu.memory_space<semaphore_mem>>)
      %dma_wait3A = arith.constant 0 : i32
      %dma_wait3A_15 = tpu.memref_slice %arg4[%add3A, %run_scoped3A_8, %dma_wait3A] : memref<32x1x10240xf32, #tpu.memory_space<hbm>> -> memref<1x1x10240xf32, #tpu.memory_space<hbm>>
      %dma_wait3A_16 = tpu.memref_squeeze %dma_wait3A_15 : memref<1x1x10240xf32, #tpu.memory_space<hbm>> -> memref<10240xf32, #tpu.memory_space<hbm>>
      %dma_wait3A_17 = arith.constant 0 : i32
      %dma_wait3A_18 = tpu.memref_slice %arg4[%add3A, %run_scoped3A_8, %dma_wait3A_17] : memref<32x1x10240xf32, #tpu.memory_space<hbm>> -> memref<1x1x10240xf32, #tpu.memory_space<hbm>>
      %dma_wait3A_19 = tpu.memref_squeeze %dma_wait3A_18 : memref<1x1x10240xf32, #tpu.memory_space<hbm>> -> memref<10240xf32, #tpu.memory_space<hbm>>
      tpu.wait_dma2 semaphore(%run_scoped3A_9 : memref<!tpu.dma_semaphore, #tpu.memory_space<semaphore_mem>>) src(%arg6 : memref<10240xf32, #tpu.memory_space<vmem>>) dst(%dma_wait3A_19 : memref<10240xf32, #tpu.memory_space<hbm>>)
      tpu.yield
    }) : () -> ()
    return
  }
}

#map = affine_map<(d0, d1) -> (0, 0)>
#map1 = affine_map<(d0, d1) -> (0, 0, 0, 0)>
#map2 = affine_map<(d0, d1) -> (0, 0, 0)>
module attributes {stable_mosaic.version = 14 : i64} {
  func.func @k(%arg0: i32, %arg1: i32, %arg2: memref<10000x128xf32, #tpu.memory_space<hbm>>, %arg3: memref<32x8x10x125xi32, #tpu.memory_space<hbm>>, %arg4: memref<32x8x10x125xi32, #tpu.memory_space<hbm>>, %arg5: memref<10112x128xf32, #tpu.memory_space<hbm>>, %arg6: memref<2x10112x128xf32, #tpu.memory_space<hbm>>, %arg7: memref<2x10x125xi32, #tpu.memory_space<vmem>>, %arg8: memref<2x10x125xi32, #tpu.memory_space<vmem>>, %arg9: memref<125x128xf32, #tpu.memory_space<vmem>>, %arg10: memref<125x128xf32, #tpu.memory_space<vmem>>, %arg11: memref<10112x128xf32, #tpu.memory_space<vmem_shared>>, %arg12: memref<!tpu.dma_semaphore, #tpu.memory_space<semaphore_mem>>, %arg13: memref<!tpu.dma_semaphore, #tpu.memory_space<semaphore_mem>>, %arg14: memref<!tpu.dma_semaphore, #tpu.memory_space<semaphore_mem>>, %arg15: memref<!tpu.dma_semaphore, #tpu.memory_space<semaphore_mem>>) attributes {dimension_semantics = [#tpu.dimension_semantics<core_parallel>, #tpu.dimension_semantics<subcore_parallel>], iteration_bounds = array<i64: 2, 16>, scalar_prefetch = 0 : i64, scratch_operands = 9 : i64, tpu.core_type = #tpu.core_type<sc_vector_subcore>, window_params = [{transform_indices = #map}, {transform_indices = #map1}, {transform_indices = #map1}, {transform_indices = #map}, {transform_indices = #map2}]} {
    %mul3A = arith.constant 16 : i32
    %mul3A_0 = arith.muli %arg0, %mul3A : i32
    %add3A = arith.addi %mul3A_0, %arg1 : i32
    %run_scoped3A = arith.constant 0 : i32
    %run_scoped3A_1 = arith.constant 0 : i32
    "tpu.region"() ({
      %run_scoped3A_45 = tpu.sem_alloc : memref<!tpu.dma_semaphore, #tpu.memory_space<semaphore_mem>>
      %dma_start3A_46 = arith.constant 0 : i32
      %dma_start3A_47 = arith.constant 0 : i32
      %dma_start3A_48 = tpu.memref_slice %arg7[%run_scoped3A_1, %dma_start3A_46, %dma_start3A_47] : memref<2x10x125xi32, #tpu.memory_space<vmem>> -> memref<1x10x125xi32, #tpu.memory_space<vmem>>
      %dma_start3A_49 = tpu.memref_squeeze %dma_start3A_48 : memref<1x10x125xi32, #tpu.memory_space<vmem>> -> memref<10x125xi32, #tpu.memory_space<vmem>>
      %dma_start3A_50 = arith.constant 0 : i32
      %dma_start3A_51 = arith.constant 0 : i32
      %dma_start3A_52 = tpu.memref_slice %arg3[%add3A, %run_scoped3A, %dma_start3A_50, %dma_start3A_51] : memref<32x8x10x125xi32, #tpu.memory_space<hbm>> -> memref<1x1x10x125xi32, #tpu.memory_space<hbm>>
      %dma_start3A_53 = tpu.memref_squeeze %dma_start3A_52 : memref<1x1x10x125xi32, #tpu.memory_space<hbm>> -> memref<10x125xi32, #tpu.memory_space<hbm>>
      %dma_start3A_54 = arith.constant 0 : i32
      %dma_start3A_55 = arith.constant 0 : i32
      %dma_start3A_56 = tpu.memref_slice %arg7[%run_scoped3A_1, %dma_start3A_54, %dma_start3A_55] : memref<2x10x125xi32, #tpu.memory_space<vmem>> -> memref<1x10x125xi32, #tpu.memory_space<vmem>>
      %dma_start3A_57 = tpu.memref_squeeze %dma_start3A_56 : memref<1x10x125xi32, #tpu.memory_space<vmem>> -> memref<10x125xi32, #tpu.memory_space<vmem>>
      %dma_start3A_58 = arith.constant 0 : i32
      %dma_start3A_59 = arith.constant 0 : i32
      %dma_start3A_60 = tpu.memref_slice %arg3[%add3A, %run_scoped3A, %dma_start3A_58, %dma_start3A_59] : memref<32x8x10x125xi32, #tpu.memory_space<hbm>> -> memref<1x1x10x125xi32, #tpu.memory_space<hbm>>
      %dma_start3A_61 = tpu.memref_squeeze %dma_start3A_60 : memref<1x1x10x125xi32, #tpu.memory_space<hbm>> -> memref<10x125xi32, #tpu.memory_space<hbm>>
      tpu.enqueue_dma source(%dma_start3A_61 : memref<10x125xi32, #tpu.memory_space<hbm>>) target(%dma_start3A_57 : memref<10x125xi32, #tpu.memory_space<vmem>>) target_semaphore(%run_scoped3A_45 : memref<!tpu.dma_semaphore, #tpu.memory_space<semaphore_mem>>)
      %dma_wait3A = arith.constant 0 : i32
      %dma_wait3A_62 = arith.constant 0 : i32
      %dma_wait3A_63 = tpu.memref_slice %arg7[%run_scoped3A_1, %dma_wait3A, %dma_wait3A_62] : memref<2x10x125xi32, #tpu.memory_space<vmem>> -> memref<1x10x125xi32, #tpu.memory_space<vmem>>
      %dma_wait3A_64 = tpu.memref_squeeze %dma_wait3A_63 : memref<1x10x125xi32, #tpu.memory_space<vmem>> -> memref<10x125xi32, #tpu.memory_space<vmem>>
      %dma_wait3A_65 = arith.constant 0 : i32
      %dma_wait3A_66 = arith.constant 0 : i32
      %dma_wait3A_67 = tpu.memref_slice %arg3[%add3A, %run_scoped3A, %dma_wait3A_65, %dma_wait3A_66] : memref<32x8x10x125xi32, #tpu.memory_space<hbm>> -> memref<1x1x10x125xi32, #tpu.memory_space<hbm>>
      %dma_wait3A_68 = tpu.memref_squeeze %dma_wait3A_67 : memref<1x1x10x125xi32, #tpu.memory_space<hbm>> -> memref<10x125xi32, #tpu.memory_space<hbm>>
      %dma_wait3A_69 = arith.constant 0 : i32
      %dma_wait3A_70 = arith.constant 0 : i32
      %dma_wait3A_71 = tpu.memref_slice %arg7[%run_scoped3A_1, %dma_wait3A_69, %dma_wait3A_70] : memref<2x10x125xi32, #tpu.memory_space<vmem>> -> memref<1x10x125xi32, #tpu.memory_space<vmem>>
      %dma_wait3A_72 = tpu.memref_squeeze %dma_wait3A_71 : memref<1x10x125xi32, #tpu.memory_space<vmem>> -> memref<10x125xi32, #tpu.memory_space<vmem>>
      %dma_wait3A_73 = arith.constant 0 : i32
      %dma_wait3A_74 = arith.constant 0 : i32
      %dma_wait3A_75 = tpu.memref_slice %arg3[%add3A, %run_scoped3A, %dma_wait3A_73, %dma_wait3A_74] : memref<32x8x10x125xi32, #tpu.memory_space<hbm>> -> memref<1x1x10x125xi32, #tpu.memory_space<hbm>>
      %dma_wait3A_76 = tpu.memref_squeeze %dma_wait3A_75 : memref<1x1x10x125xi32, #tpu.memory_space<hbm>> -> memref<10x125xi32, #tpu.memory_space<hbm>>
      tpu.wait_dma2 semaphore(%run_scoped3A_45 : memref<!tpu.dma_semaphore, #tpu.memory_space<semaphore_mem>>) src(%dma_wait3A_76 : memref<10x125xi32, #tpu.memory_space<hbm>>) dst(%dma_wait3A_72 : memref<10x125xi32, #tpu.memory_space<vmem>>)
      tpu.yield
    }) : () -> ()
    %run_scoped3A_2 = arith.constant 0 : i32
    %run_scoped3A_3 = arith.constant 0 : i32
    "tpu.region"() ({
      %run_scoped3A_45 = tpu.sem_alloc : memref<!tpu.dma_semaphore, #tpu.memory_space<semaphore_mem>>
      %dma_start3A_46 = arith.constant 0 : i32
      %dma_start3A_47 = arith.constant 0 : i32
      %dma_start3A_48 = tpu.memref_slice %arg8[%run_scoped3A_3, %dma_start3A_46, %dma_start3A_47] : memref<2x10x125xi32, #tpu.memory_space<vmem>> -> memref<1x10x125xi32, #tpu.memory_space<vmem>>
      %dma_start3A_49 = tpu.memref_squeeze %dma_start3A_48 : memref<1x10x125xi32, #tpu.memory_space<vmem>> -> memref<10x125xi32, #tpu.memory_space<vmem>>
      %dma_start3A_50 = arith.constant 0 : i32
      %dma_start3A_51 = arith.constant 0 : i32
      %dma_start3A_52 = tpu.memref_slice %arg4[%add3A, %run_scoped3A_2, %dma_start3A_50, %dma_start3A_51] : memref<32x8x10x125xi32, #tpu.memory_space<hbm>> -> memref<1x1x10x125xi32, #tpu.memory_space<hbm>>
      %dma_start3A_53 = tpu.memref_squeeze %dma_start3A_52 : memref<1x1x10x125xi32, #tpu.memory_space<hbm>> -> memref<10x125xi32, #tpu.memory_space<hbm>>
      %dma_start3A_54 = arith.constant 0 : i32
      %dma_start3A_55 = arith.constant 0 : i32
      %dma_start3A_56 = tpu.memref_slice %arg8[%run_scoped3A_3, %dma_start3A_54, %dma_start3A_55] : memref<2x10x125xi32, #tpu.memory_space<vmem>> -> memref<1x10x125xi32, #tpu.memory_space<vmem>>
      %dma_start3A_57 = tpu.memref_squeeze %dma_start3A_56 : memref<1x10x125xi32, #tpu.memory_space<vmem>> -> memref<10x125xi32, #tpu.memory_space<vmem>>
      %dma_start3A_58 = arith.constant 0 : i32
      %dma_start3A_59 = arith.constant 0 : i32
      %dma_start3A_60 = tpu.memref_slice %arg4[%add3A, %run_scoped3A_2, %dma_start3A_58, %dma_start3A_59] : memref<32x8x10x125xi32, #tpu.memory_space<hbm>> -> memref<1x1x10x125xi32, #tpu.memory_space<hbm>>
      %dma_start3A_61 = tpu.memref_squeeze %dma_start3A_60 : memref<1x1x10x125xi32, #tpu.memory_space<hbm>> -> memref<10x125xi32, #tpu.memory_space<hbm>>
      tpu.enqueue_dma source(%dma_start3A_61 : memref<10x125xi32, #tpu.memory_space<hbm>>) target(%dma_start3A_57 : memref<10x125xi32, #tpu.memory_space<vmem>>) target_semaphore(%run_scoped3A_45 : memref<!tpu.dma_semaphore, #tpu.memory_space<semaphore_mem>>)
      %dma_wait3A = arith.constant 0 : i32
      %dma_wait3A_62 = arith.constant 0 : i32
      %dma_wait3A_63 = tpu.memref_slice %arg8[%run_scoped3A_3, %dma_wait3A, %dma_wait3A_62] : memref<2x10x125xi32, #tpu.memory_space<vmem>> -> memref<1x10x125xi32, #tpu.memory_space<vmem>>
      %dma_wait3A_64 = tpu.memref_squeeze %dma_wait3A_63 : memref<1x10x125xi32, #tpu.memory_space<vmem>> -> memref<10x125xi32, #tpu.memory_space<vmem>>
      %dma_wait3A_65 = arith.constant 0 : i32
      %dma_wait3A_66 = arith.constant 0 : i32
      %dma_wait3A_67 = tpu.memref_slice %arg4[%add3A, %run_scoped3A_2, %dma_wait3A_65, %dma_wait3A_66] : memref<32x8x10x125xi32, #tpu.memory_space<hbm>> -> memref<1x1x10x125xi32, #tpu.memory_space<hbm>>
      %dma_wait3A_68 = tpu.memref_squeeze %dma_wait3A_67 : memref<1x1x10x125xi32, #tpu.memory_space<hbm>> -> memref<10x125xi32, #tpu.memory_space<hbm>>
      %dma_wait3A_69 = arith.constant 0 : i32
      %dma_wait3A_70 = arith.constant 0 : i32
      %dma_wait3A_71 = tpu.memref_slice %arg8[%run_scoped3A_3, %dma_wait3A_69, %dma_wait3A_70] : memref<2x10x125xi32, #tpu.memory_space<vmem>> -> memref<1x10x125xi32, #tpu.memory_space<vmem>>
      %dma_wait3A_72 = tpu.memref_squeeze %dma_wait3A_71 : memref<1x10x125xi32, #tpu.memory_space<vmem>> -> memref<10x125xi32, #tpu.memory_space<vmem>>
      %dma_wait3A_73 = arith.constant 0 : i32
      %dma_wait3A_74 = arith.constant 0 : i32
      %dma_wait3A_75 = tpu.memref_slice %arg4[%add3A, %run_scoped3A_2, %dma_wait3A_73, %dma_wait3A_74] : memref<32x8x10x125xi32, #tpu.memory_space<hbm>> -> memref<1x1x10x125xi32, #tpu.memory_space<hbm>>
      %dma_wait3A_76 = tpu.memref_squeeze %dma_wait3A_75 : memref<1x1x10x125xi32, #tpu.memory_space<hbm>> -> memref<10x125xi32, #tpu.memory_space<hbm>>
      tpu.wait_dma2 semaphore(%run_scoped3A_45 : memref<!tpu.dma_semaphore, #tpu.memory_space<semaphore_mem>>) src(%dma_wait3A_76 : memref<10x125xi32, #tpu.memory_space<hbm>>) dst(%dma_wait3A_72 : memref<10x125xi32, #tpu.memory_space<vmem>>)
      tpu.yield
    }) : () -> ()
    %eq3A = arith.constant 0 : i32
    %eq3A_4 = arith.cmpi eq, %arg0, %eq3A : i32
    %lt3A = arith.constant 15 : i32
    %lt3A_5 = arith.cmpi slt, %arg1, %lt3A : i32
    %and3A = arith.andi %eq3A_4, %lt3A_5 : i1
    %convert_element_type3A = arith.extui %and3A : i1 to i32
    %cond3A = arith.constant 0 : i32
    %cond3A_6 = arith.cmpi ne, %convert_element_type3A, %cond3A : i32
    scf.if %cond3A_6 {
      %mul3A_45 = arith.constant 632 : i32
      %mul3A_46 = arith.muli %arg1, %mul3A_45 : i32
      %mul3A_47 = arith.constant 632 : i32
      %mul3A_48 = arith.muli %arg1, %mul3A_47 : i32
      "tpu.region"() ({
        %run_scoped3A_49 = tpu.sem_alloc : memref<!tpu.dma_semaphore, #tpu.memory_space<semaphore_mem>>
        %dma_start3A_50 = arith.constant 0 : i32
        %dma_start3A_51 = tpu.memref_slice %arg11[%mul3A_48, %dma_start3A_50] : memref<10112x128xf32, #tpu.memory_space<vmem_shared>> -> memref<632x128xf32, #tpu.memory_space<vmem_shared>>
        %dma_start3A_52 = arith.constant 0 : i32
        %dma_start3A_53 = tpu.memref_slice %arg2[%mul3A_46, %dma_start3A_52] : memref<10000x128xf32, #tpu.memory_space<hbm>> -> memref<632x128xf32, #tpu.memory_space<hbm>>
        tpu.enqueue_dma source(%dma_start3A_53 : memref<632x128xf32, #tpu.memory_space<hbm>>) target(%dma_start3A_51 : memref<632x128xf32, #tpu.memory_space<vmem_shared>>) target_semaphore(%run_scoped3A_49 : memref<!tpu.dma_semaphore, #tpu.memory_space<semaphore_mem>>)
        %dma_wait3A = arith.constant 0 : i32
        %dma_wait3A_54 = tpu.memref_slice %arg11[%mul3A_48, %dma_wait3A] : memref<10112x128xf32, #tpu.memory_space<vmem_shared>> -> memref<632x128xf32, #tpu.memory_space<vmem_shared>>
        %dma_wait3A_55 = arith.constant 0 : i32
        %dma_wait3A_56 = tpu.memref_slice %arg2[%mul3A_46, %dma_wait3A_55] : memref<10000x128xf32, #tpu.memory_space<hbm>> -> memref<632x128xf32, #tpu.memory_space<hbm>>
        tpu.wait_dma2 semaphore(%run_scoped3A_49 : memref<!tpu.dma_semaphore, #tpu.memory_space<semaphore_mem>>) src(%dma_wait3A_56 : memref<632x128xf32, #tpu.memory_space<hbm>>) dst(%dma_wait3A_54 : memref<632x128xf32, #tpu.memory_space<vmem_shared>>)
        tpu.yield
      }) : () -> ()
    } else {
    }
    %eq3A_7 = arith.constant 0 : i32
    %eq3A_8 = arith.cmpi eq, %arg0, %eq3A_7 : i32
    %eq3A_9 = arith.constant 15 : i32
    %eq3A_10 = arith.cmpi eq, %arg1, %eq3A_9 : i32
    %and3A_11 = arith.andi %eq3A_8, %eq3A_10 : i1
    %convert_element_type3A_12 = arith.extui %and3A_11 : i1 to i32
    %cond3A_13 = arith.constant 0 : i32
    %cond3A_14 = arith.cmpi ne, %convert_element_type3A_12, %cond3A_13 : i32
    scf.if %cond3A_14 {
      "tpu.region"() ({
        %run_scoped3A_45 = tpu.sem_alloc : memref<!tpu.dma_semaphore, #tpu.memory_space<semaphore_mem>>
        %dma_start3A_46 = arith.constant 9480 : i32
        %dma_start3A_47 = arith.constant 0 : i32
        %dma_start3A_48 = tpu.memref_slice %arg11[%dma_start3A_46, %dma_start3A_47] : memref<10112x128xf32, #tpu.memory_space<vmem_shared>> -> memref<520x128xf32, #tpu.memory_space<vmem_shared>>
        %dma_start3A_49 = arith.constant 9480 : i32
        %dma_start3A_50 = arith.constant 0 : i32
        %dma_start3A_51 = tpu.memref_slice %arg2[%dma_start3A_49, %dma_start3A_50] : memref<10000x128xf32, #tpu.memory_space<hbm>> -> memref<520x128xf32, #tpu.memory_space<hbm>>
        tpu.enqueue_dma source(%dma_start3A_51 : memref<520x128xf32, #tpu.memory_space<hbm>>) target(%dma_start3A_48 : memref<520x128xf32, #tpu.memory_space<vmem_shared>>) target_semaphore(%run_scoped3A_45 : memref<!tpu.dma_semaphore, #tpu.memory_space<semaphore_mem>>)
        %dma_wait3A = arith.constant 9480 : i32
        %dma_wait3A_52 = arith.constant 0 : i32
        %dma_wait3A_53 = tpu.memref_slice %arg11[%dma_wait3A, %dma_wait3A_52] : memref<10112x128xf32, #tpu.memory_space<vmem_shared>> -> memref<520x128xf32, #tpu.memory_space<vmem_shared>>
        %dma_wait3A_54 = arith.constant 9480 : i32
        %dma_wait3A_55 = arith.constant 0 : i32
        %dma_wait3A_56 = tpu.memref_slice %arg2[%dma_wait3A_54, %dma_wait3A_55] : memref<10000x128xf32, #tpu.memory_space<hbm>> -> memref<520x128xf32, #tpu.memory_space<hbm>>
        tpu.wait_dma2 semaphore(%run_scoped3A_45 : memref<!tpu.dma_semaphore, #tpu.memory_space<semaphore_mem>>) src(%dma_wait3A_56 : memref<520x128xf32, #tpu.memory_space<hbm>>) dst(%dma_wait3A_53 : memref<520x128xf32, #tpu.memory_space<vmem_shared>>)
        tpu.yield
      }) : () -> ()
      "tpu.region"() ({
        %run_scoped3A_45 = tpu.sem_alloc : memref<!tpu.dma_semaphore, #tpu.memory_space<semaphore_mem>>
        %dma_start3A_46 = arith.constant 10000 : i32
        %dma_start3A_47 = arith.constant 0 : i32
        %dma_start3A_48 = tpu.memref_slice %arg11[%dma_start3A_46, %dma_start3A_47] : memref<10112x128xf32, #tpu.memory_space<vmem_shared>> -> memref<112x128xf32, #tpu.memory_space<vmem_shared>>
        %dma_start3A_49 = arith.constant 0 : i32
        %dma_start3A_50 = arith.constant 0 : i32
        %dma_start3A_51 = tpu.memref_slice %arg5[%dma_start3A_49, %dma_start3A_50] : memref<10112x128xf32, #tpu.memory_space<hbm>> -> memref<112x128xf32, #tpu.memory_space<hbm>>
        tpu.enqueue_dma source(%dma_start3A_51 : memref<112x128xf32, #tpu.memory_space<hbm>>) target(%dma_start3A_48 : memref<112x128xf32, #tpu.memory_space<vmem_shared>>) target_semaphore(%run_scoped3A_45 : memref<!tpu.dma_semaphore, #tpu.memory_space<semaphore_mem>>)
        %dma_wait3A = arith.constant 10000 : i32
        %dma_wait3A_52 = arith.constant 0 : i32
        %dma_wait3A_53 = tpu.memref_slice %arg11[%dma_wait3A, %dma_wait3A_52] : memref<10112x128xf32, #tpu.memory_space<vmem_shared>> -> memref<112x128xf32, #tpu.memory_space<vmem_shared>>
        %dma_wait3A_54 = arith.constant 0 : i32
        %dma_wait3A_55 = arith.constant 0 : i32
        %dma_wait3A_56 = tpu.memref_slice %arg5[%dma_wait3A_54, %dma_wait3A_55] : memref<10112x128xf32, #tpu.memory_space<hbm>> -> memref<112x128xf32, #tpu.memory_space<hbm>>
        tpu.wait_dma2 semaphore(%run_scoped3A_45 : memref<!tpu.dma_semaphore, #tpu.memory_space<semaphore_mem>>) src(%dma_wait3A_56 : memref<112x128xf32, #tpu.memory_space<hbm>>) dst(%dma_wait3A_53 : memref<112x128xf32, #tpu.memory_space<vmem_shared>>)
        tpu.yield
      }) : () -> ()
    } else {
    }
    %eq3A_15 = arith.constant 1 : i32
    %eq3A_16 = arith.cmpi eq, %arg0, %eq3A_15 : i32
    %convert_element_type3A_17 = arith.extui %eq3A_16 : i1 to i32
    %cond3A_18 = arith.constant 0 : i32
    %cond3A_19 = arith.cmpi ne, %convert_element_type3A_17, %cond3A_18 : i32
    scf.if %cond3A_19 {
      %mul3A_45 = arith.constant 632 : i32
      %mul3A_46 = arith.muli %arg1, %mul3A_45 : i32
      %mul3A_47 = arith.constant 632 : i32
      %mul3A_48 = arith.muli %arg1, %mul3A_47 : i32
      "tpu.region"() ({
        %run_scoped3A_49 = tpu.sem_alloc : memref<!tpu.dma_semaphore, #tpu.memory_space<semaphore_mem>>
        %dma_start3A_50 = arith.constant 0 : i32
        %dma_start3A_51 = tpu.memref_slice %arg11[%mul3A_48, %dma_start3A_50] : memref<10112x128xf32, #tpu.memory_space<vmem_shared>> -> memref<632x128xf32, #tpu.memory_space<vmem_shared>>
        %dma_start3A_52 = arith.constant 0 : i32
        %dma_start3A_53 = tpu.memref_slice %arg5[%mul3A_46, %dma_start3A_52] : memref<10112x128xf32, #tpu.memory_space<hbm>> -> memref<632x128xf32, #tpu.memory_space<hbm>>
        tpu.enqueue_dma source(%dma_start3A_53 : memref<632x128xf32, #tpu.memory_space<hbm>>) target(%dma_start3A_51 : memref<632x128xf32, #tpu.memory_space<vmem_shared>>) target_semaphore(%run_scoped3A_49 : memref<!tpu.dma_semaphore, #tpu.memory_space<semaphore_mem>>)
        %dma_wait3A = arith.constant 0 : i32
        %dma_wait3A_54 = tpu.memref_slice %arg11[%mul3A_48, %dma_wait3A] : memref<10112x128xf32, #tpu.memory_space<vmem_shared>> -> memref<632x128xf32, #tpu.memory_space<vmem_shared>>
        %dma_wait3A_55 = arith.constant 0 : i32
        %dma_wait3A_56 = tpu.memref_slice %arg5[%mul3A_46, %dma_wait3A_55] : memref<10112x128xf32, #tpu.memory_space<hbm>> -> memref<632x128xf32, #tpu.memory_space<hbm>>
        tpu.wait_dma2 semaphore(%run_scoped3A_49 : memref<!tpu.dma_semaphore, #tpu.memory_space<semaphore_mem>>) src(%dma_wait3A_56 : memref<632x128xf32, #tpu.memory_space<hbm>>) dst(%dma_wait3A_54 : memref<632x128xf32, #tpu.memory_space<vmem_shared>>)
        tpu.yield
      }) : () -> ()
    } else {
    }
    %barrier3A = arith.constant 0 : index
    tpu.barrier barrier_id(%barrier3A)
    %dma_start3A = arith.constant 0 : i32
    %dma_start3A_20 = arith.constant 0 : i32
    %dma_start3A_21 = arith.constant 0 : i32
    %dma_start3A_22 = tpu.memref_slice %arg7[%dma_start3A, %dma_start3A_20, %dma_start3A_21] : memref<2x10x125xi32, #tpu.memory_space<vmem>> -> memref<1x1x125xi32, #tpu.memory_space<vmem>>
    %dma_start3A_23 = tpu.memref_squeeze %dma_start3A_22 : memref<1x1x125xi32, #tpu.memory_space<vmem>> -> memref<125xi32, #tpu.memory_space<vmem>>
    %dma_start3A_24 = arith.constant 0 : i32
    %dma_start3A_25 = arith.constant 0 : i32
    %dma_start3A_26 = tpu.memref_slice %arg2[%dma_start3A_24, %dma_start3A_25] : memref<10000x128xf32, #tpu.memory_space<hbm>> -> memref<10000x128xf32, #tpu.memory_space<hbm>>
    tpu.enqueue_indirect_dma source(%dma_start3A_26 : memref<10000x128xf32, #tpu.memory_space<hbm>>) target(%arg9 : memref<125x128xf32, #tpu.memory_space<vmem>>) offsets(%dma_start3A_23 : memref<125xi32, #tpu.memory_space<vmem>>) semaphore(%arg12 : memref<!tpu.dma_semaphore, #tpu.memory_space<semaphore_mem>>)
    %dma_start3A_27 = arith.constant 0 : i32
    %dma_start3A_28 = arith.constant 1 : i32
    %dma_start3A_29 = arith.constant 0 : i32
    %dma_start3A_30 = tpu.memref_slice %arg7[%dma_start3A_27, %dma_start3A_28, %dma_start3A_29] : memref<2x10x125xi32, #tpu.memory_space<vmem>> -> memref<1x1x125xi32, #tpu.memory_space<vmem>>
    %dma_start3A_31 = tpu.memref_squeeze %dma_start3A_30 : memref<1x1x125xi32, #tpu.memory_space<vmem>> -> memref<125xi32, #tpu.memory_space<vmem>>
    %dma_start3A_32 = arith.constant 0 : i32
    %dma_start3A_33 = arith.constant 0 : i32
    %dma_start3A_34 = tpu.memref_slice %arg2[%dma_start3A_32, %dma_start3A_33] : memref<10000x128xf32, #tpu.memory_space<hbm>> -> memref<10000x128xf32, #tpu.memory_space<hbm>>
    tpu.enqueue_indirect_dma source(%dma_start3A_34 : memref<10000x128xf32, #tpu.memory_space<hbm>>) target(%arg10 : memref<125x128xf32, #tpu.memory_space<vmem>>) offsets(%dma_start3A_31 : memref<125xi32, #tpu.memory_space<vmem>>) semaphore(%arg13 : memref<!tpu.dma_semaphore, #tpu.memory_space<semaphore_mem>>)
    %scan3A = arith.constant 0 : i32
    %scan3A_35 = arith.constant 0 : i32
    %scan3A_36 = arith.constant 8 : i32
    %scan3A_37 = arith.addi %scan3A_35, %scan3A_36 : i32
    %scan3A_38 = arith.constant 1 : i32
    scf.for %scan3A_45 = %scan3A_35 to %scan3A_37 step %scan3A_38  : i32 {
      %rem3A = arith.constant 2 : i32
      %rem3A_46 = arith.remsi %scan3A_45, %rem3A : i32
      %add3A_47 = arith.constant 1 : i32
      %add3A_48 = arith.addi %scan3A_45, %add3A_47 : i32
      %rem3A_49 = arith.constant 2 : i32
      %rem3A_50 = arith.remsi %add3A_48, %rem3A_49 : i32
      %add3A_51 = arith.constant 1 : i32
      %add3A_52 = arith.addi %scan3A_45, %add3A_51 : i32
      %lt3A_53 = arith.constant 8 : i32
      %lt3A_54 = arith.cmpi slt, %add3A_52, %lt3A_53 : i32
      %convert_element_type3A_55 = arith.extui %lt3A_54 : i1 to i32
      %cond3A_56 = arith.constant 0 : i32
      %cond3A_57 = arith.cmpi ne, %convert_element_type3A_55, %cond3A_56 : i32
      scf.if %cond3A_57 {
        %add3A_202 = arith.constant 1 : i32
        %add3A_203 = arith.addi %scan3A_45, %add3A_202 : i32
        %dma_start3A_204 = arith.constant 0 : i32
        %dma_start3A_205 = arith.constant 0 : i32
        %dma_start3A_206 = tpu.memref_slice %arg7[%rem3A_50, %dma_start3A_204, %dma_start3A_205] : memref<2x10x125xi32, #tpu.memory_space<vmem>> -> memref<1x10x125xi32, #tpu.memory_space<vmem>>
        %dma_start3A_207 = tpu.memref_squeeze %dma_start3A_206 : memref<1x10x125xi32, #tpu.memory_space<vmem>> -> memref<10x125xi32, #tpu.memory_space<vmem>>
        %dma_start3A_208 = arith.constant 0 : i32
        %dma_start3A_209 = arith.constant 0 : i32
        %dma_start3A_210 = tpu.memref_slice %arg3[%add3A, %add3A_203, %dma_start3A_208, %dma_start3A_209] : memref<32x8x10x125xi32, #tpu.memory_space<hbm>> -> memref<1x1x10x125xi32, #tpu.memory_space<hbm>>
        %dma_start3A_211 = tpu.memref_squeeze %dma_start3A_210 : memref<1x1x10x125xi32, #tpu.memory_space<hbm>> -> memref<10x125xi32, #tpu.memory_space<hbm>>
        %dma_start3A_212 = arith.constant 0 : i32
        %dma_start3A_213 = arith.constant 0 : i32
        %dma_start3A_214 = tpu.memref_slice %arg7[%rem3A_50, %dma_start3A_212, %dma_start3A_213] : memref<2x10x125xi32, #tpu.memory_space<vmem>> -> memref<1x10x125xi32, #tpu.memory_space<vmem>>
        %dma_start3A_215 = tpu.memref_squeeze %dma_start3A_214 : memref<1x10x125xi32, #tpu.memory_space<vmem>> -> memref<10x125xi32, #tpu.memory_space<vmem>>
        %dma_start3A_216 = arith.constant 0 : i32
        %dma_start3A_217 = arith.constant 0 : i32
        %dma_start3A_218 = tpu.memref_slice %arg3[%add3A, %add3A_203, %dma_start3A_216, %dma_start3A_217] : memref<32x8x10x125xi32, #tpu.memory_space<hbm>> -> memref<1x1x10x125xi32, #tpu.memory_space<hbm>>
        %dma_start3A_219 = tpu.memref_squeeze %dma_start3A_218 : memref<1x1x10x125xi32, #tpu.memory_space<hbm>> -> memref<10x125xi32, #tpu.memory_space<hbm>>
        tpu.enqueue_dma source(%dma_start3A_219 : memref<10x125xi32, #tpu.memory_space<hbm>>) target(%dma_start3A_215 : memref<10x125xi32, #tpu.memory_space<vmem>>) target_semaphore(%arg14 : memref<!tpu.dma_semaphore, #tpu.memory_space<semaphore_mem>>)
        %add3A_220 = arith.constant 1 : i32
        %add3A_221 = arith.addi %scan3A_45, %add3A_220 : i32
        %dma_start3A_222 = arith.constant 0 : i32
        %dma_start3A_223 = arith.constant 0 : i32
        %dma_start3A_224 = tpu.memref_slice %arg8[%rem3A_50, %dma_start3A_222, %dma_start3A_223] : memref<2x10x125xi32, #tpu.memory_space<vmem>> -> memref<1x10x125xi32, #tpu.memory_space<vmem>>
        %dma_start3A_225 = tpu.memref_squeeze %dma_start3A_224 : memref<1x10x125xi32, #tpu.memory_space<vmem>> -> memref<10x125xi32, #tpu.memory_space<vmem>>
        %dma_start3A_226 = arith.constant 0 : i32
        %dma_start3A_227 = arith.constant 0 : i32
        %dma_start3A_228 = tpu.memref_slice %arg4[%add3A, %add3A_221, %dma_start3A_226, %dma_start3A_227] : memref<32x8x10x125xi32, #tpu.memory_space<hbm>> -> memref<1x1x10x125xi32, #tpu.memory_space<hbm>>
        %dma_start3A_229 = tpu.memref_squeeze %dma_start3A_228 : memref<1x1x10x125xi32, #tpu.memory_space<hbm>> -> memref<10x125xi32, #tpu.memory_space<hbm>>
        %dma_start3A_230 = arith.constant 0 : i32
        %dma_start3A_231 = arith.constant 0 : i32
        %dma_start3A_232 = tpu.memref_slice %arg8[%rem3A_50, %dma_start3A_230, %dma_start3A_231] : memref<2x10x125xi32, #tpu.memory_space<vmem>> -> memref<1x10x125xi32, #tpu.memory_space<vmem>>
        %dma_start3A_233 = tpu.memref_squeeze %dma_start3A_232 : memref<1x10x125xi32, #tpu.memory_space<vmem>> -> memref<10x125xi32, #tpu.memory_space<vmem>>
        %dma_start3A_234 = arith.constant 0 : i32
        %dma_start3A_235 = arith.constant 0 : i32
        %dma_start3A_236 = tpu.memref_slice %arg4[%add3A, %add3A_221, %dma_start3A_234, %dma_start3A_235] : memref<32x8x10x125xi32, #tpu.memory_space<hbm>> -> memref<1x1x10x125xi32, #tpu.memory_space<hbm>>
        %dma_start3A_237 = tpu.memref_squeeze %dma_start3A_236 : memref<1x1x10x125xi32, #tpu.memory_space<hbm>> -> memref<10x125xi32, #tpu.memory_space<hbm>>
        tpu.enqueue_dma source(%dma_start3A_237 : memref<10x125xi32, #tpu.memory_space<hbm>>) target(%dma_start3A_233 : memref<10x125xi32, #tpu.memory_space<vmem>>) target_semaphore(%arg15 : memref<!tpu.dma_semaphore, #tpu.memory_space<semaphore_mem>>)
      } else {
      }
      %dma_wait3A = arith.constant 0 : i32
      %dma_wait3A_58 = arith.constant 0 : i32
      %dma_wait3A_59 = tpu.memref_slice %arg7[%rem3A_46, %dma_wait3A, %dma_wait3A_58] : memref<2x10x125xi32, #tpu.memory_space<vmem>> -> memref<1x1x125xi32, #tpu.memory_space<vmem>>
      %dma_wait3A_60 = tpu.memref_squeeze %dma_wait3A_59 : memref<1x1x125xi32, #tpu.memory_space<vmem>> -> memref<125xi32, #tpu.memory_space<vmem>>
      %dma_wait3A_61 = arith.constant 0 : i32
      %dma_wait3A_62 = arith.constant 0 : i32
      %dma_wait3A_63 = tpu.memref_slice %arg2[%dma_wait3A_61, %dma_wait3A_62] : memref<10000x128xf32, #tpu.memory_space<hbm>> -> memref<10000x128xf32, #tpu.memory_space<hbm>>
      tpu.wait_indirect_dma semaphore(%arg12 : memref<!tpu.dma_semaphore, #tpu.memory_space<semaphore_mem>>) src(%dma_wait3A_63 : memref<10000x128xf32, #tpu.memory_space<hbm>>) dst(%arg9 : memref<125x128xf32, #tpu.memory_space<vmem>>)
      %run_scoped3A_64 = arith.constant 0 : i32
      "tpu.region"() ({
        %run_scoped3A_202 = tpu.sem_alloc : memref<!tpu.dma_semaphore, #tpu.memory_space<semaphore_mem>>
        %dma_start3A_203 = arith.constant 0 : i32
        %dma_start3A_204 = tpu.memref_slice %arg8[%rem3A_46, %run_scoped3A_64, %dma_start3A_203] : memref<2x10x125xi32, #tpu.memory_space<vmem>> -> memref<1x1x125xi32, #tpu.memory_space<vmem>>
        %dma_start3A_205 = tpu.memref_squeeze %dma_start3A_204 : memref<1x1x125xi32, #tpu.memory_space<vmem>> -> memref<125xi32, #tpu.memory_space<vmem>>
        %dma_start3A_206 = arith.constant 0 : i32
        %dma_start3A_207 = arith.constant 0 : i32
        %dma_start3A_208 = tpu.memref_slice %arg11[%dma_start3A_206, %dma_start3A_207] : memref<10112x128xf32, #tpu.memory_space<vmem_shared>> -> memref<10112x128xf32, #tpu.memory_space<vmem_shared>>
        tpu.enqueue_indirect_dma source(%arg9 : memref<125x128xf32, #tpu.memory_space<vmem>>) target(%dma_start3A_208 : memref<10112x128xf32, #tpu.memory_space<vmem_shared>>) offsets(%dma_start3A_205 : memref<125xi32, #tpu.memory_space<vmem>>) semaphore(%run_scoped3A_202 : memref<!tpu.dma_semaphore, #tpu.memory_space<semaphore_mem>>) {add = true}
        %dma_wait3A_209 = arith.constant 0 : i32
        %dma_wait3A_210 = tpu.memref_slice %arg8[%rem3A_46, %run_scoped3A_64, %dma_wait3A_209] : memref<2x10x125xi32, #tpu.memory_space<vmem>> -> memref<1x1x125xi32, #tpu.memory_space<vmem>>
        %dma_wait3A_211 = tpu.memref_squeeze %dma_wait3A_210 : memref<1x1x125xi32, #tpu.memory_space<vmem>> -> memref<125xi32, #tpu.memory_space<vmem>>
        %dma_wait3A_212 = arith.constant 0 : i32
        %dma_wait3A_213 = arith.constant 0 : i32
        %dma_wait3A_214 = tpu.memref_slice %arg11[%dma_wait3A_212, %dma_wait3A_213] : memref<10112x128xf32, #tpu.memory_space<vmem_shared>> -> memref<10112x128xf32, #tpu.memory_space<vmem_shared>>
        tpu.wait_indirect_dma semaphore(%run_scoped3A_202 : memref<!tpu.dma_semaphore, #tpu.memory_space<semaphore_mem>>) src(%arg9 : memref<125x128xf32, #tpu.memory_space<vmem>>) dst(%dma_wait3A_214 : memref<10112x128xf32, #tpu.memory_space<vmem_shared>>)
        tpu.yield
      }) : () -> ()
      %dma_start3A_65 = arith.constant 2 : i32
      %dma_start3A_66 = arith.constant 0 : i32
      %dma_start3A_67 = tpu.memref_slice %arg7[%rem3A_46, %dma_start3A_65, %dma_start3A_66] : memref<2x10x125xi32, #tpu.memory_space<vmem>> -> memref<1x1x125xi32, #tpu.memory_space<vmem>>
      %dma_start3A_68 = tpu.memref_squeeze %dma_start3A_67 : memref<1x1x125xi32, #tpu.memory_space<vmem>> -> memref<125xi32, #tpu.memory_space<vmem>>
      %dma_start3A_69 = arith.constant 0 : i32
      %dma_start3A_70 = arith.constant 0 : i32
      %dma_start3A_71 = tpu.memref_slice %arg2[%dma_start3A_69, %dma_start3A_70] : memref<10000x128xf32, #tpu.memory_space<hbm>> -> memref<10000x128xf32, #tpu.memory_space<hbm>>
      tpu.enqueue_indirect_dma source(%dma_start3A_71 : memref<10000x128xf32, #tpu.memory_space<hbm>>) target(%arg9 : memref<125x128xf32, #tpu.memory_space<vmem>>) offsets(%dma_start3A_68 : memref<125xi32, #tpu.memory_space<vmem>>) semaphore(%arg12 : memref<!tpu.dma_semaphore, #tpu.memory_space<semaphore_mem>>)
      %dma_wait3A_72 = arith.constant 1 : i32
      %dma_wait3A_73 = arith.constant 0 : i32
      %dma_wait3A_74 = tpu.memref_slice %arg7[%rem3A_46, %dma_wait3A_72, %dma_wait3A_73] : memref<2x10x125xi32, #tpu.memory_space<vmem>> -> memref<1x1x125xi32, #tpu.memory_space<vmem>>
      %dma_wait3A_75 = tpu.memref_squeeze %dma_wait3A_74 : memref<1x1x125xi32, #tpu.memory_space<vmem>> -> memref<125xi32, #tpu.memory_space<vmem>>
      %dma_wait3A_76 = arith.constant 0 : i32
      %dma_wait3A_77 = arith.constant 0 : i32
      %dma_wait3A_78 = tpu.memref_slice %arg2[%dma_wait3A_76, %dma_wait3A_77] : memref<10000x128xf32, #tpu.memory_space<hbm>> -> memref<10000x128xf32, #tpu.memory_space<hbm>>
      tpu.wait_indirect_dma semaphore(%arg13 : memref<!tpu.dma_semaphore, #tpu.memory_space<semaphore_mem>>) src(%dma_wait3A_78 : memref<10000x128xf32, #tpu.memory_space<hbm>>) dst(%arg10 : memref<125x128xf32, #tpu.memory_space<vmem>>)
      %run_scoped3A_79 = arith.constant 1 : i32
      "tpu.region"() ({
        %run_scoped3A_202 = tpu.sem_alloc : memref<!tpu.dma_semaphore, #tpu.memory_space<semaphore_mem>>
        %dma_start3A_203 = arith.constant 0 : i32
        %dma_start3A_204 = tpu.memref_slice %arg8[%rem3A_46, %run_scoped3A_79, %dma_start3A_203] : memref<2x10x125xi32, #tpu.memory_space<vmem>> -> memref<1x1x125xi32, #tpu.memory_space<vmem>>
        %dma_start3A_205 = tpu.memref_squeeze %dma_start3A_204 : memref<1x1x125xi32, #tpu.memory_space<vmem>> -> memref<125xi32, #tpu.memory_space<vmem>>
        %dma_start3A_206 = arith.constant 0 : i32
        %dma_start3A_207 = arith.constant 0 : i32
        %dma_start3A_208 = tpu.memref_slice %arg11[%dma_start3A_206, %dma_start3A_207] : memref<10112x128xf32, #tpu.memory_space<vmem_shared>> -> memref<10112x128xf32, #tpu.memory_space<vmem_shared>>
        tpu.enqueue_indirect_dma source(%arg10 : memref<125x128xf32, #tpu.memory_space<vmem>>) target(%dma_start3A_208 : memref<10112x128xf32, #tpu.memory_space<vmem_shared>>) offsets(%dma_start3A_205 : memref<125xi32, #tpu.memory_space<vmem>>) semaphore(%run_scoped3A_202 : memref<!tpu.dma_semaphore, #tpu.memory_space<semaphore_mem>>) {add = true}
        %dma_wait3A_209 = arith.constant 0 : i32
        %dma_wait3A_210 = tpu.memref_slice %arg8[%rem3A_46, %run_scoped3A_79, %dma_wait3A_209] : memref<2x10x125xi32, #tpu.memory_space<vmem>> -> memref<1x1x125xi32, #tpu.memory_space<vmem>>
        %dma_wait3A_211 = tpu.memref_squeeze %dma_wait3A_210 : memref<1x1x125xi32, #tpu.memory_space<vmem>> -> memref<125xi32, #tpu.memory_space<vmem>>
        %dma_wait3A_212 = arith.constant 0 : i32
        %dma_wait3A_213 = arith.constant 0 : i32
        %dma_wait3A_214 = tpu.memref_slice %arg11[%dma_wait3A_212, %dma_wait3A_213] : memref<10112x128xf32, #tpu.memory_space<vmem_shared>> -> memref<10112x128xf32, #tpu.memory_space<vmem_shared>>
        tpu.wait_indirect_dma semaphore(%run_scoped3A_202 : memref<!tpu.dma_semaphore, #tpu.memory_space<semaphore_mem>>) src(%arg10 : memref<125x128xf32, #tpu.memory_space<vmem>>) dst(%dma_wait3A_214 : memref<10112x128xf32, #tpu.memory_space<vmem_shared>>)
        tpu.yield
      }) : () -> ()
      %dma_start3A_80 = arith.constant 3 : i32
      %dma_start3A_81 = arith.constant 0 : i32
      %dma_start3A_82 = tpu.memref_slice %arg7[%rem3A_46, %dma_start3A_80, %dma_start3A_81] : memref<2x10x125xi32, #tpu.memory_space<vmem>> -> memref<1x1x125xi32, #tpu.memory_space<vmem>>
      %dma_start3A_83 = tpu.memref_squeeze %dma_start3A_82 : memref<1x1x125xi32, #tpu.memory_space<vmem>> -> memref<125xi32, #tpu.memory_space<vmem>>
      %dma_start3A_84 = arith.constant 0 : i32
      %dma_start3A_85 = arith.constant 0 : i32
      %dma_start3A_86 = tpu.memref_slice %arg2[%dma_start3A_84, %dma_start3A_85] : memref<10000x128xf32, #tpu.memory_space<hbm>> -> memref<10000x128xf32, #tpu.memory_space<hbm>>
      tpu.enqueue_indirect_dma source(%dma_start3A_86 : memref<10000x128xf32, #tpu.memory_space<hbm>>) target(%arg10 : memref<125x128xf32, #tpu.memory_space<vmem>>) offsets(%dma_start3A_83 : memref<125xi32, #tpu.memory_space<vmem>>) semaphore(%arg13 : memref<!tpu.dma_semaphore, #tpu.memory_space<semaphore_mem>>)
      %dma_wait3A_87 = arith.constant 2 : i32
      %dma_wait3A_88 = arith.constant 0 : i32
      %dma_wait3A_89 = tpu.memref_slice %arg7[%rem3A_46, %dma_wait3A_87, %dma_wait3A_88] : memref<2x10x125xi32, #tpu.memory_space<vmem>> -> memref<1x1x125xi32, #tpu.memory_space<vmem>>
      %dma_wait3A_90 = tpu.memref_squeeze %dma_wait3A_89 : memref<1x1x125xi32, #tpu.memory_space<vmem>> -> memref<125xi32, #tpu.memory_space<vmem>>
      %dma_wait3A_91 = arith.constant 0 : i32
      %dma_wait3A_92 = arith.constant 0 : i32
      %dma_wait3A_93 = tpu.memref_slice %arg2[%dma_wait3A_91, %dma_wait3A_92] : memref<10000x128xf32, #tpu.memory_space<hbm>> -> memref<10000x128xf32, #tpu.memory_space<hbm>>
      tpu.wait_indirect_dma semaphore(%arg12 : memref<!tpu.dma_semaphore, #tpu.memory_space<semaphore_mem>>) src(%dma_wait3A_93 : memref<10000x128xf32, #tpu.memory_space<hbm>>) dst(%arg9 : memref<125x128xf32, #tpu.memory_space<vmem>>)
      %run_scoped3A_94 = arith.constant 2 : i32
      "tpu.region"() ({
        %run_scoped3A_202 = tpu.sem_alloc : memref<!tpu.dma_semaphore, #tpu.memory_space<semaphore_mem>>
        %dma_start3A_203 = arith.constant 0 : i32
        %dma_start3A_204 = tpu.memref_slice %arg8[%rem3A_46, %run_scoped3A_94, %dma_start3A_203] : memref<2x10x125xi32, #tpu.memory_space<vmem>> -> memref<1x1x125xi32, #tpu.memory_space<vmem>>
        %dma_start3A_205 = tpu.memref_squeeze %dma_start3A_204 : memref<1x1x125xi32, #tpu.memory_space<vmem>> -> memref<125xi32, #tpu.memory_space<vmem>>
        %dma_start3A_206 = arith.constant 0 : i32
        %dma_start3A_207 = arith.constant 0 : i32
        %dma_start3A_208 = tpu.memref_slice %arg11[%dma_start3A_206, %dma_start3A_207] : memref<10112x128xf32, #tpu.memory_space<vmem_shared>> -> memref<10112x128xf32, #tpu.memory_space<vmem_shared>>
        tpu.enqueue_indirect_dma source(%arg9 : memref<125x128xf32, #tpu.memory_space<vmem>>) target(%dma_start3A_208 : memref<10112x128xf32, #tpu.memory_space<vmem_shared>>) offsets(%dma_start3A_205 : memref<125xi32, #tpu.memory_space<vmem>>) semaphore(%run_scoped3A_202 : memref<!tpu.dma_semaphore, #tpu.memory_space<semaphore_mem>>) {add = true}
        %dma_wait3A_209 = arith.constant 0 : i32
        %dma_wait3A_210 = tpu.memref_slice %arg8[%rem3A_46, %run_scoped3A_94, %dma_wait3A_209] : memref<2x10x125xi32, #tpu.memory_space<vmem>> -> memref<1x1x125xi32, #tpu.memory_space<vmem>>
        %dma_wait3A_211 = tpu.memref_squeeze %dma_wait3A_210 : memref<1x1x125xi32, #tpu.memory_space<vmem>> -> memref<125xi32, #tpu.memory_space<vmem>>
        %dma_wait3A_212 = arith.constant 0 : i32
        %dma_wait3A_213 = arith.constant 0 : i32
        %dma_wait3A_214 = tpu.memref_slice %arg11[%dma_wait3A_212, %dma_wait3A_213] : memref<10112x128xf32, #tpu.memory_space<vmem_shared>> -> memref<10112x128xf32, #tpu.memory_space<vmem_shared>>
        tpu.wait_indirect_dma semaphore(%run_scoped3A_202 : memref<!tpu.dma_semaphore, #tpu.memory_space<semaphore_mem>>) src(%arg9 : memref<125x128xf32, #tpu.memory_space<vmem>>) dst(%dma_wait3A_214 : memref<10112x128xf32, #tpu.memory_space<vmem_shared>>)
        tpu.yield
      }) : () -> ()
      %dma_start3A_95 = arith.constant 4 : i32
      %dma_start3A_96 = arith.constant 0 : i32
      %dma_start3A_97 = tpu.memref_slice %arg7[%rem3A_46, %dma_start3A_95, %dma_start3A_96] : memref<2x10x125xi32, #tpu.memory_space<vmem>> -> memref<1x1x125xi32, #tpu.memory_space<vmem>>
      %dma_start3A_98 = tpu.memref_squeeze %dma_start3A_97 : memref<1x1x125xi32, #tpu.memory_space<vmem>> -> memref<125xi32, #tpu.memory_space<vmem>>
      %dma_start3A_99 = arith.constant 0 : i32
      %dma_start3A_100 = arith.constant 0 : i32
      %dma_start3A_101 = tpu.memref_slice %arg2[%dma_start3A_99, %dma_start3A_100] : memref<10000x128xf32, #tpu.memory_space<hbm>> -> memref<10000x128xf32, #tpu.memory_space<hbm>>
      tpu.enqueue_indirect_dma source(%dma_start3A_101 : memref<10000x128xf32, #tpu.memory_space<hbm>>) target(%arg9 : memref<125x128xf32, #tpu.memory_space<vmem>>) offsets(%dma_start3A_98 : memref<125xi32, #tpu.memory_space<vmem>>) semaphore(%arg12 : memref<!tpu.dma_semaphore, #tpu.memory_space<semaphore_mem>>)
      %dma_wait3A_102 = arith.constant 3 : i32
      %dma_wait3A_103 = arith.constant 0 : i32
      %dma_wait3A_104 = tpu.memref_slice %arg7[%rem3A_46, %dma_wait3A_102, %dma_wait3A_103] : memref<2x10x125xi32, #tpu.memory_space<vmem>> -> memref<1x1x125xi32, #tpu.memory_space<vmem>>
      %dma_wait3A_105 = tpu.memref_squeeze %dma_wait3A_104 : memref<1x1x125xi32, #tpu.memory_space<vmem>> -> memref<125xi32, #tpu.memory_space<vmem>>
      %dma_wait3A_106 = arith.constant 0 : i32
      %dma_wait3A_107 = arith.constant 0 : i32
      %dma_wait3A_108 = tpu.memref_slice %arg2[%dma_wait3A_106, %dma_wait3A_107] : memref<10000x128xf32, #tpu.memory_space<hbm>> -> memref<10000x128xf32, #tpu.memory_space<hbm>>
      tpu.wait_indirect_dma semaphore(%arg13 : memref<!tpu.dma_semaphore, #tpu.memory_space<semaphore_mem>>) src(%dma_wait3A_108 : memref<10000x128xf32, #tpu.memory_space<hbm>>) dst(%arg10 : memref<125x128xf32, #tpu.memory_space<vmem>>)
      %run_scoped3A_109 = arith.constant 3 : i32
      "tpu.region"() ({
        %run_scoped3A_202 = tpu.sem_alloc : memref<!tpu.dma_semaphore, #tpu.memory_space<semaphore_mem>>
        %dma_start3A_203 = arith.constant 0 : i32
        %dma_start3A_204 = tpu.memref_slice %arg8[%rem3A_46, %run_scoped3A_109, %dma_start3A_203] : memref<2x10x125xi32, #tpu.memory_space<vmem>> -> memref<1x1x125xi32, #tpu.memory_space<vmem>>
        %dma_start3A_205 = tpu.memref_squeeze %dma_start3A_204 : memref<1x1x125xi32, #tpu.memory_space<vmem>> -> memref<125xi32, #tpu.memory_space<vmem>>
        %dma_start3A_206 = arith.constant 0 : i32
        %dma_start3A_207 = arith.constant 0 : i32
        %dma_start3A_208 = tpu.memref_slice %arg11[%dma_start3A_206, %dma_start3A_207] : memref<10112x128xf32, #tpu.memory_space<vmem_shared>> -> memref<10112x128xf32, #tpu.memory_space<vmem_shared>>
        tpu.enqueue_indirect_dma source(%arg10 : memref<125x128xf32, #tpu.memory_space<vmem>>) target(%dma_start3A_208 : memref<10112x128xf32, #tpu.memory_space<vmem_shared>>) offsets(%dma_start3A_205 : memref<125xi32, #tpu.memory_space<vmem>>) semaphore(%run_scoped3A_202 : memref<!tpu.dma_semaphore, #tpu.memory_space<semaphore_mem>>) {add = true}
        %dma_wait3A_209 = arith.constant 0 : i32
        %dma_wait3A_210 = tpu.memref_slice %arg8[%rem3A_46, %run_scoped3A_109, %dma_wait3A_209] : memref<2x10x125xi32, #tpu.memory_space<vmem>> -> memref<1x1x125xi32, #tpu.memory_space<vmem>>
        %dma_wait3A_211 = tpu.memref_squeeze %dma_wait3A_210 : memref<1x1x125xi32, #tpu.memory_space<vmem>> -> memref<125xi32, #tpu.memory_space<vmem>>
        %dma_wait3A_212 = arith.constant 0 : i32
        %dma_wait3A_213 = arith.constant 0 : i32
        %dma_wait3A_214 = tpu.memref_slice %arg11[%dma_wait3A_212, %dma_wait3A_213] : memref<10112x128xf32, #tpu.memory_space<vmem_shared>> -> memref<10112x128xf32, #tpu.memory_space<vmem_shared>>
        tpu.wait_indirect_dma semaphore(%run_scoped3A_202 : memref<!tpu.dma_semaphore, #tpu.memory_space<semaphore_mem>>) src(%arg10 : memref<125x128xf32, #tpu.memory_space<vmem>>) dst(%dma_wait3A_214 : memref<10112x128xf32, #tpu.memory_space<vmem_shared>>)
        tpu.yield
      }) : () -> ()
      %dma_start3A_110 = arith.constant 5 : i32
      %dma_start3A_111 = arith.constant 0 : i32
      %dma_start3A_112 = tpu.memref_slice %arg7[%rem3A_46, %dma_start3A_110, %dma_start3A_111] : memref<2x10x125xi32, #tpu.memory_space<vmem>> -> memref<1x1x125xi32, #tpu.memory_space<vmem>>
      %dma_start3A_113 = tpu.memref_squeeze %dma_start3A_112 : memref<1x1x125xi32, #tpu.memory_space<vmem>> -> memref<125xi32, #tpu.memory_space<vmem>>
      %dma_start3A_114 = arith.constant 0 : i32
      %dma_start3A_115 = arith.constant 0 : i32
      %dma_start3A_116 = tpu.memref_slice %arg2[%dma_start3A_114, %dma_start3A_115] : memref<10000x128xf32, #tpu.memory_space<hbm>> -> memref<10000x128xf32, #tpu.memory_space<hbm>>
      tpu.enqueue_indirect_dma source(%dma_start3A_116 : memref<10000x128xf32, #tpu.memory_space<hbm>>) target(%arg10 : memref<125x128xf32, #tpu.memory_space<vmem>>) offsets(%dma_start3A_113 : memref<125xi32, #tpu.memory_space<vmem>>) semaphore(%arg13 : memref<!tpu.dma_semaphore, #tpu.memory_space<semaphore_mem>>)
      %dma_wait3A_117 = arith.constant 4 : i32
      %dma_wait3A_118 = arith.constant 0 : i32
      %dma_wait3A_119 = tpu.memref_slice %arg7[%rem3A_46, %dma_wait3A_117, %dma_wait3A_118] : memref<2x10x125xi32, #tpu.memory_space<vmem>> -> memref<1x1x125xi32, #tpu.memory_space<vmem>>
      %dma_wait3A_120 = tpu.memref_squeeze %dma_wait3A_119 : memref<1x1x125xi32, #tpu.memory_space<vmem>> -> memref<125xi32, #tpu.memory_space<vmem>>
      %dma_wait3A_121 = arith.constant 0 : i32
      %dma_wait3A_122 = arith.constant 0 : i32
      %dma_wait3A_123 = tpu.memref_slice %arg2[%dma_wait3A_121, %dma_wait3A_122] : memref<10000x128xf32, #tpu.memory_space<hbm>> -> memref<10000x128xf32, #tpu.memory_space<hbm>>
      tpu.wait_indirect_dma semaphore(%arg12 : memref<!tpu.dma_semaphore, #tpu.memory_space<semaphore_mem>>) src(%dma_wait3A_123 : memref<10000x128xf32, #tpu.memory_space<hbm>>) dst(%arg9 : memref<125x128xf32, #tpu.memory_space<vmem>>)
      %run_scoped3A_124 = arith.constant 4 : i32
      "tpu.region"() ({
        %run_scoped3A_202 = tpu.sem_alloc : memref<!tpu.dma_semaphore, #tpu.memory_space<semaphore_mem>>
        %dma_start3A_203 = arith.constant 0 : i32
        %dma_start3A_204 = tpu.memref_slice %arg8[%rem3A_46, %run_scoped3A_124, %dma_start3A_203] : memref<2x10x125xi32, #tpu.memory_space<vmem>> -> memref<1x1x125xi32, #tpu.memory_space<vmem>>
        %dma_start3A_205 = tpu.memref_squeeze %dma_start3A_204 : memref<1x1x125xi32, #tpu.memory_space<vmem>> -> memref<125xi32, #tpu.memory_space<vmem>>
        %dma_start3A_206 = arith.constant 0 : i32
        %dma_start3A_207 = arith.constant 0 : i32
        %dma_start3A_208 = tpu.memref_slice %arg11[%dma_start3A_206, %dma_start3A_207] : memref<10112x128xf32, #tpu.memory_space<vmem_shared>> -> memref<10112x128xf32, #tpu.memory_space<vmem_shared>>
        tpu.enqueue_indirect_dma source(%arg9 : memref<125x128xf32, #tpu.memory_space<vmem>>) target(%dma_start3A_208 : memref<10112x128xf32, #tpu.memory_space<vmem_shared>>) offsets(%dma_start3A_205 : memref<125xi32, #tpu.memory_space<vmem>>) semaphore(%run_scoped3A_202 : memref<!tpu.dma_semaphore, #tpu.memory_space<semaphore_mem>>) {add = true}
        %dma_wait3A_209 = arith.constant 0 : i32
        %dma_wait3A_210 = tpu.memref_slice %arg8[%rem3A_46, %run_scoped3A_124, %dma_wait3A_209] : memref<2x10x125xi32, #tpu.memory_space<vmem>> -> memref<1x1x125xi32, #tpu.memory_space<vmem>>
        %dma_wait3A_211 = tpu.memref_squeeze %dma_wait3A_210 : memref<1x1x125xi32, #tpu.memory_space<vmem>> -> memref<125xi32, #tpu.memory_space<vmem>>
        %dma_wait3A_212 = arith.constant 0 : i32
        %dma_wait3A_213 = arith.constant 0 : i32
        %dma_wait3A_214 = tpu.memref_slice %arg11[%dma_wait3A_212, %dma_wait3A_213] : memref<10112x128xf32, #tpu.memory_space<vmem_shared>> -> memref<10112x128xf32, #tpu.memory_space<vmem_shared>>
        tpu.wait_indirect_dma semaphore(%run_scoped3A_202 : memref<!tpu.dma_semaphore, #tpu.memory_space<semaphore_mem>>) src(%arg9 : memref<125x128xf32, #tpu.memory_space<vmem>>) dst(%dma_wait3A_214 : memref<10112x128xf32, #tpu.memory_space<vmem_shared>>)
        tpu.yield
      }) : () -> ()
      %dma_start3A_125 = arith.constant 6 : i32
      %dma_start3A_126 = arith.constant 0 : i32
      %dma_start3A_127 = tpu.memref_slice %arg7[%rem3A_46, %dma_start3A_125, %dma_start3A_126] : memref<2x10x125xi32, #tpu.memory_space<vmem>> -> memref<1x1x125xi32, #tpu.memory_space<vmem>>
      %dma_start3A_128 = tpu.memref_squeeze %dma_start3A_127 : memref<1x1x125xi32, #tpu.memory_space<vmem>> -> memref<125xi32, #tpu.memory_space<vmem>>
      %dma_start3A_129 = arith.constant 0 : i32
      %dma_start3A_130 = arith.constant 0 : i32
      %dma_start3A_131 = tpu.memref_slice %arg2[%dma_start3A_129, %dma_start3A_130] : memref<10000x128xf32, #tpu.memory_space<hbm>> -> memref<10000x128xf32, #tpu.memory_space<hbm>>
      tpu.enqueue_indirect_dma source(%dma_start3A_131 : memref<10000x128xf32, #tpu.memory_space<hbm>>) target(%arg9 : memref<125x128xf32, #tpu.memory_space<vmem>>) offsets(%dma_start3A_128 : memref<125xi32, #tpu.memory_space<vmem>>) semaphore(%arg12 : memref<!tpu.dma_semaphore, #tpu.memory_space<semaphore_mem>>)
      %dma_wait3A_132 = arith.constant 5 : i32
      %dma_wait3A_133 = arith.constant 0 : i32
      %dma_wait3A_134 = tpu.memref_slice %arg7[%rem3A_46, %dma_wait3A_132, %dma_wait3A_133] : memref<2x10x125xi32, #tpu.memory_space<vmem>> -> memref<1x1x125xi32, #tpu.memory_space<vmem>>
      %dma_wait3A_135 = tpu.memref_squeeze %dma_wait3A_134 : memref<1x1x125xi32, #tpu.memory_space<vmem>> -> memref<125xi32, #tpu.memory_space<vmem>>
      %dma_wait3A_136 = arith.constant 0 : i32
      %dma_wait3A_137 = arith.constant 0 : i32
      %dma_wait3A_138 = tpu.memref_slice %arg2[%dma_wait3A_136, %dma_wait3A_137] : memref<10000x128xf32, #tpu.memory_space<hbm>> -> memref<10000x128xf32, #tpu.memory_space<hbm>>
      tpu.wait_indirect_dma semaphore(%arg13 : memref<!tpu.dma_semaphore, #tpu.memory_space<semaphore_mem>>) src(%dma_wait3A_138 : memref<10000x128xf32, #tpu.memory_space<hbm>>) dst(%arg10 : memref<125x128xf32, #tpu.memory_space<vmem>>)
      %run_scoped3A_139 = arith.constant 5 : i32
      "tpu.region"() ({
        %run_scoped3A_202 = tpu.sem_alloc : memref<!tpu.dma_semaphore, #tpu.memory_space<semaphore_mem>>
        %dma_start3A_203 = arith.constant 0 : i32
        %dma_start3A_204 = tpu.memref_slice %arg8[%rem3A_46, %run_scoped3A_139, %dma_start3A_203] : memref<2x10x125xi32, #tpu.memory_space<vmem>> -> memref<1x1x125xi32, #tpu.memory_space<vmem>>
        %dma_start3A_205 = tpu.memref_squeeze %dma_start3A_204 : memref<1x1x125xi32, #tpu.memory_space<vmem>> -> memref<125xi32, #tpu.memory_space<vmem>>
        %dma_start3A_206 = arith.constant 0 : i32
        %dma_start3A_207 = arith.constant 0 : i32
        %dma_start3A_208 = tpu.memref_slice %arg11[%dma_start3A_206, %dma_start3A_207] : memref<10112x128xf32, #tpu.memory_space<vmem_shared>> -> memref<10112x128xf32, #tpu.memory_space<vmem_shared>>
        tpu.enqueue_indirect_dma source(%arg10 : memref<125x128xf32, #tpu.memory_space<vmem>>) target(%dma_start3A_208 : memref<10112x128xf32, #tpu.memory_space<vmem_shared>>) offsets(%dma_start3A_205 : memref<125xi32, #tpu.memory_space<vmem>>) semaphore(%run_scoped3A_202 : memref<!tpu.dma_semaphore, #tpu.memory_space<semaphore_mem>>) {add = true}
        %dma_wait3A_209 = arith.constant 0 : i32
        %dma_wait3A_210 = tpu.memref_slice %arg8[%rem3A_46, %run_scoped3A_139, %dma_wait3A_209] : memref<2x10x125xi32, #tpu.memory_space<vmem>> -> memref<1x1x125xi32, #tpu.memory_space<vmem>>
        %dma_wait3A_211 = tpu.memref_squeeze %dma_wait3A_210 : memref<1x1x125xi32, #tpu.memory_space<vmem>> -> memref<125xi32, #tpu.memory_space<vmem>>
        %dma_wait3A_212 = arith.constant 0 : i32
        %dma_wait3A_213 = arith.constant 0 : i32
        %dma_wait3A_214 = tpu.memref_slice %arg11[%dma_wait3A_212, %dma_wait3A_213] : memref<10112x128xf32, #tpu.memory_space<vmem_shared>> -> memref<10112x128xf32, #tpu.memory_space<vmem_shared>>
        tpu.wait_indirect_dma semaphore(%run_scoped3A_202 : memref<!tpu.dma_semaphore, #tpu.memory_space<semaphore_mem>>) src(%arg10 : memref<125x128xf32, #tpu.memory_space<vmem>>) dst(%dma_wait3A_214 : memref<10112x128xf32, #tpu.memory_space<vmem_shared>>)
        tpu.yield
      }) : () -> ()
      %dma_start3A_140 = arith.constant 7 : i32
      %dma_start3A_141 = arith.constant 0 : i32
      %dma_start3A_142 = tpu.memref_slice %arg7[%rem3A_46, %dma_start3A_140, %dma_start3A_141] : memref<2x10x125xi32, #tpu.memory_space<vmem>> -> memref<1x1x125xi32, #tpu.memory_space<vmem>>
      %dma_start3A_143 = tpu.memref_squeeze %dma_start3A_142 : memref<1x1x125xi32, #tpu.memory_space<vmem>> -> memref<125xi32, #tpu.memory_space<vmem>>
      %dma_start3A_144 = arith.constant 0 : i32
      %dma_start3A_145 = arith.constant 0 : i32
      %dma_start3A_146 = tpu.memref_slice %arg2[%dma_start3A_144, %dma_start3A_145] : memref<10000x128xf32, #tpu.memory_space<hbm>> -> memref<10000x128xf32, #tpu.memory_space<hbm>>
      tpu.enqueue_indirect_dma source(%dma_start3A_146 : memref<10000x128xf32, #tpu.memory_space<hbm>>) target(%arg10 : memref<125x128xf32, #tpu.memory_space<vmem>>) offsets(%dma_start3A_143 : memref<125xi32, #tpu.memory_space<vmem>>) semaphore(%arg13 : memref<!tpu.dma_semaphore, #tpu.memory_space<semaphore_mem>>)
      %dma_wait3A_147 = arith.constant 6 : i32
      %dma_wait3A_148 = arith.constant 0 : i32
      %dma_wait3A_149 = tpu.memref_slice %arg7[%rem3A_46, %dma_wait3A_147, %dma_wait3A_148] : memref<2x10x125xi32, #tpu.memory_space<vmem>> -> memref<1x1x125xi32, #tpu.memory_space<vmem>>
      %dma_wait3A_150 = tpu.memref_squeeze %dma_wait3A_149 : memref<1x1x125xi32, #tpu.memory_space<vmem>> -> memref<125xi32, #tpu.memory_space<vmem>>
      %dma_wait3A_151 = arith.constant 0 : i32
      %dma_wait3A_152 = arith.constant 0 : i32
      %dma_wait3A_153 = tpu.memref_slice %arg2[%dma_wait3A_151, %dma_wait3A_152] : memref<10000x128xf32, #tpu.memory_space<hbm>> -> memref<10000x128xf32, #tpu.memory_space<hbm>>
      tpu.wait_indirect_dma semaphore(%arg12 : memref<!tpu.dma_semaphore, #tpu.memory_space<semaphore_mem>>) src(%dma_wait3A_153 : memref<10000x128xf32, #tpu.memory_space<hbm>>) dst(%arg9 : memref<125x128xf32, #tpu.memory_space<vmem>>)
      %run_scoped3A_154 = arith.constant 6 : i32
      "tpu.region"() ({
        %run_scoped3A_202 = tpu.sem_alloc : memref<!tpu.dma_semaphore, #tpu.memory_space<semaphore_mem>>
        %dma_start3A_203 = arith.constant 0 : i32
        %dma_start3A_204 = tpu.memref_slice %arg8[%rem3A_46, %run_scoped3A_154, %dma_start3A_203] : memref<2x10x125xi32, #tpu.memory_space<vmem>> -> memref<1x1x125xi32, #tpu.memory_space<vmem>>
        %dma_start3A_205 = tpu.memref_squeeze %dma_start3A_204 : memref<1x1x125xi32, #tpu.memory_space<vmem>> -> memref<125xi32, #tpu.memory_space<vmem>>
        %dma_start3A_206 = arith.constant 0 : i32
        %dma_start3A_207 = arith.constant 0 : i32
        %dma_start3A_208 = tpu.memref_slice %arg11[%dma_start3A_206, %dma_start3A_207] : memref<10112x128xf32, #tpu.memory_space<vmem_shared>> -> memref<10112x128xf32, #tpu.memory_space<vmem_shared>>
        tpu.enqueue_indirect_dma source(%arg9 : memref<125x128xf32, #tpu.memory_space<vmem>>) target(%dma_start3A_208 : memref<10112x128xf32, #tpu.memory_space<vmem_shared>>) offsets(%dma_start3A_205 : memref<125xi32, #tpu.memory_space<vmem>>) semaphore(%run_scoped3A_202 : memref<!tpu.dma_semaphore, #tpu.memory_space<semaphore_mem>>) {add = true}
        %dma_wait3A_209 = arith.constant 0 : i32
        %dma_wait3A_210 = tpu.memref_slice %arg8[%rem3A_46, %run_scoped3A_154, %dma_wait3A_209] : memref<2x10x125xi32, #tpu.memory_space<vmem>> -> memref<1x1x125xi32, #tpu.memory_space<vmem>>
        %dma_wait3A_211 = tpu.memref_squeeze %dma_wait3A_210 : memref<1x1x125xi32, #tpu.memory_space<vmem>> -> memref<125xi32, #tpu.memory_space<vmem>>
        %dma_wait3A_212 = arith.constant 0 : i32
        %dma_wait3A_213 = arith.constant 0 : i32
        %dma_wait3A_214 = tpu.memref_slice %arg11[%dma_wait3A_212, %dma_wait3A_213] : memref<10112x128xf32, #tpu.memory_space<vmem_shared>> -> memref<10112x128xf32, #tpu.memory_space<vmem_shared>>
        tpu.wait_indirect_dma semaphore(%run_scoped3A_202 : memref<!tpu.dma_semaphore, #tpu.memory_space<semaphore_mem>>) src(%arg9 : memref<125x128xf32, #tpu.memory_space<vmem>>) dst(%dma_wait3A_214 : memref<10112x128xf32, #tpu.memory_space<vmem_shared>>)
        tpu.yield
      }) : () -> ()
      %dma_start3A_155 = arith.constant 8 : i32
      %dma_start3A_156 = arith.constant 0 : i32
      %dma_start3A_157 = tpu.memref_slice %arg7[%rem3A_46, %dma_start3A_155, %dma_start3A_156] : memref<2x10x125xi32, #tpu.memory_space<vmem>> -> memref<1x1x125xi32, #tpu.memory_space<vmem>>
      %dma_start3A_158 = tpu.memref_squeeze %dma_start3A_157 : memref<1x1x125xi32, #tpu.memory_space<vmem>> -> memref<125xi32, #tpu.memory_space<vmem>>
      %dma_start3A_159 = arith.constant 0 : i32
      %dma_start3A_160 = arith.constant 0 : i32
      %dma_start3A_161 = tpu.memref_slice %arg2[%dma_start3A_159, %dma_start3A_160] : memref<10000x128xf32, #tpu.memory_space<hbm>> -> memref<10000x128xf32, #tpu.memory_space<hbm>>
      tpu.enqueue_indirect_dma source(%dma_start3A_161 : memref<10000x128xf32, #tpu.memory_space<hbm>>) target(%arg9 : memref<125x128xf32, #tpu.memory_space<vmem>>) offsets(%dma_start3A_158 : memref<125xi32, #tpu.memory_space<vmem>>) semaphore(%arg12 : memref<!tpu.dma_semaphore, #tpu.memory_space<semaphore_mem>>)
      %dma_wait3A_162 = arith.constant 7 : i32
      %dma_wait3A_163 = arith.constant 0 : i32
      %dma_wait3A_164 = tpu.memref_slice %arg7[%rem3A_46, %dma_wait3A_162, %dma_wait3A_163] : memref<2x10x125xi32, #tpu.memory_space<vmem>> -> memref<1x1x125xi32, #tpu.memory_space<vmem>>
      %dma_wait3A_165 = tpu.memref_squeeze %dma_wait3A_164 : memref<1x1x125xi32, #tpu.memory_space<vmem>> -> memref<125xi32, #tpu.memory_space<vmem>>
      %dma_wait3A_166 = arith.constant 0 : i32
      %dma_wait3A_167 = arith.constant 0 : i32
      %dma_wait3A_168 = tpu.memref_slice %arg2[%dma_wait3A_166, %dma_wait3A_167] : memref<10000x128xf32, #tpu.memory_space<hbm>> -> memref<10000x128xf32, #tpu.memory_space<hbm>>
      tpu.wait_indirect_dma semaphore(%arg13 : memref<!tpu.dma_semaphore, #tpu.memory_space<semaphore_mem>>) src(%dma_wait3A_168 : memref<10000x128xf32, #tpu.memory_space<hbm>>) dst(%arg10 : memref<125x128xf32, #tpu.memory_space<vmem>>)
      %run_scoped3A_169 = arith.constant 7 : i32
      "tpu.region"() ({
        %run_scoped3A_202 = tpu.sem_alloc : memref<!tpu.dma_semaphore, #tpu.memory_space<semaphore_mem>>
        %dma_start3A_203 = arith.constant 0 : i32
        %dma_start3A_204 = tpu.memref_slice %arg8[%rem3A_46, %run_scoped3A_169, %dma_start3A_203] : memref<2x10x125xi32, #tpu.memory_space<vmem>> -> memref<1x1x125xi32, #tpu.memory_space<vmem>>
        %dma_start3A_205 = tpu.memref_squeeze %dma_start3A_204 : memref<1x1x125xi32, #tpu.memory_space<vmem>> -> memref<125xi32, #tpu.memory_space<vmem>>
        %dma_start3A_206 = arith.constant 0 : i32
        %dma_start3A_207 = arith.constant 0 : i32
        %dma_start3A_208 = tpu.memref_slice %arg11[%dma_start3A_206, %dma_start3A_207] : memref<10112x128xf32, #tpu.memory_space<vmem_shared>> -> memref<10112x128xf32, #tpu.memory_space<vmem_shared>>
        tpu.enqueue_indirect_dma source(%arg10 : memref<125x128xf32, #tpu.memory_space<vmem>>) target(%dma_start3A_208 : memref<10112x128xf32, #tpu.memory_space<vmem_shared>>) offsets(%dma_start3A_205 : memref<125xi32, #tpu.memory_space<vmem>>) semaphore(%run_scoped3A_202 : memref<!tpu.dma_semaphore, #tpu.memory_space<semaphore_mem>>) {add = true}
        %dma_wait3A_209 = arith.constant 0 : i32
        %dma_wait3A_210 = tpu.memref_slice %arg8[%rem3A_46, %run_scoped3A_169, %dma_wait3A_209] : memref<2x10x125xi32, #tpu.memory_space<vmem>> -> memref<1x1x125xi32, #tpu.memory_space<vmem>>
        %dma_wait3A_211 = tpu.memref_squeeze %dma_wait3A_210 : memref<1x1x125xi32, #tpu.memory_space<vmem>> -> memref<125xi32, #tpu.memory_space<vmem>>
        %dma_wait3A_212 = arith.constant 0 : i32
        %dma_wait3A_213 = arith.constant 0 : i32
        %dma_wait3A_214 = tpu.memref_slice %arg11[%dma_wait3A_212, %dma_wait3A_213] : memref<10112x128xf32, #tpu.memory_space<vmem_shared>> -> memref<10112x128xf32, #tpu.memory_space<vmem_shared>>
        tpu.wait_indirect_dma semaphore(%run_scoped3A_202 : memref<!tpu.dma_semaphore, #tpu.memory_space<semaphore_mem>>) src(%arg10 : memref<125x128xf32, #tpu.memory_space<vmem>>) dst(%dma_wait3A_214 : memref<10112x128xf32, #tpu.memory_space<vmem_shared>>)
        tpu.yield
      }) : () -> ()
      %dma_start3A_170 = arith.constant 9 : i32
      %dma_start3A_171 = arith.constant 0 : i32
      %dma_start3A_172 = tpu.memref_slice %arg7[%rem3A_46, %dma_start3A_170, %dma_start3A_171] : memref<2x10x125xi32, #tpu.memory_space<vmem>> -> memref<1x1x125xi32, #tpu.memory_space<vmem>>
      %dma_start3A_173 = tpu.memref_squeeze %dma_start3A_172 : memref<1x1x125xi32, #tpu.memory_space<vmem>> -> memref<125xi32, #tpu.memory_space<vmem>>
      %dma_start3A_174 = arith.constant 0 : i32
      %dma_start3A_175 = arith.constant 0 : i32
      %dma_start3A_176 = tpu.memref_slice %arg2[%dma_start3A_174, %dma_start3A_175] : memref<10000x128xf32, #tpu.memory_space<hbm>> -> memref<10000x128xf32, #tpu.memory_space<hbm>>
      tpu.enqueue_indirect_dma source(%dma_start3A_176 : memref<10000x128xf32, #tpu.memory_space<hbm>>) target(%arg10 : memref<125x128xf32, #tpu.memory_space<vmem>>) offsets(%dma_start3A_173 : memref<125xi32, #tpu.memory_space<vmem>>) semaphore(%arg13 : memref<!tpu.dma_semaphore, #tpu.memory_space<semaphore_mem>>)
      %dma_wait3A_177 = arith.constant 8 : i32
      %dma_wait3A_178 = arith.constant 0 : i32
      %dma_wait3A_179 = tpu.memref_slice %arg7[%rem3A_46, %dma_wait3A_177, %dma_wait3A_178] : memref<2x10x125xi32, #tpu.memory_space<vmem>> -> memref<1x1x125xi32, #tpu.memory_space<vmem>>
      %dma_wait3A_180 = tpu.memref_squeeze %dma_wait3A_179 : memref<1x1x125xi32, #tpu.memory_space<vmem>> -> memref<125xi32, #tpu.memory_space<vmem>>
      %dma_wait3A_181 = arith.constant 0 : i32
      %dma_wait3A_182 = arith.constant 0 : i32
      %dma_wait3A_183 = tpu.memref_slice %arg2[%dma_wait3A_181, %dma_wait3A_182] : memref<10000x128xf32, #tpu.memory_space<hbm>> -> memref<10000x128xf32, #tpu.memory_space<hbm>>
      tpu.wait_indirect_dma semaphore(%arg12 : memref<!tpu.dma_semaphore, #tpu.memory_space<semaphore_mem>>) src(%dma_wait3A_183 : memref<10000x128xf32, #tpu.memory_space<hbm>>) dst(%arg9 : memref<125x128xf32, #tpu.memory_space<vmem>>)
      %run_scoped3A_184 = arith.constant 8 : i32
      "tpu.region"() ({
        %run_scoped3A_202 = tpu.sem_alloc : memref<!tpu.dma_semaphore, #tpu.memory_space<semaphore_mem>>
        %dma_start3A_203 = arith.constant 0 : i32
        %dma_start3A_204 = tpu.memref_slice %arg8[%rem3A_46, %run_scoped3A_184, %dma_start3A_203] : memref<2x10x125xi32, #tpu.memory_space<vmem>> -> memref<1x1x125xi32, #tpu.memory_space<vmem>>
        %dma_start3A_205 = tpu.memref_squeeze %dma_start3A_204 : memref<1x1x125xi32, #tpu.memory_space<vmem>> -> memref<125xi32, #tpu.memory_space<vmem>>
        %dma_start3A_206 = arith.constant 0 : i32
        %dma_start3A_207 = arith.constant 0 : i32
        %dma_start3A_208 = tpu.memref_slice %arg11[%dma_start3A_206, %dma_start3A_207] : memref<10112x128xf32, #tpu.memory_space<vmem_shared>> -> memref<10112x128xf32, #tpu.memory_space<vmem_shared>>
        tpu.enqueue_indirect_dma source(%arg9 : memref<125x128xf32, #tpu.memory_space<vmem>>) target(%dma_start3A_208 : memref<10112x128xf32, #tpu.memory_space<vmem_shared>>) offsets(%dma_start3A_205 : memref<125xi32, #tpu.memory_space<vmem>>) semaphore(%run_scoped3A_202 : memref<!tpu.dma_semaphore, #tpu.memory_space<semaphore_mem>>) {add = true}
        %dma_wait3A_209 = arith.constant 0 : i32
        %dma_wait3A_210 = tpu.memref_slice %arg8[%rem3A_46, %run_scoped3A_184, %dma_wait3A_209] : memref<2x10x125xi32, #tpu.memory_space<vmem>> -> memref<1x1x125xi32, #tpu.memory_space<vmem>>
        %dma_wait3A_211 = tpu.memref_squeeze %dma_wait3A_210 : memref<1x1x125xi32, #tpu.memory_space<vmem>> -> memref<125xi32, #tpu.memory_space<vmem>>
        %dma_wait3A_212 = arith.constant 0 : i32
        %dma_wait3A_213 = arith.constant 0 : i32
        %dma_wait3A_214 = tpu.memref_slice %arg11[%dma_wait3A_212, %dma_wait3A_213] : memref<10112x128xf32, #tpu.memory_space<vmem_shared>> -> memref<10112x128xf32, #tpu.memory_space<vmem_shared>>
        tpu.wait_indirect_dma semaphore(%run_scoped3A_202 : memref<!tpu.dma_semaphore, #tpu.memory_space<semaphore_mem>>) src(%arg9 : memref<125x128xf32, #tpu.memory_space<vmem>>) dst(%dma_wait3A_214 : memref<10112x128xf32, #tpu.memory_space<vmem_shared>>)
        tpu.yield
      }) : () -> ()
      %convert_element_type3A_185 = arith.extui %lt3A_54 : i1 to i32
      %cond3A_186 = arith.constant 0 : i32
      %cond3A_187 = arith.cmpi ne, %convert_element_type3A_185, %cond3A_186 : i32
      scf.if %cond3A_187 {
        %dma_wait3A_202 = arith.constant 0 : i32
        %dma_wait3A_203 = arith.constant 0 : i32
        %dma_wait3A_204 = arith.constant 0 : i32
        %dma_wait3A_205 = tpu.memref_slice %arg7[%rem3A_50, %dma_wait3A_203, %dma_wait3A_204] : memref<2x10x125xi32, #tpu.memory_space<vmem>> -> memref<1x10x125xi32, #tpu.memory_space<vmem>>
        %dma_wait3A_206 = tpu.memref_squeeze %dma_wait3A_205 : memref<1x10x125xi32, #tpu.memory_space<vmem>> -> memref<10x125xi32, #tpu.memory_space<vmem>>
        %dma_wait3A_207 = arith.constant 0 : i32
        %dma_wait3A_208 = arith.constant 0 : i32
        %dma_wait3A_209 = tpu.memref_slice %arg3[%add3A, %dma_wait3A_202, %dma_wait3A_207, %dma_wait3A_208] : memref<32x8x10x125xi32, #tpu.memory_space<hbm>> -> memref<1x1x10x125xi32, #tpu.memory_space<hbm>>
        %dma_wait3A_210 = tpu.memref_squeeze %dma_wait3A_209 : memref<1x1x10x125xi32, #tpu.memory_space<hbm>> -> memref<10x125xi32, #tpu.memory_space<hbm>>
        %dma_wait3A_211 = arith.constant 0 : i32
        %dma_wait3A_212 = arith.constant 0 : i32
        %dma_wait3A_213 = tpu.memref_slice %arg7[%rem3A_50, %dma_wait3A_211, %dma_wait3A_212] : memref<2x10x125xi32, #tpu.memory_space<vmem>> -> memref<1x10x125xi32, #tpu.memory_space<vmem>>
        %dma_wait3A_214 = tpu.memref_squeeze %dma_wait3A_213 : memref<1x10x125xi32, #tpu.memory_space<vmem>> -> memref<10x125xi32, #tpu.memory_space<vmem>>
        %dma_wait3A_215 = arith.constant 0 : i32
        %dma_wait3A_216 = arith.constant 0 : i32
        %dma_wait3A_217 = tpu.memref_slice %arg3[%add3A, %dma_wait3A_202, %dma_wait3A_215, %dma_wait3A_216] : memref<32x8x10x125xi32, #tpu.memory_space<hbm>> -> memref<1x1x10x125xi32, #tpu.memory_space<hbm>>
        %dma_wait3A_218 = tpu.memref_squeeze %dma_wait3A_217 : memref<1x1x10x125xi32, #tpu.memory_space<hbm>> -> memref<10x125xi32, #tpu.memory_space<hbm>>
        tpu.wait_dma2 semaphore(%arg14 : memref<!tpu.dma_semaphore, #tpu.memory_space<semaphore_mem>>) src(%dma_wait3A_218 : memref<10x125xi32, #tpu.memory_space<hbm>>) dst(%dma_wait3A_214 : memref<10x125xi32, #tpu.memory_space<vmem>>)
        %dma_wait3A_219 = arith.constant 0 : i32
        %dma_wait3A_220 = arith.constant 0 : i32
        %dma_wait3A_221 = arith.constant 0 : i32
        %dma_wait3A_222 = tpu.memref_slice %arg8[%rem3A_50, %dma_wait3A_220, %dma_wait3A_221] : memref<2x10x125xi32, #tpu.memory_space<vmem>> -> memref<1x10x125xi32, #tpu.memory_space<vmem>>
        %dma_wait3A_223 = tpu.memref_squeeze %dma_wait3A_222 : memref<1x10x125xi32, #tpu.memory_space<vmem>> -> memref<10x125xi32, #tpu.memory_space<vmem>>
        %dma_wait3A_224 = arith.constant 0 : i32
        %dma_wait3A_225 = arith.constant 0 : i32
        %dma_wait3A_226 = tpu.memref_slice %arg4[%add3A, %dma_wait3A_219, %dma_wait3A_224, %dma_wait3A_225] : memref<32x8x10x125xi32, #tpu.memory_space<hbm>> -> memref<1x1x10x125xi32, #tpu.memory_space<hbm>>
        %dma_wait3A_227 = tpu.memref_squeeze %dma_wait3A_226 : memref<1x1x10x125xi32, #tpu.memory_space<hbm>> -> memref<10x125xi32, #tpu.memory_space<hbm>>
        %dma_wait3A_228 = arith.constant 0 : i32
        %dma_wait3A_229 = arith.constant 0 : i32
        %dma_wait3A_230 = tpu.memref_slice %arg8[%rem3A_50, %dma_wait3A_228, %dma_wait3A_229] : memref<2x10x125xi32, #tpu.memory_space<vmem>> -> memref<1x10x125xi32, #tpu.memory_space<vmem>>
        %dma_wait3A_231 = tpu.memref_squeeze %dma_wait3A_230 : memref<1x10x125xi32, #tpu.memory_space<vmem>> -> memref<10x125xi32, #tpu.memory_space<vmem>>
        %dma_wait3A_232 = arith.constant 0 : i32
        %dma_wait3A_233 = arith.constant 0 : i32
        %dma_wait3A_234 = tpu.memref_slice %arg4[%add3A, %dma_wait3A_219, %dma_wait3A_232, %dma_wait3A_233] : memref<32x8x10x125xi32, #tpu.memory_space<hbm>> -> memref<1x1x10x125xi32, #tpu.memory_space<hbm>>
        %dma_wait3A_235 = tpu.memref_squeeze %dma_wait3A_234 : memref<1x1x10x125xi32, #tpu.memory_space<hbm>> -> memref<10x125xi32, #tpu.memory_space<hbm>>
        tpu.wait_dma2 semaphore(%arg15 : memref<!tpu.dma_semaphore, #tpu.memory_space<semaphore_mem>>) src(%dma_wait3A_235 : memref<10x125xi32, #tpu.memory_space<hbm>>) dst(%dma_wait3A_231 : memref<10x125xi32, #tpu.memory_space<vmem>>)
      } else {
      }
      %convert_element_type3A_188 = arith.extui %lt3A_54 : i1 to i32
      %cond3A_189 = arith.constant 0 : i32
      %cond3A_190 = arith.cmpi ne, %convert_element_type3A_188, %cond3A_189 : i32
      scf.if %cond3A_190 {
        %dma_start3A_202 = arith.constant 0 : i32
        %dma_start3A_203 = arith.constant 0 : i32
        %dma_start3A_204 = tpu.memref_slice %arg7[%rem3A_50, %dma_start3A_202, %dma_start3A_203] : memref<2x10x125xi32, #tpu.memory_space<vmem>> -> memref<1x1x125xi32, #tpu.memory_space<vmem>>
        %dma_start3A_205 = tpu.memref_squeeze %dma_start3A_204 : memref<1x1x125xi32, #tpu.memory_space<vmem>> -> memref<125xi32, #tpu.memory_space<vmem>>
        %dma_start3A_206 = arith.constant 0 : i32
        %dma_start3A_207 = arith.constant 0 : i32
        %dma_start3A_208 = tpu.memref_slice %arg2[%dma_start3A_206, %dma_start3A_207] : memref<10000x128xf32, #tpu.memory_space<hbm>> -> memref<10000x128xf32, #tpu.memory_space<hbm>>
        tpu.enqueue_indirect_dma source(%dma_start3A_208 : memref<10000x128xf32, #tpu.memory_space<hbm>>) target(%arg9 : memref<125x128xf32, #tpu.memory_space<vmem>>) offsets(%dma_start3A_205 : memref<125xi32, #tpu.memory_space<vmem>>) semaphore(%arg12 : memref<!tpu.dma_semaphore, #tpu.memory_space<semaphore_mem>>)
      } else {
      }
      %dma_wait3A_191 = arith.constant 9 : i32
      %dma_wait3A_192 = arith.constant 0 : i32
      %dma_wait3A_193 = tpu.memref_slice %arg7[%rem3A_46, %dma_wait3A_191, %dma_wait3A_192] : memref<2x10x125xi32, #tpu.memory_space<vmem>> -> memref<1x1x125xi32, #tpu.memory_space<vmem>>
      %dma_wait3A_194 = tpu.memref_squeeze %dma_wait3A_193 : memref<1x1x125xi32, #tpu.memory_space<vmem>> -> memref<125xi32, #tpu.memory_space<vmem>>
      %dma_wait3A_195 = arith.constant 0 : i32
      %dma_wait3A_196 = arith.constant 0 : i32
      %dma_wait3A_197 = tpu.memref_slice %arg2[%dma_wait3A_195, %dma_wait3A_196] : memref<10000x128xf32, #tpu.memory_space<hbm>> -> memref<10000x128xf32, #tpu.memory_space<hbm>>
      tpu.wait_indirect_dma semaphore(%arg13 : memref<!tpu.dma_semaphore, #tpu.memory_space<semaphore_mem>>) src(%dma_wait3A_197 : memref<10000x128xf32, #tpu.memory_space<hbm>>) dst(%arg10 : memref<125x128xf32, #tpu.memory_space<vmem>>)
      %run_scoped3A_198 = arith.constant 9 : i32
      "tpu.region"() ({
        %run_scoped3A_202 = tpu.sem_alloc : memref<!tpu.dma_semaphore, #tpu.memory_space<semaphore_mem>>
        %dma_start3A_203 = arith.constant 0 : i32
        %dma_start3A_204 = tpu.memref_slice %arg8[%rem3A_46, %run_scoped3A_198, %dma_start3A_203] : memref<2x10x125xi32, #tpu.memory_space<vmem>> -> memref<1x1x125xi32, #tpu.memory_space<vmem>>
        %dma_start3A_205 = tpu.memref_squeeze %dma_start3A_204 : memref<1x1x125xi32, #tpu.memory_space<vmem>> -> memref<125xi32, #tpu.memory_space<vmem>>
        %dma_start3A_206 = arith.constant 0 : i32
        %dma_start3A_207 = arith.constant 0 : i32
        %dma_start3A_208 = tpu.memref_slice %arg11[%dma_start3A_206, %dma_start3A_207] : memref<10112x128xf32, #tpu.memory_space<vmem_shared>> -> memref<10112x128xf32, #tpu.memory_space<vmem_shared>>
        tpu.enqueue_indirect_dma source(%arg10 : memref<125x128xf32, #tpu.memory_space<vmem>>) target(%dma_start3A_208 : memref<10112x128xf32, #tpu.memory_space<vmem_shared>>) offsets(%dma_start3A_205 : memref<125xi32, #tpu.memory_space<vmem>>) semaphore(%run_scoped3A_202 : memref<!tpu.dma_semaphore, #tpu.memory_space<semaphore_mem>>) {add = true}
        %dma_wait3A_209 = arith.constant 0 : i32
        %dma_wait3A_210 = tpu.memref_slice %arg8[%rem3A_46, %run_scoped3A_198, %dma_wait3A_209] : memref<2x10x125xi32, #tpu.memory_space<vmem>> -> memref<1x1x125xi32, #tpu.memory_space<vmem>>
        %dma_wait3A_211 = tpu.memref_squeeze %dma_wait3A_210 : memref<1x1x125xi32, #tpu.memory_space<vmem>> -> memref<125xi32, #tpu.memory_space<vmem>>
        %dma_wait3A_212 = arith.constant 0 : i32
        %dma_wait3A_213 = arith.constant 0 : i32
        %dma_wait3A_214 = tpu.memref_slice %arg11[%dma_wait3A_212, %dma_wait3A_213] : memref<10112x128xf32, #tpu.memory_space<vmem_shared>> -> memref<10112x128xf32, #tpu.memory_space<vmem_shared>>
        tpu.wait_indirect_dma semaphore(%run_scoped3A_202 : memref<!tpu.dma_semaphore, #tpu.memory_space<semaphore_mem>>) src(%arg10 : memref<125x128xf32, #tpu.memory_space<vmem>>) dst(%dma_wait3A_214 : memref<10112x128xf32, #tpu.memory_space<vmem_shared>>)
        tpu.yield
      }) : () -> ()
      %convert_element_type3A_199 = arith.extui %lt3A_54 : i1 to i32
      %cond3A_200 = arith.constant 0 : i32
      %cond3A_201 = arith.cmpi ne, %convert_element_type3A_199, %cond3A_200 : i32
      scf.if %cond3A_201 {
        %dma_start3A_202 = arith.constant 1 : i32
        %dma_start3A_203 = arith.constant 0 : i32
        %dma_start3A_204 = tpu.memref_slice %arg7[%rem3A_50, %dma_start3A_202, %dma_start3A_203] : memref<2x10x125xi32, #tpu.memory_space<vmem>> -> memref<1x1x125xi32, #tpu.memory_space<vmem>>
        %dma_start3A_205 = tpu.memref_squeeze %dma_start3A_204 : memref<1x1x125xi32, #tpu.memory_space<vmem>> -> memref<125xi32, #tpu.memory_space<vmem>>
        %dma_start3A_206 = arith.constant 0 : i32
        %dma_start3A_207 = arith.constant 0 : i32
        %dma_start3A_208 = tpu.memref_slice %arg2[%dma_start3A_206, %dma_start3A_207] : memref<10000x128xf32, #tpu.memory_space<hbm>> -> memref<10000x128xf32, #tpu.memory_space<hbm>>
        tpu.enqueue_indirect_dma source(%dma_start3A_208 : memref<10000x128xf32, #tpu.memory_space<hbm>>) target(%arg10 : memref<125x128xf32, #tpu.memory_space<vmem>>) offsets(%dma_start3A_205 : memref<125xi32, #tpu.memory_space<vmem>>) semaphore(%arg13 : memref<!tpu.dma_semaphore, #tpu.memory_space<semaphore_mem>>)
      } else {
      }
    }
    %scan3A_39 = arith.constant 8 : i32
    %barrier3A_40 = arith.constant 0 : index
    tpu.barrier barrier_id(%barrier3A_40)
    %mul3A_41 = arith.constant 632 : i32
    %mul3A_42 = arith.muli %arg1, %mul3A_41 : i32
    %mul3A_43 = arith.constant 632 : i32
    %mul3A_44 = arith.muli %arg1, %mul3A_43 : i32
    "tpu.region"() ({
      %run_scoped3A_45 = tpu.sem_alloc : memref<!tpu.dma_semaphore, #tpu.memory_space<semaphore_mem>>
      %dma_start3A_46 = arith.constant 0 : i32
      %dma_start3A_47 = tpu.memref_slice %arg6[%arg0, %mul3A_44, %dma_start3A_46] : memref<2x10112x128xf32, #tpu.memory_space<hbm>> -> memref<1x632x128xf32, #tpu.memory_space<hbm>>
      %dma_start3A_48 = tpu.memref_squeeze %dma_start3A_47 : memref<1x632x128xf32, #tpu.memory_space<hbm>> -> memref<632x128xf32, #tpu.memory_space<hbm>>
      %dma_start3A_49 = arith.constant 0 : i32
      %dma_start3A_50 = tpu.memref_slice %arg11[%mul3A_42, %dma_start3A_49] : memref<10112x128xf32, #tpu.memory_space<vmem_shared>> -> memref<632x128xf32, #tpu.memory_space<vmem_shared>>
      tpu.enqueue_dma source(%dma_start3A_50 : memref<632x128xf32, #tpu.memory_space<vmem_shared>>) target(%dma_start3A_48 : memref<632x128xf32, #tpu.memory_space<hbm>>) target_semaphore(%run_scoped3A_45 : memref<!tpu.dma_semaphore, #tpu.memory_space<semaphore_mem>>)
      %dma_wait3A = arith.constant 0 : i32
      %dma_wait3A_51 = tpu.memref_slice %arg6[%arg0, %mul3A_44, %dma_wait3A] : memref<2x10112x128xf32, #tpu.memory_space<hbm>> -> memref<1x632x128xf32, #tpu.memory_space<hbm>>
      %dma_wait3A_52 = tpu.memref_squeeze %dma_wait3A_51 : memref<1x632x128xf32, #tpu.memory_space<hbm>> -> memref<632x128xf32, #tpu.memory_space<hbm>>
      %dma_wait3A_53 = arith.constant 0 : i32
      %dma_wait3A_54 = tpu.memref_slice %arg11[%mul3A_42, %dma_wait3A_53] : memref<10112x128xf32, #tpu.memory_space<vmem_shared>> -> memref<632x128xf32, #tpu.memory_space<vmem_shared>>
      tpu.wait_dma2 semaphore(%run_scoped3A_45 : memref<!tpu.dma_semaphore, #tpu.memory_space<semaphore_mem>>) src(%dma_wait3A_54 : memref<632x128xf32, #tpu.memory_space<vmem_shared>>) dst(%dma_wait3A_52 : memref<632x128xf32, #tpu.memory_space<hbm>>)
      tpu.yield
    }) : () -> ()
    return
  }
}

#map = affine_map<(d0, d1) -> (0, 0)>
#map1 = affine_map<(d0, d1) -> (0, 0, 0, 0)>
#map2 = affine_map<(d0, d1) -> (0, 0, 0)>
module attributes {stable_mosaic.version = 14 : i64} {
  func.func @k(%arg0: i32, %arg1: i32, %arg2: memref<10000x128xf32, #tpu.memory_space<hbm>>, %arg3: memref<32x8x10x125xi32, #tpu.memory_space<hbm>>, %arg4: memref<32x8x10x125xi32, #tpu.memory_space<hbm>>, %arg5: memref<10112x128xf32, #tpu.memory_space<hbm>>, %arg6: memref<2x10112x128xf32, #tpu.memory_space<hbm>>, %arg7: memref<2x10x125xi32, #tpu.memory_space<vmem>>, %arg8: memref<2x10x125xi32, #tpu.memory_space<vmem>>, %arg9: memref<125x128xf32, #tpu.memory_space<vmem>>, %arg10: memref<125x128xf32, #tpu.memory_space<vmem>>, %arg11: memref<10112x128xf32, #tpu.memory_space<vmem_shared>>, %arg12: memref<!tpu.dma_semaphore, #tpu.memory_space<semaphore_mem>>, %arg13: memref<!tpu.dma_semaphore, #tpu.memory_space<semaphore_mem>>, %arg14: memref<!tpu.dma_semaphore, #tpu.memory_space<semaphore_mem>>, %arg15: memref<!tpu.dma_semaphore, #tpu.memory_space<semaphore_mem>>) attributes {dimension_semantics = [#tpu.dimension_semantics<core_parallel>, #tpu.dimension_semantics<subcore_parallel>], iteration_bounds = array<i64: 2, 16>, scalar_prefetch = 0 : i64, scratch_operands = 9 : i64, tpu.core_type = #tpu.core_type<sc_vector_subcore>, window_params = [{transform_indices = #map}, {transform_indices = #map1}, {transform_indices = #map1}, {transform_indices = #map}, {transform_indices = #map2}]} {
    %mul3A = arith.constant 16 : i32
    %mul3A_0 = arith.muli %arg0, %mul3A : i32
    %add3A = arith.addi %mul3A_0, %arg1 : i32
    %run_scoped3A = arith.constant 0 : i32
    %run_scoped3A_1 = arith.constant 0 : i32
    "tpu.region"() ({
      %run_scoped3A_45 = tpu.sem_alloc : memref<!tpu.dma_semaphore, #tpu.memory_space<semaphore_mem>>
      %dma_start3A_46 = arith.constant 0 : i32
      %dma_start3A_47 = arith.constant 0 : i32
      %dma_start3A_48 = tpu.memref_slice %arg7[%run_scoped3A_1, %dma_start3A_46, %dma_start3A_47] : memref<2x10x125xi32, #tpu.memory_space<vmem>> -> memref<1x10x125xi32, #tpu.memory_space<vmem>>
      %dma_start3A_49 = tpu.memref_squeeze %dma_start3A_48 : memref<1x10x125xi32, #tpu.memory_space<vmem>> -> memref<10x125xi32, #tpu.memory_space<vmem>>
      %dma_start3A_50 = arith.constant 0 : i32
      %dma_start3A_51 = arith.constant 0 : i32
      %dma_start3A_52 = tpu.memref_slice %arg3[%add3A, %run_scoped3A, %dma_start3A_50, %dma_start3A_51] : memref<32x8x10x125xi32, #tpu.memory_space<hbm>> -> memref<1x1x10x125xi32, #tpu.memory_space<hbm>>
      %dma_start3A_53 = tpu.memref_squeeze %dma_start3A_52 : memref<1x1x10x125xi32, #tpu.memory_space<hbm>> -> memref<10x125xi32, #tpu.memory_space<hbm>>
      %dma_start3A_54 = arith.constant 0 : i32
      %dma_start3A_55 = arith.constant 0 : i32
      %dma_start3A_56 = tpu.memref_slice %arg7[%run_scoped3A_1, %dma_start3A_54, %dma_start3A_55] : memref<2x10x125xi32, #tpu.memory_space<vmem>> -> memref<1x10x125xi32, #tpu.memory_space<vmem>>
      %dma_start3A_57 = tpu.memref_squeeze %dma_start3A_56 : memref<1x10x125xi32, #tpu.memory_space<vmem>> -> memref<10x125xi32, #tpu.memory_space<vmem>>
      %dma_start3A_58 = arith.constant 0 : i32
      %dma_start3A_59 = arith.constant 0 : i32
      %dma_start3A_60 = tpu.memref_slice %arg3[%add3A, %run_scoped3A, %dma_start3A_58, %dma_start3A_59] : memref<32x8x10x125xi32, #tpu.memory_space<hbm>> -> memref<1x1x10x125xi32, #tpu.memory_space<hbm>>
      %dma_start3A_61 = tpu.memref_squeeze %dma_start3A_60 : memref<1x1x10x125xi32, #tpu.memory_space<hbm>> -> memref<10x125xi32, #tpu.memory_space<hbm>>
      tpu.enqueue_dma source(%dma_start3A_61 : memref<10x125xi32, #tpu.memory_space<hbm>>) target(%dma_start3A_57 : memref<10x125xi32, #tpu.memory_space<vmem>>) target_semaphore(%run_scoped3A_45 : memref<!tpu.dma_semaphore, #tpu.memory_space<semaphore_mem>>)
      %dma_wait3A = arith.constant 0 : i32
      %dma_wait3A_62 = arith.constant 0 : i32
      %dma_wait3A_63 = tpu.memref_slice %arg7[%run_scoped3A_1, %dma_wait3A, %dma_wait3A_62] : memref<2x10x125xi32, #tpu.memory_space<vmem>> -> memref<1x10x125xi32, #tpu.memory_space<vmem>>
      %dma_wait3A_64 = tpu.memref_squeeze %dma_wait3A_63 : memref<1x10x125xi32, #tpu.memory_space<vmem>> -> memref<10x125xi32, #tpu.memory_space<vmem>>
      %dma_wait3A_65 = arith.constant 0 : i32
      %dma_wait3A_66 = arith.constant 0 : i32
      %dma_wait3A_67 = tpu.memref_slice %arg3[%add3A, %run_scoped3A, %dma_wait3A_65, %dma_wait3A_66] : memref<32x8x10x125xi32, #tpu.memory_space<hbm>> -> memref<1x1x10x125xi32, #tpu.memory_space<hbm>>
      %dma_wait3A_68 = tpu.memref_squeeze %dma_wait3A_67 : memref<1x1x10x125xi32, #tpu.memory_space<hbm>> -> memref<10x125xi32, #tpu.memory_space<hbm>>
      %dma_wait3A_69 = arith.constant 0 : i32
      %dma_wait3A_70 = arith.constant 0 : i32
      %dma_wait3A_71 = tpu.memref_slice %arg7[%run_scoped3A_1, %dma_wait3A_69, %dma_wait3A_70] : memref<2x10x125xi32, #tpu.memory_space<vmem>> -> memref<1x10x125xi32, #tpu.memory_space<vmem>>
      %dma_wait3A_72 = tpu.memref_squeeze %dma_wait3A_71 : memref<1x10x125xi32, #tpu.memory_space<vmem>> -> memref<10x125xi32, #tpu.memory_space<vmem>>
      %dma_wait3A_73 = arith.constant 0 : i32
      %dma_wait3A_74 = arith.constant 0 : i32
      %dma_wait3A_75 = tpu.memref_slice %arg3[%add3A, %run_scoped3A, %dma_wait3A_73, %dma_wait3A_74] : memref<32x8x10x125xi32, #tpu.memory_space<hbm>> -> memref<1x1x10x125xi32, #tpu.memory_space<hbm>>
      %dma_wait3A_76 = tpu.memref_squeeze %dma_wait3A_75 : memref<1x1x10x125xi32, #tpu.memory_space<hbm>> -> memref<10x125xi32, #tpu.memory_space<hbm>>
      tpu.wait_dma2 semaphore(%run_scoped3A_45 : memref<!tpu.dma_semaphore, #tpu.memory_space<semaphore_mem>>) src(%dma_wait3A_76 : memref<10x125xi32, #tpu.memory_space<hbm>>) dst(%dma_wait3A_72 : memref<10x125xi32, #tpu.memory_space<vmem>>)
      tpu.yield
    }) : () -> ()
    %run_scoped3A_2 = arith.constant 0 : i32
    %run_scoped3A_3 = arith.constant 0 : i32
    "tpu.region"() ({
      %run_scoped3A_45 = tpu.sem_alloc : memref<!tpu.dma_semaphore, #tpu.memory_space<semaphore_mem>>
      %dma_start3A_46 = arith.constant 0 : i32
      %dma_start3A_47 = arith.constant 0 : i32
      %dma_start3A_48 = tpu.memref_slice %arg8[%run_scoped3A_3, %dma_start3A_46, %dma_start3A_47] : memref<2x10x125xi32, #tpu.memory_space<vmem>> -> memref<1x10x125xi32, #tpu.memory_space<vmem>>
      %dma_start3A_49 = tpu.memref_squeeze %dma_start3A_48 : memref<1x10x125xi32, #tpu.memory_space<vmem>> -> memref<10x125xi32, #tpu.memory_space<vmem>>
      %dma_start3A_50 = arith.constant 0 : i32
      %dma_start3A_51 = arith.constant 0 : i32
      %dma_start3A_52 = tpu.memref_slice %arg4[%add3A, %run_scoped3A_2, %dma_start3A_50, %dma_start3A_51] : memref<32x8x10x125xi32, #tpu.memory_space<hbm>> -> memref<1x1x10x125xi32, #tpu.memory_space<hbm>>
      %dma_start3A_53 = tpu.memref_squeeze %dma_start3A_52 : memref<1x1x10x125xi32, #tpu.memory_space<hbm>> -> memref<10x125xi32, #tpu.memory_space<hbm>>
      %dma_start3A_54 = arith.constant 0 : i32
      %dma_start3A_55 = arith.constant 0 : i32
      %dma_start3A_56 = tpu.memref_slice %arg8[%run_scoped3A_3, %dma_start3A_54, %dma_start3A_55] : memref<2x10x125xi32, #tpu.memory_space<vmem>> -> memref<1x10x125xi32, #tpu.memory_space<vmem>>
      %dma_start3A_57 = tpu.memref_squeeze %dma_start3A_56 : memref<1x10x125xi32, #tpu.memory_space<vmem>> -> memref<10x125xi32, #tpu.memory_space<vmem>>
      %dma_start3A_58 = arith.constant 0 : i32
      %dma_start3A_59 = arith.constant 0 : i32
      %dma_start3A_60 = tpu.memref_slice %arg4[%add3A, %run_scoped3A_2, %dma_start3A_58, %dma_start3A_59] : memref<32x8x10x125xi32, #tpu.memory_space<hbm>> -> memref<1x1x10x125xi32, #tpu.memory_space<hbm>>
      %dma_start3A_61 = tpu.memref_squeeze %dma_start3A_60 : memref<1x1x10x125xi32, #tpu.memory_space<hbm>> -> memref<10x125xi32, #tpu.memory_space<hbm>>
      tpu.enqueue_dma source(%dma_start3A_61 : memref<10x125xi32, #tpu.memory_space<hbm>>) target(%dma_start3A_57 : memref<10x125xi32, #tpu.memory_space<vmem>>) target_semaphore(%run_scoped3A_45 : memref<!tpu.dma_semaphore, #tpu.memory_space<semaphore_mem>>)
      %dma_wait3A = arith.constant 0 : i32
      %dma_wait3A_62 = arith.constant 0 : i32
      %dma_wait3A_63 = tpu.memref_slice %arg8[%run_scoped3A_3, %dma_wait3A, %dma_wait3A_62] : memref<2x10x125xi32, #tpu.memory_space<vmem>> -> memref<1x10x125xi32, #tpu.memory_space<vmem>>
      %dma_wait3A_64 = tpu.memref_squeeze %dma_wait3A_63 : memref<1x10x125xi32, #tpu.memory_space<vmem>> -> memref<10x125xi32, #tpu.memory_space<vmem>>
      %dma_wait3A_65 = arith.constant 0 : i32
      %dma_wait3A_66 = arith.constant 0 : i32
      %dma_wait3A_67 = tpu.memref_slice %arg4[%add3A, %run_scoped3A_2, %dma_wait3A_65, %dma_wait3A_66] : memref<32x8x10x125xi32, #tpu.memory_space<hbm>> -> memref<1x1x10x125xi32, #tpu.memory_space<hbm>>
      %dma_wait3A_68 = tpu.memref_squeeze %dma_wait3A_67 : memref<1x1x10x125xi32, #tpu.memory_space<hbm>> -> memref<10x125xi32, #tpu.memory_space<hbm>>
      %dma_wait3A_69 = arith.constant 0 : i32
      %dma_wait3A_70 = arith.constant 0 : i32
      %dma_wait3A_71 = tpu.memref_slice %arg8[%run_scoped3A_3, %dma_wait3A_69, %dma_wait3A_70] : memref<2x10x125xi32, #tpu.memory_space<vmem>> -> memref<1x10x125xi32, #tpu.memory_space<vmem>>
      %dma_wait3A_72 = tpu.memref_squeeze %dma_wait3A_71 : memref<1x10x125xi32, #tpu.memory_space<vmem>> -> memref<10x125xi32, #tpu.memory_space<vmem>>
      %dma_wait3A_73 = arith.constant 0 : i32
      %dma_wait3A_74 = arith.constant 0 : i32
      %dma_wait3A_75 = tpu.memref_slice %arg4[%add3A, %run_scoped3A_2, %dma_wait3A_73, %dma_wait3A_74] : memref<32x8x10x125xi32, #tpu.memory_space<hbm>> -> memref<1x1x10x125xi32, #tpu.memory_space<hbm>>
      %dma_wait3A_76 = tpu.memref_squeeze %dma_wait3A_75 : memref<1x1x10x125xi32, #tpu.memory_space<hbm>> -> memref<10x125xi32, #tpu.memory_space<hbm>>
      tpu.wait_dma2 semaphore(%run_scoped3A_45 : memref<!tpu.dma_semaphore, #tpu.memory_space<semaphore_mem>>) src(%dma_wait3A_76 : memref<10x125xi32, #tpu.memory_space<hbm>>) dst(%dma_wait3A_72 : memref<10x125xi32, #tpu.memory_space<vmem>>)
      tpu.yield
    }) : () -> ()
    %eq3A = arith.constant 0 : i32
    %eq3A_4 = arith.cmpi eq, %arg0, %eq3A : i32
    %lt3A = arith.constant 15 : i32
    %lt3A_5 = arith.cmpi slt, %arg1, %lt3A : i32
    %and3A = arith.andi %eq3A_4, %lt3A_5 : i1
    %convert_element_type3A = arith.extui %and3A : i1 to i32
    %cond3A = arith.constant 0 : i32
    %cond3A_6 = arith.cmpi ne, %convert_element_type3A, %cond3A : i32
    scf.if %cond3A_6 {
      %mul3A_45 = arith.constant 632 : i32
      %mul3A_46 = arith.muli %arg1, %mul3A_45 : i32
      %mul3A_47 = arith.constant 632 : i32
      %mul3A_48 = arith.muli %arg1, %mul3A_47 : i32
      "tpu.region"() ({
        %run_scoped3A_49 = tpu.sem_alloc : memref<!tpu.dma_semaphore, #tpu.memory_space<semaphore_mem>>
        %dma_start3A_50 = arith.constant 0 : i32
        %dma_start3A_51 = tpu.memref_slice %arg11[%mul3A_48, %dma_start3A_50] : memref<10112x128xf32, #tpu.memory_space<vmem_shared>> -> memref<632x128xf32, #tpu.memory_space<vmem_shared>>
        %dma_start3A_52 = arith.constant 0 : i32
        %dma_start3A_53 = tpu.memref_slice %arg2[%mul3A_46, %dma_start3A_52] : memref<10000x128xf32, #tpu.memory_space<hbm>> -> memref<632x128xf32, #tpu.memory_space<hbm>>
        tpu.enqueue_dma source(%dma_start3A_53 : memref<632x128xf32, #tpu.memory_space<hbm>>) target(%dma_start3A_51 : memref<632x128xf32, #tpu.memory_space<vmem_shared>>) target_semaphore(%run_scoped3A_49 : memref<!tpu.dma_semaphore, #tpu.memory_space<semaphore_mem>>)
        %dma_wait3A = arith.constant 0 : i32
        %dma_wait3A_54 = tpu.memref_slice %arg11[%mul3A_48, %dma_wait3A] : memref<10112x128xf32, #tpu.memory_space<vmem_shared>> -> memref<632x128xf32, #tpu.memory_space<vmem_shared>>
        %dma_wait3A_55 = arith.constant 0 : i32
        %dma_wait3A_56 = tpu.memref_slice %arg2[%mul3A_46, %dma_wait3A_55] : memref<10000x128xf32, #tpu.memory_space<hbm>> -> memref<632x128xf32, #tpu.memory_space<hbm>>
        tpu.wait_dma2 semaphore(%run_scoped3A_49 : memref<!tpu.dma_semaphore, #tpu.memory_space<semaphore_mem>>) src(%dma_wait3A_56 : memref<632x128xf32, #tpu.memory_space<hbm>>) dst(%dma_wait3A_54 : memref<632x128xf32, #tpu.memory_space<vmem_shared>>)
        tpu.yield
      }) : () -> ()
    } else {
    }
    %eq3A_7 = arith.constant 0 : i32
    %eq3A_8 = arith.cmpi eq, %arg0, %eq3A_7 : i32
    %eq3A_9 = arith.constant 15 : i32
    %eq3A_10 = arith.cmpi eq, %arg1, %eq3A_9 : i32
    %and3A_11 = arith.andi %eq3A_8, %eq3A_10 : i1
    %convert_element_type3A_12 = arith.extui %and3A_11 : i1 to i32
    %cond3A_13 = arith.constant 0 : i32
    %cond3A_14 = arith.cmpi ne, %convert_element_type3A_12, %cond3A_13 : i32
    scf.if %cond3A_14 {
      "tpu.region"() ({
        %run_scoped3A_45 = tpu.sem_alloc : memref<!tpu.dma_semaphore, #tpu.memory_space<semaphore_mem>>
        %dma_start3A_46 = arith.constant 9480 : i32
        %dma_start3A_47 = arith.constant 0 : i32
        %dma_start3A_48 = tpu.memref_slice %arg11[%dma_start3A_46, %dma_start3A_47] : memref<10112x128xf32, #tpu.memory_space<vmem_shared>> -> memref<520x128xf32, #tpu.memory_space<vmem_shared>>
        %dma_start3A_49 = arith.constant 9480 : i32
        %dma_start3A_50 = arith.constant 0 : i32
        %dma_start3A_51 = tpu.memref_slice %arg2[%dma_start3A_49, %dma_start3A_50] : memref<10000x128xf32, #tpu.memory_space<hbm>> -> memref<520x128xf32, #tpu.memory_space<hbm>>
        tpu.enqueue_dma source(%dma_start3A_51 : memref<520x128xf32, #tpu.memory_space<hbm>>) target(%dma_start3A_48 : memref<520x128xf32, #tpu.memory_space<vmem_shared>>) target_semaphore(%run_scoped3A_45 : memref<!tpu.dma_semaphore, #tpu.memory_space<semaphore_mem>>)
        %dma_wait3A = arith.constant 9480 : i32
        %dma_wait3A_52 = arith.constant 0 : i32
        %dma_wait3A_53 = tpu.memref_slice %arg11[%dma_wait3A, %dma_wait3A_52] : memref<10112x128xf32, #tpu.memory_space<vmem_shared>> -> memref<520x128xf32, #tpu.memory_space<vmem_shared>>
        %dma_wait3A_54 = arith.constant 9480 : i32
        %dma_wait3A_55 = arith.constant 0 : i32
        %dma_wait3A_56 = tpu.memref_slice %arg2[%dma_wait3A_54, %dma_wait3A_55] : memref<10000x128xf32, #tpu.memory_space<hbm>> -> memref<520x128xf32, #tpu.memory_space<hbm>>
        tpu.wait_dma2 semaphore(%run_scoped3A_45 : memref<!tpu.dma_semaphore, #tpu.memory_space<semaphore_mem>>) src(%dma_wait3A_56 : memref<520x128xf32, #tpu.memory_space<hbm>>) dst(%dma_wait3A_53 : memref<520x128xf32, #tpu.memory_space<vmem_shared>>)
        tpu.yield
      }) : () -> ()
      "tpu.region"() ({
        %run_scoped3A_45 = tpu.sem_alloc : memref<!tpu.dma_semaphore, #tpu.memory_space<semaphore_mem>>
        %dma_start3A_46 = arith.constant 10000 : i32
        %dma_start3A_47 = arith.constant 0 : i32
        %dma_start3A_48 = tpu.memref_slice %arg11[%dma_start3A_46, %dma_start3A_47] : memref<10112x128xf32, #tpu.memory_space<vmem_shared>> -> memref<112x128xf32, #tpu.memory_space<vmem_shared>>
        %dma_start3A_49 = arith.constant 0 : i32
        %dma_start3A_50 = arith.constant 0 : i32
        %dma_start3A_51 = tpu.memref_slice %arg5[%dma_start3A_49, %dma_start3A_50] : memref<10112x128xf32, #tpu.memory_space<hbm>> -> memref<112x128xf32, #tpu.memory_space<hbm>>
        tpu.enqueue_dma source(%dma_start3A_51 : memref<112x128xf32, #tpu.memory_space<hbm>>) target(%dma_start3A_48 : memref<112x128xf32, #tpu.memory_space<vmem_shared>>) target_semaphore(%run_scoped3A_45 : memref<!tpu.dma_semaphore, #tpu.memory_space<semaphore_mem>>)
        %dma_wait3A = arith.constant 10000 : i32
        %dma_wait3A_52 = arith.constant 0 : i32
        %dma_wait3A_53 = tpu.memref_slice %arg11[%dma_wait3A, %dma_wait3A_52] : memref<10112x128xf32, #tpu.memory_space<vmem_shared>> -> memref<112x128xf32, #tpu.memory_space<vmem_shared>>
        %dma_wait3A_54 = arith.constant 0 : i32
        %dma_wait3A_55 = arith.constant 0 : i32
        %dma_wait3A_56 = tpu.memref_slice %arg5[%dma_wait3A_54, %dma_wait3A_55] : memref<10112x128xf32, #tpu.memory_space<hbm>> -> memref<112x128xf32, #tpu.memory_space<hbm>>
        tpu.wait_dma2 semaphore(%run_scoped3A_45 : memref<!tpu.dma_semaphore, #tpu.memory_space<semaphore_mem>>) src(%dma_wait3A_56 : memref<112x128xf32, #tpu.memory_space<hbm>>) dst(%dma_wait3A_53 : memref<112x128xf32, #tpu.memory_space<vmem_shared>>)
        tpu.yield
      }) : () -> ()
    } else {
    }
    %eq3A_15 = arith.constant 1 : i32
    %eq3A_16 = arith.cmpi eq, %arg0, %eq3A_15 : i32
    %convert_element_type3A_17 = arith.extui %eq3A_16 : i1 to i32
    %cond3A_18 = arith.constant 0 : i32
    %cond3A_19 = arith.cmpi ne, %convert_element_type3A_17, %cond3A_18 : i32
    scf.if %cond3A_19 {
      %mul3A_45 = arith.constant 632 : i32
      %mul3A_46 = arith.muli %arg1, %mul3A_45 : i32
      %mul3A_47 = arith.constant 632 : i32
      %mul3A_48 = arith.muli %arg1, %mul3A_47 : i32
      "tpu.region"() ({
        %run_scoped3A_49 = tpu.sem_alloc : memref<!tpu.dma_semaphore, #tpu.memory_space<semaphore_mem>>
        %dma_start3A_50 = arith.constant 0 : i32
        %dma_start3A_51 = tpu.memref_slice %arg11[%mul3A_48, %dma_start3A_50] : memref<10112x128xf32, #tpu.memory_space<vmem_shared>> -> memref<632x128xf32, #tpu.memory_space<vmem_shared>>
        %dma_start3A_52 = arith.constant 0 : i32
        %dma_start3A_53 = tpu.memref_slice %arg5[%mul3A_46, %dma_start3A_52] : memref<10112x128xf32, #tpu.memory_space<hbm>> -> memref<632x128xf32, #tpu.memory_space<hbm>>
        tpu.enqueue_dma source(%dma_start3A_53 : memref<632x128xf32, #tpu.memory_space<hbm>>) target(%dma_start3A_51 : memref<632x128xf32, #tpu.memory_space<vmem_shared>>) target_semaphore(%run_scoped3A_49 : memref<!tpu.dma_semaphore, #tpu.memory_space<semaphore_mem>>)
        %dma_wait3A = arith.constant 0 : i32
        %dma_wait3A_54 = tpu.memref_slice %arg11[%mul3A_48, %dma_wait3A] : memref<10112x128xf32, #tpu.memory_space<vmem_shared>> -> memref<632x128xf32, #tpu.memory_space<vmem_shared>>
        %dma_wait3A_55 = arith.constant 0 : i32
        %dma_wait3A_56 = tpu.memref_slice %arg5[%mul3A_46, %dma_wait3A_55] : memref<10112x128xf32, #tpu.memory_space<hbm>> -> memref<632x128xf32, #tpu.memory_space<hbm>>
        tpu.wait_dma2 semaphore(%run_scoped3A_49 : memref<!tpu.dma_semaphore, #tpu.memory_space<semaphore_mem>>) src(%dma_wait3A_56 : memref<632x128xf32, #tpu.memory_space<hbm>>) dst(%dma_wait3A_54 : memref<632x128xf32, #tpu.memory_space<vmem_shared>>)
        tpu.yield
      }) : () -> ()
    } else {
    }
    %barrier3A = arith.constant 0 : index
    tpu.barrier barrier_id(%barrier3A)
    %dma_start3A = arith.constant 0 : i32
    %dma_start3A_20 = arith.constant 0 : i32
    %dma_start3A_21 = arith.constant 0 : i32
    %dma_start3A_22 = tpu.memref_slice %arg7[%dma_start3A, %dma_start3A_20, %dma_start3A_21] : memref<2x10x125xi32, #tpu.memory_space<vmem>> -> memref<1x1x125xi32, #tpu.memory_space<vmem>>
    %dma_start3A_23 = tpu.memref_squeeze %dma_start3A_22 : memref<1x1x125xi32, #tpu.memory_space<vmem>> -> memref<125xi32, #tpu.memory_space<vmem>>
    %dma_start3A_24 = arith.constant 0 : i32
    %dma_start3A_25 = arith.constant 0 : i32
    %dma_start3A_26 = tpu.memref_slice %arg2[%dma_start3A_24, %dma_start3A_25] : memref<10000x128xf32, #tpu.memory_space<hbm>> -> memref<10000x128xf32, #tpu.memory_space<hbm>>
    tpu.enqueue_indirect_dma source(%dma_start3A_26 : memref<10000x128xf32, #tpu.memory_space<hbm>>) target(%arg9 : memref<125x128xf32, #tpu.memory_space<vmem>>) offsets(%dma_start3A_23 : memref<125xi32, #tpu.memory_space<vmem>>) semaphore(%arg12 : memref<!tpu.dma_semaphore, #tpu.memory_space<semaphore_mem>>)
    %dma_start3A_27 = arith.constant 0 : i32
    %dma_start3A_28 = arith.constant 1 : i32
    %dma_start3A_29 = arith.constant 0 : i32
    %dma_start3A_30 = tpu.memref_slice %arg7[%dma_start3A_27, %dma_start3A_28, %dma_start3A_29] : memref<2x10x125xi32, #tpu.memory_space<vmem>> -> memref<1x1x125xi32, #tpu.memory_space<vmem>>
    %dma_start3A_31 = tpu.memref_squeeze %dma_start3A_30 : memref<1x1x125xi32, #tpu.memory_space<vmem>> -> memref<125xi32, #tpu.memory_space<vmem>>
    %dma_start3A_32 = arith.constant 0 : i32
    %dma_start3A_33 = arith.constant 0 : i32
    %dma_start3A_34 = tpu.memref_slice %arg2[%dma_start3A_32, %dma_start3A_33] : memref<10000x128xf32, #tpu.memory_space<hbm>> -> memref<10000x128xf32, #tpu.memory_space<hbm>>
    tpu.enqueue_indirect_dma source(%dma_start3A_34 : memref<10000x128xf32, #tpu.memory_space<hbm>>) target(%arg10 : memref<125x128xf32, #tpu.memory_space<vmem>>) offsets(%dma_start3A_31 : memref<125xi32, #tpu.memory_space<vmem>>) semaphore(%arg13 : memref<!tpu.dma_semaphore, #tpu.memory_space<semaphore_mem>>)
    %scan3A = arith.constant 0 : i32
    %scan3A_35 = arith.constant 0 : i32
    %scan3A_36 = arith.constant 8 : i32
    %scan3A_37 = arith.addi %scan3A_35, %scan3A_36 : i32
    %scan3A_38 = arith.constant 1 : i32
    scf.for %scan3A_45 = %scan3A_35 to %scan3A_37 step %scan3A_38  : i32 {
      %rem3A = arith.constant 2 : i32
      %rem3A_46 = arith.remsi %scan3A_45, %rem3A : i32
      %add3A_47 = arith.constant 1 : i32
      %add3A_48 = arith.addi %scan3A_45, %add3A_47 : i32
      %rem3A_49 = arith.constant 2 : i32
      %rem3A_50 = arith.remsi %add3A_48, %rem3A_49 : i32
      %add3A_51 = arith.constant 1 : i32
      %add3A_52 = arith.addi %scan3A_45, %add3A_51 : i32
      %lt3A_53 = arith.constant 8 : i32
      %lt3A_54 = arith.cmpi slt, %add3A_52, %lt3A_53 : i32
      %convert_element_type3A_55 = arith.extui %lt3A_54 : i1 to i32
      %cond3A_56 = arith.constant 0 : i32
      %cond3A_57 = arith.cmpi ne, %convert_element_type3A_55, %cond3A_56 : i32
      scf.if %cond3A_57 {
        %add3A_202 = arith.constant 1 : i32
        %add3A_203 = arith.addi %scan3A_45, %add3A_202 : i32
        %dma_start3A_204 = arith.constant 0 : i32
        %dma_start3A_205 = arith.constant 0 : i32
        %dma_start3A_206 = tpu.memref_slice %arg7[%rem3A_50, %dma_start3A_204, %dma_start3A_205] : memref<2x10x125xi32, #tpu.memory_space<vmem>> -> memref<1x10x125xi32, #tpu.memory_space<vmem>>
        %dma_start3A_207 = tpu.memref_squeeze %dma_start3A_206 : memref<1x10x125xi32, #tpu.memory_space<vmem>> -> memref<10x125xi32, #tpu.memory_space<vmem>>
        %dma_start3A_208 = arith.constant 0 : i32
        %dma_start3A_209 = arith.constant 0 : i32
        %dma_start3A_210 = tpu.memref_slice %arg3[%add3A, %add3A_203, %dma_start3A_208, %dma_start3A_209] : memref<32x8x10x125xi32, #tpu.memory_space<hbm>> -> memref<1x1x10x125xi32, #tpu.memory_space<hbm>>
        %dma_start3A_211 = tpu.memref_squeeze %dma_start3A_210 : memref<1x1x10x125xi32, #tpu.memory_space<hbm>> -> memref<10x125xi32, #tpu.memory_space<hbm>>
        %dma_start3A_212 = arith.constant 0 : i32
        %dma_start3A_213 = arith.constant 0 : i32
        %dma_start3A_214 = tpu.memref_slice %arg7[%rem3A_50, %dma_start3A_212, %dma_start3A_213] : memref<2x10x125xi32, #tpu.memory_space<vmem>> -> memref<1x10x125xi32, #tpu.memory_space<vmem>>
        %dma_start3A_215 = tpu.memref_squeeze %dma_start3A_214 : memref<1x10x125xi32, #tpu.memory_space<vmem>> -> memref<10x125xi32, #tpu.memory_space<vmem>>
        %dma_start3A_216 = arith.constant 0 : i32
        %dma_start3A_217 = arith.constant 0 : i32
        %dma_start3A_218 = tpu.memref_slice %arg3[%add3A, %add3A_203, %dma_start3A_216, %dma_start3A_217] : memref<32x8x10x125xi32, #tpu.memory_space<hbm>> -> memref<1x1x10x125xi32, #tpu.memory_space<hbm>>
        %dma_start3A_219 = tpu.memref_squeeze %dma_start3A_218 : memref<1x1x10x125xi32, #tpu.memory_space<hbm>> -> memref<10x125xi32, #tpu.memory_space<hbm>>
        tpu.enqueue_dma source(%dma_start3A_219 : memref<10x125xi32, #tpu.memory_space<hbm>>) target(%dma_start3A_215 : memref<10x125xi32, #tpu.memory_space<vmem>>) target_semaphore(%arg14 : memref<!tpu.dma_semaphore, #tpu.memory_space<semaphore_mem>>)
        %add3A_220 = arith.constant 1 : i32
        %add3A_221 = arith.addi %scan3A_45, %add3A_220 : i32
        %dma_start3A_222 = arith.constant 0 : i32
        %dma_start3A_223 = arith.constant 0 : i32
        %dma_start3A_224 = tpu.memref_slice %arg8[%rem3A_50, %dma_start3A_222, %dma_start3A_223] : memref<2x10x125xi32, #tpu.memory_space<vmem>> -> memref<1x10x125xi32, #tpu.memory_space<vmem>>
        %dma_start3A_225 = tpu.memref_squeeze %dma_start3A_224 : memref<1x10x125xi32, #tpu.memory_space<vmem>> -> memref<10x125xi32, #tpu.memory_space<vmem>>
        %dma_start3A_226 = arith.constant 0 : i32
        %dma_start3A_227 = arith.constant 0 : i32
        %dma_start3A_228 = tpu.memref_slice %arg4[%add3A, %add3A_221, %dma_start3A_226, %dma_start3A_227] : memref<32x8x10x125xi32, #tpu.memory_space<hbm>> -> memref<1x1x10x125xi32, #tpu.memory_space<hbm>>
        %dma_start3A_229 = tpu.memref_squeeze %dma_start3A_228 : memref<1x1x10x125xi32, #tpu.memory_space<hbm>> -> memref<10x125xi32, #tpu.memory_space<hbm>>
        %dma_start3A_230 = arith.constant 0 : i32
        %dma_start3A_231 = arith.constant 0 : i32
        %dma_start3A_232 = tpu.memref_slice %arg8[%rem3A_50, %dma_start3A_230, %dma_start3A_231] : memref<2x10x125xi32, #tpu.memory_space<vmem>> -> memref<1x10x125xi32, #tpu.memory_space<vmem>>
        %dma_start3A_233 = tpu.memref_squeeze %dma_start3A_232 : memref<1x10x125xi32, #tpu.memory_space<vmem>> -> memref<10x125xi32, #tpu.memory_space<vmem>>
        %dma_start3A_234 = arith.constant 0 : i32
        %dma_start3A_235 = arith.constant 0 : i32
        %dma_start3A_236 = tpu.memref_slice %arg4[%add3A, %add3A_221, %dma_start3A_234, %dma_start3A_235] : memref<32x8x10x125xi32, #tpu.memory_space<hbm>> -> memref<1x1x10x125xi32, #tpu.memory_space<hbm>>
        %dma_start3A_237 = tpu.memref_squeeze %dma_start3A_236 : memref<1x1x10x125xi32, #tpu.memory_space<hbm>> -> memref<10x125xi32, #tpu.memory_space<hbm>>
        tpu.enqueue_dma source(%dma_start3A_237 : memref<10x125xi32, #tpu.memory_space<hbm>>) target(%dma_start3A_233 : memref<10x125xi32, #tpu.memory_space<vmem>>) target_semaphore(%arg15 : memref<!tpu.dma_semaphore, #tpu.memory_space<semaphore_mem>>)
      } else {
      }
      %dma_wait3A = arith.constant 0 : i32
      %dma_wait3A_58 = arith.constant 0 : i32
      %dma_wait3A_59 = tpu.memref_slice %arg7[%rem3A_46, %dma_wait3A, %dma_wait3A_58] : memref<2x10x125xi32, #tpu.memory_space<vmem>> -> memref<1x1x125xi32, #tpu.memory_space<vmem>>
      %dma_wait3A_60 = tpu.memref_squeeze %dma_wait3A_59 : memref<1x1x125xi32, #tpu.memory_space<vmem>> -> memref<125xi32, #tpu.memory_space<vmem>>
      %dma_wait3A_61 = arith.constant 0 : i32
      %dma_wait3A_62 = arith.constant 0 : i32
      %dma_wait3A_63 = tpu.memref_slice %arg2[%dma_wait3A_61, %dma_wait3A_62] : memref<10000x128xf32, #tpu.memory_space<hbm>> -> memref<10000x128xf32, #tpu.memory_space<hbm>>
      tpu.wait_indirect_dma semaphore(%arg12 : memref<!tpu.dma_semaphore, #tpu.memory_space<semaphore_mem>>) src(%dma_wait3A_63 : memref<10000x128xf32, #tpu.memory_space<hbm>>) dst(%arg9 : memref<125x128xf32, #tpu.memory_space<vmem>>)
      %run_scoped3A_64 = arith.constant 0 : i32
      "tpu.region"() ({
        %run_scoped3A_202 = tpu.sem_alloc : memref<!tpu.dma_semaphore, #tpu.memory_space<semaphore_mem>>
        %dma_start3A_203 = arith.constant 0 : i32
        %dma_start3A_204 = tpu.memref_slice %arg8[%rem3A_46, %run_scoped3A_64, %dma_start3A_203] : memref<2x10x125xi32, #tpu.memory_space<vmem>> -> memref<1x1x125xi32, #tpu.memory_space<vmem>>
        %dma_start3A_205 = tpu.memref_squeeze %dma_start3A_204 : memref<1x1x125xi32, #tpu.memory_space<vmem>> -> memref<125xi32, #tpu.memory_space<vmem>>
        %dma_start3A_206 = arith.constant 0 : i32
        %dma_start3A_207 = arith.constant 0 : i32
        %dma_start3A_208 = tpu.memref_slice %arg11[%dma_start3A_206, %dma_start3A_207] : memref<10112x128xf32, #tpu.memory_space<vmem_shared>> -> memref<10112x128xf32, #tpu.memory_space<vmem_shared>>
        tpu.enqueue_indirect_dma source(%arg9 : memref<125x128xf32, #tpu.memory_space<vmem>>) target(%dma_start3A_208 : memref<10112x128xf32, #tpu.memory_space<vmem_shared>>) offsets(%dma_start3A_205 : memref<125xi32, #tpu.memory_space<vmem>>) semaphore(%run_scoped3A_202 : memref<!tpu.dma_semaphore, #tpu.memory_space<semaphore_mem>>) {add = true}
        %dma_wait3A_209 = arith.constant 0 : i32
        %dma_wait3A_210 = tpu.memref_slice %arg8[%rem3A_46, %run_scoped3A_64, %dma_wait3A_209] : memref<2x10x125xi32, #tpu.memory_space<vmem>> -> memref<1x1x125xi32, #tpu.memory_space<vmem>>
        %dma_wait3A_211 = tpu.memref_squeeze %dma_wait3A_210 : memref<1x1x125xi32, #tpu.memory_space<vmem>> -> memref<125xi32, #tpu.memory_space<vmem>>
        %dma_wait3A_212 = arith.constant 0 : i32
        %dma_wait3A_213 = arith.constant 0 : i32
        %dma_wait3A_214 = tpu.memref_slice %arg11[%dma_wait3A_212, %dma_wait3A_213] : memref<10112x128xf32, #tpu.memory_space<vmem_shared>> -> memref<10112x128xf32, #tpu.memory_space<vmem_shared>>
        tpu.wait_indirect_dma semaphore(%run_scoped3A_202 : memref<!tpu.dma_semaphore, #tpu.memory_space<semaphore_mem>>) src(%arg9 : memref<125x128xf32, #tpu.memory_space<vmem>>) dst(%dma_wait3A_214 : memref<10112x128xf32, #tpu.memory_space<vmem_shared>>)
        tpu.yield
      }) : () -> ()
      %dma_start3A_65 = arith.constant 2 : i32
      %dma_start3A_66 = arith.constant 0 : i32
      %dma_start3A_67 = tpu.memref_slice %arg7[%rem3A_46, %dma_start3A_65, %dma_start3A_66] : memref<2x10x125xi32, #tpu.memory_space<vmem>> -> memref<1x1x125xi32, #tpu.memory_space<vmem>>
      %dma_start3A_68 = tpu.memref_squeeze %dma_start3A_67 : memref<1x1x125xi32, #tpu.memory_space<vmem>> -> memref<125xi32, #tpu.memory_space<vmem>>
      %dma_start3A_69 = arith.constant 0 : i32
      %dma_start3A_70 = arith.constant 0 : i32
      %dma_start3A_71 = tpu.memref_slice %arg2[%dma_start3A_69, %dma_start3A_70] : memref<10000x128xf32, #tpu.memory_space<hbm>> -> memref<10000x128xf32, #tpu.memory_space<hbm>>
      tpu.enqueue_indirect_dma source(%dma_start3A_71 : memref<10000x128xf32, #tpu.memory_space<hbm>>) target(%arg9 : memref<125x128xf32, #tpu.memory_space<vmem>>) offsets(%dma_start3A_68 : memref<125xi32, #tpu.memory_space<vmem>>) semaphore(%arg12 : memref<!tpu.dma_semaphore, #tpu.memory_space<semaphore_mem>>)
      %dma_wait3A_72 = arith.constant 1 : i32
      %dma_wait3A_73 = arith.constant 0 : i32
      %dma_wait3A_74 = tpu.memref_slice %arg7[%rem3A_46, %dma_wait3A_72, %dma_wait3A_73] : memref<2x10x125xi32, #tpu.memory_space<vmem>> -> memref<1x1x125xi32, #tpu.memory_space<vmem>>
      %dma_wait3A_75 = tpu.memref_squeeze %dma_wait3A_74 : memref<1x1x125xi32, #tpu.memory_space<vmem>> -> memref<125xi32, #tpu.memory_space<vmem>>
      %dma_wait3A_76 = arith.constant 0 : i32
      %dma_wait3A_77 = arith.constant 0 : i32
      %dma_wait3A_78 = tpu.memref_slice %arg2[%dma_wait3A_76, %dma_wait3A_77] : memref<10000x128xf32, #tpu.memory_space<hbm>> -> memref<10000x128xf32, #tpu.memory_space<hbm>>
      tpu.wait_indirect_dma semaphore(%arg13 : memref<!tpu.dma_semaphore, #tpu.memory_space<semaphore_mem>>) src(%dma_wait3A_78 : memref<10000x128xf32, #tpu.memory_space<hbm>>) dst(%arg10 : memref<125x128xf32, #tpu.memory_space<vmem>>)
      %run_scoped3A_79 = arith.constant 1 : i32
      "tpu.region"() ({
        %run_scoped3A_202 = tpu.sem_alloc : memref<!tpu.dma_semaphore, #tpu.memory_space<semaphore_mem>>
        %dma_start3A_203 = arith.constant 0 : i32
        %dma_start3A_204 = tpu.memref_slice %arg8[%rem3A_46, %run_scoped3A_79, %dma_start3A_203] : memref<2x10x125xi32, #tpu.memory_space<vmem>> -> memref<1x1x125xi32, #tpu.memory_space<vmem>>
        %dma_start3A_205 = tpu.memref_squeeze %dma_start3A_204 : memref<1x1x125xi32, #tpu.memory_space<vmem>> -> memref<125xi32, #tpu.memory_space<vmem>>
        %dma_start3A_206 = arith.constant 0 : i32
        %dma_start3A_207 = arith.constant 0 : i32
        %dma_start3A_208 = tpu.memref_slice %arg11[%dma_start3A_206, %dma_start3A_207] : memref<10112x128xf32, #tpu.memory_space<vmem_shared>> -> memref<10112x128xf32, #tpu.memory_space<vmem_shared>>
        tpu.enqueue_indirect_dma source(%arg10 : memref<125x128xf32, #tpu.memory_space<vmem>>) target(%dma_start3A_208 : memref<10112x128xf32, #tpu.memory_space<vmem_shared>>) offsets(%dma_start3A_205 : memref<125xi32, #tpu.memory_space<vmem>>) semaphore(%run_scoped3A_202 : memref<!tpu.dma_semaphore, #tpu.memory_space<semaphore_mem>>) {add = true}
        %dma_wait3A_209 = arith.constant 0 : i32
        %dma_wait3A_210 = tpu.memref_slice %arg8[%rem3A_46, %run_scoped3A_79, %dma_wait3A_209] : memref<2x10x125xi32, #tpu.memory_space<vmem>> -> memref<1x1x125xi32, #tpu.memory_space<vmem>>
        %dma_wait3A_211 = tpu.memref_squeeze %dma_wait3A_210 : memref<1x1x125xi32, #tpu.memory_space<vmem>> -> memref<125xi32, #tpu.memory_space<vmem>>
        %dma_wait3A_212 = arith.constant 0 : i32
        %dma_wait3A_213 = arith.constant 0 : i32
        %dma_wait3A_214 = tpu.memref_slice %arg11[%dma_wait3A_212, %dma_wait3A_213] : memref<10112x128xf32, #tpu.memory_space<vmem_shared>> -> memref<10112x128xf32, #tpu.memory_space<vmem_shared>>
        tpu.wait_indirect_dma semaphore(%run_scoped3A_202 : memref<!tpu.dma_semaphore, #tpu.memory_space<semaphore_mem>>) src(%arg10 : memref<125x128xf32, #tpu.memory_space<vmem>>) dst(%dma_wait3A_214 : memref<10112x128xf32, #tpu.memory_space<vmem_shared>>)
        tpu.yield
      }) : () -> ()
      %dma_start3A_80 = arith.constant 3 : i32
      %dma_start3A_81 = arith.constant 0 : i32
      %dma_start3A_82 = tpu.memref_slice %arg7[%rem3A_46, %dma_start3A_80, %dma_start3A_81] : memref<2x10x125xi32, #tpu.memory_space<vmem>> -> memref<1x1x125xi32, #tpu.memory_space<vmem>>
      %dma_start3A_83 = tpu.memref_squeeze %dma_start3A_82 : memref<1x1x125xi32, #tpu.memory_space<vmem>> -> memref<125xi32, #tpu.memory_space<vmem>>
      %dma_start3A_84 = arith.constant 0 : i32
      %dma_start3A_85 = arith.constant 0 : i32
      %dma_start3A_86 = tpu.memref_slice %arg2[%dma_start3A_84, %dma_start3A_85] : memref<10000x128xf32, #tpu.memory_space<hbm>> -> memref<10000x128xf32, #tpu.memory_space<hbm>>
      tpu.enqueue_indirect_dma source(%dma_start3A_86 : memref<10000x128xf32, #tpu.memory_space<hbm>>) target(%arg10 : memref<125x128xf32, #tpu.memory_space<vmem>>) offsets(%dma_start3A_83 : memref<125xi32, #tpu.memory_space<vmem>>) semaphore(%arg13 : memref<!tpu.dma_semaphore, #tpu.memory_space<semaphore_mem>>)
      %dma_wait3A_87 = arith.constant 2 : i32
      %dma_wait3A_88 = arith.constant 0 : i32
      %dma_wait3A_89 = tpu.memref_slice %arg7[%rem3A_46, %dma_wait3A_87, %dma_wait3A_88] : memref<2x10x125xi32, #tpu.memory_space<vmem>> -> memref<1x1x125xi32, #tpu.memory_space<vmem>>
      %dma_wait3A_90 = tpu.memref_squeeze %dma_wait3A_89 : memref<1x1x125xi32, #tpu.memory_space<vmem>> -> memref<125xi32, #tpu.memory_space<vmem>>
      %dma_wait3A_91 = arith.constant 0 : i32
      %dma_wait3A_92 = arith.constant 0 : i32
      %dma_wait3A_93 = tpu.memref_slice %arg2[%dma_wait3A_91, %dma_wait3A_92] : memref<10000x128xf32, #tpu.memory_space<hbm>> -> memref<10000x128xf32, #tpu.memory_space<hbm>>
      tpu.wait_indirect_dma semaphore(%arg12 : memref<!tpu.dma_semaphore, #tpu.memory_space<semaphore_mem>>) src(%dma_wait3A_93 : memref<10000x128xf32, #tpu.memory_space<hbm>>) dst(%arg9 : memref<125x128xf32, #tpu.memory_space<vmem>>)
      %run_scoped3A_94 = arith.constant 2 : i32
      "tpu.region"() ({
        %run_scoped3A_202 = tpu.sem_alloc : memref<!tpu.dma_semaphore, #tpu.memory_space<semaphore_mem>>
        %dma_start3A_203 = arith.constant 0 : i32
        %dma_start3A_204 = tpu.memref_slice %arg8[%rem3A_46, %run_scoped3A_94, %dma_start3A_203] : memref<2x10x125xi32, #tpu.memory_space<vmem>> -> memref<1x1x125xi32, #tpu.memory_space<vmem>>
        %dma_start3A_205 = tpu.memref_squeeze %dma_start3A_204 : memref<1x1x125xi32, #tpu.memory_space<vmem>> -> memref<125xi32, #tpu.memory_space<vmem>>
        %dma_start3A_206 = arith.constant 0 : i32
        %dma_start3A_207 = arith.constant 0 : i32
        %dma_start3A_208 = tpu.memref_slice %arg11[%dma_start3A_206, %dma_start3A_207] : memref<10112x128xf32, #tpu.memory_space<vmem_shared>> -> memref<10112x128xf32, #tpu.memory_space<vmem_shared>>
        tpu.enqueue_indirect_dma source(%arg9 : memref<125x128xf32, #tpu.memory_space<vmem>>) target(%dma_start3A_208 : memref<10112x128xf32, #tpu.memory_space<vmem_shared>>) offsets(%dma_start3A_205 : memref<125xi32, #tpu.memory_space<vmem>>) semaphore(%run_scoped3A_202 : memref<!tpu.dma_semaphore, #tpu.memory_space<semaphore_mem>>) {add = true}
        %dma_wait3A_209 = arith.constant 0 : i32
        %dma_wait3A_210 = tpu.memref_slice %arg8[%rem3A_46, %run_scoped3A_94, %dma_wait3A_209] : memref<2x10x125xi32, #tpu.memory_space<vmem>> -> memref<1x1x125xi32, #tpu.memory_space<vmem>>
        %dma_wait3A_211 = tpu.memref_squeeze %dma_wait3A_210 : memref<1x1x125xi32, #tpu.memory_space<vmem>> -> memref<125xi32, #tpu.memory_space<vmem>>
        %dma_wait3A_212 = arith.constant 0 : i32
        %dma_wait3A_213 = arith.constant 0 : i32
        %dma_wait3A_214 = tpu.memref_slice %arg11[%dma_wait3A_212, %dma_wait3A_213] : memref<10112x128xf32, #tpu.memory_space<vmem_shared>> -> memref<10112x128xf32, #tpu.memory_space<vmem_shared>>
        tpu.wait_indirect_dma semaphore(%run_scoped3A_202 : memref<!tpu.dma_semaphore, #tpu.memory_space<semaphore_mem>>) src(%arg9 : memref<125x128xf32, #tpu.memory_space<vmem>>) dst(%dma_wait3A_214 : memref<10112x128xf32, #tpu.memory_space<vmem_shared>>)
        tpu.yield
      }) : () -> ()
      %dma_start3A_95 = arith.constant 4 : i32
      %dma_start3A_96 = arith.constant 0 : i32
      %dma_start3A_97 = tpu.memref_slice %arg7[%rem3A_46, %dma_start3A_95, %dma_start3A_96] : memref<2x10x125xi32, #tpu.memory_space<vmem>> -> memref<1x1x125xi32, #tpu.memory_space<vmem>>
      %dma_start3A_98 = tpu.memref_squeeze %dma_start3A_97 : memref<1x1x125xi32, #tpu.memory_space<vmem>> -> memref<125xi32, #tpu.memory_space<vmem>>
      %dma_start3A_99 = arith.constant 0 : i32
      %dma_start3A_100 = arith.constant 0 : i32
      %dma_start3A_101 = tpu.memref_slice %arg2[%dma_start3A_99, %dma_start3A_100] : memref<10000x128xf32, #tpu.memory_space<hbm>> -> memref<10000x128xf32, #tpu.memory_space<hbm>>
      tpu.enqueue_indirect_dma source(%dma_start3A_101 : memref<10000x128xf32, #tpu.memory_space<hbm>>) target(%arg9 : memref<125x128xf32, #tpu.memory_space<vmem>>) offsets(%dma_start3A_98 : memref<125xi32, #tpu.memory_space<vmem>>) semaphore(%arg12 : memref<!tpu.dma_semaphore, #tpu.memory_space<semaphore_mem>>)
      %dma_wait3A_102 = arith.constant 3 : i32
      %dma_wait3A_103 = arith.constant 0 : i32
      %dma_wait3A_104 = tpu.memref_slice %arg7[%rem3A_46, %dma_wait3A_102, %dma_wait3A_103] : memref<2x10x125xi32, #tpu.memory_space<vmem>> -> memref<1x1x125xi32, #tpu.memory_space<vmem>>
      %dma_wait3A_105 = tpu.memref_squeeze %dma_wait3A_104 : memref<1x1x125xi32, #tpu.memory_space<vmem>> -> memref<125xi32, #tpu.memory_space<vmem>>
      %dma_wait3A_106 = arith.constant 0 : i32
      %dma_wait3A_107 = arith.constant 0 : i32
      %dma_wait3A_108 = tpu.memref_slice %arg2[%dma_wait3A_106, %dma_wait3A_107] : memref<10000x128xf32, #tpu.memory_space<hbm>> -> memref<10000x128xf32, #tpu.memory_space<hbm>>
      tpu.wait_indirect_dma semaphore(%arg13 : memref<!tpu.dma_semaphore, #tpu.memory_space<semaphore_mem>>) src(%dma_wait3A_108 : memref<10000x128xf32, #tpu.memory_space<hbm>>) dst(%arg10 : memref<125x128xf32, #tpu.memory_space<vmem>>)
      %run_scoped3A_109 = arith.constant 3 : i32
      "tpu.region"() ({
        %run_scoped3A_202 = tpu.sem_alloc : memref<!tpu.dma_semaphore, #tpu.memory_space<semaphore_mem>>
        %dma_start3A_203 = arith.constant 0 : i32
        %dma_start3A_204 = tpu.memref_slice %arg8[%rem3A_46, %run_scoped3A_109, %dma_start3A_203] : memref<2x10x125xi32, #tpu.memory_space<vmem>> -> memref<1x1x125xi32, #tpu.memory_space<vmem>>
        %dma_start3A_205 = tpu.memref_squeeze %dma_start3A_204 : memref<1x1x125xi32, #tpu.memory_space<vmem>> -> memref<125xi32, #tpu.memory_space<vmem>>
        %dma_start3A_206 = arith.constant 0 : i32
        %dma_start3A_207 = arith.constant 0 : i32
        %dma_start3A_208 = tpu.memref_slice %arg11[%dma_start3A_206, %dma_start3A_207] : memref<10112x128xf32, #tpu.memory_space<vmem_shared>> -> memref<10112x128xf32, #tpu.memory_space<vmem_shared>>
        tpu.enqueue_indirect_dma source(%arg10 : memref<125x128xf32, #tpu.memory_space<vmem>>) target(%dma_start3A_208 : memref<10112x128xf32, #tpu.memory_space<vmem_shared>>) offsets(%dma_start3A_205 : memref<125xi32, #tpu.memory_space<vmem>>) semaphore(%run_scoped3A_202 : memref<!tpu.dma_semaphore, #tpu.memory_space<semaphore_mem>>) {add = true}
        %dma_wait3A_209 = arith.constant 0 : i32
        %dma_wait3A_210 = tpu.memref_slice %arg8[%rem3A_46, %run_scoped3A_109, %dma_wait3A_209] : memref<2x10x125xi32, #tpu.memory_space<vmem>> -> memref<1x1x125xi32, #tpu.memory_space<vmem>>
        %dma_wait3A_211 = tpu.memref_squeeze %dma_wait3A_210 : memref<1x1x125xi32, #tpu.memory_space<vmem>> -> memref<125xi32, #tpu.memory_space<vmem>>
        %dma_wait3A_212 = arith.constant 0 : i32
        %dma_wait3A_213 = arith.constant 0 : i32
        %dma_wait3A_214 = tpu.memref_slice %arg11[%dma_wait3A_212, %dma_wait3A_213] : memref<10112x128xf32, #tpu.memory_space<vmem_shared>> -> memref<10112x128xf32, #tpu.memory_space<vmem_shared>>
        tpu.wait_indirect_dma semaphore(%run_scoped3A_202 : memref<!tpu.dma_semaphore, #tpu.memory_space<semaphore_mem>>) src(%arg10 : memref<125x128xf32, #tpu.memory_space<vmem>>) dst(%dma_wait3A_214 : memref<10112x128xf32, #tpu.memory_space<vmem_shared>>)
        tpu.yield
      }) : () -> ()
      %dma_start3A_110 = arith.constant 5 : i32
      %dma_start3A_111 = arith.constant 0 : i32
      %dma_start3A_112 = tpu.memref_slice %arg7[%rem3A_46, %dma_start3A_110, %dma_start3A_111] : memref<2x10x125xi32, #tpu.memory_space<vmem>> -> memref<1x1x125xi32, #tpu.memory_space<vmem>>
      %dma_start3A_113 = tpu.memref_squeeze %dma_start3A_112 : memref<1x1x125xi32, #tpu.memory_space<vmem>> -> memref<125xi32, #tpu.memory_space<vmem>>
      %dma_start3A_114 = arith.constant 0 : i32
      %dma_start3A_115 = arith.constant 0 : i32
      %dma_start3A_116 = tpu.memref_slice %arg2[%dma_start3A_114, %dma_start3A_115] : memref<10000x128xf32, #tpu.memory_space<hbm>> -> memref<10000x128xf32, #tpu.memory_space<hbm>>
      tpu.enqueue_indirect_dma source(%dma_start3A_116 : memref<10000x128xf32, #tpu.memory_space<hbm>>) target(%arg10 : memref<125x128xf32, #tpu.memory_space<vmem>>) offsets(%dma_start3A_113 : memref<125xi32, #tpu.memory_space<vmem>>) semaphore(%arg13 : memref<!tpu.dma_semaphore, #tpu.memory_space<semaphore_mem>>)
      %dma_wait3A_117 = arith.constant 4 : i32
      %dma_wait3A_118 = arith.constant 0 : i32
      %dma_wait3A_119 = tpu.memref_slice %arg7[%rem3A_46, %dma_wait3A_117, %dma_wait3A_118] : memref<2x10x125xi32, #tpu.memory_space<vmem>> -> memref<1x1x125xi32, #tpu.memory_space<vmem>>
      %dma_wait3A_120 = tpu.memref_squeeze %dma_wait3A_119 : memref<1x1x125xi32, #tpu.memory_space<vmem>> -> memref<125xi32, #tpu.memory_space<vmem>>
      %dma_wait3A_121 = arith.constant 0 : i32
      %dma_wait3A_122 = arith.constant 0 : i32
      %dma_wait3A_123 = tpu.memref_slice %arg2[%dma_wait3A_121, %dma_wait3A_122] : memref<10000x128xf32, #tpu.memory_space<hbm>> -> memref<10000x128xf32, #tpu.memory_space<hbm>>
      tpu.wait_indirect_dma semaphore(%arg12 : memref<!tpu.dma_semaphore, #tpu.memory_space<semaphore_mem>>) src(%dma_wait3A_123 : memref<10000x128xf32, #tpu.memory_space<hbm>>) dst(%arg9 : memref<125x128xf32, #tpu.memory_space<vmem>>)
      %run_scoped3A_124 = arith.constant 4 : i32
      "tpu.region"() ({
        %run_scoped3A_202 = tpu.sem_alloc : memref<!tpu.dma_semaphore, #tpu.memory_space<semaphore_mem>>
        %dma_start3A_203 = arith.constant 0 : i32
        %dma_start3A_204 = tpu.memref_slice %arg8[%rem3A_46, %run_scoped3A_124, %dma_start3A_203] : memref<2x10x125xi32, #tpu.memory_space<vmem>> -> memref<1x1x125xi32, #tpu.memory_space<vmem>>
        %dma_start3A_205 = tpu.memref_squeeze %dma_start3A_204 : memref<1x1x125xi32, #tpu.memory_space<vmem>> -> memref<125xi32, #tpu.memory_space<vmem>>
        %dma_start3A_206 = arith.constant 0 : i32
        %dma_start3A_207 = arith.constant 0 : i32
        %dma_start3A_208 = tpu.memref_slice %arg11[%dma_start3A_206, %dma_start3A_207] : memref<10112x128xf32, #tpu.memory_space<vmem_shared>> -> memref<10112x128xf32, #tpu.memory_space<vmem_shared>>
        tpu.enqueue_indirect_dma source(%arg9 : memref<125x128xf32, #tpu.memory_space<vmem>>) target(%dma_start3A_208 : memref<10112x128xf32, #tpu.memory_space<vmem_shared>>) offsets(%dma_start3A_205 : memref<125xi32, #tpu.memory_space<vmem>>) semaphore(%run_scoped3A_202 : memref<!tpu.dma_semaphore, #tpu.memory_space<semaphore_mem>>) {add = true}
        %dma_wait3A_209 = arith.constant 0 : i32
        %dma_wait3A_210 = tpu.memref_slice %arg8[%rem3A_46, %run_scoped3A_124, %dma_wait3A_209] : memref<2x10x125xi32, #tpu.memory_space<vmem>> -> memref<1x1x125xi32, #tpu.memory_space<vmem>>
        %dma_wait3A_211 = tpu.memref_squeeze %dma_wait3A_210 : memref<1x1x125xi32, #tpu.memory_space<vmem>> -> memref<125xi32, #tpu.memory_space<vmem>>
        %dma_wait3A_212 = arith.constant 0 : i32
        %dma_wait3A_213 = arith.constant 0 : i32
        %dma_wait3A_214 = tpu.memref_slice %arg11[%dma_wait3A_212, %dma_wait3A_213] : memref<10112x128xf32, #tpu.memory_space<vmem_shared>> -> memref<10112x128xf32, #tpu.memory_space<vmem_shared>>
        tpu.wait_indirect_dma semaphore(%run_scoped3A_202 : memref<!tpu.dma_semaphore, #tpu.memory_space<semaphore_mem>>) src(%arg9 : memref<125x128xf32, #tpu.memory_space<vmem>>) dst(%dma_wait3A_214 : memref<10112x128xf32, #tpu.memory_space<vmem_shared>>)
        tpu.yield
      }) : () -> ()
      %dma_start3A_125 = arith.constant 6 : i32
      %dma_start3A_126 = arith.constant 0 : i32
      %dma_start3A_127 = tpu.memref_slice %arg7[%rem3A_46, %dma_start3A_125, %dma_start3A_126] : memref<2x10x125xi32, #tpu.memory_space<vmem>> -> memref<1x1x125xi32, #tpu.memory_space<vmem>>
      %dma_start3A_128 = tpu.memref_squeeze %dma_start3A_127 : memref<1x1x125xi32, #tpu.memory_space<vmem>> -> memref<125xi32, #tpu.memory_space<vmem>>
      %dma_start3A_129 = arith.constant 0 : i32
      %dma_start3A_130 = arith.constant 0 : i32
      %dma_start3A_131 = tpu.memref_slice %arg2[%dma_start3A_129, %dma_start3A_130] : memref<10000x128xf32, #tpu.memory_space<hbm>> -> memref<10000x128xf32, #tpu.memory_space<hbm>>
      tpu.enqueue_indirect_dma source(%dma_start3A_131 : memref<10000x128xf32, #tpu.memory_space<hbm>>) target(%arg9 : memref<125x128xf32, #tpu.memory_space<vmem>>) offsets(%dma_start3A_128 : memref<125xi32, #tpu.memory_space<vmem>>) semaphore(%arg12 : memref<!tpu.dma_semaphore, #tpu.memory_space<semaphore_mem>>)
      %dma_wait3A_132 = arith.constant 5 : i32
      %dma_wait3A_133 = arith.constant 0 : i32
      %dma_wait3A_134 = tpu.memref_slice %arg7[%rem3A_46, %dma_wait3A_132, %dma_wait3A_133] : memref<2x10x125xi32, #tpu.memory_space<vmem>> -> memref<1x1x125xi32, #tpu.memory_space<vmem>>
      %dma_wait3A_135 = tpu.memref_squeeze %dma_wait3A_134 : memref<1x1x125xi32, #tpu.memory_space<vmem>> -> memref<125xi32, #tpu.memory_space<vmem>>
      %dma_wait3A_136 = arith.constant 0 : i32
      %dma_wait3A_137 = arith.constant 0 : i32
      %dma_wait3A_138 = tpu.memref_slice %arg2[%dma_wait3A_136, %dma_wait3A_137] : memref<10000x128xf32, #tpu.memory_space<hbm>> -> memref<10000x128xf32, #tpu.memory_space<hbm>>
      tpu.wait_indirect_dma semaphore(%arg13 : memref<!tpu.dma_semaphore, #tpu.memory_space<semaphore_mem>>) src(%dma_wait3A_138 : memref<10000x128xf32, #tpu.memory_space<hbm>>) dst(%arg10 : memref<125x128xf32, #tpu.memory_space<vmem>>)
      %run_scoped3A_139 = arith.constant 5 : i32
      "tpu.region"() ({
        %run_scoped3A_202 = tpu.sem_alloc : memref<!tpu.dma_semaphore, #tpu.memory_space<semaphore_mem>>
        %dma_start3A_203 = arith.constant 0 : i32
        %dma_start3A_204 = tpu.memref_slice %arg8[%rem3A_46, %run_scoped3A_139, %dma_start3A_203] : memref<2x10x125xi32, #tpu.memory_space<vmem>> -> memref<1x1x125xi32, #tpu.memory_space<vmem>>
        %dma_start3A_205 = tpu.memref_squeeze %dma_start3A_204 : memref<1x1x125xi32, #tpu.memory_space<vmem>> -> memref<125xi32, #tpu.memory_space<vmem>>
        %dma_start3A_206 = arith.constant 0 : i32
        %dma_start3A_207 = arith.constant 0 : i32
        %dma_start3A_208 = tpu.memref_slice %arg11[%dma_start3A_206, %dma_start3A_207] : memref<10112x128xf32, #tpu.memory_space<vmem_shared>> -> memref<10112x128xf32, #tpu.memory_space<vmem_shared>>
        tpu.enqueue_indirect_dma source(%arg10 : memref<125x128xf32, #tpu.memory_space<vmem>>) target(%dma_start3A_208 : memref<10112x128xf32, #tpu.memory_space<vmem_shared>>) offsets(%dma_start3A_205 : memref<125xi32, #tpu.memory_space<vmem>>) semaphore(%run_scoped3A_202 : memref<!tpu.dma_semaphore, #tpu.memory_space<semaphore_mem>>) {add = true}
        %dma_wait3A_209 = arith.constant 0 : i32
        %dma_wait3A_210 = tpu.memref_slice %arg8[%rem3A_46, %run_scoped3A_139, %dma_wait3A_209] : memref<2x10x125xi32, #tpu.memory_space<vmem>> -> memref<1x1x125xi32, #tpu.memory_space<vmem>>
        %dma_wait3A_211 = tpu.memref_squeeze %dma_wait3A_210 : memref<1x1x125xi32, #tpu.memory_space<vmem>> -> memref<125xi32, #tpu.memory_space<vmem>>
        %dma_wait3A_212 = arith.constant 0 : i32
        %dma_wait3A_213 = arith.constant 0 : i32
        %dma_wait3A_214 = tpu.memref_slice %arg11[%dma_wait3A_212, %dma_wait3A_213] : memref<10112x128xf32, #tpu.memory_space<vmem_shared>> -> memref<10112x128xf32, #tpu.memory_space<vmem_shared>>
        tpu.wait_indirect_dma semaphore(%run_scoped3A_202 : memref<!tpu.dma_semaphore, #tpu.memory_space<semaphore_mem>>) src(%arg10 : memref<125x128xf32, #tpu.memory_space<vmem>>) dst(%dma_wait3A_214 : memref<10112x128xf32, #tpu.memory_space<vmem_shared>>)
        tpu.yield
      }) : () -> ()
      %dma_start3A_140 = arith.constant 7 : i32
      %dma_start3A_141 = arith.constant 0 : i32
      %dma_start3A_142 = tpu.memref_slice %arg7[%rem3A_46, %dma_start3A_140, %dma_start3A_141] : memref<2x10x125xi32, #tpu.memory_space<vmem>> -> memref<1x1x125xi32, #tpu.memory_space<vmem>>
      %dma_start3A_143 = tpu.memref_squeeze %dma_start3A_142 : memref<1x1x125xi32, #tpu.memory_space<vmem>> -> memref<125xi32, #tpu.memory_space<vmem>>
      %dma_start3A_144 = arith.constant 0 : i32
      %dma_start3A_145 = arith.constant 0 : i32
      %dma_start3A_146 = tpu.memref_slice %arg2[%dma_start3A_144, %dma_start3A_145] : memref<10000x128xf32, #tpu.memory_space<hbm>> -> memref<10000x128xf32, #tpu.memory_space<hbm>>
      tpu.enqueue_indirect_dma source(%dma_start3A_146 : memref<10000x128xf32, #tpu.memory_space<hbm>>) target(%arg10 : memref<125x128xf32, #tpu.memory_space<vmem>>) offsets(%dma_start3A_143 : memref<125xi32, #tpu.memory_space<vmem>>) semaphore(%arg13 : memref<!tpu.dma_semaphore, #tpu.memory_space<semaphore_mem>>)
      %dma_wait3A_147 = arith.constant 6 : i32
      %dma_wait3A_148 = arith.constant 0 : i32
      %dma_wait3A_149 = tpu.memref_slice %arg7[%rem3A_46, %dma_wait3A_147, %dma_wait3A_148] : memref<2x10x125xi32, #tpu.memory_space<vmem>> -> memref<1x1x125xi32, #tpu.memory_space<vmem>>
      %dma_wait3A_150 = tpu.memref_squeeze %dma_wait3A_149 : memref<1x1x125xi32, #tpu.memory_space<vmem>> -> memref<125xi32, #tpu.memory_space<vmem>>
      %dma_wait3A_151 = arith.constant 0 : i32
      %dma_wait3A_152 = arith.constant 0 : i32
      %dma_wait3A_153 = tpu.memref_slice %arg2[%dma_wait3A_151, %dma_wait3A_152] : memref<10000x128xf32, #tpu.memory_space<hbm>> -> memref<10000x128xf32, #tpu.memory_space<hbm>>
      tpu.wait_indirect_dma semaphore(%arg12 : memref<!tpu.dma_semaphore, #tpu.memory_space<semaphore_mem>>) src(%dma_wait3A_153 : memref<10000x128xf32, #tpu.memory_space<hbm>>) dst(%arg9 : memref<125x128xf32, #tpu.memory_space<vmem>>)
      %run_scoped3A_154 = arith.constant 6 : i32
      "tpu.region"() ({
        %run_scoped3A_202 = tpu.sem_alloc : memref<!tpu.dma_semaphore, #tpu.memory_space<semaphore_mem>>
        %dma_start3A_203 = arith.constant 0 : i32
        %dma_start3A_204 = tpu.memref_slice %arg8[%rem3A_46, %run_scoped3A_154, %dma_start3A_203] : memref<2x10x125xi32, #tpu.memory_space<vmem>> -> memref<1x1x125xi32, #tpu.memory_space<vmem>>
        %dma_start3A_205 = tpu.memref_squeeze %dma_start3A_204 : memref<1x1x125xi32, #tpu.memory_space<vmem>> -> memref<125xi32, #tpu.memory_space<vmem>>
        %dma_start3A_206 = arith.constant 0 : i32
        %dma_start3A_207 = arith.constant 0 : i32
        %dma_start3A_208 = tpu.memref_slice %arg11[%dma_start3A_206, %dma_start3A_207] : memref<10112x128xf32, #tpu.memory_space<vmem_shared>> -> memref<10112x128xf32, #tpu.memory_space<vmem_shared>>
        tpu.enqueue_indirect_dma source(%arg9 : memref<125x128xf32, #tpu.memory_space<vmem>>) target(%dma_start3A_208 : memref<10112x128xf32, #tpu.memory_space<vmem_shared>>) offsets(%dma_start3A_205 : memref<125xi32, #tpu.memory_space<vmem>>) semaphore(%run_scoped3A_202 : memref<!tpu.dma_semaphore, #tpu.memory_space<semaphore_mem>>) {add = true}
        %dma_wait3A_209 = arith.constant 0 : i32
        %dma_wait3A_210 = tpu.memref_slice %arg8[%rem3A_46, %run_scoped3A_154, %dma_wait3A_209] : memref<2x10x125xi32, #tpu.memory_space<vmem>> -> memref<1x1x125xi32, #tpu.memory_space<vmem>>
        %dma_wait3A_211 = tpu.memref_squeeze %dma_wait3A_210 : memref<1x1x125xi32, #tpu.memory_space<vmem>> -> memref<125xi32, #tpu.memory_space<vmem>>
        %dma_wait3A_212 = arith.constant 0 : i32
        %dma_wait3A_213 = arith.constant 0 : i32
        %dma_wait3A_214 = tpu.memref_slice %arg11[%dma_wait3A_212, %dma_wait3A_213] : memref<10112x128xf32, #tpu.memory_space<vmem_shared>> -> memref<10112x128xf32, #tpu.memory_space<vmem_shared>>
        tpu.wait_indirect_dma semaphore(%run_scoped3A_202 : memref<!tpu.dma_semaphore, #tpu.memory_space<semaphore_mem>>) src(%arg9 : memref<125x128xf32, #tpu.memory_space<vmem>>) dst(%dma_wait3A_214 : memref<10112x128xf32, #tpu.memory_space<vmem_shared>>)
        tpu.yield
      }) : () -> ()
      %dma_start3A_155 = arith.constant 8 : i32
      %dma_start3A_156 = arith.constant 0 : i32
      %dma_start3A_157 = tpu.memref_slice %arg7[%rem3A_46, %dma_start3A_155, %dma_start3A_156] : memref<2x10x125xi32, #tpu.memory_space<vmem>> -> memref<1x1x125xi32, #tpu.memory_space<vmem>>
      %dma_start3A_158 = tpu.memref_squeeze %dma_start3A_157 : memref<1x1x125xi32, #tpu.memory_space<vmem>> -> memref<125xi32, #tpu.memory_space<vmem>>
      %dma_start3A_159 = arith.constant 0 : i32
      %dma_start3A_160 = arith.constant 0 : i32
      %dma_start3A_161 = tpu.memref_slice %arg2[%dma_start3A_159, %dma_start3A_160] : memref<10000x128xf32, #tpu.memory_space<hbm>> -> memref<10000x128xf32, #tpu.memory_space<hbm>>
      tpu.enqueue_indirect_dma source(%dma_start3A_161 : memref<10000x128xf32, #tpu.memory_space<hbm>>) target(%arg9 : memref<125x128xf32, #tpu.memory_space<vmem>>) offsets(%dma_start3A_158 : memref<125xi32, #tpu.memory_space<vmem>>) semaphore(%arg12 : memref<!tpu.dma_semaphore, #tpu.memory_space<semaphore_mem>>)
      %dma_wait3A_162 = arith.constant 7 : i32
      %dma_wait3A_163 = arith.constant 0 : i32
      %dma_wait3A_164 = tpu.memref_slice %arg7[%rem3A_46, %dma_wait3A_162, %dma_wait3A_163] : memref<2x10x125xi32, #tpu.memory_space<vmem>> -> memref<1x1x125xi32, #tpu.memory_space<vmem>>
      %dma_wait3A_165 = tpu.memref_squeeze %dma_wait3A_164 : memref<1x1x125xi32, #tpu.memory_space<vmem>> -> memref<125xi32, #tpu.memory_space<vmem>>
      %dma_wait3A_166 = arith.constant 0 : i32
      %dma_wait3A_167 = arith.constant 0 : i32
      %dma_wait3A_168 = tpu.memref_slice %arg2[%dma_wait3A_166, %dma_wait3A_167] : memref<10000x128xf32, #tpu.memory_space<hbm>> -> memref<10000x128xf32, #tpu.memory_space<hbm>>
      tpu.wait_indirect_dma semaphore(%arg13 : memref<!tpu.dma_semaphore, #tpu.memory_space<semaphore_mem>>) src(%dma_wait3A_168 : memref<10000x128xf32, #tpu.memory_space<hbm>>) dst(%arg10 : memref<125x128xf32, #tpu.memory_space<vmem>>)
      %run_scoped3A_169 = arith.constant 7 : i32
      "tpu.region"() ({
        %run_scoped3A_202 = tpu.sem_alloc : memref<!tpu.dma_semaphore, #tpu.memory_space<semaphore_mem>>
        %dma_start3A_203 = arith.constant 0 : i32
        %dma_start3A_204 = tpu.memref_slice %arg8[%rem3A_46, %run_scoped3A_169, %dma_start3A_203] : memref<2x10x125xi32, #tpu.memory_space<vmem>> -> memref<1x1x125xi32, #tpu.memory_space<vmem>>
        %dma_start3A_205 = tpu.memref_squeeze %dma_start3A_204 : memref<1x1x125xi32, #tpu.memory_space<vmem>> -> memref<125xi32, #tpu.memory_space<vmem>>
        %dma_start3A_206 = arith.constant 0 : i32
        %dma_start3A_207 = arith.constant 0 : i32
        %dma_start3A_208 = tpu.memref_slice %arg11[%dma_start3A_206, %dma_start3A_207] : memref<10112x128xf32, #tpu.memory_space<vmem_shared>> -> memref<10112x128xf32, #tpu.memory_space<vmem_shared>>
        tpu.enqueue_indirect_dma source(%arg10 : memref<125x128xf32, #tpu.memory_space<vmem>>) target(%dma_start3A_208 : memref<10112x128xf32, #tpu.memory_space<vmem_shared>>) offsets(%dma_start3A_205 : memref<125xi32, #tpu.memory_space<vmem>>) semaphore(%run_scoped3A_202 : memref<!tpu.dma_semaphore, #tpu.memory_space<semaphore_mem>>) {add = true}
        %dma_wait3A_209 = arith.constant 0 : i32
        %dma_wait3A_210 = tpu.memref_slice %arg8[%rem3A_46, %run_scoped3A_169, %dma_wait3A_209] : memref<2x10x125xi32, #tpu.memory_space<vmem>> -> memref<1x1x125xi32, #tpu.memory_space<vmem>>
        %dma_wait3A_211 = tpu.memref_squeeze %dma_wait3A_210 : memref<1x1x125xi32, #tpu.memory_space<vmem>> -> memref<125xi32, #tpu.memory_space<vmem>>
        %dma_wait3A_212 = arith.constant 0 : i32
        %dma_wait3A_213 = arith.constant 0 : i32
        %dma_wait3A_214 = tpu.memref_slice %arg11[%dma_wait3A_212, %dma_wait3A_213] : memref<10112x128xf32, #tpu.memory_space<vmem_shared>> -> memref<10112x128xf32, #tpu.memory_space<vmem_shared>>
        tpu.wait_indirect_dma semaphore(%run_scoped3A_202 : memref<!tpu.dma_semaphore, #tpu.memory_space<semaphore_mem>>) src(%arg10 : memref<125x128xf32, #tpu.memory_space<vmem>>) dst(%dma_wait3A_214 : memref<10112x128xf32, #tpu.memory_space<vmem_shared>>)
        tpu.yield
      }) : () -> ()
      %dma_start3A_170 = arith.constant 9 : i32
      %dma_start3A_171 = arith.constant 0 : i32
      %dma_start3A_172 = tpu.memref_slice %arg7[%rem3A_46, %dma_start3A_170, %dma_start3A_171] : memref<2x10x125xi32, #tpu.memory_space<vmem>> -> memref<1x1x125xi32, #tpu.memory_space<vmem>>
      %dma_start3A_173 = tpu.memref_squeeze %dma_start3A_172 : memref<1x1x125xi32, #tpu.memory_space<vmem>> -> memref<125xi32, #tpu.memory_space<vmem>>
      %dma_start3A_174 = arith.constant 0 : i32
      %dma_start3A_175 = arith.constant 0 : i32
      %dma_start3A_176 = tpu.memref_slice %arg2[%dma_start3A_174, %dma_start3A_175] : memref<10000x128xf32, #tpu.memory_space<hbm>> -> memref<10000x128xf32, #tpu.memory_space<hbm>>
      tpu.enqueue_indirect_dma source(%dma_start3A_176 : memref<10000x128xf32, #tpu.memory_space<hbm>>) target(%arg10 : memref<125x128xf32, #tpu.memory_space<vmem>>) offsets(%dma_start3A_173 : memref<125xi32, #tpu.memory_space<vmem>>) semaphore(%arg13 : memref<!tpu.dma_semaphore, #tpu.memory_space<semaphore_mem>>)
      %dma_wait3A_177 = arith.constant 8 : i32
      %dma_wait3A_178 = arith.constant 0 : i32
      %dma_wait3A_179 = tpu.memref_slice %arg7[%rem3A_46, %dma_wait3A_177, %dma_wait3A_178] : memref<2x10x125xi32, #tpu.memory_space<vmem>> -> memref<1x1x125xi32, #tpu.memory_space<vmem>>
      %dma_wait3A_180 = tpu.memref_squeeze %dma_wait3A_179 : memref<1x1x125xi32, #tpu.memory_space<vmem>> -> memref<125xi32, #tpu.memory_space<vmem>>
      %dma_wait3A_181 = arith.constant 0 : i32
      %dma_wait3A_182 = arith.constant 0 : i32
      %dma_wait3A_183 = tpu.memref_slice %arg2[%dma_wait3A_181, %dma_wait3A_182] : memref<10000x128xf32, #tpu.memory_space<hbm>> -> memref<10000x128xf32, #tpu.memory_space<hbm>>
      tpu.wait_indirect_dma semaphore(%arg12 : memref<!tpu.dma_semaphore, #tpu.memory_space<semaphore_mem>>) src(%dma_wait3A_183 : memref<10000x128xf32, #tpu.memory_space<hbm>>) dst(%arg9 : memref<125x128xf32, #tpu.memory_space<vmem>>)
      %run_scoped3A_184 = arith.constant 8 : i32
      "tpu.region"() ({
        %run_scoped3A_202 = tpu.sem_alloc : memref<!tpu.dma_semaphore, #tpu.memory_space<semaphore_mem>>
        %dma_start3A_203 = arith.constant 0 : i32
        %dma_start3A_204 = tpu.memref_slice %arg8[%rem3A_46, %run_scoped3A_184, %dma_start3A_203] : memref<2x10x125xi32, #tpu.memory_space<vmem>> -> memref<1x1x125xi32, #tpu.memory_space<vmem>>
        %dma_start3A_205 = tpu.memref_squeeze %dma_start3A_204 : memref<1x1x125xi32, #tpu.memory_space<vmem>> -> memref<125xi32, #tpu.memory_space<vmem>>
        %dma_start3A_206 = arith.constant 0 : i32
        %dma_start3A_207 = arith.constant 0 : i32
        %dma_start3A_208 = tpu.memref_slice %arg11[%dma_start3A_206, %dma_start3A_207] : memref<10112x128xf32, #tpu.memory_space<vmem_shared>> -> memref<10112x128xf32, #tpu.memory_space<vmem_shared>>
        tpu.enqueue_indirect_dma source(%arg9 : memref<125x128xf32, #tpu.memory_space<vmem>>) target(%dma_start3A_208 : memref<10112x128xf32, #tpu.memory_space<vmem_shared>>) offsets(%dma_start3A_205 : memref<125xi32, #tpu.memory_space<vmem>>) semaphore(%run_scoped3A_202 : memref<!tpu.dma_semaphore, #tpu.memory_space<semaphore_mem>>) {add = true}
        %dma_wait3A_209 = arith.constant 0 : i32
        %dma_wait3A_210 = tpu.memref_slice %arg8[%rem3A_46, %run_scoped3A_184, %dma_wait3A_209] : memref<2x10x125xi32, #tpu.memory_space<vmem>> -> memref<1x1x125xi32, #tpu.memory_space<vmem>>
        %dma_wait3A_211 = tpu.memref_squeeze %dma_wait3A_210 : memref<1x1x125xi32, #tpu.memory_space<vmem>> -> memref<125xi32, #tpu.memory_space<vmem>>
        %dma_wait3A_212 = arith.constant 0 : i32
        %dma_wait3A_213 = arith.constant 0 : i32
        %dma_wait3A_214 = tpu.memref_slice %arg11[%dma_wait3A_212, %dma_wait3A_213] : memref<10112x128xf32, #tpu.memory_space<vmem_shared>> -> memref<10112x128xf32, #tpu.memory_space<vmem_shared>>
        tpu.wait_indirect_dma semaphore(%run_scoped3A_202 : memref<!tpu.dma_semaphore, #tpu.memory_space<semaphore_mem>>) src(%arg9 : memref<125x128xf32, #tpu.memory_space<vmem>>) dst(%dma_wait3A_214 : memref<10112x128xf32, #tpu.memory_space<vmem_shared>>)
        tpu.yield
      }) : () -> ()
      %convert_element_type3A_185 = arith.extui %lt3A_54 : i1 to i32
      %cond3A_186 = arith.constant 0 : i32
      %cond3A_187 = arith.cmpi ne, %convert_element_type3A_185, %cond3A_186 : i32
      scf.if %cond3A_187 {
        %dma_wait3A_202 = arith.constant 0 : i32
        %dma_wait3A_203 = arith.constant 0 : i32
        %dma_wait3A_204 = arith.constant 0 : i32
        %dma_wait3A_205 = tpu.memref_slice %arg7[%rem3A_50, %dma_wait3A_203, %dma_wait3A_204] : memref<2x10x125xi32, #tpu.memory_space<vmem>> -> memref<1x10x125xi32, #tpu.memory_space<vmem>>
        %dma_wait3A_206 = tpu.memref_squeeze %dma_wait3A_205 : memref<1x10x125xi32, #tpu.memory_space<vmem>> -> memref<10x125xi32, #tpu.memory_space<vmem>>
        %dma_wait3A_207 = arith.constant 0 : i32
        %dma_wait3A_208 = arith.constant 0 : i32
        %dma_wait3A_209 = tpu.memref_slice %arg3[%add3A, %dma_wait3A_202, %dma_wait3A_207, %dma_wait3A_208] : memref<32x8x10x125xi32, #tpu.memory_space<hbm>> -> memref<1x1x10x125xi32, #tpu.memory_space<hbm>>
        %dma_wait3A_210 = tpu.memref_squeeze %dma_wait3A_209 : memref<1x1x10x125xi32, #tpu.memory_space<hbm>> -> memref<10x125xi32, #tpu.memory_space<hbm>>
        %dma_wait3A_211 = arith.constant 0 : i32
        %dma_wait3A_212 = arith.constant 0 : i32
        %dma_wait3A_213 = tpu.memref_slice %arg7[%rem3A_50, %dma_wait3A_211, %dma_wait3A_212] : memref<2x10x125xi32, #tpu.memory_space<vmem>> -> memref<1x10x125xi32, #tpu.memory_space<vmem>>
        %dma_wait3A_214 = tpu.memref_squeeze %dma_wait3A_213 : memref<1x10x125xi32, #tpu.memory_space<vmem>> -> memref<10x125xi32, #tpu.memory_space<vmem>>
        %dma_wait3A_215 = arith.constant 0 : i32
        %dma_wait3A_216 = arith.constant 0 : i32
        %dma_wait3A_217 = tpu.memref_slice %arg3[%add3A, %dma_wait3A_202, %dma_wait3A_215, %dma_wait3A_216] : memref<32x8x10x125xi32, #tpu.memory_space<hbm>> -> memref<1x1x10x125xi32, #tpu.memory_space<hbm>>
        %dma_wait3A_218 = tpu.memref_squeeze %dma_wait3A_217 : memref<1x1x10x125xi32, #tpu.memory_space<hbm>> -> memref<10x125xi32, #tpu.memory_space<hbm>>
        tpu.wait_dma2 semaphore(%arg14 : memref<!tpu.dma_semaphore, #tpu.memory_space<semaphore_mem>>) src(%dma_wait3A_218 : memref<10x125xi32, #tpu.memory_space<hbm>>) dst(%dma_wait3A_214 : memref<10x125xi32, #tpu.memory_space<vmem>>)
        %dma_wait3A_219 = arith.constant 0 : i32
        %dma_wait3A_220 = arith.constant 0 : i32
        %dma_wait3A_221 = arith.constant 0 : i32
        %dma_wait3A_222 = tpu.memref_slice %arg8[%rem3A_50, %dma_wait3A_220, %dma_wait3A_221] : memref<2x10x125xi32, #tpu.memory_space<vmem>> -> memref<1x10x125xi32, #tpu.memory_space<vmem>>
        %dma_wait3A_223 = tpu.memref_squeeze %dma_wait3A_222 : memref<1x10x125xi32, #tpu.memory_space<vmem>> -> memref<10x125xi32, #tpu.memory_space<vmem>>
        %dma_wait3A_224 = arith.constant 0 : i32
        %dma_wait3A_225 = arith.constant 0 : i32
        %dma_wait3A_226 = tpu.memref_slice %arg4[%add3A, %dma_wait3A_219, %dma_wait3A_224, %dma_wait3A_225] : memref<32x8x10x125xi32, #tpu.memory_space<hbm>> -> memref<1x1x10x125xi32, #tpu.memory_space<hbm>>
        %dma_wait3A_227 = tpu.memref_squeeze %dma_wait3A_226 : memref<1x1x10x125xi32, #tpu.memory_space<hbm>> -> memref<10x125xi32, #tpu.memory_space<hbm>>
        %dma_wait3A_228 = arith.constant 0 : i32
        %dma_wait3A_229 = arith.constant 0 : i32
        %dma_wait3A_230 = tpu.memref_slice %arg8[%rem3A_50, %dma_wait3A_228, %dma_wait3A_229] : memref<2x10x125xi32, #tpu.memory_space<vmem>> -> memref<1x10x125xi32, #tpu.memory_space<vmem>>
        %dma_wait3A_231 = tpu.memref_squeeze %dma_wait3A_230 : memref<1x10x125xi32, #tpu.memory_space<vmem>> -> memref<10x125xi32, #tpu.memory_space<vmem>>
        %dma_wait3A_232 = arith.constant 0 : i32
        %dma_wait3A_233 = arith.constant 0 : i32
        %dma_wait3A_234 = tpu.memref_slice %arg4[%add3A, %dma_wait3A_219, %dma_wait3A_232, %dma_wait3A_233] : memref<32x8x10x125xi32, #tpu.memory_space<hbm>> -> memref<1x1x10x125xi32, #tpu.memory_space<hbm>>
        %dma_wait3A_235 = tpu.memref_squeeze %dma_wait3A_234 : memref<1x1x10x125xi32, #tpu.memory_space<hbm>> -> memref<10x125xi32, #tpu.memory_space<hbm>>
        tpu.wait_dma2 semaphore(%arg15 : memref<!tpu.dma_semaphore, #tpu.memory_space<semaphore_mem>>) src(%dma_wait3A_235 : memref<10x125xi32, #tpu.memory_space<hbm>>) dst(%dma_wait3A_231 : memref<10x125xi32, #tpu.memory_space<vmem>>)
      } else {
      }
      %convert_element_type3A_188 = arith.extui %lt3A_54 : i1 to i32
      %cond3A_189 = arith.constant 0 : i32
      %cond3A_190 = arith.cmpi ne, %convert_element_type3A_188, %cond3A_189 : i32
      scf.if %cond3A_190 {
        %dma_start3A_202 = arith.constant 0 : i32
        %dma_start3A_203 = arith.constant 0 : i32
        %dma_start3A_204 = tpu.memref_slice %arg7[%rem3A_50, %dma_start3A_202, %dma_start3A_203] : memref<2x10x125xi32, #tpu.memory_space<vmem>> -> memref<1x1x125xi32, #tpu.memory_space<vmem>>
        %dma_start3A_205 = tpu.memref_squeeze %dma_start3A_204 : memref<1x1x125xi32, #tpu.memory_space<vmem>> -> memref<125xi32, #tpu.memory_space<vmem>>
        %dma_start3A_206 = arith.constant 0 : i32
        %dma_start3A_207 = arith.constant 0 : i32
        %dma_start3A_208 = tpu.memref_slice %arg2[%dma_start3A_206, %dma_start3A_207] : memref<10000x128xf32, #tpu.memory_space<hbm>> -> memref<10000x128xf32, #tpu.memory_space<hbm>>
        tpu.enqueue_indirect_dma source(%dma_start3A_208 : memref<10000x128xf32, #tpu.memory_space<hbm>>) target(%arg9 : memref<125x128xf32, #tpu.memory_space<vmem>>) offsets(%dma_start3A_205 : memref<125xi32, #tpu.memory_space<vmem>>) semaphore(%arg12 : memref<!tpu.dma_semaphore, #tpu.memory_space<semaphore_mem>>)
      } else {
      }
      %dma_wait3A_191 = arith.constant 9 : i32
      %dma_wait3A_192 = arith.constant 0 : i32
      %dma_wait3A_193 = tpu.memref_slice %arg7[%rem3A_46, %dma_wait3A_191, %dma_wait3A_192] : memref<2x10x125xi32, #tpu.memory_space<vmem>> -> memref<1x1x125xi32, #tpu.memory_space<vmem>>
      %dma_wait3A_194 = tpu.memref_squeeze %dma_wait3A_193 : memref<1x1x125xi32, #tpu.memory_space<vmem>> -> memref<125xi32, #tpu.memory_space<vmem>>
      %dma_wait3A_195 = arith.constant 0 : i32
      %dma_wait3A_196 = arith.constant 0 : i32
      %dma_wait3A_197 = tpu.memref_slice %arg2[%dma_wait3A_195, %dma_wait3A_196] : memref<10000x128xf32, #tpu.memory_space<hbm>> -> memref<10000x128xf32, #tpu.memory_space<hbm>>
      tpu.wait_indirect_dma semaphore(%arg13 : memref<!tpu.dma_semaphore, #tpu.memory_space<semaphore_mem>>) src(%dma_wait3A_197 : memref<10000x128xf32, #tpu.memory_space<hbm>>) dst(%arg10 : memref<125x128xf32, #tpu.memory_space<vmem>>)
      %run_scoped3A_198 = arith.constant 9 : i32
      "tpu.region"() ({
        %run_scoped3A_202 = tpu.sem_alloc : memref<!tpu.dma_semaphore, #tpu.memory_space<semaphore_mem>>
        %dma_start3A_203 = arith.constant 0 : i32
        %dma_start3A_204 = tpu.memref_slice %arg8[%rem3A_46, %run_scoped3A_198, %dma_start3A_203] : memref<2x10x125xi32, #tpu.memory_space<vmem>> -> memref<1x1x125xi32, #tpu.memory_space<vmem>>
        %dma_start3A_205 = tpu.memref_squeeze %dma_start3A_204 : memref<1x1x125xi32, #tpu.memory_space<vmem>> -> memref<125xi32, #tpu.memory_space<vmem>>
        %dma_start3A_206 = arith.constant 0 : i32
        %dma_start3A_207 = arith.constant 0 : i32
        %dma_start3A_208 = tpu.memref_slice %arg11[%dma_start3A_206, %dma_start3A_207] : memref<10112x128xf32, #tpu.memory_space<vmem_shared>> -> memref<10112x128xf32, #tpu.memory_space<vmem_shared>>
        tpu.enqueue_indirect_dma source(%arg10 : memref<125x128xf32, #tpu.memory_space<vmem>>) target(%dma_start3A_208 : memref<10112x128xf32, #tpu.memory_space<vmem_shared>>) offsets(%dma_start3A_205 : memref<125xi32, #tpu.memory_space<vmem>>) semaphore(%run_scoped3A_202 : memref<!tpu.dma_semaphore, #tpu.memory_space<semaphore_mem>>) {add = true}
        %dma_wait3A_209 = arith.constant 0 : i32
        %dma_wait3A_210 = tpu.memref_slice %arg8[%rem3A_46, %run_scoped3A_198, %dma_wait3A_209] : memref<2x10x125xi32, #tpu.memory_space<vmem>> -> memref<1x1x125xi32, #tpu.memory_space<vmem>>
        %dma_wait3A_211 = tpu.memref_squeeze %dma_wait3A_210 : memref<1x1x125xi32, #tpu.memory_space<vmem>> -> memref<125xi32, #tpu.memory_space<vmem>>
        %dma_wait3A_212 = arith.constant 0 : i32
        %dma_wait3A_213 = arith.constant 0 : i32
        %dma_wait3A_214 = tpu.memref_slice %arg11[%dma_wait3A_212, %dma_wait3A_213] : memref<10112x128xf32, #tpu.memory_space<vmem_shared>> -> memref<10112x128xf32, #tpu.memory_space<vmem_shared>>
        tpu.wait_indirect_dma semaphore(%run_scoped3A_202 : memref<!tpu.dma_semaphore, #tpu.memory_space<semaphore_mem>>) src(%arg10 : memref<125x128xf32, #tpu.memory_space<vmem>>) dst(%dma_wait3A_214 : memref<10112x128xf32, #tpu.memory_space<vmem_shared>>)
        tpu.yield
      }) : () -> ()
      %convert_element_type3A_199 = arith.extui %lt3A_54 : i1 to i32
      %cond3A_200 = arith.constant 0 : i32
      %cond3A_201 = arith.cmpi ne, %convert_element_type3A_199, %cond3A_200 : i32
      scf.if %cond3A_201 {
        %dma_start3A_202 = arith.constant 1 : i32
        %dma_start3A_203 = arith.constant 0 : i32
        %dma_start3A_204 = tpu.memref_slice %arg7[%rem3A_50, %dma_start3A_202, %dma_start3A_203] : memref<2x10x125xi32, #tpu.memory_space<vmem>> -> memref<1x1x125xi32, #tpu.memory_space<vmem>>
        %dma_start3A_205 = tpu.memref_squeeze %dma_start3A_204 : memref<1x1x125xi32, #tpu.memory_space<vmem>> -> memref<125xi32, #tpu.memory_space<vmem>>
        %dma_start3A_206 = arith.constant 0 : i32
        %dma_start3A_207 = arith.constant 0 : i32
        %dma_start3A_208 = tpu.memref_slice %arg2[%dma_start3A_206, %dma_start3A_207] : memref<10000x128xf32, #tpu.memory_space<hbm>> -> memref<10000x128xf32, #tpu.memory_space<hbm>>
        tpu.enqueue_indirect_dma source(%dma_start3A_208 : memref<10000x128xf32, #tpu.memory_space<hbm>>) target(%arg10 : memref<125x128xf32, #tpu.memory_space<vmem>>) offsets(%dma_start3A_205 : memref<125xi32, #tpu.memory_space<vmem>>) semaphore(%arg13 : memref<!tpu.dma_semaphore, #tpu.memory_space<semaphore_mem>>)
      } else {
      }
    }
    %scan3A_39 = arith.constant 8 : i32
    %barrier3A_40 = arith.constant 0 : index
    tpu.barrier barrier_id(%barrier3A_40)
    %mul3A_41 = arith.constant 632 : i32
    %mul3A_42 = arith.muli %arg1, %mul3A_41 : i32
    %mul3A_43 = arith.constant 632 : i32
    %mul3A_44 = arith.muli %arg1, %mul3A_43 : i32
    "tpu.region"() ({
      %run_scoped3A_45 = tpu.sem_alloc : memref<!tpu.dma_semaphore, #tpu.memory_space<semaphore_mem>>
      %dma_start3A_46 = arith.constant 0 : i32
      %dma_start3A_47 = tpu.memref_slice %arg6[%arg0, %mul3A_44, %dma_start3A_46] : memref<2x10112x128xf32, #tpu.memory_space<hbm>> -> memref<1x632x128xf32, #tpu.memory_space<hbm>>
      %dma_start3A_48 = tpu.memref_squeeze %dma_start3A_47 : memref<1x632x128xf32, #tpu.memory_space<hbm>> -> memref<632x128xf32, #tpu.memory_space<hbm>>
      %dma_start3A_49 = arith.constant 0 : i32
      %dma_start3A_50 = tpu.memref_slice %arg11[%mul3A_42, %dma_start3A_49] : memref<10112x128xf32, #tpu.memory_space<vmem_shared>> -> memref<632x128xf32, #tpu.memory_space<vmem_shared>>
      tpu.enqueue_dma source(%dma_start3A_50 : memref<632x128xf32, #tpu.memory_space<vmem_shared>>) target(%dma_start3A_48 : memref<632x128xf32, #tpu.memory_space<hbm>>) target_semaphore(%run_scoped3A_45 : memref<!tpu.dma_semaphore, #tpu.memory_space<semaphore_mem>>)
      %dma_wait3A = arith.constant 0 : i32
      %dma_wait3A_51 = tpu.memref_slice %arg6[%arg0, %mul3A_44, %dma_wait3A] : memref<2x10112x128xf32, #tpu.memory_space<hbm>> -> memref<1x632x128xf32, #tpu.memory_space<hbm>>
      %dma_wait3A_52 = tpu.memref_squeeze %dma_wait3A_51 : memref<1x632x128xf32, #tpu.memory_space<hbm>> -> memref<632x128xf32, #tpu.memory_space<hbm>>
      %dma_wait3A_53 = arith.constant 0 : i32
      %dma_wait3A_54 = tpu.memref_slice %arg11[%mul3A_42, %dma_wait3A_53] : memref<10112x128xf32, #tpu.memory_space<vmem_shared>> -> memref<632x128xf32, #tpu.memory_space<vmem_shared>>
      tpu.wait_dma2 semaphore(%run_scoped3A_45 : memref<!tpu.dma_semaphore, #tpu.memory_space<semaphore_mem>>) src(%dma_wait3A_54 : memref<632x128xf32, #tpu.memory_space<vmem_shared>>) dst(%dma_wait3A_52 : memref<632x128xf32, #tpu.memory_space<hbm>>)
      tpu.yield
    }) : () -> ()
    return
  }
}

module attributes {stable_mosaic.version = 14 : i64} {
  func.func @_dinv_body(%arg0: memref<32x80x128xf32, #tpu.memory_space<vmem>>, %arg1: memref<80x128xf32, #tpu.memory_space<vmem>>) attributes {dimension_semantics = [], scalar_prefetch = 0 : i64, scratch_operands = 0 : i64, tpu.core_type = #tpu.core_type<tc>} {
    %get3A = arith.constant 0 : index
    %get3A_0 = arith.constant 0 : index
    %get3A_1 = arith.constant 0 : index
    %get3A_2 = vector.load %arg0[%get3A, %get3A_0, %get3A_1] : memref<32x80x128xf32, #tpu.memory_space<vmem>>, vector<32x80x128xf32>
    %reduce_sum3A = arith.constant dense<0.000000e+00> : vector<80x128xf32>
    %reduce_sum3A_3 = vector.multi_reduction <add>, %get3A_2, %reduce_sum3A [0] : vector<32x80x128xf32> to vector<80x128xf32>
    %add3A = arith.constant 1.000000e+00 : f32
    %add3A_4 = vector.broadcast %add3A : f32 to vector<80x128xf32>
    %add3A_5 = arith.addf %reduce_sum3A_3, %add3A_4 : vector<80x128xf32>
    %rsqrt3A = math.rsqrt %add3A_5 : vector<80x128xf32>
    %swap3A = arith.constant 0 : index
    %swap3A_6 = arith.constant 0 : index
    %swap3A_7 = vector.load %arg1[%swap3A, %swap3A_6] : memref<80x128xf32, #tpu.memory_space<vmem>>, vector<80x128xf32>
    tpu.vector_store %arg1[%swap3A, %swap3A_6], %rsqrt3A {strides = array<i32>} : memref<80x128xf32, #tpu.memory_space<vmem>>, vector<80x128xf32>,
    return
  }
}

module attributes {stable_mosaic.version = 14 : i64} {
  func.func @_mm_scale_body(%arg0: memref<10000x128xf32, #tpu.memory_space<vmem>>, %arg1: memref<128x128xf32, #tpu.memory_space<vmem>>, %arg2: memref<10000x1xf32, #tpu.memory_space<vmem>>, %arg3: memref<10000x128xf32, #tpu.memory_space<vmem>>) attributes {dimension_semantics = [], scalar_prefetch = 0 : i64, scratch_operands = 0 : i64, tpu.core_type = #tpu.core_type<tc>} {
    %get3A = arith.constant 0 : index
    %get3A_0 = arith.constant 0 : index
    %get3A_1 = vector.load %arg0[%get3A, %get3A_0] : memref<10000x128xf32, #tpu.memory_space<vmem>>, vector<10000x128xf32>
    %get3A_2 = arith.constant 0 : index
    %get3A_3 = arith.constant 0 : index
    %get3A_4 = vector.load %arg1[%get3A_2, %get3A_3] : memref<128x128xf32, #tpu.memory_space<vmem>>, vector<128x128xf32>
    %dot_general3A = arith.constant dense<0.000000e+00> : vector<10000x128xf32>
    %dot_general3A_5 = tpu.matmul %get3A_1, %get3A_4, %dot_general3A {dimension_numbers = #tpu.dot_dimension_numbers<[1], [1], [0], [0], [0, 0, 1, 0], [], []>, transpose_lhs_hint = false} : vector<10000x128xf32>, vector<128x128xf32>, vector<10000x128xf32> -> vector<10000x128xf32>
    %get3A_6 = arith.constant 0 : index
    %get3A_7 = arith.constant 0 : index
    %get3A_8 = vector.load %arg2[%get3A_6, %get3A_7] : memref<10000x1xf32, #tpu.memory_space<vmem>>, vector<10000x1xf32>
    %mul3A = vector.broadcast %get3A_8 : vector<10000x1xf32> to vector<10000x128xf32>
    %mul3A_9 = arith.mulf %dot_general3A_5, %mul3A : vector<10000x128xf32>
    %swap3A = arith.constant 0 : index
    %swap3A_10 = arith.constant 0 : index
    %swap3A_11 = vector.load %arg3[%swap3A, %swap3A_10] : memref<10000x128xf32, #tpu.memory_space<vmem>>, vector<10000x128xf32>
    tpu.vector_store %arg3[%swap3A, %swap3A_10], %mul3A_9 {strides = array<i32>} : memref<10000x128xf32, #tpu.memory_space<vmem>>, vector<10000x128xf32>,
    return
  }
}

module attributes {stable_mosaic.version = 14 : i64} {
  func.func @_bn_mm_body(%arg0: memref<10000x128xf32, #tpu.memory_space<vmem>>, %arg1: memref<10000x128xf32, #tpu.memory_space<vmem>>, %arg2: memref<10000x1xf32, #tpu.memory_space<vmem>>, %arg3: memref<1x128xf32, #tpu.memory_space<vmem>>, %arg4: memref<1x128xf32, #tpu.memory_space<vmem>>, %arg5: memref<1x128xf32, #tpu.memory_space<vmem>>, %arg6: memref<128x128xf32, #tpu.memory_space<vmem>>, %arg7: memref<10000x128xf32, #tpu.memory_space<vmem>>) attributes {dimension_semantics = [], scalar_prefetch = 0 : i64, scratch_operands = 0 : i64, tpu.core_type = #tpu.core_type<tc>} {
    %get3A = arith.constant 0 : index
    %get3A_0 = arith.constant 0 : index
    %get3A_1 = vector.load %arg0[%get3A, %get3A_0] : memref<10000x128xf32, #tpu.memory_space<vmem>>, vector<10000x128xf32>
    %get3A_2 = arith.constant 0 : index
    %get3A_3 = arith.constant 0 : index
    %get3A_4 = vector.load %arg1[%get3A_2, %get3A_3] : memref<10000x128xf32, #tpu.memory_space<vmem>>, vector<10000x128xf32>
    %get3A_5 = arith.constant 0 : index
    %get3A_6 = arith.constant 0 : index
    %get3A_7 = vector.load %arg2[%get3A_5, %get3A_6] : memref<10000x1xf32, #tpu.memory_space<vmem>>, vector<10000x1xf32>
    %get3A_8 = arith.constant 0 : index
    %get3A_9 = arith.constant 0 : index
    %get3A_10 = vector.load %arg3[%get3A_8, %get3A_9] : memref<1x128xf32, #tpu.memory_space<vmem>>, vector<1x128xf32>
    %get3A_11 = arith.constant 0 : index
    %get3A_12 = arith.constant 0 : index
    %get3A_13 = vector.load %arg4[%get3A_11, %get3A_12] : memref<1x128xf32, #tpu.memory_space<vmem>>, vector<1x128xf32>
    %get3A_14 = arith.constant 0 : index
    %get3A_15 = arith.constant 0 : index
    %get3A_16 = vector.load %arg5[%get3A_14, %get3A_15] : memref<1x128xf32, #tpu.memory_space<vmem>>, vector<1x128xf32>
    %add3A = arith.addf %get3A_1, %get3A_4 : vector<10000x128xf32>
    %mul3A = vector.broadcast %get3A_7 : vector<10000x1xf32> to vector<10000x128xf32>
    %mul3A_17 = arith.mulf %add3A, %mul3A : vector<10000x128xf32>
    %add3A_18 = vector.broadcast %get3A_10 : vector<1x128xf32> to vector<10000x128xf32>
    %add3A_19 = arith.addf %mul3A_17, %add3A_18 : vector<10000x128xf32>
    %reduce_sum3A = arith.constant dense<0.000000e+00> : vector<128xf32>
    %reduce_sum3A_20 = vector.multi_reduction <add>, %add3A_19, %reduce_sum3A [0] : vector<10000x128xf32> to vector<128xf32>
    %broadcast_in_dim3A = vector.shape_cast %reduce_sum3A_20 : vector<128xf32> to vector<1x128xf32>
    %div3A = arith.constant 1.000000e+04 : f32
    %div3A_21 = vector.broadcast %div3A : f32 to vector<1x128xf32>
    %div3A_22 = arith.divf %broadcast_in_dim3A, %div3A_21 : vector<1x128xf32>
    %sub3A = vector.broadcast %div3A_22 : vector<1x128xf32> to vector<10000x128xf32>
    %sub3A_23 = arith.subf %add3A_19, %sub3A : vector<10000x128xf32>
    %mul3A_24 = arith.mulf %sub3A_23, %sub3A_23 : vector<10000x128xf32>
    %reduce_sum3A_25 = arith.constant dense<0.000000e+00> : vector<128xf32>
    %reduce_sum3A_26 = vector.multi_reduction <add>, %mul3A_24, %reduce_sum3A_25 [0] : vector<10000x128xf32> to vector<128xf32>
    %broadcast_in_dim3A_27 = vector.shape_cast %reduce_sum3A_26 : vector<128xf32> to vector<1x128xf32>
    %div3A_28 = arith.constant 1.000000e+04 : f32
    %div3A_29 = vector.broadcast %div3A_28 : f32 to vector<1x128xf32>
    %div3A_30 = arith.divf %broadcast_in_dim3A_27, %div3A_29 : vector<1x128xf32>
    %mul3A_31 = vector.broadcast %get3A_13 : vector<1x128xf32> to vector<10000x128xf32>
    %mul3A_32 = arith.mulf %mul3A_31, %sub3A_23 : vector<10000x128xf32>
    %add3A_33 = arith.constant 9.99999974E-6 : f32
    %add3A_34 = vector.broadcast %add3A_33 : f32 to vector<1x128xf32>
    %add3A_35 = arith.addf %div3A_30, %add3A_34 : vector<1x128xf32>
    %rsqrt3A = math.rsqrt %add3A_35 : vector<1x128xf32>
    %mul3A_36 = vector.broadcast %rsqrt3A : vector<1x128xf32> to vector<10000x128xf32>
    %mul3A_37 = arith.mulf %mul3A_32, %mul3A_36 : vector<10000x128xf32>
    %add3A_38 = vector.broadcast %get3A_16 : vector<1x128xf32> to vector<10000x128xf32>
    %add3A_39 = arith.addf %mul3A_37, %add3A_38 : vector<10000x128xf32>
    %max3A = arith.constant 0.000000e+00 : f32
    %max3A_40 = vector.broadcast %max3A : f32 to vector<10000x128xf32>
    %max3A_41 = arith.maximumf %add3A_39, %max3A_40 : vector<10000x128xf32>
    %get3A_42 = arith.constant 0 : index
    %get3A_43 = arith.constant 0 : index
    %get3A_44 = vector.load %arg6[%get3A_42, %get3A_43] : memref<128x128xf32, #tpu.memory_space<vmem>>, vector<128x128xf32>
    %dot_general3A = arith.constant dense<0.000000e+00> : vector<10000x128xf32>
    %dot_general3A_45 = tpu.matmul %max3A_41, %get3A_44, %dot_general3A {dimension_numbers = #tpu.dot_dimension_numbers<[1], [1], [0], [0], [0, 0, 1, 0], [], []>, transpose_lhs_hint = false} : vector<10000x128xf32>, vector<128x128xf32>, vector<10000x128xf32> -> vector<10000x128xf32>
    %get3A_46 = arith.constant 0 : index
    %get3A_47 = arith.constant 0 : index
    %get3A_48 = vector.load %arg2[%get3A_46, %get3A_47] : memref<10000x1xf32, #tpu.memory_space<vmem>>, vector<10000x1xf32>
    %mul3A_49 = vector.broadcast %get3A_48 : vector<10000x1xf32> to vector<10000x128xf32>
    %mul3A_50 = arith.mulf %dot_general3A_45, %mul3A_49 : vector<10000x128xf32>
    %swap3A = arith.constant 0 : index
    %swap3A_51 = arith.constant 0 : index
    %swap3A_52 = vector.load %arg7[%swap3A, %swap3A_51] : memref<10000x128xf32, #tpu.memory_space<vmem>>, vector<10000x128xf32>
    tpu.vector_store %arg7[%swap3A, %swap3A_51], %mul3A_50 {strides = array<i32>} : memref<10000x128xf32, #tpu.memory_space<vmem>>, vector<10000x128xf32>,
    return
  }
}

module attributes {stable_mosaic.version = 14 : i64} {
  func.func @_bn_pool_body(%arg0: memref<10000x128xf32, #tpu.memory_space<vmem>>, %arg1: memref<10000x128xf32, #tpu.memory_space<vmem>>, %arg2: memref<10000x1xf32, #tpu.memory_space<vmem>>, %arg3: memref<1x128xf32, #tpu.memory_space<vmem>>, %arg4: memref<1x128xf32, #tpu.memory_space<vmem>>, %arg5: memref<1x128xf32, #tpu.memory_space<vmem>>, %arg6: memref<64x128xf32, #tpu.memory_space<vmem>>, %arg7: memref<1x64xf32, #tpu.memory_space<vmem>>, %arg8: memref<128x64xf32, #tpu.memory_space<vmem>>, %arg9: memref<256x128xf32, #tpu.memory_space<vmem>>, %arg10: memref<1x256xf32, #tpu.memory_space<vmem>>, %arg11: memref<1x256xf32, #tpu.memory_space<vmem>>) attributes {dimension_semantics = [], scalar_prefetch = 0 : i64, scratch_operands = 0 : i64, tpu.core_type = #tpu.core_type<tc>} {
    %get3A = arith.constant 0 : index
    %get3A_0 = arith.constant 0 : index
    %get3A_1 = vector.load %arg0[%get3A, %get3A_0] : memref<10000x128xf32, #tpu.memory_space<vmem>>, vector<10000x128xf32>
    %get3A_2 = arith.constant 0 : index
    %get3A_3 = arith.constant 0 : index
    %get3A_4 = vector.load %arg1[%get3A_2, %get3A_3] : memref<10000x128xf32, #tpu.memory_space<vmem>>, vector<10000x128xf32>
    %get3A_5 = arith.constant 0 : index
    %get3A_6 = arith.constant 0 : index
    %get3A_7 = vector.load %arg2[%get3A_5, %get3A_6] : memref<10000x1xf32, #tpu.memory_space<vmem>>, vector<10000x1xf32>
    %get3A_8 = arith.constant 0 : index
    %get3A_9 = arith.constant 0 : index
    %get3A_10 = vector.load %arg3[%get3A_8, %get3A_9] : memref<1x128xf32, #tpu.memory_space<vmem>>, vector<1x128xf32>
    %get3A_11 = arith.constant 0 : index
    %get3A_12 = arith.constant 0 : index
    %get3A_13 = vector.load %arg4[%get3A_11, %get3A_12] : memref<1x128xf32, #tpu.memory_space<vmem>>, vector<1x128xf32>
    %get3A_14 = arith.constant 0 : index
    %get3A_15 = arith.constant 0 : index
    %get3A_16 = vector.load %arg5[%get3A_14, %get3A_15] : memref<1x128xf32, #tpu.memory_space<vmem>>, vector<1x128xf32>
    %add3A = arith.addf %get3A_1, %get3A_4 : vector<10000x128xf32>
    %mul3A = vector.broadcast %get3A_7 : vector<10000x1xf32> to vector<10000x128xf32>
    %mul3A_17 = arith.mulf %add3A, %mul3A : vector<10000x128xf32>
    %add3A_18 = vector.broadcast %get3A_10 : vector<1x128xf32> to vector<10000x128xf32>
    %add3A_19 = arith.addf %mul3A_17, %add3A_18 : vector<10000x128xf32>
    %reduce_sum3A = arith.constant dense<0.000000e+00> : vector<128xf32>
    %reduce_sum3A_20 = vector.multi_reduction <add>, %add3A_19, %reduce_sum3A [0] : vector<10000x128xf32> to vector<128xf32>
    %broadcast_in_dim3A = vector.shape_cast %reduce_sum3A_20 : vector<128xf32> to vector<1x128xf32>
    %div3A = arith.constant 1.000000e+04 : f32
    %div3A_21 = vector.broadcast %div3A : f32 to vector<1x128xf32>
    %div3A_22 = arith.divf %broadcast_in_dim3A, %div3A_21 : vector<1x128xf32>
    %sub3A = vector.broadcast %div3A_22 : vector<1x128xf32> to vector<10000x128xf32>
    %sub3A_23 = arith.subf %add3A_19, %sub3A : vector<10000x128xf32>
    %mul3A_24 = arith.mulf %sub3A_23, %sub3A_23 : vector<10000x128xf32>
    %reduce_sum3A_25 = arith.constant dense<0.000000e+00> : vector<128xf32>
    %reduce_sum3A_26 = vector.multi_reduction <add>, %mul3A_24, %reduce_sum3A_25 [0] : vector<10000x128xf32> to vector<128xf32>
    %broadcast_in_dim3A_27 = vector.shape_cast %reduce_sum3A_26 : vector<128xf32> to vector<1x128xf32>
    %div3A_28 = arith.constant 1.000000e+04 : f32
    %div3A_29 = vector.broadcast %div3A_28 : f32 to vector<1x128xf32>
    %div3A_30 = arith.divf %broadcast_in_dim3A_27, %div3A_29 : vector<1x128xf32>
    %mul3A_31 = vector.broadcast %get3A_13 : vector<1x128xf32> to vector<10000x128xf32>
    %mul3A_32 = arith.mulf %mul3A_31, %sub3A_23 : vector<10000x128xf32>
    %add3A_33 = arith.constant 9.99999974E-6 : f32
    %add3A_34 = vector.broadcast %add3A_33 : f32 to vector<1x128xf32>
    %add3A_35 = arith.addf %div3A_30, %add3A_34 : vector<1x128xf32>
    %rsqrt3A = math.rsqrt %add3A_35 : vector<1x128xf32>
    %mul3A_36 = vector.broadcast %rsqrt3A : vector<1x128xf32> to vector<10000x128xf32>
    %mul3A_37 = arith.mulf %mul3A_32, %mul3A_36 : vector<10000x128xf32>
    %add3A_38 = vector.broadcast %get3A_16 : vector<1x128xf32> to vector<10000x128xf32>
    %add3A_39 = arith.addf %mul3A_37, %add3A_38 : vector<10000x128xf32>
    %max3A = arith.constant 0.000000e+00 : f32
    %max3A_40 = vector.broadcast %max3A : f32 to vector<10000x128xf32>
    %max3A_41 = arith.maximumf %add3A_39, %max3A_40 : vector<10000x128xf32>
    %get3A_42 = arith.constant 0 : index
    %get3A_43 = arith.constant 0 : index
    %get3A_44 = vector.load %arg6[%get3A_42, %get3A_43] : memref<64x128xf32, #tpu.memory_space<vmem>>, vector<64x128xf32>
    %dot_general3A = arith.constant dense<0.000000e+00> : vector<10000x64xf32>
    %dot_general3A_45 = tpu.matmul %max3A_41, %get3A_44, %dot_general3A {dimension_numbers = #tpu.dot_dimension_numbers<[1], [1], [0], [0], [0, 0, 1, 0], [], []>, transpose_lhs_hint = false} : vector<10000x128xf32>, vector<64x128xf32>, vector<10000x64xf32> -> vector<10000x64xf32>
    %get3A_46 = arith.constant 0 : index
    %get3A_47 = arith.constant 0 : index
    %get3A_48 = vector.load %arg7[%get3A_46, %get3A_47] : memref<1x64xf32, #tpu.memory_space<vmem>>, vector<1x64xf32>
    %add3A_49 = vector.broadcast %get3A_48 : vector<1x64xf32> to vector<10000x64xf32>
    %add3A_50 = arith.addf %dot_general3A_45, %add3A_49 : vector<10000x64xf32>
    %max3A_51 = arith.constant 0.000000e+00 : f32
    %max3A_52 = vector.broadcast %max3A_51 : f32 to vector<10000x64xf32>
    %max3A_53 = arith.maximumf %add3A_50, %max3A_52 : vector<10000x64xf32>
    %get3A_54 = arith.constant 0 : index
    %get3A_55 = arith.constant 0 : index
    %get3A_56 = vector.load %arg8[%get3A_54, %get3A_55] : memref<128x64xf32, #tpu.memory_space<vmem>>, vector<128x64xf32>
    %dot_general3A_57 = arith.constant dense<0.000000e+00> : vector<10000x128xf32>
    %dot_general3A_58 = tpu.matmul %max3A_53, %get3A_56, %dot_general3A_57 {dimension_numbers = #tpu.dot_dimension_numbers<[1], [1], [0], [0], [0, 0, 1, 0], [], []>, transpose_lhs_hint = false} : vector<10000x64xf32>, vector<128x64xf32>, vector<10000x128xf32> -> vector<10000x128xf32>
    %reduce_max3A = arith.constant dense<0xFF800000> : vector<128xf32>
    %reduce_max3A_59 = vector.multi_reduction <maximumf>, %dot_general3A_58, %reduce_max3A [0] : vector<10000x128xf32> to vector<128xf32>
    %broadcast_in_dim3A_60 = vector.shape_cast %reduce_max3A_59 : vector<128xf32> to vector<1x128xf32>
    %sub3A_61 = vector.broadcast %broadcast_in_dim3A_60 : vector<1x128xf32> to vector<10000x128xf32>
    %sub3A_62 = arith.subf %dot_general3A_58, %sub3A_61 : vector<10000x128xf32>
    %exp3A = math.exp %sub3A_62 : vector<10000x128xf32>
    %reduce_sum3A_63 = arith.constant dense<0.000000e+00> : vector<128xf32>
    %reduce_sum3A_64 = vector.multi_reduction <add>, %exp3A, %reduce_sum3A_63 [0] : vector<10000x128xf32> to vector<128xf32>
    %broadcast_in_dim3A_65 = vector.shape_cast %reduce_sum3A_64 : vector<128xf32> to vector<1x128xf32>
    %div3A_66 = vector.broadcast %broadcast_in_dim3A_65 : vector<1x128xf32> to vector<10000x128xf32>
    %div3A_67 = arith.divf %exp3A, %div3A_66 : vector<10000x128xf32>
    %mul3A_68 = arith.mulf %div3A_67, %max3A_41 : vector<10000x128xf32>
    %reduce_sum3A_69 = arith.constant dense<0.000000e+00> : vector<128xf32>
    %reduce_sum3A_70 = vector.multi_reduction <add>, %mul3A_68, %reduce_sum3A_69 [0] : vector<10000x128xf32> to vector<128xf32>
    %broadcast_in_dim3A_71 = vector.shape_cast %reduce_sum3A_70 : vector<128xf32> to vector<1x128xf32>
    %get3A_72 = arith.constant 0 : index
    %get3A_73 = arith.constant 0 : index
    %get3A_74 = vector.load %arg9[%get3A_72, %get3A_73] : memref<256x128xf32, #tpu.memory_space<vmem>>, vector<256x128xf32>
    %dot_general3A_75 = arith.constant dense<0.000000e+00> : vector<1x256xf32>
    %dot_general3A_76 = tpu.matmul %broadcast_in_dim3A_71, %get3A_74, %dot_general3A_75 {dimension_numbers = #tpu.dot_dimension_numbers<[1], [1], [0], [0], [0, 0, 1, 0], [], []>, transpose_lhs_hint = false} : vector<1x128xf32>, vector<256x128xf32>, vector<1x256xf32> -> vector<1x256xf32>
    %get3A_77 = arith.constant 0 : index
    %get3A_78 = arith.constant 0 : index
    %get3A_79 = vector.load %arg10[%get3A_77, %get3A_78] : memref<1x256xf32, #tpu.memory_space<vmem>>, vector<1x256xf32>
    %add3A_80 = arith.addf %dot_general3A_76, %get3A_79 : vector<1x256xf32>
    %swap3A = arith.constant 0 : index
    %swap3A_81 = arith.constant 0 : index
    %swap3A_82 = vector.load %arg11[%swap3A, %swap3A_81] : memref<1x256xf32, #tpu.memory_space<vmem>>, vector<1x256xf32>
    tpu.vector_store %arg11[%swap3A, %swap3A_81], %add3A_80 {strides = array<i32>} : memref<1x256xf32, #tpu.memory_space<vmem>>, vector<1x256xf32>,
    return
  }
}

</mosaic_0001>

<sc_bundles>
// kernel: kernel.13.cloned.1.call-start
scs
__scs_entry_jumppad:
0x0: {  	(pc) =	sbr.rel $0x88, $3  }
0x1: {  	(tag) =	ssettag $0x0;
	lr =	simm.s32 $0x1  }
0x2: {  	[smem:$0x3F8A] =	sst lr;
	_ =	strace $0xD0000000  }
0x3: {  	_ = 	snop  }
0x4: {  	_ = 	snop  }
0x5: {  	_ = 	snop  }
0x6: {  	_ = 	snop  }
0x7: {  	_ = 	snop  }
__scs_overlays_trampoline_lowered:
0x8: {  	[smem:$0x3F99] =	sst s0  }
0x9: {  	[smem:$0x3F9A] =	sst s1  }
0xa: {  	[smem:$0x3F9B] =	sst s2  }
0xb: {  	[smem:$0x3F9C] =	sst s3  }
0xc: {  	[smem:$0x3F9D] =	sst s4  }
0xd: {  	[smem:$0x3F9E] =	sst s5  }
0xe: {  	[smem:$0x3F9F] =	sst s6  }
0xf: {  	[smem:$0x3FA0] =	sst s7  }
0x10: {  	[smem:$0x3FA1] =	sst s8  }
0x11: {  	[smem:$0x3FA2] =	sst s9;
	s0 =	simm.s32 @!p0 $0x0  }
0x12: {  	s1 =	sld [smem:$0x3F88];
	s0 =	simm.s32 @p0 $0x1  }
0x13: {  	[smem:$0x3FA3] =	sst s0;
	s0 =	simm.s32 @!p1 $0x0  }
0x14: {  	s2 =	sld [smem:$0x3F87];
	s0 =	simm.s32 @p1 $0x1  }
0x15: {  	[smem:$0x3FA4] =	sst s0;
	s0 =	simm.s32 @!p2 $0x0  }
0x16: {  	s3 =	sld [smem:$0x3FDB];
	s0 =	simm.s32 @p2 $0x1  }
0x17: {  	s4 =	simm.s32 $0x1BF5;
	[smem:$0x3FA6] =	sst s0  }
0x18: {  	s0 =	sld [smem:$0x3F89];
	_ =	swait.ge [sflag:s4], $0x0  }
0x19: {  	s7 =	sld [smem:$0x3F8A]  }
0x1a: {  	s8 =	sadd.s32 $0xFFFFE003, lr  }
0x1b: {  	s9 =	sadd.s32 $0xFFFFFEF7, lr;
	s5 =	simm.s32 $0xFFFFFFFF;
	p2 =	slt.u32 s8, $0xFFFFF086  }
0x1c: {  	p1 =	slt.u32 s9, $0xF7A;
	s5 =	simm.s32 @!p2 $0x0  }
0x1d: {  	s5 =	simm.s32 @p1 $0x1;
	p0 =	seq.s32 s7, s2  }
0x1e: {  	s7 =	smul.u32 @!p0 $0xF7A, s2;
	p2 =	seq.s32 @!p0 s5, $0x0  }
0x1f: {  	s9 =	smul.u32 $0xF7A, s1;
	s8 =	simm.s32 @!p0 $0x1BF5;
	p2 =	por !p2, p0  }
0x20: {  	[sflag:s8] =	ssyncset.s32 @!p0 $0xFFFFF086;
	s6 =	sadd.s32 @!p0 s3, s7;
	s7 =	simm.s32 @!p0 $0x108  }
0x21: {  	s3 =	sadd.s32 s3, s9;
	s6 =	sadd.s32 @!p0 $0x88, s6;
	s7 =	simm.s32 @p2 $0x1082  }
0x22: {  	[simem:s7], [sflag:s8] =	dma.local @!p0 [hbm:s6], $0xF7A  }
0x23: {  	s9 =	sor.u32 $0xD0000000, s2;
	s6 =	simm.s32 $0x108;
	_ =	swait.ge @!p0 [sflag:s8], $0x0  }
0x24: {  	s3 =	sadd.s32 $0x88, s3;
	s6 =	simm.s32 @!p1 $0x1082;
	[sflag:s4] =	ssyncset.s32 $0xFFFFF086  }
0x25: {  	[simem:s6], [sflag:s4] =	dma.local [hbm:s3], $0xF7A  }
0x26: {  	[smem:$0x3F8A] =	sst s1;
	(tag) =	ssettag s2;
	_ =	strace s9  }
0x27: {  	s1 =	sld [smem:$0x3F9A]  }
0x28: {  	s2 =	sld [smem:$0x3F9B]  }
0x29: {  	s4 =	sld [smem:$0x3F9D]  }
0x2a: {  	p0 =	seq.s32 s5, $0x0;
	s5 =	sld [smem:$0x3F9E]  }
0x2b: {  	s6 =	sld [smem:$0x3F9F]  }
0x2c: {  	s7 =	sld [smem:$0x3FA0]  }
0x2d: {  	s3 =	simm.s32 $0x108;
	s8 =	sld [smem:$0x3FA1]  }
0x2e: {  	s3 =	simm.s32 @!p0 $0x1082;
	s9 =	sld [smem:$0x3FA2]  }
0x2f: {  	lr =	sadd.s32 s0, s3;
	s0 =	sld [smem:$0x3F99]  }
0x30: {  	s3 =	sld [smem:$0x3F9C]  }
0x31: {  	[smem:$0x3FA5] =	sst s10  }
0x32: {  	s10 =	sld [smem:$0x3FA3];
	_ =	sdelay $0x3  }
0x33: {  	p0 =	seq.s32 s10, $0x1;
	s10 =	sld [smem:$0x3FA5];
	_ =	sdelay $0x3  }
0x34: {  	[smem:$0x3FA5] =	sst s10  }
0x35: {  	s10 =	sld [smem:$0x3FA4];
	_ =	sdelay $0x3  }
0x36: {  	p1 =	seq.s32 s10, $0x1;
	s10 =	sld [smem:$0x3FA5];
	_ =	sdelay $0x3  }
0x37: {  	[smem:$0x3FA5] =	sst s10  }
0x38: {  	s10 =	sld [smem:$0x3FA6]  }
0x39: {  	_ = 	snop;
	(pc) =	sbr.ind lr, $3  }
0x3a: {  	_ = 	snop  }
0x3b: {  	_ = 	snop  }
0x3c: {  	p2 =	seq.s32 s10, $0x1;
	s10 =	sld [smem:$0x3FA5]  }
0x3d: {  	_ =	shalt  }
0x3e: {  	_ =	shalt  }
0x3f: {  	_ =	shalt  }
0x40: {  	_ =	shalt  }
0x41: {  	_ =	shalt  }
0x42: {  	_ =	shalt  }
0x43: {  	_ =	shalt  }
0x44: {  	_ =	shalt  }
0x45: {  	_ =	shalt  }
0x46: {  	_ =	shalt  }
0x47: {  	_ =	shalt  }
0x48: {  	_ =	shalt  }
0x49: {  	_ =	shalt  }
0x4a: {  	_ =	shalt  }
0x4b: {  	_ =	shalt  }
0x4c: {  	_ =	shalt  }
0x4d: {  	_ =	shalt  }
0x4e: {  	_ =	shalt  }
0x4f: {  	_ =	shalt  }
0x50: {  	_ =	shalt  }
0x51: {  	_ =	shalt  }
0x52: {  	_ =	shalt  }
0x53: {  	_ =	shalt  }
0x54: {  	_ =	shalt  }
0x55: {  	_ =	shalt  }
0x56: {  	_ =	shalt  }
0x57: {  	_ =	shalt  }
0x58: {  	_ =	shalt  }
0x59: {  	_ =	shalt  }
0x5a: {  	_ =	shalt  }
0x5b: {  	_ =	shalt  }
0x5c: {  	_ =	shalt  }
0x5d: {  	_ =	shalt  }
0x5e: {  	_ =	shalt  }
0x5f: {  	_ =	shalt  }
0x60: {  	_ =	shalt  }
0x61: {  	_ =	shalt  }
0x62: {  	_ =	shalt  }
0x63: {  	_ =	shalt  }
0x64: {  	_ =	shalt  }
0x65: {  	_ =	shalt  }
0x66: {  	_ =	shalt  }
0x67: {  	_ =	shalt  }
0x68: {  	_ =	shalt  }
0x69: {  	_ =	shalt  }
0x6a: {  	_ =	shalt  }
0x6b: {  	_ =	shalt  }
0x6c: {  	_ =	shalt  }
0x6d: {  	_ =	shalt  }
0x6e: {  	_ =	shalt  }
0x6f: {  	_ =	shalt  }
0x70: {  	_ =	shalt  }
0x71: {  	_ =	shalt  }
0x72: {  	_ =	shalt  }
0x73: {  	_ =	shalt  }
0x74: {  	_ =	shalt  }
0x75: {  	_ =	shalt  }
0x76: {  	_ =	shalt  }
0x77: {  	_ =	shalt  }
0x78: {  	_ =	shalt  }
0x79: {  	_ =	shalt  }
0x7a: {  	_ =	shalt  }
0x7b: {  	_ =	shalt  }
0x7c: {  	_ =	shalt  }
0x7d: {  	_ =	shalt  }
0x7e: {  	_ =	shalt  }
0x7f: {  	_ =	shalt  }
0x80: {  	_ =	shalt  }
0x81: {  	_ =	shalt  }
0x82: {  	_ =	shalt  }
0x83: {  	_ =	shalt  }
0x84: {  	_ =	shalt  }
0x85: {  	_ =	shalt  }
0x86: {  	_ =	shalt  }
0x87: {  	_ =	shalt  }
.Lfunc_end0:
.L_simem_size_0:
called_computation_lowered:
.L_overlay_start_0:
0x88: {  	s2 =	sld [smem:$0x3FD9]  }
0x89: {  	s3 =	sld [smem:$0x3FFE];
	_ =	sdelay $0x1  }
0x8a: {  	s1 =	srdreg.scid  }
0x8b: {  	s0 =	sand.u32 $0x1, s1  }
0x8c: {  	s16 =	sshll.u32 s0, $0xA;
	s2 =	sadd.s32 s3, s2  }
0x8d: {  	s2 =	sadd.s32 s2, s16  }
0x8e: {  	[smem:$0x3FB1] =	sst s2  }
0x8f: {  	_ = 	snop  }
0x90: {  	(tm) =	ssettm $0x1  }
0x91: {  	s17 =	sld [smem:$0x3FFB];
	_ =	sdelay $0x3  }
0x92: {  	_ =	strace s17  }
0x93: {  	s2 =	sld [smem:$0x3FFC];
	_ =	sdelay $0x3  }
0x94: {  	_ =	strace s2  }
0x95: {  	s2 =	sld [smem:$0x3FFD];
	_ =	sdelay $0x3  }
0x96: {  	_ =	strace s2  }
0x97: {  	_ =	strace $0x8FFFFFFF  }
0x98: {  	s18 =	sld [smem:$0x3FDB];
	_ =	sdelay $0x1  }
0x99: {  	s19 =	simm.s32 $_scs_section_size  }
0x9a: {  	s4 =	simm.s32 $_size__tile_overlayer_lowered;
	s5 =	simm.s32 $_tile_overlayer_lowered  }
0x9b: {  	s22 =	simm.s32 $0x1BFF;
	s21 =	sshll.u32 s5, $0x1;
	s2 =	sadd.s32 s19, s18  }
0x9c: {  	s6 =	simm.s32 $0x0;
	s20 =	sshll.u32 s4, $0x1;
	s4 =	sadd.s32 s21, s2  }
0x9d: {  	[timem:s6], [sflag:s22] =	dma.local [hbm:s4], s20  }
0x9e: {  	_ =	swait.ge [sflag:s22], s20  }
0x9f: {  	s3 =	ssub.s32 $0x0, s20;
	[sflag:s22] =	ssyncset.done $0x0  }
0xa0: {  	[sflag:s22] =	ssyncadd.s32 s3;
	_ =	sdelay $0x1  }
0xa1: {  	s23 =	simm.s32 $0x1B8B  }
0xa2: {  	_ =	swait.ge [sflag:s23], $0x1  }
0xa3: {  	[sflag:s23] =	ssyncset.done $0x0  }
0xa4: {  	s25 =	simm.s32 $0x1B8E;
	s24 =	sld [smem:$0x3FFE];
	[sflag:s23] =	ssyncadd.s32 $0xFFFFFFFF  }
0xa5: {  	s26 =	simm.s32 $execute0_lowered;
	[smem:$0x3FD2] =	sst s25  }
0xa6: {  	s4 =	sshll.u32 s26, $0x1;
	_ =	strace $0x80000046;
	[dreg:$0x1] =	wrdreg $0xFFFFFFFF  }
0xa7: {  	s28 =	simm.s32 $_size_execute0_lowered;
	s2 =	sadd.s32 s2, s4;
	[dreg:$0x0] =	wrdreg $0x0  }
0xa8: {  	s4 =	sshll.u32 s28, $0x1;
	[dreg:$0x2] =	wrdreg s2  }
0xa9: {  	[dreg:$0x3] =	wrdreg s4  }
0xaa: {  	[dreg:$0x4] =	wrdreg $0xC0  }
0xab: {  	_ =	task [dreg:s6], $0x5FFFF  }
0xac: {  	[dreg:$0x1] =	wrdreg $0xFFFFFFFF  }
0xad: {  	[dreg:$0x0] =	wrdreg $0x60  }
0xae: {  	[dreg:$0x2] =	wrdreg s24  }
0xaf: {  	[dreg:$0x3] =	wrdreg $0x9  }
0xb0: {  	_ =	task.clear_ibuf [dreg:s6], $0x4FFFF;
	_ =	strace $0x90000046  }
0xb1: {  	s29 =	simm.s32 $0x9;
	_ =	strace $0x80000048  }
0xb2: {  	_ =	swait.ge [sflag:s29], $0x1  }
0xb3: {  	[sflag:s29] =	ssyncadd.s32 $0xFFFFFFFF  }
0xb4: {  	_ =	strace $0x90000048  }
0xb5: {  	_ =	sfence  }
0xb6: {  	s30 =	sld [smem:$0x0];
	_ =	sdelay $0x2  }
0xb7: {  	s31 =	sshll.u32 s1, $0xD;
	s1 =	sshrl.u32 s1, $0x2  }
0xb8: {  	s3 =	sand.u32 $0x4000, s31;
	s1 =	sadd.s32 s1, s30  }
0xb9: {  	s0 =	sor.u32 s3, s0;
	s1 =	sshll.u32 s1, $0x11  }
0xba: {  	s0 =	sor.u32 s1, s0  }
0xbb: {  	s0 =	sadd.s32 $0x8F2B, s0  }
0xbc: {  	[sflag:s0] =	ssyncadd.remote.s32 $0x1  }
0xbd: {  	_ =	sfence.sel $0xFFFF  }
0xbe: {  	[dreg:$0x0] =	wrdreg $0xFFFFFFFF;
	(pc) =	sbr.abs _section_cstart, $3  }
0xbf: {  	[dreg:$0x1] =	wrdreg $0xFFFFFFFF  }
0xc0: {  	_ =	task.clear_ibuf [dreg:s6], $0x2FFFF;
	_ =	strace $0x9FFFFFFF  }
0xc1: {  	(tm) =	ssettm $0x7FFFFFFF  }
tec
execute0_lowered:
.L_overlay_start_1:
0x0: {  	(tag) =	ssettag $0x1  }
0x1: {  	s0 =	srdreg.scid  }
0x2: {  	s4 =	rddreg [dreg:$0x0];
	s3 =	sand.u32 $0x1, s0  }
0x3: {  	s2 =	simm.s32 $0x0;
	s0 =	stileid.u32;
	s1 =	sshll.u32 s3, $0x4  }
0x4: {  	s9 =	simm.s32 $0x0;
	[smem:$0x7FF] =	sst s2;
	s5 =	sor.u32 s0, s1  }
0x5: {  	s7 =	ssub.s32 $0x2, s3;
	s3 =	sadd.s32 $0x54000, s4;
	s6 =	smul.u32 $0x2780, s5  }
0x6: {  	s1 =	rddreg [dreg:$0x1];
	s8 =	sshrl.u32 s7, $0x1;
	s5 =	smul.u32 $0x500, s5  }
0x7: {  	_ =	strace $0x80000047;
	s7 =	ssub.s32 s7, s8;
	s6 =	sadd.s32 s6, s4  }
0x8: {  	s8 =	simm.s32 $0x13C00;
	s5 =	sadd.s32 s5, s4;
	s4 =	sadd.s32 $0x5000, s6  }
0x9: {  	v0 =	vimm.f32 $1.000000000e+00;
	s5 =	sadd.s32 $0x54600, s5;
	s6 =	smax.u32 s7, $0x1;
	s7 =	simm.s32 $0x1  }
.LBB2_1:
0xa: {  	[tilespmem:s2], [sflag:$0x1] =	stream.linear.gather [hbm4b:s4+s2], $0x13880, $0x38;
	[tilespmem:$0x16400] =	vst v63  }
0xb: {  	_ =	swait.ge [sflag:s7], $0x13880  }
0xc: {  	[sflag:s7] =	ssyncset.done $0x0  }
0xd: {  	[sflag:s7] =	ssyncadd.s32 $0xFFFEC780  }
0xe: {  	[tilespmem:s8], [sflag:$0x1] =	stream.linear.gather [hbm4b:s3+s2], $0x2800, $0x38;
	[tilespmem:$0x16400] =	vst v63  }
0xf: {  	_ =	swait.ge [sflag:s7], $0x2800  }
0x10: {  	[sflag:s7] =	ssyncset.done $0x0  }
0x11: {  	s11 =	simm.s32 $0x0;
	s10 =	simm.s32 $0x200;
	[sflag:s7] =	ssyncadd.s32 $0xFFFFD800  }
.LBB2_2:
0x12: {  	p0 =	sne.s32 s10, $0x4E000;
	v1 =	vld [tilespmem:s11+$0x0];
	_ =	sdelay $0x3  }
.Ltmp0:
0x13: {  	(pc) =	sbr.rel @p0 .LBB2_2-.Ltmp0, $2  }
0x14: {  	_ =	sdelay $0x2  }
0x15: {  	s11 =	sshra.s32 s10, $0x2;
	s10 =	sadd.s32 $0x200, s10;
	[tilespmem:v1+s8+$0x0] =	vst.idx.add.f32.msk $0xffff, v0  }
0x16: {  	v1 =	vld [tilespmem:s11+$0x0];
	_ =	sdelay $0x5  }
0x17: {  	s9 =	sadd.s32 $0x1, s9  }
0x18: {  	p0 =	sne.s32 s9, s6  }
.Ltmp1:
0x19: {  	[tilespmem:v1+s8+$0x0] =	vst.idx.add.f32.msk $0xffff, v0;
	(pc) =	sbr.rel @p0 .LBB2_1-.Ltmp1, $4  }
0x1a: {  	[hbm4b:s5+s2] =	stream.linear.scatter [tilespmem:s8], [sflag:$0x1], $0x2800, $0x38;
	[tilespmem:$0x16400] =	vst v63  }
0x1b: {  	_ =	swait.ge [sflag:s7], $0x2800  }
0x1c: {  	[sflag:s7] =	ssyncset.done $0x0  }
0x1d: {  	[sflag:s7] =	ssyncadd.s32 $0xFFFFD800  }
0x1e: {  	_ =	sfence.sel $0x180000  }
0x1f: {  	[bflag:$0x0] =	sbarrier.arrive $0xFFFF  }
0x20: {  	p0 =	sne.s32 s0, $0x0;
	_ =	strace $0x90000047  }
0x21: {  	s0 =	sadd.s32 @!p0 $0x100000, s1;
	[bflag:$0x2] =	sbarrier.arrive $0xFFFF  }
0x22: {  	[sflag:s0] =	ssyncadd.tile.s32 @!p0 $0x1;
	_ =	shalt  }
.Lfunc_end2:
_tile_overlayer_lowered:
.L_overlay_start_2:
0x23: {  	(tag) =	ssettag $0x2  }
0x24: {  	s0 =	rddreg [dreg:$0x0];
	s2 =	stileid.u32  }
0x25: {  	s1 =	rddreg [dreg:$0x1];
	p0 =	sne.s32 s2, $0x0  }
0x26: {  	s3 =	rddreg [dreg:$0x2];
	[bflag:$0x3] =	sbarrier.arrive $0xFFFF;
	s2 =	simm.s32 @!p0 $0x1C01  }
0x27: {  	[timem:s3], [sflag:s2] =	dma.local @!p0 [hbm:s0], s1  }
0x28: {  	s0 =	simm.s32 @!p0 $0x1  }
0x29: {  	_ =	swait.ge @!p0 [sflag:s0], s1  }
0x2a: {  	s1 =	ssub.s32 @!p0 $0x0, s1;
	[sflag:s0] =	ssyncset.done @!p0 $0x0  }
0x2b: {  	[sflag:s0] =	ssyncadd.s32 @!p0 s1  }
0x2c: {  	[bflag:$0x3] =	sbarrier.arrive $0xFFFF  }
0x2d: {  	_ =	shalt  }

// kernel: kernel.16.cloned.1.call-start
scs
__scs_entry_jumppad:
0x0: {  	(pc) =	sbr.rel $0x88, $3  }
0x1: {  	(tag) =	ssettag $0x0;
	lr =	simm.s32 $0x1  }
0x2: {  	[smem:$0x3F8A] =	sst lr;
	_ =	strace $0xD0000000  }
0x3: {  	_ = 	snop  }
0x4: {  	_ = 	snop  }
0x5: {  	_ = 	snop  }
0x6: {  	_ = 	snop  }
0x7: {  	_ = 	snop  }
__scs_overlays_trampoline_lowered:
0x8: {  	[smem:$0x3F99] =	sst s0  }
0x9: {  	[smem:$0x3F9A] =	sst s1  }
0xa: {  	[smem:$0x3F9B] =	sst s2  }
0xb: {  	[smem:$0x3F9C] =	sst s3  }
0xc: {  	[smem:$0x3F9D] =	sst s4  }
0xd: {  	[smem:$0x3F9E] =	sst s5  }
0xe: {  	[smem:$0x3F9F] =	sst s6  }
0xf: {  	[smem:$0x3FA0] =	sst s7  }
0x10: {  	[smem:$0x3FA1] =	sst s8  }
0x11: {  	[smem:$0x3FA2] =	sst s9;
	s0 =	simm.s32 @!p0 $0x0  }
0x12: {  	s1 =	sld [smem:$0x3F88];
	s0 =	simm.s32 @p0 $0x1  }
0x13: {  	[smem:$0x3FA3] =	sst s0;
	s0 =	simm.s32 @!p1 $0x0  }
0x14: {  	s2 =	sld [smem:$0x3F87];
	s0 =	simm.s32 @p1 $0x1  }
0x15: {  	[smem:$0x3FA4] =	sst s0;
	s0 =	simm.s32 @!p2 $0x0  }
0x16: {  	s3 =	sld [smem:$0x3FDB];
	s0 =	simm.s32 @p2 $0x1  }
0x17: {  	s4 =	simm.s32 $0x1BF5;
	[smem:$0x3FA6] =	sst s0  }
0x18: {  	s0 =	sld [smem:$0x3F89];
	_ =	swait.ge [sflag:s4], $0x0  }
0x19: {  	s7 =	sld [smem:$0x3F8A]  }
0x1a: {  	s8 =	sadd.s32 $0xFFFFE003, lr  }
0x1b: {  	s9 =	sadd.s32 $0xFFFFFEF7, lr;
	s5 =	simm.s32 $0xFFFFFFFF;
	p2 =	slt.u32 s8, $0xFFFFF086  }
0x1c: {  	p1 =	slt.u32 s9, $0xF7A;
	s5 =	simm.s32 @!p2 $0x0  }
0x1d: {  	s5 =	simm.s32 @p1 $0x1;
	p0 =	seq.s32 s7, s2  }
0x1e: {  	s7 =	smul.u32 @!p0 $0xF7A, s2;
	p2 =	seq.s32 @!p0 s5, $0x0  }
0x1f: {  	s9 =	smul.u32 $0xF7A, s1;
	s8 =	simm.s32 @!p0 $0x1BF5;
	p2 =	por !p2, p0  }
0x20: {  	[sflag:s8] =	ssyncset.s32 @!p0 $0xFFFFF086;
	s6 =	sadd.s32 @!p0 s3, s7;
	s7 =	simm.s32 @!p0 $0x108  }
0x21: {  	s3 =	sadd.s32 s3, s9;
	s6 =	sadd.s32 @!p0 $0x88, s6;
	s7 =	simm.s32 @p2 $0x1082  }
0x22: {  	[simem:s7], [sflag:s8] =	dma.local @!p0 [hbm:s6], $0xF7A  }
0x23: {  	s9 =	sor.u32 $0xD0000000, s2;
	s6 =	simm.s32 $0x108;
	_ =	swait.ge @!p0 [sflag:s8], $0x0  }
0x24: {  	s3 =	sadd.s32 $0x88, s3;
	s6 =	simm.s32 @!p1 $0x1082;
	[sflag:s4] =	ssyncset.s32 $0xFFFFF086  }
0x25: {  	[simem:s6], [sflag:s4] =	dma.local [hbm:s3], $0xF7A  }
0x26: {  	[smem:$0x3F8A] =	sst s1;
	(tag) =	ssettag s2;
	_ =	strace s9  }
0x27: {  	s1 =	sld [smem:$0x3F9A]  }
0x28: {  	s2 =	sld [smem:$0x3F9B]  }
0x29: {  	s4 =	sld [smem:$0x3F9D]  }
0x2a: {  	p0 =	seq.s32 s5, $0x0;
	s5 =	sld [smem:$0x3F9E]  }
0x2b: {  	s6 =	sld [smem:$0x3F9F]  }
0x2c: {  	s7 =	sld [smem:$0x3FA0]  }
0x2d: {  	s3 =	simm.s32 $0x108;
	s8 =	sld [smem:$0x3FA1]  }
0x2e: {  	s3 =	simm.s32 @!p0 $0x1082;
	s9 =	sld [smem:$0x3FA2]  }
0x2f: {  	lr =	sadd.s32 s0, s3;
	s0 =	sld [smem:$0x3F99]  }
0x30: {  	s3 =	sld [smem:$0x3F9C]  }
0x31: {  	[smem:$0x3FA5] =	sst s10  }
0x32: {  	s10 =	sld [smem:$0x3FA3];
	_ =	sdelay $0x3  }
0x33: {  	p0 =	seq.s32 s10, $0x1;
	s10 =	sld [smem:$0x3FA5];
	_ =	sdelay $0x3  }
0x34: {  	[smem:$0x3FA5] =	sst s10  }
0x35: {  	s10 =	sld [smem:$0x3FA4];
	_ =	sdelay $0x3  }
0x36: {  	p1 =	seq.s32 s10, $0x1;
	s10 =	sld [smem:$0x3FA5];
	_ =	sdelay $0x3  }
0x37: {  	[smem:$0x3FA5] =	sst s10  }
0x38: {  	s10 =	sld [smem:$0x3FA6]  }
0x39: {  	_ = 	snop;
	(pc) =	sbr.ind lr, $3  }
0x3a: {  	_ = 	snop  }
0x3b: {  	_ = 	snop  }
0x3c: {  	p2 =	seq.s32 s10, $0x1;
	s10 =	sld [smem:$0x3FA5]  }
0x3d: {  	_ =	shalt  }
0x3e: {  	_ =	shalt  }
0x3f: {  	_ =	shalt  }
0x40: {  	_ =	shalt  }
0x41: {  	_ =	shalt  }
0x42: {  	_ =	shalt  }
0x43: {  	_ =	shalt  }
0x44: {  	_ =	shalt  }
0x45: {  	_ =	shalt  }
0x46: {  	_ =	shalt  }
0x47: {  	_ =	shalt  }
0x48: {  	_ =	shalt  }
0x49: {  	_ =	shalt  }
0x4a: {  	_ =	shalt  }
0x4b: {  	_ =	shalt  }
0x4c: {  	_ =	shalt  }
0x4d: {  	_ =	shalt  }
0x4e: {  	_ =	shalt  }
0x4f: {  	_ =	shalt  }
0x50: {  	_ =	shalt  }
0x51: {  	_ =	shalt  }
0x52: {  	_ =	shalt  }
0x53: {  	_ =	shalt  }
0x54: {  	_ =	shalt  }
0x55: {  	_ =	shalt  }
0x56: {  	_ =	shalt  }
0x57: {  	_ =	shalt  }
0x58: {  	_ =	shalt  }
0x59: {  	_ =	shalt  }
0x5a: {  	_ =	shalt  }
0x5b: {  	_ =	shalt  }
0x5c: {  	_ =	shalt  }
0x5d: {  	_ =	shalt  }
0x5e: {  	_ =	shalt  }
0x5f: {  	_ =	shalt  }
0x60: {  	_ =	shalt  }
0x61: {  	_ =	shalt  }
0x62: {  	_ =	shalt  }
0x63: {  	_ =	shalt  }
0x64: {  	_ =	shalt  }
0x65: {  	_ =	shalt  }
0x66: {  	_ =	shalt  }
0x67: {  	_ =	shalt  }
0x68: {  	_ =	shalt  }
0x69: {  	_ =	shalt  }
0x6a: {  	_ =	shalt  }
0x6b: {  	_ =	shalt  }
0x6c: {  	_ =	shalt  }
0x6d: {  	_ =	shalt  }
0x6e: {  	_ =	shalt  }
0x6f: {  	_ =	shalt  }
0x70: {  	_ =	shalt  }
0x71: {  	_ =	shalt  }
0x72: {  	_ =	shalt  }
0x73: {  	_ =	shalt  }
0x74: {  	_ =	shalt  }
0x75: {  	_ =	shalt  }
0x76: {  	_ =	shalt  }
0x77: {  	_ =	shalt  }
0x78: {  	_ =	shalt  }
0x79: {  	_ =	shalt  }
0x7a: {  	_ =	shalt  }
0x7b: {  	_ =	shalt  }
0x7c: {  	_ =	shalt  }
0x7d: {  	_ =	shalt  }
0x7e: {  	_ =	shalt  }
0x7f: {  	_ =	shalt  }
0x80: {  	_ =	shalt  }
0x81: {  	_ =	shalt  }
0x82: {  	_ =	shalt  }
0x83: {  	_ =	shalt  }
0x84: {  	_ =	shalt  }
0x85: {  	_ =	shalt  }
0x86: {  	_ =	shalt  }
0x87: {  	_ =	shalt  }
.Lfunc_end0:
.L_simem_size_0:
called_computation.1_lowered:
.L_overlay_start_0:
0x88: {  	s2 =	sld [smem:$0x3FD9]  }
0x89: {  	s3 =	sld [smem:$0x3FFE];
	_ =	sdelay $0x1  }
0x8a: {  	s1 =	srdreg.scid  }
0x8b: {  	s0 =	sand.u32 $0x1, s1  }
0x8c: {  	s16 =	sshll.u32 s0, $0xA;
	s2 =	sadd.s32 s3, s2  }
0x8d: {  	s2 =	sadd.s32 s2, s16  }
0x8e: {  	[smem:$0x3FB1] =	sst s2  }
0x8f: {  	_ = 	snop  }
0x90: {  	(tm) =	ssettm $0x1  }
0x91: {  	s17 =	sld [smem:$0x3FFB];
	_ =	sdelay $0x3  }
0x92: {  	_ =	strace s17  }
0x93: {  	s2 =	sld [smem:$0x3FFC];
	_ =	sdelay $0x3  }
0x94: {  	_ =	strace s2  }
0x95: {  	s2 =	sld [smem:$0x3FFD];
	_ =	sdelay $0x3  }
0x96: {  	_ =	strace s2  }
0x97: {  	_ =	strace $0x8FFFFFFF  }
0x98: {  	s18 =	sld [smem:$0x3FDB];
	_ =	sdelay $0x1  }
0x99: {  	s19 =	simm.s32 $_scs_section_size  }
0x9a: {  	s4 =	simm.s32 $_size__tile_overlayer_lowered;
	s5 =	simm.s32 $_tile_overlayer_lowered  }
0x9b: {  	s22 =	simm.s32 $0x1BFF;
	s21 =	sshll.u32 s5, $0x1;
	s2 =	sadd.s32 s19, s18  }
0x9c: {  	s6 =	simm.s32 $0x0;
	s20 =	sshll.u32 s4, $0x1;
	s4 =	sadd.s32 s21, s2  }
0x9d: {  	[timem:s6], [sflag:s22] =	dma.local [hbm:s4], s20  }
0x9e: {  	_ =	swait.ge [sflag:s22], s20  }
0x9f: {  	s3 =	ssub.s32 $0x0, s20;
	[sflag:s22] =	ssyncset.done $0x0  }
0xa0: {  	[sflag:s22] =	ssyncadd.s32 s3;
	_ =	sdelay $0x1  }
0xa1: {  	s23 =	simm.s32 $0x1B8B  }
0xa2: {  	_ =	swait.ge [sflag:s23], $0x1  }
0xa3: {  	[sflag:s23] =	ssyncset.done $0x0  }
0xa4: {  	s25 =	simm.s32 $0x1B8E;
	s24 =	sld [smem:$0x3FFE];
	[sflag:s23] =	ssyncadd.s32 $0xFFFFFFFF  }
0xa5: {  	s26 =	simm.s32 $execute0_lowered;
	[smem:$0x3FD2] =	sst s25  }
0xa6: {  	s4 =	sshll.u32 s26, $0x1;
	_ =	strace $0x80000049;
	[dreg:$0x1] =	wrdreg $0xFFFFFFFF  }
0xa7: {  	s28 =	simm.s32 $_size_execute0_lowered;
	s2 =	sadd.s32 s2, s4;
	[dreg:$0x0] =	wrdreg $0x0  }
0xa8: {  	s4 =	sshll.u32 s28, $0x1;
	[dreg:$0x2] =	wrdreg s2  }
0xa9: {  	[dreg:$0x3] =	wrdreg s4  }
0xaa: {  	[dreg:$0x4] =	wrdreg $0xC0  }
0xab: {  	_ =	task [dreg:s6], $0x5FFFF  }
0xac: {  	[dreg:$0x1] =	wrdreg $0xFFFFFFFF  }
0xad: {  	[dreg:$0x0] =	wrdreg $0x60  }
0xae: {  	[dreg:$0x2] =	wrdreg s24  }
0xaf: {  	[dreg:$0x3] =	wrdreg $0xA0000  }
0xb0: {  	[dreg:$0x4] =	wrdreg $0x9  }
0xb1: {  	_ =	task.clear_ibuf [dreg:s6], $0x5FFFF;
	_ =	strace $0x90000049  }
0xb2: {  	s29 =	simm.s32 $0x9;
	_ =	strace $0x8000004B  }
0xb3: {  	_ =	swait.ge [sflag:s29], $0x1  }
0xb4: {  	[sflag:s29] =	ssyncadd.s32 $0xFFFFFFFF  }
0xb5: {  	_ =	strace $0x9000004B  }
0xb6: {  	_ =	sfence  }
0xb7: {  	s30 =	sld [smem:$0x0];
	_ =	sdelay $0x2  }
0xb8: {  	s31 =	sshll.u32 s1, $0xD;
	s1 =	sshrl.u32 s1, $0x2  }
0xb9: {  	s3 =	sand.u32 $0x4000, s31;
	s1 =	sadd.s32 s1, s30  }
0xba: {  	s0 =	sor.u32 s3, s0;
	s1 =	sshll.u32 s1, $0x11  }
0xbb: {  	s0 =	sor.u32 s1, s0  }
0xbc: {  	s0 =	sadd.s32 $0x8F2B, s0  }
0xbd: {  	[sflag:s0] =	ssyncadd.remote.s32 $0x1  }
0xbe: {  	_ =	sfence.sel $0xFFFF  }
0xbf: {  	[dreg:$0x0] =	wrdreg $0xFFFFFFFF;
	(pc) =	sbr.abs _section_cstart, $3  }
0xc0: {  	[dreg:$0x1] =	wrdreg $0xFFFFFFFF  }
0xc1: {  	_ =	task.clear_ibuf [dreg:s6], $0x2FFFF;
	_ =	strace $0x9FFFFFFF  }
0xc2: {  	(tm) =	ssettm $0x7FFFFFFF  }
0xc3: {  	_ =	shalt  }
tec
execute0_lowered:
.L_overlay_start_1:
0x0: {  	(tag) =	ssettag $0x1  }
0x1: {  	s0 =	rddreg [dreg:$0x0]  }
0x2: {  	s1 =	rddreg [dreg:$0x1];
	s2 =	srdreg.scid  }
0x3: {  	s3 =	simm.s32 $0x0;
	s24 =	stileid.u32;
	s16 =	simm.s32 $0x5  }
0x4: {  	s28 =	simm.s32 $0x2;
	s29 =	simm.s32 $0x3;
	s30 =	simm.s32 $0x4  }
0x5: {  	s31 =	simm.s32 $0x0;
	s5 =	sand.u32 $0x1, s2;
	[smem:$0x7FF] =	sst s3  }
0x6: {  	s7 =	smul.u32 $0x13C00, s24;
	s4 =	sadd.s32 $0x5000, s0;
	s15 =	sadd.s32 $0x6E600, s0  }
0x7: {  	s14 =	sadd.s32 $0x5E600, s0;
	s21 =	sadd.s32 $0x2C200, s0;
	s25 =	smul.u32 $0x4F000, s24  }
0x8: {  	s9 =	sshll.u32 s24, $0xE;
	p1 =	sne.s32 s24, $0xF;
	s11 =	smul.u32 $0x2780, s24  }
0x9: {  	p2 =	seq.s32 s24, $0xF;
	s17 =	sadd.s32 $0x128400, s1;
	s6 =	smul.u32 $0x13C000, s5  }
0xa: {  	_ =	strace $0x8000004A;
	s22 =	ssub.s32 $0x2, s5;
	s8 =	sshll.u32 s5, $0x12  }
0xb: {  	p0 =	seq.s32 s5, $0x0;
	s10 =	sshrl.u32 s22, $0x1;
	s12 =	sor.u32 s9, s8  }
0xc: {  	p1 =	por !p0, !p1;
	p2 =	por !p0, !p2;
	s9 =	smov.u32 s21  }
0xd: {  	s2 =	sadd.s32 s21, s11;
	s11 =	sadd.s32 s4, s11;
	s6 =	sadd.s32 s7, s6  }
0xe: {  	s7 =	ssub.s32 s22, s10;
	s8 =	sshrl.u32 s12, $0x3;
	p0 =	por !p1, !p1  }
0xf: {  	p2 =	por !p2, !p2;
	[dreg:$0x5] =	wrdreg s2;
	s10 =	sadd.s32 $0x2A080, s0  }
0x10: {  	s13 =	sor.u32 $0x800, s12;
	s22 =	simm.s32 $0x7D;
	s6 =	sshrl.u32 s6, $0x3  }
0x11: {  	s23 =	sadd.s32 s15, s8;
	s8 =	sadd.s32 s14, s8;
	p1 =	por p2, p0  }
0x12: {  	s26 =	sshrl.u32 s13, $0x3;
	s13 =	smax.u32 s7, $0x1;
	[dreg:$0x3] =	wrdreg s23  }
0x13: {  	s6 =	sadd.s32 s6, s0;
	[dreg:$0x4] =	wrdreg s8;
	s8 =	sshrl.u32 s25, $0x2  }
0x14: {  	s0 =	sadd.s32 $0x138800, s1;
	p1 =	seq.s32 @!p1 s5, $0x0;
	s14 =	sadd.s32 s26, s14  }
.Ltmp0:
0x15: {  	s15 =	sadd.s32 s26, s15;
	s23 =	simm.s32 $0x2000;
	(pc) =	sbr.rel .LBB2_1-.Ltmp0, $4  }
0x16: {  	s25 =	simm.s32 $0x6000;
	s26 =	simm.s32 $0x1;
	p1 =	por @!p0 p1, p2  }
0x17: {  	s8 =	sadd.s32 s8, s1;
	p2 =	por !p2, p0;
	p1 =	por p1, p0  }
0x18: {  	s12 =	sadd.s32 $0x7E600, s6;
	s20 =	sshrl.u32 @!p2 s17, $0x3;
	s5 =	sshll.u32 @!p1 s24, $0x6  }
0x19: {  	s21 =	sshrl.u32 @!p2 s0, $0x3;
	s19 =	sshrl.u32 @!p1 s8, $0x3;
	s18 =	sor.u32 @!p1 $0x1C05, s5  }
.LBB2_3:
0x1a: {  	_ =	swait.ge [sflag:s28], $0x3E80  }
0x1b: {  	[sflag:s28] =	ssyncset.done $0x0  }
0x1c: {  	s0 =	sor.u32 $0x1000, s7;
	[sflag:s28] =	ssyncadd.s32 $0xFFFFC180  }
0x1d: {  	[spmem:s1] =	stream.indirect.scatter.add.f32 [tilespmem:s25], [sflag:$0x5], $0x80, s0, s22, $0xb8;
	[tilespmem:$0x1DC00] =	vst v63  }
0x1e: {  	_ =	swait.ge [sflag:s16], $0x3E80  }
0x1f: {  	[sflag:s16] =	ssyncset.done $0x0  }
0x20: {  	[sflag:s16] =	ssyncadd.s32 $0xFFFFC180  }
.LBB2_5:
0x21: {  	s24 =	stileid.u32;
	s31 =	sadd.s32 $0x1, s31  }
0x22: {  	[bflag:$0x0] =	sbarrier.arrive $0xFFFF;
	s0 =	sshll.u32 s24, $0x6;
	p3 =	sne.s32 s31, s13  }
.Ltmp1:
0x23: {  	s2 =	sshrl.u32 s8, $0x3;
	s0 =	sor.u32 $0x1C05, s0;
	(pc) =	sbr.rel @!p3 .LBB2_6-.Ltmp1, $4  }
0x24: {  	[hbm:s12], [sflag:s0] =	dma.local [spmem:s2], $0x2780  }
0x25: {  	_ =	swait.ge [sflag:s16], $0x2780  }
0x26: {  	[sflag:s16] =	ssyncset.done $0x0  }
0x27: {  	[sflag:s16] =	ssyncadd.s32 $0xFFFFD880  }
.LBB2_1:
0x28: {  	s0 =	rddreg [dreg:$0x3]  }
0x29: {  	[tilespmem:s3], [sflag:$0x5] =	stream.linear.gather [hbm4b:s0+s3], $0x500, $0x38;
	[tilespmem:$0x1DC00] =	vst v63  }
0x2a: {  	_ =	swait.ge [sflag:s16], $0x500  }
0x2b: {  	[sflag:s16] =	ssyncset.done $0x0  }
0x2c: {  	s2 =	simm.s32 $0x1000;
	s17 =	rddreg [dreg:$0x4];
	[sflag:s16] =	ssyncadd.s32 $0xFFFFFB00  }
0x2d: {  	[tilespmem:s2], [sflag:$0x5] =	stream.linear.gather [hbm4b:s17+s3], $0x500, $0x38;
	[tilespmem:$0x1DC00] =	vst v63  }
0x2e: {  	_ =	swait.ge [sflag:s16], $0x500  }
0x2f: {  	[sflag:s16] =	ssyncset.done $0x0  }
0x30: {  	s0 =	rddreg [dreg:$0x5];
	[sflag:s16] =	ssyncadd.s32 $0xFFFFFB00  }
0x31: {  	[spmem:s19], [sflag:s18] =	dma.local @!p1 [hbm:s0], $0x2780  }
0x32: {  	s0 =	simm.s32 @!p1 $0x5  }
0x33: {  	_ =	swait.ge @!p1 [sflag:s0], $0x2780  }
0x34: {  	[sflag:s0] =	ssyncset.done @!p1 $0x0  }
0x35: {  	s5 =	simm.s32 @!p2 $0x5;
	[sflag:s0] =	ssyncadd.s32 @!p1 $0xFFFFD880;
	s0 =	simm.s32 @!p2 $0x1FC5  }
0x36: {  	[spmem:s20], [sflag:s0] =	dma.local @!p2 [hbm:s10], $0x2080  }
0x37: {  	_ =	swait.ge @!p2 [sflag:s5], $0x2080  }
0x38: {  	[sflag:s5] =	ssyncset.done @!p2 $0x0  }
0x39: {  	[sflag:s5] =	ssyncadd.s32 @!p2 $0xFFFFDF80  }
0x3a: {  	[spmem:s21], [sflag:s0] =	dma.local @!p2 [hbm:s9], $0x700  }
0x3b: {  	_ =	swait.ge @!p2 [sflag:s5], $0x700  }
0x3c: {  	s0 =	sshll.u32 @p0 s24, $0x6;
	[sflag:s5] =	ssyncset.done @!p2 $0x0  }
0x3d: {  	s0 =	sor.u32 @p0 $0x1C05, s0;
	[sflag:s5] =	ssyncadd.s32 @!p2 $0xFFFFF900;
	s5 =	sshrl.u32 @p0 s8, $0x3  }
0x3e: {  	[spmem:s5], [sflag:s0] =	dma.local @p0 [hbm:s11], $0x2780  }
0x3f: {  	s0 =	simm.s32 @p0 $0x5  }
0x40: {  	_ =	swait.ge @p0 [sflag:s0], $0x2780  }
0x41: {  	[sflag:s0] =	ssyncset.done @p0 $0x0  }
0x42: {  	[sflag:s0] =	ssyncadd.s32 @p0 $0xFFFFD880  }
0x43: {  	[bflag:$0x0] =	sbarrier.arrive $0xFFFF  }
0x44: {  	[tilespmem:s23], [sflag:$0x1] =	stream.indirect.gather [hbm4b:s4+s22], $0x80, s3, s22, $0xb8;
	[tilespmem:$0x1DC00] =	vst v63  }
0x45: {  	s24 =	simm.s32 $0x80  }
0x46: {  	[tilespmem:s25], [sflag:$0x2] =	stream.indirect.gather [hbm4b:s4+s22], $0x80, s24, s22, $0xb8;
	[tilespmem:$0x1DC00] =	vst v63  }
0x47: {  	s17 =	simm.s32 $0x1;
	s0 =	simm.s32 $0x0;
	s24 =	simm.s32 $0x0  }
.LBB2_2:
0x48: {  	s5 =	sand.u32 $0x1, s17;
	p3 =	seq.s32 s24, $0x700  }
0x49: {  	s6 =	sshll.u32 @!p3 s5, $0xB;
	s7 =	sadd.s32 @!p3 s24, s15;
	s2 =	simm.s32 @!p3 $0x0  }
0x4a: {  	[tilespmem:s6], [sflag:$0x3] =	stream.linear.gather @!p3 [hbm4b:s7+s2], $0x500, $0x38;
	[tilespmem:$0x1DC00] =	vst v63  }
0x4b: {  	s6 =	sor.u32 @!p3 $0x1000, s6;
	s7 =	sadd.s32 @!p3 s24, s14  }
0x4c: {  	[tilespmem:s6], [sflag:$0x4] =	stream.linear.gather @!p3 [hbm4b:s7+s2], $0x500, $0x38;
	[tilespmem:$0x1DC00] =	vst v63  }
0x4d: {  	_ =	swait.ge [sflag:s26], $0x3E80  }
0x4e: {  	s6 =	sand.u32 $0x800, s0;
	[sflag:s26] =	ssyncset.done $0x0  }
0x4f: {  	s7 =	sor.u32 $0x1000, s6;
	[sflag:s26] =	ssyncadd.s32 $0xFFFFC180  }
0x50: {  	[spmem:s1] =	stream.indirect.scatter.add.f32 [tilespmem:s23], [sflag:$0x5], $0x80, s7, s22, $0xb8;
	[tilespmem:$0x1DC00] =	vst v63  }
0x51: {  	_ =	swait.ge [sflag:s16], $0x3E80  }
0x52: {  	[sflag:s16] =	ssyncset.done $0x0  }
0x53: {  	s7 =	sor.u32 $0x100, s6;
	[sflag:s16] =	ssyncadd.s32 $0xFFFFC180  }
0x54: {  	[tilespmem:s23], [sflag:$0x1] =	stream.indirect.gather [hbm4b:s4+s22], $0x80, s7, s22, $0xb8;
	[tilespmem:$0x1DC00] =	vst v63  }
0x55: {  	_ =	swait.ge [sflag:s28], $0x3E80  }
0x56: {  	[sflag:s28] =	ssyncset.done $0x0  }
0x57: {  	s7 =	sor.u32 $0x1080, s6;
	[sflag:s28] =	ssyncadd.s32 $0xFFFFC180  }
0x58: {  	[spmem:s1] =	stream.indirect.scatter.add.f32 [tilespmem:s25], [sflag:$0x5], $0x80, s7, s22, $0xb8;
	[tilespmem:$0x1DC00] =	vst v63  }
0x59: {  	_ =	swait.ge [sflag:s16], $0x3E80  }
0x5a: {  	[sflag:s16] =	ssyncset.done $0x0  }
0x5b: {  	s7 =	sor.u32 $0x180, s6;
	[sflag:s16] =	ssyncadd.s32 $0xFFFFC180  }
0x5c: {  	[tilespmem:s25], [sflag:$0x2] =	stream.indirect.gather [hbm4b:s4+s22], $0x80, s7, s22, $0xb8;
	[tilespmem:$0x1DC00] =	vst v63  }
0x5d: {  	_ =	swait.ge [sflag:s26], $0x3E80  }
0x5e: {  	[sflag:s26] =	ssyncset.done $0x0  }
0x5f: {  	s7 =	sor.u32 $0x1100, s6;
	[sflag:s26] =	ssyncadd.s32 $0xFFFFC180  }
0x60: {  	[spmem:s1] =	stream.indirect.scatter.add.f32 [tilespmem:s23], [sflag:$0x5], $0x80, s7, s22, $0xb8;
	[tilespmem:$0x1DC00] =	vst v63  }
0x61: {  	_ =	swait.ge [sflag:s16], $0x3E80  }
0x62: {  	[sflag:s16] =	ssyncset.done $0x0  }
0x63: {  	s7 =	sor.u32 $0x200, s6;
	[sflag:s16] =	ssyncadd.s32 $0xFFFFC180  }
0x64: {  	[tilespmem:s23], [sflag:$0x1] =	stream.indirect.gather [hbm4b:s4+s22], $0x80, s7, s22, $0xb8;
	[tilespmem:$0x1DC00] =	vst v63  }
0x65: {  	_ =	swait.ge [sflag:s28], $0x3E80  }
0x66: {  	[sflag:s28] =	ssyncset.done $0x0  }
0x67: {  	s7 =	sor.u32 $0x1180, s6;
	[sflag:s28] =	ssyncadd.s32 $0xFFFFC180  }
0x68: {  	[spmem:s1] =	stream.indirect.scatter.add.f32 [tilespmem:s25], [sflag:$0x5], $0x80, s7, s22, $0xb8;
	[tilespmem:$0x1DC00] =	vst v63  }
0x69: {  	_ =	swait.ge [sflag:s16], $0x3E80  }
0x6a: {  	[sflag:s16] =	ssyncset.done $0x0  }
0x6b: {  	s7 =	sor.u32 $0x280, s6;
	[sflag:s16] =	ssyncadd.s32 $0xFFFFC180  }
0x6c: {  	[tilespmem:s25], [sflag:$0x2] =	stream.indirect.gather [hbm4b:s4+s22], $0x80, s7, s22, $0xb8;
	[tilespmem:$0x1DC00] =	vst v63  }
0x6d: {  	_ =	swait.ge [sflag:s26], $0x3E80  }
0x6e: {  	[sflag:s26] =	ssyncset.done $0x0  }
0x6f: {  	s7 =	sor.u32 $0x1200, s6;
	[sflag:s26] =	ssyncadd.s32 $0xFFFFC180  }
0x70: {  	[spmem:s1] =	stream.indirect.scatter.add.f32 [tilespmem:s23], [sflag:$0x5], $0x80, s7, s22, $0xb8;
	[tilespmem:$0x1DC00] =	vst v63  }
0x71: {  	_ =	swait.ge [sflag:s16], $0x3E80  }
0x72: {  	[sflag:s16] =	ssyncset.done $0x0  }
0x73: {  	s7 =	sor.u32 $0x300, s6;
	[sflag:s16] =	ssyncadd.s32 $0xFFFFC180  }
0x74: {  	[tilespmem:s23], [sflag:$0x1] =	stream.indirect.gather [hbm4b:s4+s22], $0x80, s7, s22, $0xb8;
	[tilespmem:$0x1DC00] =	vst v63  }
0x75: {  	_ =	swait.ge [sflag:s28], $0x3E80  }
0x76: {  	[sflag:s28] =	ssyncset.done $0x0  }
0x77: {  	s7 =	sor.u32 $0x1280, s6;
	[sflag:s28] =	ssyncadd.s32 $0xFFFFC180  }
0x78: {  	[spmem:s1] =	stream.indirect.scatter.add.f32 [tilespmem:s25], [sflag:$0x5], $0x80, s7, s22, $0xb8;
	[tilespmem:$0x1DC00] =	vst v63  }
0x79: {  	_ =	swait.ge [sflag:s16], $0x3E80  }
0x7a: {  	[sflag:s16] =	ssyncset.done $0x0  }
0x7b: {  	s7 =	sor.u32 $0x380, s6;
	[sflag:s16] =	ssyncadd.s32 $0xFFFFC180  }
0x7c: {  	[tilespmem:s25], [sflag:$0x2] =	stream.indirect.gather [hbm4b:s4+s22], $0x80, s7, s22, $0xb8;
	[tilespmem:$0x1DC00] =	vst v63  }
0x7d: {  	_ =	swait.ge [sflag:s26], $0x3E80  }
0x7e: {  	[sflag:s26] =	ssyncset.done $0x0  }
0x7f: {  	s7 =	sor.u32 $0x1300, s6;
	[sflag:s26] =	ssyncadd.s32 $0xFFFFC180  }
0x80: {  	[spmem:s1] =	stream.indirect.scatter.add.f32 [tilespmem:s23], [sflag:$0x5], $0x80, s7, s22, $0xb8;
	[tilespmem:$0x1DC00] =	vst v63  }
0x81: {  	_ =	swait.ge [sflag:s16], $0x3E80  }
0x82: {  	[sflag:s16] =	ssyncset.done $0x0  }
0x83: {  	s7 =	sor.u32 $0x400, s6;
	[sflag:s16] =	ssyncadd.s32 $0xFFFFC180  }
0x84: {  	[tilespmem:s23], [sflag:$0x1] =	stream.indirect.gather [hbm4b:s4+s22], $0x80, s7, s22, $0xb8;
	[tilespmem:$0x1DC00] =	vst v63  }
0x85: {  	_ =	swait.ge [sflag:s28], $0x3E80  }
0x86: {  	[sflag:s28] =	ssyncset.done $0x0  }
0x87: {  	s7 =	sor.u32 $0x1380, s6;
	[sflag:s28] =	ssyncadd.s32 $0xFFFFC180  }
0x88: {  	[spmem:s1] =	stream.indirect.scatter.add.f32 [tilespmem:s25], [sflag:$0x5], $0x80, s7, s22, $0xb8;
	[tilespmem:$0x1DC00] =	vst v63  }
0x89: {  	_ =	swait.ge [sflag:s16], $0x3E80  }
0x8a: {  	[sflag:s16] =	ssyncset.done $0x0  }
0x8b: {  	s7 =	sor.u32 $0x480, s6;
	[sflag:s16] =	ssyncadd.s32 $0xFFFFC180  }
0x8c: {  	[tilespmem:s25], [sflag:$0x2] =	stream.indirect.gather [hbm4b:s4+s22], $0x80, s7, s22, $0xb8;
	[tilespmem:$0x1DC00] =	vst v63  }
0x8d: {  	_ =	swait.ge [sflag:s26], $0x3E80  }
0x8e: {  	p3 =	sne.s32 s24, $0x700;
	[sflag:s26] =	ssyncset.done $0x0  }
.Ltmp2:
0x8f: {  	s6 =	sor.u32 $0x1400, s6;
	[sflag:s26] =	ssyncadd.s32 $0xFFFFC180;
	(pc) =	sbr.rel @!p3 .LBB2_3-.Ltmp2, $4  }
0x90: {  	[spmem:s1] =	stream.indirect.scatter.add.f32 [tilespmem:s23], [sflag:$0x5], $0x80, s6, s22, $0xb8;
	[tilespmem:$0x1DC00] =	vst v63  }
0x91: {  	_ =	swait.ge [sflag:s16], $0x3E80  }
0x92: {  	[sflag:s16] =	ssyncset.done $0x0  }
0x93: {  	[sflag:s16] =	ssyncadd.s32 $0xFFFFC180  }
0x94: {  	_ =	swait.ge [sflag:s29], $0x500  }
0x95: {  	[sflag:s29] =	ssyncset.done $0x0  }
0x96: {  	[sflag:s29] =	ssyncadd.s32 $0xFFFFFB00  }
0x97: {  	_ =	swait.ge [sflag:s30], $0x500  }
0x98: {  	[sflag:s30] =	ssyncset.done $0x0  }
0x99: {  	s2 =	sshll.u32 s5, $0xB;
	[sflag:s30] =	ssyncadd.s32 $0xFFFFFB00  }
0x9a: {  	[tilespmem:s23], [sflag:$0x1] =	stream.indirect.gather [hbm4b:s4+s22], $0x80, s2, s22, $0xb8;
	[tilespmem:$0x1DC00] =	vst v63  }
0x9b: {  	_ =	swait.ge [sflag:s28], $0x3E80  }
0x9c: {  	s24 =	sadd.s32 $0x100, s24;
	[sflag:s28] =	ssyncset.done $0x0  }
0x9d: {  	s7 =	sor.u32 $0x1000, s7;
	p3 =	sne.s32 s24, $0x800;
	[sflag:s28] =	ssyncadd.s32 $0xFFFFC180  }
0x9e: {  	[spmem:s1] =	stream.indirect.scatter.add.f32 [tilespmem:s25], [sflag:$0x5], $0x80, s7, s22, $0xb8;
	[tilespmem:$0x1DC00] =	vst v63  }
.Ltmp3:
0x9f: {  	_ = 	snop;
	(pc) =	sbr.rel @p3 .LBB2_2-.Ltmp3, $4  }
.Ltmp4:
0xa0: {  	_ =	swait.ge [sflag:s16], $0x3E80;
	(pc) =	sbr.rel @!p3 .LBB2_5-.Ltmp4, $4  }
0xa1: {  	s17 =	sadd.s32 $0x1, s17;
	[sflag:s16] =	ssyncset.done $0x0  }
0xa2: {  	s0 =	sadd.s32 $0x800, s0;
	s2 =	sor.u32 $0x80, s2;
	[sflag:s16] =	ssyncadd.s32 $0xFFFFC180  }
0xa3: {  	[tilespmem:s25], [sflag:$0x2] =	stream.indirect.gather [hbm4b:s4+s22], $0x80, s2, s22, $0xb8;
	[tilespmem:$0x1DC00] =	vst v63  }
0xa4: {  	_ = 	snop  }
.LBB2_6:
0xa5: {  	_ =	sfence.sel $0x180000  }
0xa6: {  	[bflag:$0x0] =	sbarrier.arrive $0xFFFF  }
0xa7: {  	_ =	strace $0x9000004A  }
0xa8: {  	[bflag:$0x2] =	sbarrier.arrive $0xFFFF  }
0xa9: {  	p0 =	sne.s32 s24, $0x0;
	s0 =	rddreg [dreg:$0x2]  }
0xaa: {  	s0 =	sadd.s32 @!p0 $0x100000, s0  }
0xab: {  	[sflag:s0] =	ssyncadd.tile.s32 @!p0 $0x1;
	_ =	shalt  }
.Lfunc_end2:
_tile_overlayer_lowered:
.L_overlay_start_2:
0xac: {  	(tag) =	ssettag $0x2  }
0xad: {  	s0 =	rddreg [dreg:$0x0];
	s2 =	stileid.u32  }
0xae: {  	s1 =	rddreg [dreg:$0x1];
	p0 =	sne.s32 s2, $0x0  }
0xaf: {  	s3 =	rddreg [dreg:$0x2];
	[bflag:$0x3] =	sbarrier.arrive $0xFFFF;
	s2 =	simm.s32 @!p0 $0x1C05  }
0xb0: {  	[timem:s3], [sflag:s2] =	dma.local @!p0 [hbm:s0], s1  }
0xb1: {  	s0 =	simm.s32 @!p0 $0x5  }
0xb2: {  	_ =	swait.ge @!p0 [sflag:s0], s1  }
0xb3: {  	s1 =	ssub.s32 @!p0 $0x0, s1;
	[sflag:s0] =	ssyncset.done @!p0 $0x0  }
0xb4: {  	[sflag:s0] =	ssyncadd.s32 @!p0 s1  }
0xb5: {  	[bflag:$0x3] =	sbarrier.arrive $0xFFFF  }
0xb6: {  	_ =	shalt  }

// kernel: kernel.19.cloned.1.call-start
scs
__scs_entry_jumppad:
0x0: {  	(pc) =	sbr.rel $0x88, $3  }
0x1: {  	(tag) =	ssettag $0x0;
	lr =	simm.s32 $0x1  }
0x2: {  	[smem:$0x3F8A] =	sst lr;
	_ =	strace $0xD0000000  }
0x3: {  	_ = 	snop  }
0x4: {  	_ = 	snop  }
0x5: {  	_ = 	snop  }
0x6: {  	_ = 	snop  }
0x7: {  	_ = 	snop  }
__scs_overlays_trampoline_lowered:
0x8: {  	[smem:$0x3F99] =	sst s0  }
0x9: {  	[smem:$0x3F9A] =	sst s1  }
0xa: {  	[smem:$0x3F9B] =	sst s2  }
0xb: {  	[smem:$0x3F9C] =	sst s3  }
0xc: {  	[smem:$0x3F9D] =	sst s4  }
0xd: {  	[smem:$0x3F9E] =	sst s5  }
0xe: {  	[smem:$0x3F9F] =	sst s6  }
0xf: {  	[smem:$0x3FA0] =	sst s7  }
0x10: {  	[smem:$0x3FA1] =	sst s8  }
0x11: {  	[smem:$0x3FA2] =	sst s9;
	s0 =	simm.s32 @!p0 $0x0  }
0x12: {  	s1 =	sld [smem:$0x3F88];
	s0 =	simm.s32 @p0 $0x1  }
0x13: {  	[smem:$0x3FA3] =	sst s0;
	s0 =	simm.s32 @!p1 $0x0  }
0x14: {  	s2 =	sld [smem:$0x3F87];
	s0 =	simm.s32 @p1 $0x1  }
0x15: {  	[smem:$0x3FA4] =	sst s0;
	s0 =	simm.s32 @!p2 $0x0  }
0x16: {  	s3 =	sld [smem:$0x3FDB];
	s0 =	simm.s32 @p2 $0x1  }
0x17: {  	s4 =	simm.s32 $0x1BF5;
	[smem:$0x3FA6] =	sst s0  }
0x18: {  	s0 =	sld [smem:$0x3F89];
	_ =	swait.ge [sflag:s4], $0x0  }
0x19: {  	s7 =	sld [smem:$0x3F8A]  }
0x1a: {  	s8 =	sadd.s32 $0xFFFFE003, lr  }
0x1b: {  	s9 =	sadd.s32 $0xFFFFFEF7, lr;
	s5 =	simm.s32 $0xFFFFFFFF;
	p2 =	slt.u32 s8, $0xFFFFF086  }
0x1c: {  	p1 =	slt.u32 s9, $0xF7A;
	s5 =	simm.s32 @!p2 $0x0  }
0x1d: {  	s5 =	simm.s32 @p1 $0x1;
	p0 =	seq.s32 s7, s2  }
0x1e: {  	s7 =	smul.u32 @!p0 $0xF7A, s2;
	p2 =	seq.s32 @!p0 s5, $0x0  }
0x1f: {  	s9 =	smul.u32 $0xF7A, s1;
	s8 =	simm.s32 @!p0 $0x1BF5;
	p2 =	por !p2, p0  }
0x20: {  	[sflag:s8] =	ssyncset.s32 @!p0 $0xFFFFF086;
	s6 =	sadd.s32 @!p0 s3, s7;
	s7 =	simm.s32 @!p0 $0x108  }
0x21: {  	s3 =	sadd.s32 s3, s9;
	s6 =	sadd.s32 @!p0 $0x88, s6;
	s7 =	simm.s32 @p2 $0x1082  }
0x22: {  	[simem:s7], [sflag:s8] =	dma.local @!p0 [hbm:s6], $0xF7A  }
0x23: {  	s9 =	sor.u32 $0xD0000000, s2;
	s6 =	simm.s32 $0x108;
	_ =	swait.ge @!p0 [sflag:s8], $0x0  }
0x24: {  	s3 =	sadd.s32 $0x88, s3;
	s6 =	simm.s32 @!p1 $0x1082;
	[sflag:s4] =	ssyncset.s32 $0xFFFFF086  }
0x25: {  	[simem:s6], [sflag:s4] =	dma.local [hbm:s3], $0xF7A  }
0x26: {  	[smem:$0x3F8A] =	sst s1;
	(tag) =	ssettag s2;
	_ =	strace s9  }
0x27: {  	s1 =	sld [smem:$0x3F9A]  }
0x28: {  	s2 =	sld [smem:$0x3F9B]  }
0x29: {  	s4 =	sld [smem:$0x3F9D]  }
0x2a: {  	p0 =	seq.s32 s5, $0x0;
	s5 =	sld [smem:$0x3F9E]  }
0x2b: {  	s6 =	sld [smem:$0x3F9F]  }
0x2c: {  	s7 =	sld [smem:$0x3FA0]  }
0x2d: {  	s3 =	simm.s32 $0x108;
	s8 =	sld [smem:$0x3FA1]  }
0x2e: {  	s3 =	simm.s32 @!p0 $0x1082;
	s9 =	sld [smem:$0x3FA2]  }
0x2f: {  	lr =	sadd.s32 s0, s3;
	s0 =	sld [smem:$0x3F99]  }
0x30: {  	s3 =	sld [smem:$0x3F9C]  }
0x31: {  	[smem:$0x3FA5] =	sst s10  }
0x32: {  	s10 =	sld [smem:$0x3FA3];
	_ =	sdelay $0x3  }
0x33: {  	p0 =	seq.s32 s10, $0x1;
	s10 =	sld [smem:$0x3FA5];
	_ =	sdelay $0x3  }
0x34: {  	[smem:$0x3FA5] =	sst s10  }
0x35: {  	s10 =	sld [smem:$0x3FA4];
	_ =	sdelay $0x3  }
0x36: {  	p1 =	seq.s32 s10, $0x1;
	s10 =	sld [smem:$0x3FA5];
	_ =	sdelay $0x3  }
0x37: {  	[smem:$0x3FA5] =	sst s10  }
0x38: {  	s10 =	sld [smem:$0x3FA6]  }
0x39: {  	_ = 	snop;
	(pc) =	sbr.ind lr, $3  }
0x3a: {  	_ = 	snop  }
0x3b: {  	_ = 	snop  }
0x3c: {  	p2 =	seq.s32 s10, $0x1;
	s10 =	sld [smem:$0x3FA5]  }
0x3d: {  	_ =	shalt  }
0x3e: {  	_ =	shalt  }
0x3f: {  	_ =	shalt  }
0x40: {  	_ =	shalt  }
0x41: {  	_ =	shalt  }
0x42: {  	_ =	shalt  }
0x43: {  	_ =	shalt  }
0x44: {  	_ =	shalt  }
0x45: {  	_ =	shalt  }
0x46: {  	_ =	shalt  }
0x47: {  	_ =	shalt  }
0x48: {  	_ =	shalt  }
0x49: {  	_ =	shalt  }
0x4a: {  	_ =	shalt  }
0x4b: {  	_ =	shalt  }
0x4c: {  	_ =	shalt  }
0x4d: {  	_ =	shalt  }
0x4e: {  	_ =	shalt  }
0x4f: {  	_ =	shalt  }
0x50: {  	_ =	shalt  }
0x51: {  	_ =	shalt  }
0x52: {  	_ =	shalt  }
0x53: {  	_ =	shalt  }
0x54: {  	_ =	shalt  }
0x55: {  	_ =	shalt  }
0x56: {  	_ =	shalt  }
0x57: {  	_ =	shalt  }
0x58: {  	_ =	shalt  }
0x59: {  	_ =	shalt  }
0x5a: {  	_ =	shalt  }
0x5b: {  	_ =	shalt  }
0x5c: {  	_ =	shalt  }
0x5d: {  	_ =	shalt  }
0x5e: {  	_ =	shalt  }
0x5f: {  	_ =	shalt  }
0x60: {  	_ =	shalt  }
0x61: {  	_ =	shalt  }
0x62: {  	_ =	shalt  }
0x63: {  	_ =	shalt  }
0x64: {  	_ =	shalt  }
0x65: {  	_ =	shalt  }
0x66: {  	_ =	shalt  }
0x67: {  	_ =	shalt  }
0x68: {  	_ =	shalt  }
0x69: {  	_ =	shalt  }
0x6a: {  	_ =	shalt  }
0x6b: {  	_ =	shalt  }
0x6c: {  	_ =	shalt  }
0x6d: {  	_ =	shalt  }
0x6e: {  	_ =	shalt  }
0x6f: {  	_ =	shalt  }
0x70: {  	_ =	shalt  }
0x71: {  	_ =	shalt  }
0x72: {  	_ =	shalt  }
0x73: {  	_ =	shalt  }
0x74: {  	_ =	shalt  }
0x75: {  	_ =	shalt  }
0x76: {  	_ =	shalt  }
0x77: {  	_ =	shalt  }
0x78: {  	_ =	shalt  }
0x79: {  	_ =	shalt  }
0x7a: {  	_ =	shalt  }
0x7b: {  	_ =	shalt  }
0x7c: {  	_ =	shalt  }
0x7d: {  	_ =	shalt  }
0x7e: {  	_ =	shalt  }
0x7f: {  	_ =	shalt  }
0x80: {  	_ =	shalt  }
0x81: {  	_ =	shalt  }
0x82: {  	_ =	shalt  }
0x83: {  	_ =	shalt  }
0x84: {  	_ =	shalt  }
0x85: {  	_ =	shalt  }
0x86: {  	_ =	shalt  }
0x87: {  	_ =	shalt  }
.Lfunc_end0:
.L_simem_size_0:
called_computation.2_lowered:
.L_overlay_start_0:
0x88: {  	s2 =	sld [smem:$0x3FD9]  }
0x89: {  	s3 =	sld [smem:$0x3FFE];
	_ =	sdelay $0x1  }
0x8a: {  	s1 =	srdreg.scid  }
0x8b: {  	s0 =	sand.u32 $0x1, s1  }
0x8c: {  	s16 =	sshll.u32 s0, $0xA;
	s2 =	sadd.s32 s3, s2  }
0x8d: {  	s2 =	sadd.s32 s2, s16  }
0x8e: {  	[smem:$0x3FB1] =	sst s2  }
0x8f: {  	_ = 	snop  }
0x90: {  	(tm) =	ssettm $0x1  }
0x91: {  	s17 =	sld [smem:$0x3FFB];
	_ =	sdelay $0x3  }
0x92: {  	_ =	strace s17  }
0x93: {  	s2 =	sld [smem:$0x3FFC];
	_ =	sdelay $0x3  }
0x94: {  	_ =	strace s2  }
0x95: {  	s2 =	sld [smem:$0x3FFD];
	_ =	sdelay $0x3  }
0x96: {  	_ =	strace s2  }
0x97: {  	_ =	strace $0x8FFFFFFF  }
0x98: {  	s18 =	sld [smem:$0x3FDB];
	_ =	sdelay $0x1  }
0x99: {  	s19 =	simm.s32 $_scs_section_size  }
0x9a: {  	s4 =	simm.s32 $_size__tile_overlayer_lowered;
	s5 =	simm.s32 $_tile_overlayer_lowered  }
0x9b: {  	s22 =	simm.s32 $0x1BFF;
	s21 =	sshll.u32 s5, $0x1;
	s2 =	sadd.s32 s19, s18  }
0x9c: {  	s6 =	simm.s32 $0x0;
	s20 =	sshll.u32 s4, $0x1;
	s4 =	sadd.s32 s21, s2  }
0x9d: {  	[timem:s6], [sflag:s22] =	dma.local [hbm:s4], s20  }
0x9e: {  	_ =	swait.ge [sflag:s22], s20  }
0x9f: {  	s3 =	ssub.s32 $0x0, s20;
	[sflag:s22] =	ssyncset.done $0x0  }
0xa0: {  	[sflag:s22] =	ssyncadd.s32 s3;
	_ =	sdelay $0x1  }
0xa1: {  	s23 =	simm.s32 $0x1B8B  }
0xa2: {  	_ =	swait.ge [sflag:s23], $0x1  }
0xa3: {  	[sflag:s23] =	ssyncset.done $0x0  }
0xa4: {  	s25 =	simm.s32 $0x1B8E;
	s24 =	sld [smem:$0x3FFE];
	[sflag:s23] =	ssyncadd.s32 $0xFFFFFFFF  }
0xa5: {  	s26 =	simm.s32 $execute0_lowered;
	[smem:$0x3FD2] =	sst s25  }
0xa6: {  	s4 =	sshll.u32 s26, $0x1;
	_ =	strace $0x8000004C;
	[dreg:$0x1] =	wrdreg $0xFFFFFFFF  }
0xa7: {  	s28 =	simm.s32 $_size_execute0_lowered;
	s2 =	sadd.s32 s2, s4;
	[dreg:$0x0] =	wrdreg $0x0  }
0xa8: {  	s4 =	sshll.u32 s28, $0x1;
	[dreg:$0x2] =	wrdreg s2  }
0xa9: {  	[dreg:$0x3] =	wrdreg s4  }
0xaa: {  	[dreg:$0x4] =	wrdreg $0xC0  }
0xab: {  	_ =	task [dreg:s6], $0x5FFFF  }
0xac: {  	[dreg:$0x1] =	wrdreg $0xFFFFFFFF  }
0xad: {  	[dreg:$0x0] =	wrdreg $0x60  }
0xae: {  	[dreg:$0x2] =	wrdreg s24  }
0xaf: {  	[dreg:$0x3] =	wrdreg $0xA0000  }
0xb0: {  	[dreg:$0x4] =	wrdreg $0x9  }
0xb1: {  	_ =	task.clear_ibuf [dreg:s6], $0x5FFFF;
	_ =	strace $0x9000004C  }
0xb2: {  	s29 =	simm.s32 $0x9;
	_ =	strace $0x8000004E  }
0xb3: {  	_ =	swait.ge [sflag:s29], $0x1  }
0xb4: {  	[sflag:s29] =	ssyncadd.s32 $0xFFFFFFFF  }
0xb5: {  	_ =	strace $0x9000004E  }
0xb6: {  	_ =	sfence  }
0xb7: {  	s30 =	sld [smem:$0x0];
	_ =	sdelay $0x2  }
0xb8: {  	s31 =	sshll.u32 s1, $0xD;
	s1 =	sshrl.u32 s1, $0x2  }
0xb9: {  	s3 =	sand.u32 $0x4000, s31;
	s1 =	sadd.s32 s1, s30  }
0xba: {  	s0 =	sor.u32 s3, s0;
	s1 =	sshll.u32 s1, $0x11  }
0xbb: {  	s0 =	sor.u32 s1, s0  }
0xbc: {  	s0 =	sadd.s32 $0x8F2B, s0  }
0xbd: {  	[sflag:s0] =	ssyncadd.remote.s32 $0x1  }
0xbe: {  	_ =	sfence.sel $0xFFFF  }
0xbf: {  	[dreg:$0x0] =	wrdreg $0xFFFFFFFF;
	(pc) =	sbr.abs _section_cstart, $3  }
0xc0: {  	[dreg:$0x1] =	wrdreg $0xFFFFFFFF  }
0xc1: {  	_ =	task.clear_ibuf [dreg:s6], $0x2FFFF;
	_ =	strace $0x9FFFFFFF  }
0xc2: {  	(tm) =	ssettm $0x7FFFFFFF  }
0xc3: {  	_ =	shalt  }
tec
execute0_lowered:
.L_overlay_start_1:
0x0: {  	(tag) =	ssettag $0x1  }
0x1: {  	s0 =	rddreg [dreg:$0x0]  }
0x2: {  	s1 =	rddreg [dreg:$0x1];
	s2 =	srdreg.scid  }
0x3: {  	s3 =	simm.s32 $0x0;
	s24 =	stileid.u32;
	s16 =	simm.s32 $0x5  }
0x4: {  	s28 =	simm.s32 $0x2;
	s29 =	simm.s32 $0x3;
	s30 =	simm.s32 $0x4  }
0x5: {  	s31 =	simm.s32 $0x0;
	s5 =	sand.u32 $0x1, s2;
	[smem:$0x7FF] =	sst s3  }
0x6: {  	s7 =	smul.u32 $0x13C00, s24;
	s4 =	sadd.s32 $0x5000, s0;
	s15 =	sadd.s32 $0x6E600, s0  }
0x7: {  	s14 =	sadd.s32 $0x5E600, s0;
	s21 =	sadd.s32 $0x2C200, s0;
	s25 =	smul.u32 $0x4F000, s24  }
0x8: {  	s9 =	sshll.u32 s24, $0xE;
	p1 =	sne.s32 s24, $0xF;
	s11 =	smul.u32 $0x2780, s24  }
0x9: {  	p2 =	seq.s32 s24, $0xF;
	s17 =	sadd.s32 $0x128400, s1;
	s6 =	smul.u32 $0x13C000, s5  }
0xa: {  	_ =	strace $0x8000004D;
	s22 =	ssub.s32 $0x2, s5;
	s8 =	sshll.u32 s5, $0x12  }
0xb: {  	p0 =	seq.s32 s5, $0x0;
	s10 =	sshrl.u32 s22, $0x1;
	s12 =	sor.u32 s9, s8  }
0xc: {  	p1 =	por !p0, !p1;
	p2 =	por !p0, !p2;
	s9 =	smov.u32 s21  }
0xd: {  	s2 =	sadd.s32 s21, s11;
	s11 =	sadd.s32 s4, s11;
	s6 =	sadd.s32 s7, s6  }
0xe: {  	s7 =	ssub.s32 s22, s10;
	s8 =	sshrl.u32 s12, $0x3;
	p0 =	por !p1, !p1  }
0xf: {  	p2 =	por !p2, !p2;
	[dreg:$0x5] =	wrdreg s2;
	s10 =	sadd.s32 $0x2A080, s0  }
0x10: {  	s13 =	sor.u32 $0x800, s12;
	s22 =	simm.s32 $0x7D;
	s6 =	sshrl.u32 s6, $0x3  }
0x11: {  	s23 =	sadd.s32 s15, s8;
	s8 =	sadd.s32 s14, s8;
	p1 =	por p2, p0  }
0x12: {  	s26 =	sshrl.u32 s13, $0x3;
	s13 =	smax.u32 s7, $0x1;
	[dreg:$0x3] =	wrdreg s23  }
0x13: {  	s6 =	sadd.s32 s6, s0;
	[dreg:$0x4] =	wrdreg s8;
	s8 =	sshrl.u32 s25, $0x2  }
0x14: {  	s0 =	sadd.s32 $0x138800, s1;
	p1 =	seq.s32 @!p1 s5, $0x0;
	s14 =	sadd.s32 s26, s14  }
.Ltmp0:
0x15: {  	s15 =	sadd.s32 s26, s15;
	s23 =	simm.s32 $0x2000;
	(pc) =	sbr.rel .LBB2_1-.Ltmp0, $4  }
0x16: {  	s25 =	simm.s32 $0x6000;
	s26 =	simm.s32 $0x1;
	p1 =	por @!p0 p1, p2  }
0x17: {  	s8 =	sadd.s32 s8, s1;
	p2 =	por !p2, p0;
	p1 =	por p1, p0  }
0x18: {  	s12 =	sadd.s32 $0x7E600, s6;
	s20 =	sshrl.u32 @!p2 s17, $0x3;
	s5 =	sshll.u32 @!p1 s24, $0x6  }
0x19: {  	s21 =	sshrl.u32 @!p2 s0, $0x3;
	s19 =	sshrl.u32 @!p1 s8, $0x3;
	s18 =	sor.u32 @!p1 $0x1C05, s5  }
.LBB2_3:
0x1a: {  	_ =	swait.ge [sflag:s28], $0x3E80  }
0x1b: {  	[sflag:s28] =	ssyncset.done $0x0  }
0x1c: {  	s0 =	sor.u32 $0x1000, s7;
	[sflag:s28] =	ssyncadd.s32 $0xFFFFC180  }
0x1d: {  	[spmem:s1] =	stream.indirect.scatter.add.f32 [tilespmem:s25], [sflag:$0x5], $0x80, s0, s22, $0xb8;
	[tilespmem:$0x1DC00] =	vst v63  }
0x1e: {  	_ =	swait.ge [sflag:s16], $0x3E80  }
0x1f: {  	[sflag:s16] =	ssyncset.done $0x0  }
0x20: {  	[sflag:s16] =	ssyncadd.s32 $0xFFFFC180  }
.LBB2_5:
0x21: {  	s24 =	stileid.u32;
	s31 =	sadd.s32 $0x1, s31  }
0x22: {  	[bflag:$0x0] =	sbarrier.arrive $0xFFFF;
	s0 =	sshll.u32 s24, $0x6;
	p3 =	sne.s32 s31, s13  }
.Ltmp1:
0x23: {  	s2 =	sshrl.u32 s8, $0x3;
	s0 =	sor.u32 $0x1C05, s0;
	(pc) =	sbr.rel @!p3 .LBB2_6-.Ltmp1, $4  }
0x24: {  	[hbm:s12], [sflag:s0] =	dma.local [spmem:s2], $0x2780  }
0x25: {  	_ =	swait.ge [sflag:s16], $0x2780  }
0x26: {  	[sflag:s16] =	ssyncset.done $0x0  }
0x27: {  	[sflag:s16] =	ssyncadd.s32 $0xFFFFD880  }
.LBB2_1:
0x28: {  	s0 =	rddreg [dreg:$0x3]  }
0x29: {  	[tilespmem:s3], [sflag:$0x5] =	stream.linear.gather [hbm4b:s0+s3], $0x500, $0x38;
	[tilespmem:$0x1DC00] =	vst v63  }
0x2a: {  	_ =	swait.ge [sflag:s16], $0x500  }
0x2b: {  	[sflag:s16] =	ssyncset.done $0x0  }
0x2c: {  	s2 =	simm.s32 $0x1000;
	s17 =	rddreg [dreg:$0x4];
	[sflag:s16] =	ssyncadd.s32 $0xFFFFFB00  }
0x2d: {  	[tilespmem:s2], [sflag:$0x5] =	stream.linear.gather [hbm4b:s17+s3], $0x500, $0x38;
	[tilespmem:$0x1DC00] =	vst v63  }
0x2e: {  	_ =	swait.ge [sflag:s16], $0x500  }
0x2f: {  	[sflag:s16] =	ssyncset.done $0x0  }
0x30: {  	s0 =	rddreg [dreg:$0x5];
	[sflag:s16] =	ssyncadd.s32 $0xFFFFFB00  }
0x31: {  	[spmem:s19], [sflag:s18] =	dma.local @!p1 [hbm:s0], $0x2780  }
0x32: {  	s0 =	simm.s32 @!p1 $0x5  }
0x33: {  	_ =	swait.ge @!p1 [sflag:s0], $0x2780  }
0x34: {  	[sflag:s0] =	ssyncset.done @!p1 $0x0  }
0x35: {  	s5 =	simm.s32 @!p2 $0x5;
	[sflag:s0] =	ssyncadd.s32 @!p1 $0xFFFFD880;
	s0 =	simm.s32 @!p2 $0x1FC5  }
0x36: {  	[spmem:s20], [sflag:s0] =	dma.local @!p2 [hbm:s10], $0x2080  }
0x37: {  	_ =	swait.ge @!p2 [sflag:s5], $0x2080  }
0x38: {  	[sflag:s5] =	ssyncset.done @!p2 $0x0  }
0x39: {  	[sflag:s5] =	ssyncadd.s32 @!p2 $0xFFFFDF80  }
0x3a: {  	[spmem:s21], [sflag:s0] =	dma.local @!p2 [hbm:s9], $0x700  }
0x3b: {  	_ =	swait.ge @!p2 [sflag:s5], $0x700  }
0x3c: {  	s0 =	sshll.u32 @p0 s24, $0x6;
	[sflag:s5] =	ssyncset.done @!p2 $0x0  }
0x3d: {  	s0 =	sor.u32 @p0 $0x1C05, s0;
	[sflag:s5] =	ssyncadd.s32 @!p2 $0xFFFFF900;
	s5 =	sshrl.u32 @p0 s8, $0x3  }
0x3e: {  	[spmem:s5], [sflag:s0] =	dma.local @p0 [hbm:s11], $0x2780  }
0x3f: {  	s0 =	simm.s32 @p0 $0x5  }
0x40: {  	_ =	swait.ge @p0 [sflag:s0], $0x2780  }
0x41: {  	[sflag:s0] =	ssyncset.done @p0 $0x0  }
0x42: {  	[sflag:s0] =	ssyncadd.s32 @p0 $0xFFFFD880  }
0x43: {  	[bflag:$0x0] =	sbarrier.arrive $0xFFFF  }
0x44: {  	[tilespmem:s23], [sflag:$0x1] =	stream.indirect.gather [hbm4b:s4+s22], $0x80, s3, s22, $0xb8;
	[tilespmem:$0x1DC00] =	vst v63  }
0x45: {  	s24 =	simm.s32 $0x80  }
0x46: {  	[tilespmem:s25], [sflag:$0x2] =	stream.indirect.gather [hbm4b:s4+s22], $0x80, s24, s22, $0xb8;
	[tilespmem:$0x1DC00] =	vst v63  }
0x47: {  	s17 =	simm.s32 $0x1;
	s0 =	simm.s32 $0x0;
	s24 =	simm.s32 $0x0  }
.LBB2_2:
0x48: {  	s5 =	sand.u32 $0x1, s17;
	p3 =	seq.s32 s24, $0x700  }
0x49: {  	s6 =	sshll.u32 @!p3 s5, $0xB;
	s7 =	sadd.s32 @!p3 s24, s15;
	s2 =	simm.s32 @!p3 $0x0  }
0x4a: {  	[tilespmem:s6], [sflag:$0x3] =	stream.linear.gather @!p3 [hbm4b:s7+s2], $0x500, $0x38;
	[tilespmem:$0x1DC00] =	vst v63  }
0x4b: {  	s6 =	sor.u32 @!p3 $0x1000, s6;
	s7 =	sadd.s32 @!p3 s24, s14  }
0x4c: {  	[tilespmem:s6], [sflag:$0x4] =	stream.linear.gather @!p3 [hbm4b:s7+s2], $0x500, $0x38;
	[tilespmem:$0x1DC00] =	vst v63  }
0x4d: {  	_ =	swait.ge [sflag:s26], $0x3E80  }
0x4e: {  	s6 =	sand.u32 $0x800, s0;
	[sflag:s26] =	ssyncset.done $0x0  }
0x4f: {  	s7 =	sor.u32 $0x1000, s6;
	[sflag:s26] =	ssyncadd.s32 $0xFFFFC180  }
0x50: {  	[spmem:s1] =	stream.indirect.scatter.add.f32 [tilespmem:s23], [sflag:$0x5], $0x80, s7, s22, $0xb8;
	[tilespmem:$0x1DC00] =	vst v63  }
0x51: {  	_ =	swait.ge [sflag:s16], $0x3E80  }
0x52: {  	[sflag:s16] =	ssyncset.done $0x0  }
0x53: {  	s7 =	sor.u32 $0x100, s6;
	[sflag:s16] =	ssyncadd.s32 $0xFFFFC180  }
0x54: {  	[tilespmem:s23], [sflag:$0x1] =	stream.indirect.gather [hbm4b:s4+s22], $0x80, s7, s22, $0xb8;
	[tilespmem:$0x1DC00] =	vst v63  }
0x55: {  	_ =	swait.ge [sflag:s28], $0x3E80  }
0x56: {  	[sflag:s28] =	ssyncset.done $0x0  }
0x57: {  	s7 =	sor.u32 $0x1080, s6;
	[sflag:s28] =	ssyncadd.s32 $0xFFFFC180  }
0x58: {  	[spmem:s1] =	stream.indirect.scatter.add.f32 [tilespmem:s25], [sflag:$0x5], $0x80, s7, s22, $0xb8;
	[tilespmem:$0x1DC00] =	vst v63  }
0x59: {  	_ =	swait.ge [sflag:s16], $0x3E80  }
0x5a: {  	[sflag:s16] =	ssyncset.done $0x0  }
0x5b: {  	s7 =	sor.u32 $0x180, s6;
	[sflag:s16] =	ssyncadd.s32 $0xFFFFC180  }
0x5c: {  	[tilespmem:s25], [sflag:$0x2] =	stream.indirect.gather [hbm4b:s4+s22], $0x80, s7, s22, $0xb8;
	[tilespmem:$0x1DC00] =	vst v63  }
0x5d: {  	_ =	swait.ge [sflag:s26], $0x3E80  }
0x5e: {  	[sflag:s26] =	ssyncset.done $0x0  }
0x5f: {  	s7 =	sor.u32 $0x1100, s6;
	[sflag:s26] =	ssyncadd.s32 $0xFFFFC180  }
0x60: {  	[spmem:s1] =	stream.indirect.scatter.add.f32 [tilespmem:s23], [sflag:$0x5], $0x80, s7, s22, $0xb8;
	[tilespmem:$0x1DC00] =	vst v63  }
0x61: {  	_ =	swait.ge [sflag:s16], $0x3E80  }
0x62: {  	[sflag:s16] =	ssyncset.done $0x0  }
0x63: {  	s7 =	sor.u32 $0x200, s6;
	[sflag:s16] =	ssyncadd.s32 $0xFFFFC180  }
0x64: {  	[tilespmem:s23], [sflag:$0x1] =	stream.indirect.gather [hbm4b:s4+s22], $0x80, s7, s22, $0xb8;
	[tilespmem:$0x1DC00] =	vst v63  }
0x65: {  	_ =	swait.ge [sflag:s28], $0x3E80  }
0x66: {  	[sflag:s28] =	ssyncset.done $0x0  }
0x67: {  	s7 =	sor.u32 $0x1180, s6;
	[sflag:s28] =	ssyncadd.s32 $0xFFFFC180  }
0x68: {  	[spmem:s1] =	stream.indirect.scatter.add.f32 [tilespmem:s25], [sflag:$0x5], $0x80, s7, s22, $0xb8;
	[tilespmem:$0x1DC00] =	vst v63  }
0x69: {  	_ =	swait.ge [sflag:s16], $0x3E80  }
0x6a: {  	[sflag:s16] =	ssyncset.done $0x0  }
0x6b: {  	s7 =	sor.u32 $0x280, s6;
	[sflag:s16] =	ssyncadd.s32 $0xFFFFC180  }
0x6c: {  	[tilespmem:s25], [sflag:$0x2] =	stream.indirect.gather [hbm4b:s4+s22], $0x80, s7, s22, $0xb8;
	[tilespmem:$0x1DC00] =	vst v63  }
0x6d: {  	_ =	swait.ge [sflag:s26], $0x3E80  }
0x6e: {  	[sflag:s26] =	ssyncset.done $0x0  }
0x6f: {  	s7 =	sor.u32 $0x1200, s6;
	[sflag:s26] =	ssyncadd.s32 $0xFFFFC180  }
0x70: {  	[spmem:s1] =	stream.indirect.scatter.add.f32 [tilespmem:s23], [sflag:$0x5], $0x80, s7, s22, $0xb8;
	[tilespmem:$0x1DC00] =	vst v63  }
0x71: {  	_ =	swait.ge [sflag:s16], $0x3E80  }
0x72: {  	[sflag:s16] =	ssyncset.done $0x0  }
0x73: {  	s7 =	sor.u32 $0x300, s6;
	[sflag:s16] =	ssyncadd.s32 $0xFFFFC180  }
0x74: {  	[tilespmem:s23], [sflag:$0x1] =	stream.indirect.gather [hbm4b:s4+s22], $0x80, s7, s22, $0xb8;
	[tilespmem:$0x1DC00] =	vst v63  }
0x75: {  	_ =	swait.ge [sflag:s28], $0x3E80  }
0x76: {  	[sflag:s28] =	ssyncset.done $0x0  }
0x77: {  	s7 =	sor.u32 $0x1280, s6;
	[sflag:s28] =	ssyncadd.s32 $0xFFFFC180  }
0x78: {  	[spmem:s1] =	stream.indirect.scatter.add.f32 [tilespmem:s25], [sflag:$0x5], $0x80, s7, s22, $0xb8;
	[tilespmem:$0x1DC00] =	vst v63  }
0x79: {  	_ =	swait.ge [sflag:s16], $0x3E80  }
0x7a: {  	[sflag:s16] =	ssyncset.done $0x0  }
0x7b: {  	s7 =	sor.u32 $0x380, s6;
	[sflag:s16] =	ssyncadd.s32 $0xFFFFC180  }
0x7c: {  	[tilespmem:s25], [sflag:$0x2] =	stream.indirect.gather [hbm4b:s4+s22], $0x80, s7, s22, $0xb8;
	[tilespmem:$0x1DC00] =	vst v63  }
0x7d: {  	_ =	swait.ge [sflag:s26], $0x3E80  }
0x7e: {  	[sflag:s26] =	ssyncset.done $0x0  }
0x7f: {  	s7 =	sor.u32 $0x1300, s6;
	[sflag:s26] =	ssyncadd.s32 $0xFFFFC180  }
0x80: {  	[spmem:s1] =	stream.indirect.scatter.add.f32 [tilespmem:s23], [sflag:$0x5], $0x80, s7, s22, $0xb8;
	[tilespmem:$0x1DC00] =	vst v63  }
0x81: {  	_ =	swait.ge [sflag:s16], $0x3E80  }
0x82: {  	[sflag:s16] =	ssyncset.done $0x0  }
0x83: {  	s7 =	sor.u32 $0x400, s6;
	[sflag:s16] =	ssyncadd.s32 $0xFFFFC180  }
0x84: {  	[tilespmem:s23], [sflag:$0x1] =	stream.indirect.gather [hbm4b:s4+s22], $0x80, s7, s22, $0xb8;
	[tilespmem:$0x1DC00] =	vst v63  }
0x85: {  	_ =	swait.ge [sflag:s28], $0x3E80  }
0x86: {  	[sflag:s28] =	ssyncset.done $0x0  }
0x87: {  	s7 =	sor.u32 $0x1380, s6;
	[sflag:s28] =	ssyncadd.s32 $0xFFFFC180  }
0x88: {  	[spmem:s1] =	stream.indirect.scatter.add.f32 [tilespmem:s25], [sflag:$0x5], $0x80, s7, s22, $0xb8;
	[tilespmem:$0x1DC00] =	vst v63  }
0x89: {  	_ =	swait.ge [sflag:s16], $0x3E80  }
0x8a: {  	[sflag:s16] =	ssyncset.done $0x0  }
0x8b: {  	s7 =	sor.u32 $0x480, s6;
	[sflag:s16] =	ssyncadd.s32 $0xFFFFC180  }
0x8c: {  	[tilespmem:s25], [sflag:$0x2] =	stream.indirect.gather [hbm4b:s4+s22], $0x80, s7, s22, $0xb8;
	[tilespmem:$0x1DC00] =	vst v63  }
0x8d: {  	_ =	swait.ge [sflag:s26], $0x3E80  }
0x8e: {  	p3 =	sne.s32 s24, $0x700;
	[sflag:s26] =	ssyncset.done $0x0  }
.Ltmp2:
0x8f: {  	s6 =	sor.u32 $0x1400, s6;
	[sflag:s26] =	ssyncadd.s32 $0xFFFFC180;
	(pc) =	sbr.rel @!p3 .LBB2_3-.Ltmp2, $4  }
0x90: {  	[spmem:s1] =	stream.indirect.scatter.add.f32 [tilespmem:s23], [sflag:$0x5], $0x80, s6, s22, $0xb8;
	[tilespmem:$0x1DC00] =	vst v63  }
0x91: {  	_ =	swait.ge [sflag:s16], $0x3E80  }
0x92: {  	[sflag:s16] =	ssyncset.done $0x0  }
0x93: {  	[sflag:s16] =	ssyncadd.s32 $0xFFFFC180  }
0x94: {  	_ =	swait.ge [sflag:s29], $0x500  }
0x95: {  	[sflag:s29] =	ssyncset.done $0x0  }
0x96: {  	[sflag:s29] =	ssyncadd.s32 $0xFFFFFB00  }
0x97: {  	_ =	swait.ge [sflag:s30], $0x500  }
0x98: {  	[sflag:s30] =	ssyncset.done $0x0  }
0x99: {  	s2 =	sshll.u32 s5, $0xB;
	[sflag:s30] =	ssyncadd.s32 $0xFFFFFB00  }
0x9a: {  	[tilespmem:s23], [sflag:$0x1] =	stream.indirect.gather [hbm4b:s4+s22], $0x80, s2, s22, $0xb8;
	[tilespmem:$0x1DC00] =	vst v63  }
0x9b: {  	_ =	swait.ge [sflag:s28], $0x3E80  }
0x9c: {  	s24 =	sadd.s32 $0x100, s24;
	[sflag:s28] =	ssyncset.done $0x0  }
0x9d: {  	s7 =	sor.u32 $0x1000, s7;
	p3 =	sne.s32 s24, $0x800;
	[sflag:s28] =	ssyncadd.s32 $0xFFFFC180  }
0x9e: {  	[spmem:s1] =	stream.indirect.scatter.add.f32 [tilespmem:s25], [sflag:$0x5], $0x80, s7, s22, $0xb8;
	[tilespmem:$0x1DC00] =	vst v63  }
.Ltmp3:
0x9f: {  	_ = 	snop;
	(pc) =	sbr.rel @p3 .LBB2_2-.Ltmp3, $4  }
.Ltmp4:
0xa0: {  	_ =	swait.ge [sflag:s16], $0x3E80;
	(pc) =	sbr.rel @!p3 .LBB2_5-.Ltmp4, $4  }
0xa1: {  	s17 =	sadd.s32 $0x1, s17;
	[sflag:s16] =	ssyncset.done $0x0  }
0xa2: {  	s0 =	sadd.s32 $0x800, s0;
	s2 =	sor.u32 $0x80, s2;
	[sflag:s16] =	ssyncadd.s32 $0xFFFFC180  }
0xa3: {  	[tilespmem:s25], [sflag:$0x2] =	stream.indirect.gather [hbm4b:s4+s22], $0x80, s2, s22, $0xb8;
	[tilespmem:$0x1DC00] =	vst v63  }
0xa4: {  	_ = 	snop  }
.LBB2_6:
0xa5: {  	_ =	sfence.sel $0x180000  }
0xa6: {  	[bflag:$0x0] =	sbarrier.arrive $0xFFFF  }
0xa7: {  	_ =	strace $0x9000004D  }
0xa8: {  	[bflag:$0x2] =	sbarrier.arrive $0xFFFF  }
0xa9: {  	p0 =	sne.s32 s24, $0x0;
	s0 =	rddreg [dreg:$0x2]  }
0xaa: {  	s0 =	sadd.s32 @!p0 $0x100000, s0  }
0xab: {  	[sflag:s0] =	ssyncadd.tile.s32 @!p0 $0x1;
	_ =	shalt  }
.Lfunc_end2:
_tile_overlayer_lowered:
.L_overlay_start_2:
0xac: {  	(tag) =	ssettag $0x2  }
0xad: {  	s0 =	rddreg [dreg:$0x0];
	s2 =	stileid.u32  }
0xae: {  	s1 =	rddreg [dreg:$0x1];
	p0 =	sne.s32 s2, $0x0  }
0xaf: {  	s3 =	rddreg [dreg:$0x2];
	[bflag:$0x3] =	sbarrier.arrive $0xFFFF;
	s2 =	simm.s32 @!p0 $0x1C05  }
0xb0: {  	[timem:s3], [sflag:s2] =	dma.local @!p0 [hbm:s0], s1  }
0xb1: {  	s0 =	simm.s32 @!p0 $0x5  }
0xb2: {  	_ =	swait.ge @!p0 [sflag:s0], s1  }
0xb3: {  	s1 =	ssub.s32 @!p0 $0x0, s1;
	[sflag:s0] =	ssyncset.done @!p0 $0x0  }
0xb4: {  	[sflag:s0] =	ssyncadd.s32 @!p0 s1  }
0xb5: {  	[bflag:$0x3] =	sbarrier.arrive $0xFFFF  }
0xb6: {  	_ =	shalt  }

// kernel: kernel.22.cloned.1.call-start
scs
__scs_entry_jumppad:
0x0: {  	(pc) =	sbr.rel $0x88, $3  }
0x1: {  	(tag) =	ssettag $0x0;
	lr =	simm.s32 $0x1  }
0x2: {  	[smem:$0x3F8A] =	sst lr;
	_ =	strace $0xD0000000  }
0x3: {  	_ = 	snop  }
0x4: {  	_ = 	snop  }
0x5: {  	_ = 	snop  }
0x6: {  	_ = 	snop  }
0x7: {  	_ = 	snop  }
__scs_overlays_trampoline_lowered:
0x8: {  	[smem:$0x3F99] =	sst s0  }
0x9: {  	[smem:$0x3F9A] =	sst s1  }
0xa: {  	[smem:$0x3F9B] =	sst s2  }
0xb: {  	[smem:$0x3F9C] =	sst s3  }
0xc: {  	[smem:$0x3F9D] =	sst s4  }
0xd: {  	[smem:$0x3F9E] =	sst s5  }
0xe: {  	[smem:$0x3F9F] =	sst s6  }
0xf: {  	[smem:$0x3FA0] =	sst s7  }
0x10: {  	[smem:$0x3FA1] =	sst s8  }
0x11: {  	[smem:$0x3FA2] =	sst s9;
	s0 =	simm.s32 @!p0 $0x0  }
0x12: {  	s1 =	sld [smem:$0x3F88];
	s0 =	simm.s32 @p0 $0x1  }
0x13: {  	[smem:$0x3FA3] =	sst s0;
	s0 =	simm.s32 @!p1 $0x0  }
0x14: {  	s2 =	sld [smem:$0x3F87];
	s0 =	simm.s32 @p1 $0x1  }
0x15: {  	[smem:$0x3FA4] =	sst s0;
	s0 =	simm.s32 @!p2 $0x0  }
0x16: {  	s3 =	sld [smem:$0x3FDB];
	s0 =	simm.s32 @p2 $0x1  }
0x17: {  	s4 =	simm.s32 $0x1BF5;
	[smem:$0x3FA6] =	sst s0  }
0x18: {  	s0 =	sld [smem:$0x3F89];
	_ =	swait.ge [sflag:s4], $0x0  }
0x19: {  	s7 =	sld [smem:$0x3F8A]  }
0x1a: {  	s8 =	sadd.s32 $0xFFFFE003, lr  }
0x1b: {  	s9 =	sadd.s32 $0xFFFFFEF7, lr;
	s5 =	simm.s32 $0xFFFFFFFF;
	p2 =	slt.u32 s8, $0xFFFFF086  }
0x1c: {  	p1 =	slt.u32 s9, $0xF7A;
	s5 =	simm.s32 @!p2 $0x0  }
0x1d: {  	s5 =	simm.s32 @p1 $0x1;
	p0 =	seq.s32 s7, s2  }
0x1e: {  	s7 =	smul.u32 @!p0 $0xF7A, s2;
	p2 =	seq.s32 @!p0 s5, $0x0  }
0x1f: {  	s9 =	smul.u32 $0xF7A, s1;
	s8 =	simm.s32 @!p0 $0x1BF5;
	p2 =	por !p2, p0  }
0x20: {  	[sflag:s8] =	ssyncset.s32 @!p0 $0xFFFFF086;
	s6 =	sadd.s32 @!p0 s3, s7;
	s7 =	simm.s32 @!p0 $0x108  }
0x21: {  	s3 =	sadd.s32 s3, s9;
	s6 =	sadd.s32 @!p0 $0x88, s6;
	s7 =	simm.s32 @p2 $0x1082  }
0x22: {  	[simem:s7], [sflag:s8] =	dma.local @!p0 [hbm:s6], $0xF7A  }
0x23: {  	s9 =	sor.u32 $0xD0000000, s2;
	s6 =	simm.s32 $0x108;
	_ =	swait.ge @!p0 [sflag:s8], $0x0  }
0x24: {  	s3 =	sadd.s32 $0x88, s3;
	s6 =	simm.s32 @!p1 $0x1082;
	[sflag:s4] =	ssyncset.s32 $0xFFFFF086  }
0x25: {  	[simem:s6], [sflag:s4] =	dma.local [hbm:s3], $0xF7A  }
0x26: {  	[smem:$0x3F8A] =	sst s1;
	(tag) =	ssettag s2;
	_ =	strace s9  }
0x27: {  	s1 =	sld [smem:$0x3F9A]  }
0x28: {  	s2 =	sld [smem:$0x3F9B]  }
0x29: {  	s4 =	sld [smem:$0x3F9D]  }
0x2a: {  	p0 =	seq.s32 s5, $0x0;
	s5 =	sld [smem:$0x3F9E]  }
0x2b: {  	s6 =	sld [smem:$0x3F9F]  }
0x2c: {  	s7 =	sld [smem:$0x3FA0]  }
0x2d: {  	s3 =	simm.s32 $0x108;
	s8 =	sld [smem:$0x3FA1]  }
0x2e: {  	s3 =	simm.s32 @!p0 $0x1082;
	s9 =	sld [smem:$0x3FA2]  }
0x2f: {  	lr =	sadd.s32 s0, s3;
	s0 =	sld [smem:$0x3F99]  }
0x30: {  	s3 =	sld [smem:$0x3F9C]  }
0x31: {  	[smem:$0x3FA5] =	sst s10  }
0x32: {  	s10 =	sld [smem:$0x3FA3];
	_ =	sdelay $0x3  }
0x33: {  	p0 =	seq.s32 s10, $0x1;
	s10 =	sld [smem:$0x3FA5];
	_ =	sdelay $0x3  }
0x34: {  	[smem:$0x3FA5] =	sst s10  }
0x35: {  	s10 =	sld [smem:$0x3FA4];
	_ =	sdelay $0x3  }
0x36: {  	p1 =	seq.s32 s10, $0x1;
	s10 =	sld [smem:$0x3FA5];
	_ =	sdelay $0x3  }
0x37: {  	[smem:$0x3FA5] =	sst s10  }
0x38: {  	s10 =	sld [smem:$0x3FA6]  }
0x39: {  	_ = 	snop;
	(pc) =	sbr.ind lr, $3  }
0x3a: {  	_ = 	snop  }
0x3b: {  	_ = 	snop  }
0x3c: {  	p2 =	seq.s32 s10, $0x1;
	s10 =	sld [smem:$0x3FA5]  }
0x3d: {  	_ =	shalt  }
0x3e: {  	_ =	shalt  }
0x3f: {  	_ =	shalt  }
0x40: {  	_ =	shalt  }
0x41: {  	_ =	shalt  }
0x42: {  	_ =	shalt  }
0x43: {  	_ =	shalt  }
0x44: {  	_ =	shalt  }
0x45: {  	_ =	shalt  }
0x46: {  	_ =	shalt  }
0x47: {  	_ =	shalt  }
0x48: {  	_ =	shalt  }
0x49: {  	_ =	shalt  }
0x4a: {  	_ =	shalt  }
0x4b: {  	_ =	shalt  }
0x4c: {  	_ =	shalt  }
0x4d: {  	_ =	shalt  }
0x4e: {  	_ =	shalt  }
0x4f: {  	_ =	shalt  }
0x50: {  	_ =	shalt  }
0x51: {  	_ =	shalt  }
0x52: {  	_ =	shalt  }
0x53: {  	_ =	shalt  }
0x54: {  	_ =	shalt  }
0x55: {  	_ =	shalt  }
0x56: {  	_ =	shalt  }
0x57: {  	_ =	shalt  }
0x58: {  	_ =	shalt  }
0x59: {  	_ =	shalt  }
0x5a: {  	_ =	shalt  }
0x5b: {  	_ =	shalt  }
0x5c: {  	_ =	shalt  }
0x5d: {  	_ =	shalt  }
0x5e: {  	_ =	shalt  }
0x5f: {  	_ =	shalt  }
0x60: {  	_ =	shalt  }
0x61: {  	_ =	shalt  }
0x62: {  	_ =	shalt  }
0x63: {  	_ =	shalt  }
0x64: {  	_ =	shalt  }
0x65: {  	_ =	shalt  }
0x66: {  	_ =	shalt  }
0x67: {  	_ =	shalt  }
0x68: {  	_ =	shalt  }
0x69: {  	_ =	shalt  }
0x6a: {  	_ =	shalt  }
0x6b: {  	_ =	shalt  }
0x6c: {  	_ =	shalt  }
0x6d: {  	_ =	shalt  }
0x6e: {  	_ =	shalt  }
0x6f: {  	_ =	shalt  }
0x70: {  	_ =	shalt  }
0x71: {  	_ =	shalt  }
0x72: {  	_ =	shalt  }
0x73: {  	_ =	shalt  }
0x74: {  	_ =	shalt  }
0x75: {  	_ =	shalt  }
0x76: {  	_ =	shalt  }
0x77: {  	_ =	shalt  }
0x78: {  	_ =	shalt  }
0x79: {  	_ =	shalt  }
0x7a: {  	_ =	shalt  }
0x7b: {  	_ =	shalt  }
0x7c: {  	_ =	shalt  }
0x7d: {  	_ =	shalt  }
0x7e: {  	_ =	shalt  }
0x7f: {  	_ =	shalt  }
0x80: {  	_ =	shalt  }
0x81: {  	_ =	shalt  }
0x82: {  	_ =	shalt  }
0x83: {  	_ =	shalt  }
0x84: {  	_ =	shalt  }
0x85: {  	_ =	shalt  }
0x86: {  	_ =	shalt  }
0x87: {  	_ =	shalt  }
.Lfunc_end0:
.L_simem_size_0:
called_computation.3_lowered:
.L_overlay_start_0:
0x88: {  	s2 =	sld [smem:$0x3FD9]  }
0x89: {  	s3 =	sld [smem:$0x3FFE];
	_ =	sdelay $0x1  }
0x8a: {  	s1 =	srdreg.scid  }
0x8b: {  	s0 =	sand.u32 $0x1, s1  }
0x8c: {  	s16 =	sshll.u32 s0, $0xA;
	s2 =	sadd.s32 s3, s2  }
0x8d: {  	s2 =	sadd.s32 s2, s16  }
0x8e: {  	[smem:$0x3FB1] =	sst s2  }
0x8f: {  	_ = 	snop  }
0x90: {  	(tm) =	ssettm $0x1  }
0x91: {  	s17 =	sld [smem:$0x3FFB];
	_ =	sdelay $0x3  }
0x92: {  	_ =	strace s17  }
0x93: {  	s2 =	sld [smem:$0x3FFC];
	_ =	sdelay $0x3  }
0x94: {  	_ =	strace s2  }
0x95: {  	s2 =	sld [smem:$0x3FFD];
	_ =	sdelay $0x3  }
0x96: {  	_ =	strace s2  }
0x97: {  	_ =	strace $0x8FFFFFFF  }
0x98: {  	s18 =	sld [smem:$0x3FDB];
	_ =	sdelay $0x1  }
0x99: {  	s19 =	simm.s32 $_scs_section_size  }
0x9a: {  	s4 =	simm.s32 $_size__tile_overlayer_lowered;
	s5 =	simm.s32 $_tile_overlayer_lowered  }
0x9b: {  	s22 =	simm.s32 $0x1BFF;
	s21 =	sshll.u32 s5, $0x1;
	s2 =	sadd.s32 s19, s18  }
0x9c: {  	s6 =	simm.s32 $0x0;
	s20 =	sshll.u32 s4, $0x1;
	s4 =	sadd.s32 s21, s2  }
0x9d: {  	[timem:s6], [sflag:s22] =	dma.local [hbm:s4], s20  }
0x9e: {  	_ =	swait.ge [sflag:s22], s20  }
0x9f: {  	s3 =	ssub.s32 $0x0, s20;
	[sflag:s22] =	ssyncset.done $0x0  }
0xa0: {  	[sflag:s22] =	ssyncadd.s32 s3;
	_ =	sdelay $0x1  }
0xa1: {  	s23 =	simm.s32 $0x1B8B  }
0xa2: {  	_ =	swait.ge [sflag:s23], $0x1  }
0xa3: {  	[sflag:s23] =	ssyncset.done $0x0  }
0xa4: {  	s25 =	simm.s32 $0x1B8E;
	s24 =	sld [smem:$0x3FFE];
	[sflag:s23] =	ssyncadd.s32 $0xFFFFFFFF  }
0xa5: {  	s26 =	simm.s32 $execute0_lowered;
	[smem:$0x3FD2] =	sst s25  }
0xa6: {  	s4 =	sshll.u32 s26, $0x1;
	_ =	strace $0x8000004F;
	[dreg:$0x1] =	wrdreg $0xFFFFFFFF  }
0xa7: {  	s28 =	simm.s32 $_size_execute0_lowered;
	s2 =	sadd.s32 s2, s4;
	[dreg:$0x0] =	wrdreg $0x0  }
0xa8: {  	s4 =	sshll.u32 s28, $0x1;
	[dreg:$0x2] =	wrdreg s2  }
0xa9: {  	[dreg:$0x3] =	wrdreg s4  }
0xaa: {  	[dreg:$0x4] =	wrdreg $0xC0  }
0xab: {  	_ =	task [dreg:s6], $0x5FFFF  }
0xac: {  	[dreg:$0x1] =	wrdreg $0xFFFFFFFF  }
0xad: {  	[dreg:$0x0] =	wrdreg $0x60  }
0xae: {  	[dreg:$0x2] =	wrdreg s24  }
0xaf: {  	[dreg:$0x3] =	wrdreg $0xA0000  }
0xb0: {  	[dreg:$0x4] =	wrdreg $0x9  }
0xb1: {  	_ =	task.clear_ibuf [dreg:s6], $0x5FFFF;
	_ =	strace $0x9000004F  }
0xb2: {  	s29 =	simm.s32 $0x9;
	_ =	strace $0x80000051  }
0xb3: {  	_ =	swait.ge [sflag:s29], $0x1  }
0xb4: {  	[sflag:s29] =	ssyncadd.s32 $0xFFFFFFFF  }
0xb5: {  	_ =	strace $0x90000051  }
0xb6: {  	_ =	sfence  }
0xb7: {  	s30 =	sld [smem:$0x0];
	_ =	sdelay $0x2  }
0xb8: {  	s31 =	sshll.u32 s1, $0xD;
	s1 =	sshrl.u32 s1, $0x2  }
0xb9: {  	s3 =	sand.u32 $0x4000, s31;
	s1 =	sadd.s32 s1, s30  }
0xba: {  	s0 =	sor.u32 s3, s0;
	s1 =	sshll.u32 s1, $0x11  }
0xbb: {  	s0 =	sor.u32 s1, s0  }
0xbc: {  	s0 =	sadd.s32 $0x8F2B, s0  }
0xbd: {  	[sflag:s0] =	ssyncadd.remote.s32 $0x1  }
0xbe: {  	_ =	sfence.sel $0xFFFF  }
0xbf: {  	[dreg:$0x0] =	wrdreg $0xFFFFFFFF;
	(pc) =	sbr.abs _section_cstart, $3  }
0xc0: {  	[dreg:$0x1] =	wrdreg $0xFFFFFFFF  }
0xc1: {  	_ =	task.clear_ibuf [dreg:s6], $0x2FFFF;
	_ =	strace $0x9FFFFFFF  }
0xc2: {  	(tm) =	ssettm $0x7FFFFFFF  }
0xc3: {  	_ =	shalt  }
tec
execute0_lowered:
.L_overlay_start_1:
0x0: {  	(tag) =	ssettag $0x1  }
0x1: {  	s0 =	rddreg [dreg:$0x0]  }
0x2: {  	s1 =	rddreg [dreg:$0x1];
	s2 =	srdreg.scid  }
0x3: {  	s3 =	simm.s32 $0x0;
	s24 =	stileid.u32;
	s16 =	simm.s32 $0x5  }
0x4: {  	s28 =	simm.s32 $0x2;
	s29 =	simm.s32 $0x3;
	s30 =	simm.s32 $0x4  }
0x5: {  	s31 =	simm.s32 $0x0;
	s5 =	sand.u32 $0x1, s2;
	[smem:$0x7FF] =	sst s3  }
0x6: {  	s7 =	smul.u32 $0x13C00, s24;
	s4 =	sadd.s32 $0x5000, s0;
	s15 =	sadd.s32 $0x6E600, s0  }
0x7: {  	s14 =	sadd.s32 $0x5E600, s0;
	s21 =	sadd.s32 $0x2C200, s0;
	s25 =	smul.u32 $0x4F000, s24  }
0x8: {  	s9 =	sshll.u32 s24, $0xE;
	p1 =	sne.s32 s24, $0xF;
	s11 =	smul.u32 $0x2780, s24  }
0x9: {  	p2 =	seq.s32 s24, $0xF;
	s17 =	sadd.s32 $0x128400, s1;
	s6 =	smul.u32 $0x13C000, s5  }
0xa: {  	_ =	strace $0x80000050;
	s22 =	ssub.s32 $0x2, s5;
	s8 =	sshll.u32 s5, $0x12  }
0xb: {  	p0 =	seq.s32 s5, $0x0;
	s10 =	sshrl.u32 s22, $0x1;
	s12 =	sor.u32 s9, s8  }
0xc: {  	p1 =	por !p0, !p1;
	p2 =	por !p0, !p2;
	s9 =	smov.u32 s21  }
0xd: {  	s2 =	sadd.s32 s21, s11;
	s11 =	sadd.s32 s4, s11;
	s6 =	sadd.s32 s7, s6  }
0xe: {  	s7 =	ssub.s32 s22, s10;
	s8 =	sshrl.u32 s12, $0x3;
	p0 =	por !p1, !p1  }
0xf: {  	p2 =	por !p2, !p2;
	[dreg:$0x5] =	wrdreg s2;
	s10 =	sadd.s32 $0x2A080, s0  }
0x10: {  	s13 =	sor.u32 $0x800, s12;
	s22 =	simm.s32 $0x7D;
	s6 =	sshrl.u32 s6, $0x3  }
0x11: {  	s23 =	sadd.s32 s15, s8;
	s8 =	sadd.s32 s14, s8;
	p1 =	por p2, p0  }
0x12: {  	s26 =	sshrl.u32 s13, $0x3;
	s13 =	smax.u32 s7, $0x1;
	[dreg:$0x3] =	wrdreg s23  }
0x13: {  	s6 =	sadd.s32 s6, s0;
	[dreg:$0x4] =	wrdreg s8;
	s8 =	sshrl.u32 s25, $0x2  }
0x14: {  	s0 =	sadd.s32 $0x138800, s1;
	p1 =	seq.s32 @!p1 s5, $0x0;
	s14 =	sadd.s32 s26, s14  }
.Ltmp0:
0x15: {  	s15 =	sadd.s32 s26, s15;
	s23 =	simm.s32 $0x2000;
	(pc) =	sbr.rel .LBB2_1-.Ltmp0, $4  }
0x16: {  	s25 =	simm.s32 $0x6000;
	s26 =	simm.s32 $0x1;
	p1 =	por @!p0 p1, p2  }
0x17: {  	s8 =	sadd.s32 s8, s1;
	p2 =	por !p2, p0;
	p1 =	por p1, p0  }
0x18: {  	s12 =	sadd.s32 $0x7E600, s6;
	s20 =	sshrl.u32 @!p2 s17, $0x3;
	s5 =	sshll.u32 @!p1 s24, $0x6  }
0x19: {  	s21 =	sshrl.u32 @!p2 s0, $0x3;
	s19 =	sshrl.u32 @!p1 s8, $0x3;
	s18 =	sor.u32 @!p1 $0x1C05, s5  }
.LBB2_3:
0x1a: {  	_ =	swait.ge [sflag:s28], $0x3E80  }
0x1b: {  	[sflag:s28] =	ssyncset.done $0x0  }
0x1c: {  	s0 =	sor.u32 $0x1000, s7;
	[sflag:s28] =	ssyncadd.s32 $0xFFFFC180  }
0x1d: {  	[spmem:s1] =	stream.indirect.scatter.add.f32 [tilespmem:s25], [sflag:$0x5], $0x80, s0, s22, $0xb8;
	[tilespmem:$0x1DC00] =	vst v63  }
0x1e: {  	_ =	swait.ge [sflag:s16], $0x3E80  }
0x1f: {  	[sflag:s16] =	ssyncset.done $0x0  }
0x20: {  	[sflag:s16] =	ssyncadd.s32 $0xFFFFC180  }
.LBB2_5:
0x21: {  	s24 =	stileid.u32;
	s31 =	sadd.s32 $0x1, s31  }
0x22: {  	[bflag:$0x0] =	sbarrier.arrive $0xFFFF;
	s0 =	sshll.u32 s24, $0x6;
	p3 =	sne.s32 s31, s13  }
.Ltmp1:
0x23: {  	s2 =	sshrl.u32 s8, $0x3;
	s0 =	sor.u32 $0x1C05, s0;
	(pc) =	sbr.rel @!p3 .LBB2_6-.Ltmp1, $4  }
0x24: {  	[hbm:s12], [sflag:s0] =	dma.local [spmem:s2], $0x2780  }
0x25: {  	_ =	swait.ge [sflag:s16], $0x2780  }
0x26: {  	[sflag:s16] =	ssyncset.done $0x0  }
0x27: {  	[sflag:s16] =	ssyncadd.s32 $0xFFFFD880  }
.LBB2_1:
0x28: {  	s0 =	rddreg [dreg:$0x3]  }
0x29: {  	[tilespmem:s3], [sflag:$0x5] =	stream.linear.gather [hbm4b:s0+s3], $0x500, $0x38;
	[tilespmem:$0x1DC00] =	vst v63  }
0x2a: {  	_ =	swait.ge [sflag:s16], $0x500  }
0x2b: {  	[sflag:s16] =	ssyncset.done $0x0  }
0x2c: {  	s2 =	simm.s32 $0x1000;
	s17 =	rddreg [dreg:$0x4];
	[sflag:s16] =	ssyncadd.s32 $0xFFFFFB00  }
0x2d: {  	[tilespmem:s2], [sflag:$0x5] =	stream.linear.gather [hbm4b:s17+s3], $0x500, $0x38;
	[tilespmem:$0x1DC00] =	vst v63  }
0x2e: {  	_ =	swait.ge [sflag:s16], $0x500  }
0x2f: {  	[sflag:s16] =	ssyncset.done $0x0  }
0x30: {  	s0 =	rddreg [dreg:$0x5];
	[sflag:s16] =	ssyncadd.s32 $0xFFFFFB00  }
0x31: {  	[spmem:s19], [sflag:s18] =	dma.local @!p1 [hbm:s0], $0x2780  }
0x32: {  	s0 =	simm.s32 @!p1 $0x5  }
0x33: {  	_ =	swait.ge @!p1 [sflag:s0], $0x2780  }
0x34: {  	[sflag:s0] =	ssyncset.done @!p1 $0x0  }
0x35: {  	s5 =	simm.s32 @!p2 $0x5;
	[sflag:s0] =	ssyncadd.s32 @!p1 $0xFFFFD880;
	s0 =	simm.s32 @!p2 $0x1FC5  }
0x36: {  	[spmem:s20], [sflag:s0] =	dma.local @!p2 [hbm:s10], $0x2080  }
0x37: {  	_ =	swait.ge @!p2 [sflag:s5], $0x2080  }
0x38: {  	[sflag:s5] =	ssyncset.done @!p2 $0x0  }
0x39: {  	[sflag:s5] =	ssyncadd.s32 @!p2 $0xFFFFDF80  }
0x3a: {  	[spmem:s21], [sflag:s0] =	dma.local @!p2 [hbm:s9], $0x700  }
0x3b: {  	_ =	swait.ge @!p2 [sflag:s5], $0x700  }
0x3c: {  	s0 =	sshll.u32 @p0 s24, $0x6;
	[sflag:s5] =	ssyncset.done @!p2 $0x0  }
0x3d: {  	s0 =	sor.u32 @p0 $0x1C05, s0;
	[sflag:s5] =	ssyncadd.s32 @!p2 $0xFFFFF900;
	s5 =	sshrl.u32 @p0 s8, $0x3  }
0x3e: {  	[spmem:s5], [sflag:s0] =	dma.local @p0 [hbm:s11], $0x2780  }
0x3f: {  	s0 =	simm.s32 @p0 $0x5  }
0x40: {  	_ =	swait.ge @p0 [sflag:s0], $0x2780  }
0x41: {  	[sflag:s0] =	ssyncset.done @p0 $0x0  }
0x42: {  	[sflag:s0] =	ssyncadd.s32 @p0 $0xFFFFD880  }
0x43: {  	[bflag:$0x0] =	sbarrier.arrive $0xFFFF  }
0x44: {  	[tilespmem:s23], [sflag:$0x1] =	stream.indirect.gather [hbm4b:s4+s22], $0x80, s3, s22, $0xb8;
	[tilespmem:$0x1DC00] =	vst v63  }
0x45: {  	s24 =	simm.s32 $0x80  }
0x46: {  	[tilespmem:s25], [sflag:$0x2] =	stream.indirect.gather [hbm4b:s4+s22], $0x80, s24, s22, $0xb8;
	[tilespmem:$0x1DC00] =	vst v63  }
0x47: {  	s17 =	simm.s32 $0x1;
	s0 =	simm.s32 $0x0;
	s24 =	simm.s32 $0x0  }
.LBB2_2:
0x48: {  	s5 =	sand.u32 $0x1, s17;
	p3 =	seq.s32 s24, $0x700  }
0x49: {  	s6 =	sshll.u32 @!p3 s5, $0xB;
	s7 =	sadd.s32 @!p3 s24, s15;
	s2 =	simm.s32 @!p3 $0x0  }
0x4a: {  	[tilespmem:s6], [sflag:$0x3] =	stream.linear.gather @!p3 [hbm4b:s7+s2], $0x500, $0x38;
	[tilespmem:$0x1DC00] =	vst v63  }
0x4b: {  	s6 =	sor.u32 @!p3 $0x1000, s6;
	s7 =	sadd.s32 @!p3 s24, s14  }
0x4c: {  	[tilespmem:s6], [sflag:$0x4] =	stream.linear.gather @!p3 [hbm4b:s7+s2], $0x500, $0x38;
	[tilespmem:$0x1DC00] =	vst v63  }
0x4d: {  	_ =	swait.ge [sflag:s26], $0x3E80  }
0x4e: {  	s6 =	sand.u32 $0x800, s0;
	[sflag:s26] =	ssyncset.done $0x0  }
0x4f: {  	s7 =	sor.u32 $0x1000, s6;
	[sflag:s26] =	ssyncadd.s32 $0xFFFFC180  }
0x50: {  	[spmem:s1] =	stream.indirect.scatter.add.f32 [tilespmem:s23], [sflag:$0x5], $0x80, s7, s22, $0xb8;
	[tilespmem:$0x1DC00] =	vst v63  }
0x51: {  	_ =	swait.ge [sflag:s16], $0x3E80  }
0x52: {  	[sflag:s16] =	ssyncset.done $0x0  }
0x53: {  	s7 =	sor.u32 $0x100, s6;
	[sflag:s16] =	ssyncadd.s32 $0xFFFFC180  }
0x54: {  	[tilespmem:s23], [sflag:$0x1] =	stream.indirect.gather [hbm4b:s4+s22], $0x80, s7, s22, $0xb8;
	[tilespmem:$0x1DC00] =	vst v63  }
0x55: {  	_ =	swait.ge [sflag:s28], $0x3E80  }
0x56: {  	[sflag:s28] =	ssyncset.done $0x0  }
0x57: {  	s7 =	sor.u32 $0x1080, s6;
	[sflag:s28] =	ssyncadd.s32 $0xFFFFC180  }
0x58: {  	[spmem:s1] =	stream.indirect.scatter.add.f32 [tilespmem:s25], [sflag:$0x5], $0x80, s7, s22, $0xb8;
	[tilespmem:$0x1DC00] =	vst v63  }
0x59: {  	_ =	swait.ge [sflag:s16], $0x3E80  }
0x5a: {  	[sflag:s16] =	ssyncset.done $0x0  }
0x5b: {  	s7 =	sor.u32 $0x180, s6;
	[sflag:s16] =	ssyncadd.s32 $0xFFFFC180  }
0x5c: {  	[tilespmem:s25], [sflag:$0x2] =	stream.indirect.gather [hbm4b:s4+s22], $0x80, s7, s22, $0xb8;
	[tilespmem:$0x1DC00] =	vst v63  }
0x5d: {  	_ =	swait.ge [sflag:s26], $0x3E80  }
0x5e: {  	[sflag:s26] =	ssyncset.done $0x0  }
0x5f: {  	s7 =	sor.u32 $0x1100, s6;
	[sflag:s26] =	ssyncadd.s32 $0xFFFFC180  }
0x60: {  	[spmem:s1] =	stream.indirect.scatter.add.f32 [tilespmem:s23], [sflag:$0x5], $0x80, s7, s22, $0xb8;
	[tilespmem:$0x1DC00] =	vst v63  }
0x61: {  	_ =	swait.ge [sflag:s16], $0x3E80  }
0x62: {  	[sflag:s16] =	ssyncset.done $0x0  }
0x63: {  	s7 =	sor.u32 $0x200, s6;
	[sflag:s16] =	ssyncadd.s32 $0xFFFFC180  }
0x64: {  	[tilespmem:s23], [sflag:$0x1] =	stream.indirect.gather [hbm4b:s4+s22], $0x80, s7, s22, $0xb8;
	[tilespmem:$0x1DC00] =	vst v63  }
0x65: {  	_ =	swait.ge [sflag:s28], $0x3E80  }
0x66: {  	[sflag:s28] =	ssyncset.done $0x0  }
0x67: {  	s7 =	sor.u32 $0x1180, s6;
	[sflag:s28] =	ssyncadd.s32 $0xFFFFC180  }
0x68: {  	[spmem:s1] =	stream.indirect.scatter.add.f32 [tilespmem:s25], [sflag:$0x5], $0x80, s7, s22, $0xb8;
	[tilespmem:$0x1DC00] =	vst v63  }
0x69: {  	_ =	swait.ge [sflag:s16], $0x3E80  }
0x6a: {  	[sflag:s16] =	ssyncset.done $0x0  }
0x6b: {  	s7 =	sor.u32 $0x280, s6;
	[sflag:s16] =	ssyncadd.s32 $0xFFFFC180  }
0x6c: {  	[tilespmem:s25], [sflag:$0x2] =	stream.indirect.gather [hbm4b:s4+s22], $0x80, s7, s22, $0xb8;
	[tilespmem:$0x1DC00] =	vst v63  }
0x6d: {  	_ =	swait.ge [sflag:s26], $0x3E80  }
0x6e: {  	[sflag:s26] =	ssyncset.done $0x0  }
0x6f: {  	s7 =	sor.u32 $0x1200, s6;
	[sflag:s26] =	ssyncadd.s32 $0xFFFFC180  }
0x70: {  	[spmem:s1] =	stream.indirect.scatter.add.f32 [tilespmem:s23], [sflag:$0x5], $0x80, s7, s22, $0xb8;
	[tilespmem:$0x1DC00] =	vst v63  }
0x71: {  	_ =	swait.ge [sflag:s16], $0x3E80  }
0x72: {  	[sflag:s16] =	ssyncset.done $0x0  }
0x73: {  	s7 =	sor.u32 $0x300, s6;
	[sflag:s16] =	ssyncadd.s32 $0xFFFFC180  }
0x74: {  	[tilespmem:s23], [sflag:$0x1] =	stream.indirect.gather [hbm4b:s4+s22], $0x80, s7, s22, $0xb8;
	[tilespmem:$0x1DC00] =	vst v63  }
0x75: {  	_ =	swait.ge [sflag:s28], $0x3E80  }
0x76: {  	[sflag:s28] =	ssyncset.done $0x0  }
0x77: {  	s7 =	sor.u32 $0x1280, s6;
	[sflag:s28] =	ssyncadd.s32 $0xFFFFC180  }
0x78: {  	[spmem:s1] =	stream.indirect.scatter.add.f32 [tilespmem:s25], [sflag:$0x5], $0x80, s7, s22, $0xb8;
	[tilespmem:$0x1DC00] =	vst v63  }
0x79: {  	_ =	swait.ge [sflag:s16], $0x3E80  }
0x7a: {  	[sflag:s16] =	ssyncset.done $0x0  }
0x7b: {  	s7 =	sor.u32 $0x380, s6;
	[sflag:s16] =	ssyncadd.s32 $0xFFFFC180  }
0x7c: {  	[tilespmem:s25], [sflag:$0x2] =	stream.indirect.gather [hbm4b:s4+s22], $0x80, s7, s22, $0xb8;
	[tilespmem:$0x1DC00] =	vst v63  }
0x7d: {  	_ =	swait.ge [sflag:s26], $0x3E80  }
0x7e: {  	[sflag:s26] =	ssyncset.done $0x0  }
0x7f: {  	s7 =	sor.u32 $0x1300, s6;
	[sflag:s26] =	ssyncadd.s32 $0xFFFFC180  }
0x80: {  	[spmem:s1] =	stream.indirect.scatter.add.f32 [tilespmem:s23], [sflag:$0x5], $0x80, s7, s22, $0xb8;
	[tilespmem:$0x1DC00] =	vst v63  }
0x81: {  	_ =	swait.ge [sflag:s16], $0x3E80  }
0x82: {  	[sflag:s16] =	ssyncset.done $0x0  }
0x83: {  	s7 =	sor.u32 $0x400, s6;
	[sflag:s16] =	ssyncadd.s32 $0xFFFFC180  }
0x84: {  	[tilespmem:s23], [sflag:$0x1] =	stream.indirect.gather [hbm4b:s4+s22], $0x80, s7, s22, $0xb8;
	[tilespmem:$0x1DC00] =	vst v63  }
0x85: {  	_ =	swait.ge [sflag:s28], $0x3E80  }
0x86: {  	[sflag:s28] =	ssyncset.done $0x0  }
0x87: {  	s7 =	sor.u32 $0x1380, s6;
	[sflag:s28] =	ssyncadd.s32 $0xFFFFC180  }
0x88: {  	[spmem:s1] =	stream.indirect.scatter.add.f32 [tilespmem:s25], [sflag:$0x5], $0x80, s7, s22, $0xb8;
	[tilespmem:$0x1DC00] =	vst v63  }
0x89: {  	_ =	swait.ge [sflag:s16], $0x3E80  }
0x8a: {  	[sflag:s16] =	ssyncset.done $0x0  }
0x8b: {  	s7 =	sor.u32 $0x480, s6;
	[sflag:s16] =	ssyncadd.s32 $0xFFFFC180  }
0x8c: {  	[tilespmem:s25], [sflag:$0x2] =	stream.indirect.gather [hbm4b:s4+s22], $0x80, s7, s22, $0xb8;
	[tilespmem:$0x1DC00] =	vst v63  }
0x8d: {  	_ =	swait.ge [sflag:s26], $0x3E80  }
0x8e: {  	p3 =	sne.s32 s24, $0x700;
	[sflag:s26] =	ssyncset.done $0x0  }
.Ltmp2:
0x8f: {  	s6 =	sor.u32 $0x1400, s6;
	[sflag:s26] =	ssyncadd.s32 $0xFFFFC180;
	(pc) =	sbr.rel @!p3 .LBB2_3-.Ltmp2, $4  }
0x90: {  	[spmem:s1] =	stream.indirect.scatter.add.f32 [tilespmem:s23], [sflag:$0x5], $0x80, s6, s22, $0xb8;
	[tilespmem:$0x1DC00] =	vst v63  }
0x91: {  	_ =	swait.ge [sflag:s16], $0x3E80  }
0x92: {  	[sflag:s16] =	ssyncset.done $0x0  }
0x93: {  	[sflag:s16] =	ssyncadd.s32 $0xFFFFC180  }
0x94: {  	_ =	swait.ge [sflag:s29], $0x500  }
0x95: {  	[sflag:s29] =	ssyncset.done $0x0  }
0x96: {  	[sflag:s29] =	ssyncadd.s32 $0xFFFFFB00  }
0x97: {  	_ =	swait.ge [sflag:s30], $0x500  }
0x98: {  	[sflag:s30] =	ssyncset.done $0x0  }
0x99: {  	s2 =	sshll.u32 s5, $0xB;
	[sflag:s30] =	ssyncadd.s32 $0xFFFFFB00  }
0x9a: {  	[tilespmem:s23], [sflag:$0x1] =	stream.indirect.gather [hbm4b:s4+s22], $0x80, s2, s22, $0xb8;
	[tilespmem:$0x1DC00] =	vst v63  }
0x9b: {  	_ =	swait.ge [sflag:s28], $0x3E80  }
0x9c: {  	s24 =	sadd.s32 $0x100, s24;
	[sflag:s28] =	ssyncset.done $0x0  }
0x9d: {  	s7 =	sor.u32 $0x1000, s7;
	p3 =	sne.s32 s24, $0x800;
	[sflag:s28] =	ssyncadd.s32 $0xFFFFC180  }
0x9e: {  	[spmem:s1] =	stream.indirect.scatter.add.f32 [tilespmem:s25], [sflag:$0x5], $0x80, s7, s22, $0xb8;
	[tilespmem:$0x1DC00] =	vst v63  }
.Ltmp3:
0x9f: {  	_ = 	snop;
	(pc) =	sbr.rel @p3 .LBB2_2-.Ltmp3, $4  }
.Ltmp4:
0xa0: {  	_ =	swait.ge [sflag:s16], $0x3E80;
	(pc) =	sbr.rel @!p3 .LBB2_5-.Ltmp4, $4  }
0xa1: {  	s17 =	sadd.s32 $0x1, s17;
	[sflag:s16] =	ssyncset.done $0x0  }
0xa2: {  	s0 =	sadd.s32 $0x800, s0;
	s2 =	sor.u32 $0x80, s2;
	[sflag:s16] =	ssyncadd.s32 $0xFFFFC180  }
0xa3: {  	[tilespmem:s25], [sflag:$0x2] =	stream.indirect.gather [hbm4b:s4+s22], $0x80, s2, s22, $0xb8;
	[tilespmem:$0x1DC00] =	vst v63  }
0xa4: {  	_ = 	snop  }
.LBB2_6:
0xa5: {  	_ =	sfence.sel $0x180000  }
0xa6: {  	[bflag:$0x0] =	sbarrier.arrive $0xFFFF  }
0xa7: {  	_ =	strace $0x90000050  }
0xa8: {  	[bflag:$0x2] =	sbarrier.arrive $0xFFFF  }
0xa9: {  	p0 =	sne.s32 s24, $0x0;
	s0 =	rddreg [dreg:$0x2]  }
0xaa: {  	s0 =	sadd.s32 @!p0 $0x100000, s0  }
0xab: {  	[sflag:s0] =	ssyncadd.tile.s32 @!p0 $0x1;
	_ =	shalt  }
.Lfunc_end2:
_tile_overlayer_lowered:
.L_overlay_start_2:
0xac: {  	(tag) =	ssettag $0x2  }
0xad: {  	s0 =	rddreg [dreg:$0x0];
	s2 =	stileid.u32  }
0xae: {  	s1 =	rddreg [dreg:$0x1];
	p0 =	sne.s32 s2, $0x0  }
0xaf: {  	s3 =	rddreg [dreg:$0x2];
	[bflag:$0x3] =	sbarrier.arrive $0xFFFF;
	s2 =	simm.s32 @!p0 $0x1C05  }
0xb0: {  	[timem:s3], [sflag:s2] =	dma.local @!p0 [hbm:s0], s1  }
0xb1: {  	s0 =	simm.s32 @!p0 $0x5  }
0xb2: {  	_ =	swait.ge @!p0 [sflag:s0], s1  }
0xb3: {  	s1 =	ssub.s32 @!p0 $0x0, s1;
	[sflag:s0] =	ssyncset.done @!p0 $0x0  }
0xb4: {  	[sflag:s0] =	ssyncadd.s32 @!p0 s1  }
0xb5: {  	[bflag:$0x3] =	sbarrier.arrive $0xFFFF  }
0xb6: {  	_ =	shalt  }

// kernel: kernel.25.cloned.1.call-start
scs
__scs_entry_jumppad:
0x0: {  	(pc) =	sbr.rel $0x88, $3  }
0x1: {  	(tag) =	ssettag $0x0;
	lr =	simm.s32 $0x1  }
0x2: {  	[smem:$0x3F8A] =	sst lr;
	_ =	strace $0xD0000000  }
0x3: {  	_ = 	snop  }
0x4: {  	_ = 	snop  }
0x5: {  	_ = 	snop  }
0x6: {  	_ = 	snop  }
0x7: {  	_ = 	snop  }
__scs_overlays_trampoline_lowered:
0x8: {  	[smem:$0x3F99] =	sst s0  }
0x9: {  	[smem:$0x3F9A] =	sst s1  }
0xa: {  	[smem:$0x3F9B] =	sst s2  }
0xb: {  	[smem:$0x3F9C] =	sst s3  }
0xc: {  	[smem:$0x3F9D] =	sst s4  }
0xd: {  	[smem:$0x3F9E] =	sst s5  }
0xe: {  	[smem:$0x3F9F] =	sst s6  }
0xf: {  	[smem:$0x3FA0] =	sst s7  }
0x10: {  	[smem:$0x3FA1] =	sst s8  }
0x11: {  	[smem:$0x3FA2] =	sst s9;
	s0 =	simm.s32 @!p0 $0x0  }
0x12: {  	s1 =	sld [smem:$0x3F88];
	s0 =	simm.s32 @p0 $0x1  }
0x13: {  	[smem:$0x3FA3] =	sst s0;
	s0 =	simm.s32 @!p1 $0x0  }
0x14: {  	s2 =	sld [smem:$0x3F87];
	s0 =	simm.s32 @p1 $0x1  }
0x15: {  	[smem:$0x3FA4] =	sst s0;
	s0 =	simm.s32 @!p2 $0x0  }
0x16: {  	s3 =	sld [smem:$0x3FDB];
	s0 =	simm.s32 @p2 $0x1  }
0x17: {  	s4 =	simm.s32 $0x1BF5;
	[smem:$0x3FA6] =	sst s0  }
0x18: {  	s0 =	sld [smem:$0x3F89];
	_ =	swait.ge [sflag:s4], $0x0  }
0x19: {  	s7 =	sld [smem:$0x3F8A]  }
0x1a: {  	s8 =	sadd.s32 $0xFFFFE003, lr  }
0x1b: {  	s9 =	sadd.s32 $0xFFFFFEF7, lr;
	s5 =	simm.s32 $0xFFFFFFFF;
	p2 =	slt.u32 s8, $0xFFFFF086  }
0x1c: {  	p1 =	slt.u32 s9, $0xF7A;
	s5 =	simm.s32 @!p2 $0x0  }
0x1d: {  	s5 =	simm.s32 @p1 $0x1;
	p0 =	seq.s32 s7, s2  }
0x1e: {  	s7 =	smul.u32 @!p0 $0xF7A, s2;
	p2 =	seq.s32 @!p0 s5, $0x0  }
0x1f: {  	s9 =	smul.u32 $0xF7A, s1;
	s8 =	simm.s32 @!p0 $0x1BF5;
	p2 =	por !p2, p0  }
0x20: {  	[sflag:s8] =	ssyncset.s32 @!p0 $0xFFFFF086;
	s6 =	sadd.s32 @!p0 s3, s7;
	s7 =	simm.s32 @!p0 $0x108  }
0x21: {  	s3 =	sadd.s32 s3, s9;
	s6 =	sadd.s32 @!p0 $0x88, s6;
	s7 =	simm.s32 @p2 $0x1082  }
0x22: {  	[simem:s7], [sflag:s8] =	dma.local @!p0 [hbm:s6], $0xF7A  }
0x23: {  	s9 =	sor.u32 $0xD0000000, s2;
	s6 =	simm.s32 $0x108;
	_ =	swait.ge @!p0 [sflag:s8], $0x0  }
0x24: {  	s3 =	sadd.s32 $0x88, s3;
	s6 =	simm.s32 @!p1 $0x1082;
	[sflag:s4] =	ssyncset.s32 $0xFFFFF086  }
0x25: {  	[simem:s6], [sflag:s4] =	dma.local [hbm:s3], $0xF7A  }
0x26: {  	[smem:$0x3F8A] =	sst s1;
	(tag) =	ssettag s2;
	_ =	strace s9  }
0x27: {  	s1 =	sld [smem:$0x3F9A]  }
0x28: {  	s2 =	sld [smem:$0x3F9B]  }
0x29: {  	s4 =	sld [smem:$0x3F9D]  }
0x2a: {  	p0 =	seq.s32 s5, $0x0;
	s5 =	sld [smem:$0x3F9E]  }
0x2b: {  	s6 =	sld [smem:$0x3F9F]  }
0x2c: {  	s7 =	sld [smem:$0x3FA0]  }
0x2d: {  	s3 =	simm.s32 $0x108;
	s8 =	sld [smem:$0x3FA1]  }
0x2e: {  	s3 =	simm.s32 @!p0 $0x1082;
	s9 =	sld [smem:$0x3FA2]  }
0x2f: {  	lr =	sadd.s32 s0, s3;
	s0 =	sld [smem:$0x3F99]  }
0x30: {  	s3 =	sld [smem:$0x3F9C]  }
0x31: {  	[smem:$0x3FA5] =	sst s10  }
0x32: {  	s10 =	sld [smem:$0x3FA3];
	_ =	sdelay $0x3  }
0x33: {  	p0 =	seq.s32 s10, $0x1;
	s10 =	sld [smem:$0x3FA5];
	_ =	sdelay $0x3  }
0x34: {  	[smem:$0x3FA5] =	sst s10  }
0x35: {  	s10 =	sld [smem:$0x3FA4];
	_ =	sdelay $0x3  }
0x36: {  	p1 =	seq.s32 s10, $0x1;
	s10 =	sld [smem:$0x3FA5];
	_ =	sdelay $0x3  }
0x37: {  	[smem:$0x3FA5] =	sst s10  }
0x38: {  	s10 =	sld [smem:$0x3FA6]  }
0x39: {  	_ = 	snop;
	(pc) =	sbr.ind lr, $3  }
0x3a: {  	_ = 	snop  }
0x3b: {  	_ = 	snop  }
0x3c: {  	p2 =	seq.s32 s10, $0x1;
	s10 =	sld [smem:$0x3FA5]  }
0x3d: {  	_ =	shalt  }
0x3e: {  	_ =	shalt  }
0x3f: {  	_ =	shalt  }
0x40: {  	_ =	shalt  }
0x41: {  	_ =	shalt  }
0x42: {  	_ =	shalt  }
0x43: {  	_ =	shalt  }
0x44: {  	_ =	shalt  }
0x45: {  	_ =	shalt  }
0x46: {  	_ =	shalt  }
0x47: {  	_ =	shalt  }
0x48: {  	_ =	shalt  }
0x49: {  	_ =	shalt  }
0x4a: {  	_ =	shalt  }
0x4b: {  	_ =	shalt  }
0x4c: {  	_ =	shalt  }
0x4d: {  	_ =	shalt  }
0x4e: {  	_ =	shalt  }
0x4f: {  	_ =	shalt  }
0x50: {  	_ =	shalt  }
0x51: {  	_ =	shalt  }
0x52: {  	_ =	shalt  }
0x53: {  	_ =	shalt  }
0x54: {  	_ =	shalt  }
0x55: {  	_ =	shalt  }
0x56: {  	_ =	shalt  }
0x57: {  	_ =	shalt  }
0x58: {  	_ =	shalt  }
0x59: {  	_ =	shalt  }
0x5a: {  	_ =	shalt  }
0x5b: {  	_ =	shalt  }
0x5c: {  	_ =	shalt  }
0x5d: {  	_ =	shalt  }
0x5e: {  	_ =	shalt  }
0x5f: {  	_ =	shalt  }
0x60: {  	_ =	shalt  }
0x61: {  	_ =	shalt  }
0x62: {  	_ =	shalt  }
0x63: {  	_ =	shalt  }
0x64: {  	_ =	shalt  }
0x65: {  	_ =	shalt  }
0x66: {  	_ =	shalt  }
0x67: {  	_ =	shalt  }
0x68: {  	_ =	shalt  }
0x69: {  	_ =	shalt  }
0x6a: {  	_ =	shalt  }
0x6b: {  	_ =	shalt  }
0x6c: {  	_ =	shalt  }
0x6d: {  	_ =	shalt  }
0x6e: {  	_ =	shalt  }
0x6f: {  	_ =	shalt  }
0x70: {  	_ =	shalt  }
0x71: {  	_ =	shalt  }
0x72: {  	_ =	shalt  }
0x73: {  	_ =	shalt  }
0x74: {  	_ =	shalt  }
0x75: {  	_ =	shalt  }
0x76: {  	_ =	shalt  }
0x77: {  	_ =	shalt  }
0x78: {  	_ =	shalt  }
0x79: {  	_ =	shalt  }
0x7a: {  	_ =	shalt  }
0x7b: {  	_ =	shalt  }
0x7c: {  	_ =	shalt  }
0x7d: {  	_ =	shalt  }
0x7e: {  	_ =	shalt  }
0x7f: {  	_ =	shalt  }
0x80: {  	_ =	shalt  }
0x81: {  	_ =	shalt  }
0x82: {  	_ =	shalt  }
0x83: {  	_ =	shalt  }
0x84: {  	_ =	shalt  }
0x85: {  	_ =	shalt  }
0x86: {  	_ =	shalt  }
0x87: {  	_ =	shalt  }
.Lfunc_end0:
.L_simem_size_0:
called_computation.4_lowered:
.L_overlay_start_0:
0x88: {  	s2 =	sld [smem:$0x3FD9]  }
0x89: {  	s3 =	sld [smem:$0x3FFE];
	_ =	sdelay $0x1  }
0x8a: {  	s1 =	srdreg.scid  }
0x8b: {  	s0 =	sand.u32 $0x1, s1  }
0x8c: {  	s16 =	sshll.u32 s0, $0xA;
	s2 =	sadd.s32 s3, s2  }
0x8d: {  	s2 =	sadd.s32 s2, s16  }
0x8e: {  	[smem:$0x3FB1] =	sst s2  }
0x8f: {  	_ = 	snop  }
0x90: {  	(tm) =	ssettm $0x1  }
0x91: {  	s17 =	sld [smem:$0x3FFB];
	_ =	sdelay $0x3  }
0x92: {  	_ =	strace s17  }
0x93: {  	s2 =	sld [smem:$0x3FFC];
	_ =	sdelay $0x3  }
0x94: {  	_ =	strace s2  }
0x95: {  	s2 =	sld [smem:$0x3FFD];
	_ =	sdelay $0x3  }
0x96: {  	_ =	strace s2  }
0x97: {  	_ =	strace $0x8FFFFFFF  }
0x98: {  	s18 =	sld [smem:$0x3FDB];
	_ =	sdelay $0x1  }
0x99: {  	s19 =	simm.s32 $_scs_section_size  }
0x9a: {  	s4 =	simm.s32 $_size__tile_overlayer_lowered;
	s5 =	simm.s32 $_tile_overlayer_lowered  }
0x9b: {  	s22 =	simm.s32 $0x1BFF;
	s21 =	sshll.u32 s5, $0x1;
	s2 =	sadd.s32 s19, s18  }
0x9c: {  	s6 =	simm.s32 $0x0;
	s20 =	sshll.u32 s4, $0x1;
	s4 =	sadd.s32 s21, s2  }
0x9d: {  	[timem:s6], [sflag:s22] =	dma.local [hbm:s4], s20  }
0x9e: {  	_ =	swait.ge [sflag:s22], s20  }
0x9f: {  	s3 =	ssub.s32 $0x0, s20;
	[sflag:s22] =	ssyncset.done $0x0  }
0xa0: {  	[sflag:s22] =	ssyncadd.s32 s3;
	_ =	sdelay $0x1  }
0xa1: {  	s23 =	simm.s32 $0x1B8B  }
0xa2: {  	_ =	swait.ge [sflag:s23], $0x1  }
0xa3: {  	[sflag:s23] =	ssyncset.done $0x0  }
0xa4: {  	s25 =	simm.s32 $0x1B8E;
	s24 =	sld [smem:$0x3FFE];
	[sflag:s23] =	ssyncadd.s32 $0xFFFFFFFF  }
0xa5: {  	s26 =	simm.s32 $execute0_lowered;
	[smem:$0x3FD2] =	sst s25  }
0xa6: {  	s4 =	sshll.u32 s26, $0x1;
	_ =	strace $0x80000052;
	[dreg:$0x1] =	wrdreg $0xFFFFFFFF  }
0xa7: {  	s28 =	simm.s32 $_size_execute0_lowered;
	s2 =	sadd.s32 s2, s4;
	[dreg:$0x0] =	wrdreg $0x0  }
0xa8: {  	s4 =	sshll.u32 s28, $0x1;
	[dreg:$0x2] =	wrdreg s2  }
0xa9: {  	[dreg:$0x3] =	wrdreg s4  }
0xaa: {  	[dreg:$0x4] =	wrdreg $0xC0  }
0xab: {  	_ =	task [dreg:s6], $0x5FFFF  }
0xac: {  	[dreg:$0x1] =	wrdreg $0xFFFFFFFF  }
0xad: {  	[dreg:$0x0] =	wrdreg $0x60  }
0xae: {  	[dreg:$0x2] =	wrdreg s24  }
0xaf: {  	[dreg:$0x3] =	wrdreg $0xA0000  }
0xb0: {  	[dreg:$0x4] =	wrdreg $0x9  }
0xb1: {  	_ =	task.clear_ibuf [dreg:s6], $0x5FFFF;
	_ =	strace $0x90000052  }
0xb2: {  	s29 =	simm.s32 $0x9;
	_ =	strace $0x80000054  }
0xb3: {  	_ =	swait.ge [sflag:s29], $0x1  }
0xb4: {  	[sflag:s29] =	ssyncadd.s32 $0xFFFFFFFF  }
0xb5: {  	_ =	strace $0x90000054  }
0xb6: {  	_ =	sfence  }
0xb7: {  	s30 =	sld [smem:$0x0];
	_ =	sdelay $0x2  }
0xb8: {  	s31 =	sshll.u32 s1, $0xD;
	s1 =	sshrl.u32 s1, $0x2  }
0xb9: {  	s3 =	sand.u32 $0x4000, s31;
	s1 =	sadd.s32 s1, s30  }
0xba: {  	s0 =	sor.u32 s3, s0;
	s1 =	sshll.u32 s1, $0x11  }
0xbb: {  	s0 =	sor.u32 s1, s0  }
0xbc: {  	s0 =	sadd.s32 $0x8F2B, s0  }
0xbd: {  	[sflag:s0] =	ssyncadd.remote.s32 $0x1  }
0xbe: {  	_ =	sfence.sel $0xFFFF  }
0xbf: {  	[dreg:$0x0] =	wrdreg $0xFFFFFFFF;
	(pc) =	sbr.abs _section_cstart, $3  }
0xc0: {  	[dreg:$0x1] =	wrdreg $0xFFFFFFFF  }
0xc1: {  	_ =	task.clear_ibuf [dreg:s6], $0x2FFFF;
	_ =	strace $0x9FFFFFFF  }
0xc2: {  	(tm) =	ssettm $0x7FFFFFFF  }
0xc3: {  	_ =	shalt  }
tec
execute0_lowered:
.L_overlay_start_1:
0x0: {  	(tag) =	ssettag $0x1  }
0x1: {  	s0 =	rddreg [dreg:$0x0]  }
0x2: {  	s1 =	rddreg [dreg:$0x1];
	s2 =	srdreg.scid  }
0x3: {  	s3 =	simm.s32 $0x0;
	s24 =	stileid.u32;
	s16 =	simm.s32 $0x5  }
0x4: {  	s28 =	simm.s32 $0x2;
	s29 =	simm.s32 $0x3;
	s30 =	simm.s32 $0x4  }
0x5: {  	s31 =	simm.s32 $0x0;
	s5 =	sand.u32 $0x1, s2;
	[smem:$0x7FF] =	sst s3  }
0x6: {  	s7 =	smul.u32 $0x13C00, s24;
	s4 =	sadd.s32 $0x5000, s0;
	s15 =	sadd.s32 $0x6E600, s0  }
0x7: {  	s14 =	sadd.s32 $0x5E600, s0;
	s21 =	sadd.s32 $0x2C200, s0;
	s25 =	smul.u32 $0x4F000, s24  }
0x8: {  	s9 =	sshll.u32 s24, $0xE;
	p1 =	sne.s32 s24, $0xF;
	s11 =	smul.u32 $0x2780, s24  }
0x9: {  	p2 =	seq.s32 s24, $0xF;
	s17 =	sadd.s32 $0x128400, s1;
	s6 =	smul.u32 $0x13C000, s5  }
0xa: {  	_ =	strace $0x80000053;
	s22 =	ssub.s32 $0x2, s5;
	s8 =	sshll.u32 s5, $0x12  }
0xb: {  	p0 =	seq.s32 s5, $0x0;
	s10 =	sshrl.u32 s22, $0x1;
	s12 =	sor.u32 s9, s8  }
0xc: {  	p1 =	por !p0, !p1;
	p2 =	por !p0, !p2;
	s9 =	smov.u32 s21  }
0xd: {  	s2 =	sadd.s32 s21, s11;
	s11 =	sadd.s32 s4, s11;
	s6 =	sadd.s32 s7, s6  }
0xe: {  	s7 =	ssub.s32 s22, s10;
	s8 =	sshrl.u32 s12, $0x3;
	p0 =	por !p1, !p1  }
0xf: {  	p2 =	por !p2, !p2;
	[dreg:$0x5] =	wrdreg s2;
	s10 =	sadd.s32 $0x2A080, s0  }
0x10: {  	s13 =	sor.u32 $0x800, s12;
	s22 =	simm.s32 $0x7D;
	s6 =	sshrl.u32 s6, $0x3  }
0x11: {  	s23 =	sadd.s32 s15, s8;
	s8 =	sadd.s32 s14, s8;
	p1 =	por p2, p0  }
0x12: {  	s26 =	sshrl.u32 s13, $0x3;
	s13 =	smax.u32 s7, $0x1;
	[dreg:$0x3] =	wrdreg s23  }
0x13: {  	s6 =	sadd.s32 s6, s0;
	[dreg:$0x4] =	wrdreg s8;
	s8 =	sshrl.u32 s25, $0x2  }
0x14: {  	s0 =	sadd.s32 $0x138800, s1;
	p1 =	seq.s32 @!p1 s5, $0x0;
	s14 =	sadd.s32 s26, s14  }
.Ltmp0:
0x15: {  	s15 =	sadd.s32 s26, s15;
	s23 =	simm.s32 $0x2000;
	(pc) =	sbr.rel .LBB2_1-.Ltmp0, $4  }
0x16: {  	s25 =	simm.s32 $0x6000;
	s26 =	simm.s32 $0x1;
	p1 =	por @!p0 p1, p2  }
0x17: {  	s8 =	sadd.s32 s8, s1;
	p2 =	por !p2, p0;
	p1 =	por p1, p0  }
0x18: {  	s12 =	sadd.s32 $0x7E600, s6;
	s20 =	sshrl.u32 @!p2 s17, $0x3;
	s5 =	sshll.u32 @!p1 s24, $0x6  }
0x19: {  	s21 =	sshrl.u32 @!p2 s0, $0x3;
	s19 =	sshrl.u32 @!p1 s8, $0x3;
	s18 =	sor.u32 @!p1 $0x1C05, s5  }
.LBB2_3:
0x1a: {  	_ =	swait.ge [sflag:s28], $0x3E80  }
0x1b: {  	[sflag:s28] =	ssyncset.done $0x0  }
0x1c: {  	s0 =	sor.u32 $0x1000, s7;
	[sflag:s28] =	ssyncadd.s32 $0xFFFFC180  }
0x1d: {  	[spmem:s1] =	stream.indirect.scatter.add.f32 [tilespmem:s25], [sflag:$0x5], $0x80, s0, s22, $0xb8;
	[tilespmem:$0x1DC00] =	vst v63  }
0x1e: {  	_ =	swait.ge [sflag:s16], $0x3E80  }
0x1f: {  	[sflag:s16] =	ssyncset.done $0x0  }
0x20: {  	[sflag:s16] =	ssyncadd.s32 $0xFFFFC180  }
.LBB2_5:
0x21: {  	s24 =	stileid.u32;
	s31 =	sadd.s32 $0x1, s31  }
0x22: {  	[bflag:$0x0] =	sbarrier.arrive $0xFFFF;
	s0 =	sshll.u32 s24, $0x6;
	p3 =	sne.s32 s31, s13  }
.Ltmp1:
0x23: {  	s2 =	sshrl.u32 s8, $0x3;
	s0 =	sor.u32 $0x1C05, s0;
	(pc) =	sbr.rel @!p3 .LBB2_6-.Ltmp1, $4  }
0x24: {  	[hbm:s12], [sflag:s0] =	dma.local [spmem:s2], $0x2780  }
0x25: {  	_ =	swait.ge [sflag:s16], $0x2780  }
0x26: {  	[sflag:s16] =	ssyncset.done $0x0  }
0x27: {  	[sflag:s16] =	ssyncadd.s32 $0xFFFFD880  }
.LBB2_1:
0x28: {  	s0 =	rddreg [dreg:$0x3]  }
0x29: {  	[tilespmem:s3], [sflag:$0x5] =	stream.linear.gather [hbm4b:s0+s3], $0x500, $0x38;
	[tilespmem:$0x1DC00] =	vst v63  }
0x2a: {  	_ =	swait.ge [sflag:s16], $0x500  }
0x2b: {  	[sflag:s16] =	ssyncset.done $0x0  }
0x2c: {  	s2 =	simm.s32 $0x1000;
	s17 =	rddreg [dreg:$0x4];
	[sflag:s16] =	ssyncadd.s32 $0xFFFFFB00  }
0x2d: {  	[tilespmem:s2], [sflag:$0x5] =	stream.linear.gather [hbm4b:s17+s3], $0x500, $0x38;
	[tilespmem:$0x1DC00] =	vst v63  }
0x2e: {  	_ =	swait.ge [sflag:s16], $0x500  }
0x2f: {  	[sflag:s16] =	ssyncset.done $0x0  }
0x30: {  	s0 =	rddreg [dreg:$0x5];
	[sflag:s16] =	ssyncadd.s32 $0xFFFFFB00  }
0x31: {  	[spmem:s19], [sflag:s18] =	dma.local @!p1 [hbm:s0], $0x2780  }
0x32: {  	s0 =	simm.s32 @!p1 $0x5  }
0x33: {  	_ =	swait.ge @!p1 [sflag:s0], $0x2780  }
0x34: {  	[sflag:s0] =	ssyncset.done @!p1 $0x0  }
0x35: {  	s5 =	simm.s32 @!p2 $0x5;
	[sflag:s0] =	ssyncadd.s32 @!p1 $0xFFFFD880;
	s0 =	simm.s32 @!p2 $0x1FC5  }
0x36: {  	[spmem:s20], [sflag:s0] =	dma.local @!p2 [hbm:s10], $0x2080  }
0x37: {  	_ =	swait.ge @!p2 [sflag:s5], $0x2080  }
0x38: {  	[sflag:s5] =	ssyncset.done @!p2 $0x0  }
0x39: {  	[sflag:s5] =	ssyncadd.s32 @!p2 $0xFFFFDF80  }
0x3a: {  	[spmem:s21], [sflag:s0] =	dma.local @!p2 [hbm:s9], $0x700  }
0x3b: {  	_ =	swait.ge @!p2 [sflag:s5], $0x700  }
0x3c: {  	s0 =	sshll.u32 @p0 s24, $0x6;
	[sflag:s5] =	ssyncset.done @!p2 $0x0  }
0x3d: {  	s0 =	sor.u32 @p0 $0x1C05, s0;
	[sflag:s5] =	ssyncadd.s32 @!p2 $0xFFFFF900;
	s5 =	sshrl.u32 @p0 s8, $0x3  }
0x3e: {  	[spmem:s5], [sflag:s0] =	dma.local @p0 [hbm:s11], $0x2780  }
0x3f: {  	s0 =	simm.s32 @p0 $0x5  }
0x40: {  	_ =	swait.ge @p0 [sflag:s0], $0x2780  }
0x41: {  	[sflag:s0] =	ssyncset.done @p0 $0x0  }
0x42: {  	[sflag:s0] =	ssyncadd.s32 @p0 $0xFFFFD880  }
0x43: {  	[bflag:$0x0] =	sbarrier.arrive $0xFFFF  }
0x44: {  	[tilespmem:s23], [sflag:$0x1] =	stream.indirect.gather [hbm4b:s4+s22], $0x80, s3, s22, $0xb8;
	[tilespmem:$0x1DC00] =	vst v63  }
0x45: {  	s24 =	simm.s32 $0x80  }
0x46: {  	[tilespmem:s25], [sflag:$0x2] =	stream.indirect.gather [hbm4b:s4+s22], $0x80, s24, s22, $0xb8;
	[tilespmem:$0x1DC00] =	vst v63  }
0x47: {  	s17 =	simm.s32 $0x1;
	s0 =	simm.s32 $0x0;
	s24 =	simm.s32 $0x0  }
.LBB2_2:
0x48: {  	s5 =	sand.u32 $0x1, s17;
	p3 =	seq.s32 s24, $0x700  }
0x49: {  	s6 =	sshll.u32 @!p3 s5, $0xB;
	s7 =	sadd.s32 @!p3 s24, s15;
	s2 =	simm.s32 @!p3 $0x0  }
0x4a: {  	[tilespmem:s6], [sflag:$0x3] =	stream.linear.gather @!p3 [hbm4b:s7+s2], $0x500, $0x38;
	[tilespmem:$0x1DC00] =	vst v63  }
0x4b: {  	s6 =	sor.u32 @!p3 $0x1000, s6;
	s7 =	sadd.s32 @!p3 s24, s14  }
0x4c: {  	[tilespmem:s6], [sflag:$0x4] =	stream.linear.gather @!p3 [hbm4b:s7+s2], $0x500, $0x38;
	[tilespmem:$0x1DC00] =	vst v63  }
0x4d: {  	_ =	swait.ge [sflag:s26], $0x3E80  }
0x4e: {  	s6 =	sand.u32 $0x800, s0;
	[sflag:s26] =	ssyncset.done $0x0  }
0x4f: {  	s7 =	sor.u32 $0x1000, s6;
	[sflag:s26] =	ssyncadd.s32 $0xFFFFC180  }
0x50: {  	[spmem:s1] =	stream.indirect.scatter.add.f32 [tilespmem:s23], [sflag:$0x5], $0x80, s7, s22, $0xb8;
	[tilespmem:$0x1DC00] =	vst v63  }
0x51: {  	_ =	swait.ge [sflag:s16], $0x3E80  }
0x52: {  	[sflag:s16] =	ssyncset.done $0x0  }
0x53: {  	s7 =	sor.u32 $0x100, s6;
	[sflag:s16] =	ssyncadd.s32 $0xFFFFC180  }
0x54: {  	[tilespmem:s23], [sflag:$0x1] =	stream.indirect.gather [hbm4b:s4+s22], $0x80, s7, s22, $0xb8;
	[tilespmem:$0x1DC00] =	vst v63  }
0x55: {  	_ =	swait.ge [sflag:s28], $0x3E80  }
0x56: {  	[sflag:s28] =	ssyncset.done $0x0  }
0x57: {  	s7 =	sor.u32 $0x1080, s6;
	[sflag:s28] =	ssyncadd.s32 $0xFFFFC180  }
0x58: {  	[spmem:s1] =	stream.indirect.scatter.add.f32 [tilespmem:s25], [sflag:$0x5], $0x80, s7, s22, $0xb8;
	[tilespmem:$0x1DC00] =	vst v63  }
0x59: {  	_ =	swait.ge [sflag:s16], $0x3E80  }
0x5a: {  	[sflag:s16] =	ssyncset.done $0x0  }
0x5b: {  	s7 =	sor.u32 $0x180, s6;
	[sflag:s16] =	ssyncadd.s32 $0xFFFFC180  }
0x5c: {  	[tilespmem:s25], [sflag:$0x2] =	stream.indirect.gather [hbm4b:s4+s22], $0x80, s7, s22, $0xb8;
	[tilespmem:$0x1DC00] =	vst v63  }
0x5d: {  	_ =	swait.ge [sflag:s26], $0x3E80  }
0x5e: {  	[sflag:s26] =	ssyncset.done $0x0  }
0x5f: {  	s7 =	sor.u32 $0x1100, s6;
	[sflag:s26] =	ssyncadd.s32 $0xFFFFC180  }
0x60: {  	[spmem:s1] =	stream.indirect.scatter.add.f32 [tilespmem:s23], [sflag:$0x5], $0x80, s7, s22, $0xb8;
	[tilespmem:$0x1DC00] =	vst v63  }
0x61: {  	_ =	swait.ge [sflag:s16], $0x3E80  }
0x62: {  	[sflag:s16] =	ssyncset.done $0x0  }
0x63: {  	s7 =	sor.u32 $0x200, s6;
	[sflag:s16] =	ssyncadd.s32 $0xFFFFC180  }
0x64: {  	[tilespmem:s23], [sflag:$0x1] =	stream.indirect.gather [hbm4b:s4+s22], $0x80, s7, s22, $0xb8;
	[tilespmem:$0x1DC00] =	vst v63  }
0x65: {  	_ =	swait.ge [sflag:s28], $0x3E80  }
0x66: {  	[sflag:s28] =	ssyncset.done $0x0  }
0x67: {  	s7 =	sor.u32 $0x1180, s6;
	[sflag:s28] =	ssyncadd.s32 $0xFFFFC180  }
0x68: {  	[spmem:s1] =	stream.indirect.scatter.add.f32 [tilespmem:s25], [sflag:$0x5], $0x80, s7, s22, $0xb8;
	[tilespmem:$0x1DC00] =	vst v63  }
0x69: {  	_ =	swait.ge [sflag:s16], $0x3E80  }
0x6a: {  	[sflag:s16] =	ssyncset.done $0x0  }
0x6b: {  	s7 =	sor.u32 $0x280, s6;
	[sflag:s16] =	ssyncadd.s32 $0xFFFFC180  }
0x6c: {  	[tilespmem:s25], [sflag:$0x2] =	stream.indirect.gather [hbm4b:s4+s22], $0x80, s7, s22, $0xb8;
	[tilespmem:$0x1DC00] =	vst v63  }
0x6d: {  	_ =	swait.ge [sflag:s26], $0x3E80  }
0x6e: {  	[sflag:s26] =	ssyncset.done $0x0  }
0x6f: {  	s7 =	sor.u32 $0x1200, s6;
	[sflag:s26] =	ssyncadd.s32 $0xFFFFC180  }
0x70: {  	[spmem:s1] =	stream.indirect.scatter.add.f32 [tilespmem:s23], [sflag:$0x5], $0x80, s7, s22, $0xb8;
	[tilespmem:$0x1DC00] =	vst v63  }
0x71: {  	_ =	swait.ge [sflag:s16], $0x3E80  }
0x72: {  	[sflag:s16] =	ssyncset.done $0x0  }
0x73: {  	s7 =	sor.u32 $0x300, s6;
	[sflag:s16] =	ssyncadd.s32 $0xFFFFC180  }
0x74: {  	[tilespmem:s23], [sflag:$0x1] =	stream.indirect.gather [hbm4b:s4+s22], $0x80, s7, s22, $0xb8;
	[tilespmem:$0x1DC00] =	vst v63  }
0x75: {  	_ =	swait.ge [sflag:s28], $0x3E80  }
0x76: {  	[sflag:s28] =	ssyncset.done $0x0  }
0x77: {  	s7 =	sor.u32 $0x1280, s6;
	[sflag:s28] =	ssyncadd.s32 $0xFFFFC180  }
0x78: {  	[spmem:s1] =	stream.indirect.scatter.add.f32 [tilespmem:s25], [sflag:$0x5], $0x80, s7, s22, $0xb8;
	[tilespmem:$0x1DC00] =	vst v63  }
0x79: {  	_ =	swait.ge [sflag:s16], $0x3E80  }
0x7a: {  	[sflag:s16] =	ssyncset.done $0x0  }
0x7b: {  	s7 =	sor.u32 $0x380, s6;
	[sflag:s16] =	ssyncadd.s32 $0xFFFFC180  }
0x7c: {  	[tilespmem:s25], [sflag:$0x2] =	stream.indirect.gather [hbm4b:s4+s22], $0x80, s7, s22, $0xb8;
	[tilespmem:$0x1DC00] =	vst v63  }
0x7d: {  	_ =	swait.ge [sflag:s26], $0x3E80  }
0x7e: {  	[sflag:s26] =	ssyncset.done $0x0  }
0x7f: {  	s7 =	sor.u32 $0x1300, s6;
	[sflag:s26] =	ssyncadd.s32 $0xFFFFC180  }
0x80: {  	[spmem:s1] =	stream.indirect.scatter.add.f32 [tilespmem:s23], [sflag:$0x5], $0x80, s7, s22, $0xb8;
	[tilespmem:$0x1DC00] =	vst v63  }
0x81: {  	_ =	swait.ge [sflag:s16], $0x3E80  }
0x82: {  	[sflag:s16] =	ssyncset.done $0x0  }
0x83: {  	s7 =	sor.u32 $0x400, s6;
	[sflag:s16] =	ssyncadd.s32 $0xFFFFC180  }
0x84: {  	[tilespmem:s23], [sflag:$0x1] =	stream.indirect.gather [hbm4b:s4+s22], $0x80, s7, s22, $0xb8;
	[tilespmem:$0x1DC00] =	vst v63  }
0x85: {  	_ =	swait.ge [sflag:s28], $0x3E80  }
0x86: {  	[sflag:s28] =	ssyncset.done $0x0  }
0x87: {  	s7 =	sor.u32 $0x1380, s6;
	[sflag:s28] =	ssyncadd.s32 $0xFFFFC180  }
0x88: {  	[spmem:s1] =	stream.indirect.scatter.add.f32 [tilespmem:s25], [sflag:$0x5], $0x80, s7, s22, $0xb8;
	[tilespmem:$0x1DC00] =	vst v63  }
0x89: {  	_ =	swait.ge [sflag:s16], $0x3E80  }
0x8a: {  	[sflag:s16] =	ssyncset.done $0x0  }
0x8b: {  	s7 =	sor.u32 $0x480, s6;
	[sflag:s16] =	ssyncadd.s32 $0xFFFFC180  }
0x8c: {  	[tilespmem:s25], [sflag:$0x2] =	stream.indirect.gather [hbm4b:s4+s22], $0x80, s7, s22, $0xb8;
	[tilespmem:$0x1DC00] =	vst v63  }
0x8d: {  	_ =	swait.ge [sflag:s26], $0x3E80  }
0x8e: {  	p3 =	sne.s32 s24, $0x700;
	[sflag:s26] =	ssyncset.done $0x0  }
.Ltmp2:
0x8f: {  	s6 =	sor.u32 $0x1400, s6;
	[sflag:s26] =	ssyncadd.s32 $0xFFFFC180;
	(pc) =	sbr.rel @!p3 .LBB2_3-.Ltmp2, $4  }
0x90: {  	[spmem:s1] =	stream.indirect.scatter.add.f32 [tilespmem:s23], [sflag:$0x5], $0x80, s6, s22, $0xb8;
	[tilespmem:$0x1DC00] =	vst v63  }
0x91: {  	_ =	swait.ge [sflag:s16], $0x3E80  }
0x92: {  	[sflag:s16] =	ssyncset.done $0x0  }
0x93: {  	[sflag:s16] =	ssyncadd.s32 $0xFFFFC180  }
0x94: {  	_ =	swait.ge [sflag:s29], $0x500  }
0x95: {  	[sflag:s29] =	ssyncset.done $0x0  }
0x96: {  	[sflag:s29] =	ssyncadd.s32 $0xFFFFFB00  }
0x97: {  	_ =	swait.ge [sflag:s30], $0x500  }
0x98: {  	[sflag:s30] =	ssyncset.done $0x0  }
0x99: {  	s2 =	sshll.u32 s5, $0xB;
	[sflag:s30] =	ssyncadd.s32 $0xFFFFFB00  }
0x9a: {  	[tilespmem:s23], [sflag:$0x1] =	stream.indirect.gather [hbm4b:s4+s22], $0x80, s2, s22, $0xb8;
	[tilespmem:$0x1DC00] =	vst v63  }
0x9b: {  	_ =	swait.ge [sflag:s28], $0x3E80  }
0x9c: {  	s24 =	sadd.s32 $0x100, s24;
	[sflag:s28] =	ssyncset.done $0x0  }
0x9d: {  	s7 =	sor.u32 $0x1000, s7;
	p3 =	sne.s32 s24, $0x800;
	[sflag:s28] =	ssyncadd.s32 $0xFFFFC180  }
0x9e: {  	[spmem:s1] =	stream.indirect.scatter.add.f32 [tilespmem:s25], [sflag:$0x5], $0x80, s7, s22, $0xb8;
	[tilespmem:$0x1DC00] =	vst v63  }
.Ltmp3:
0x9f: {  	_ = 	snop;
	(pc) =	sbr.rel @p3 .LBB2_2-.Ltmp3, $4  }
.Ltmp4:
0xa0: {  	_ =	swait.ge [sflag:s16], $0x3E80;
	(pc) =	sbr.rel @!p3 .LBB2_5-.Ltmp4, $4  }
0xa1: {  	s17 =	sadd.s32 $0x1, s17;
	[sflag:s16] =	ssyncset.done $0x0  }
0xa2: {  	s0 =	sadd.s32 $0x800, s0;
	s2 =	sor.u32 $0x80, s2;
	[sflag:s16] =	ssyncadd.s32 $0xFFFFC180  }
0xa3: {  	[tilespmem:s25], [sflag:$0x2] =	stream.indirect.gather [hbm4b:s4+s22], $0x80, s2, s22, $0xb8;
	[tilespmem:$0x1DC00] =	vst v63  }
0xa4: {  	_ = 	snop  }
.LBB2_6:
0xa5: {  	_ =	sfence.sel $0x180000  }
0xa6: {  	[bflag:$0x0] =	sbarrier.arrive $0xFFFF  }
0xa7: {  	_ =	strace $0x90000053  }
0xa8: {  	[bflag:$0x2] =	sbarrier.arrive $0xFFFF  }
0xa9: {  	p0 =	sne.s32 s24, $0x0;
	s0 =	rddreg [dreg:$0x2]  }
0xaa: {  	s0 =	sadd.s32 @!p0 $0x100000, s0  }
0xab: {  	[sflag:s0] =	ssyncadd.tile.s32 @!p0 $0x1;
	_ =	shalt  }
.Lfunc_end2:
_tile_overlayer_lowered:
.L_overlay_start_2:
0xac: {  	(tag) =	ssettag $0x2  }
0xad: {  	s0 =	rddreg [dreg:$0x0];
	s2 =	stileid.u32  }
0xae: {  	s1 =	rddreg [dreg:$0x1];
	p0 =	sne.s32 s2, $0x0  }
0xaf: {  	s3 =	rddreg [dreg:$0x2];
	[bflag:$0x3] =	sbarrier.arrive $0xFFFF;
	s2 =	simm.s32 @!p0 $0x1C05  }
0xb0: {  	[timem:s3], [sflag:s2] =	dma.local @!p0 [hbm:s0], s1  }
0xb1: {  	s0 =	simm.s32 @!p0 $0x5  }
0xb2: {  	_ =	swait.ge @!p0 [sflag:s0], s1  }
0xb3: {  	s1 =	ssub.s32 @!p0 $0x0, s1;
	[sflag:s0] =	ssyncset.done @!p0 $0x0  }
0xb4: {  	[sflag:s0] =	ssyncadd.s32 @!p0 s1  }
0xb5: {  	[bflag:$0x3] =	sbarrier.arrive $0xFFFF  }
0xb6: {  	_ =	shalt  }

</sc_bundles>
